<compile_context>
chip_gen: v7x
topology: tpu7x:2x2x1
jax: 0.10.2.dev20260603
libtpu: 0.0.44.dev20260713+nightly
codegen_flags: <defaults>
</compile_context>

<pallas_src>
import functools

import jax
import jax.numpy as jnp
from jax import lax
from jax.experimental import pallas as pl
from jax.experimental.pallas import tpu as pltpu
from jax.experimental.pallas import tpu_sc as plsc

NUM_FIELDS = 26
NUM_FACTOR = 16
BATCH = 16384
FIELD_DIM = 40000
NUM_ROWS = NUM_FIELDS * FIELD_DIM

NC, NS, L = 2, 16, 16
NW = NC * NS
SPW = BATCH // NW
CHUNK = 128
CPF = SPW // CHUNK
GROUPS = SPW // L

TC_BLK = 32768
TC_GRID = -(-NUM_ROWS // TC_BLK)
SH_SLICE = NUM_ROWS // NS


def _score_block(tbl_ref, wt_ref, out_ref):
    b = pl.program_id(0)
    c0 = b * TC_BLK
    f0 = c0 // FIELD_DIM
    f1 = jnp.minimum(f0 + 1, NUM_FIELDS - 1)
    boundary = (f0 + 1) * FIELD_DIM - c0
    wt = wt_ref[...]
    fio = lax.broadcasted_iota(jnp.int32, (1, NUM_FIELDS), 1)
    w0 = jnp.sum(wt * (fio == f0), axis=1, keepdims=True)
    w1 = jnp.sum(wt * (fio == f1), axis=1, keepdims=True)
    col = lax.broadcasted_iota(jnp.int32, (1, TC_BLK), 1)
    wsel = jnp.where(col < boundary, w0, w1)
    out_ref[...] = jnp.sum(tbl_ref[...] * wsel, axis=0)


_tc_score = pl.pallas_call(
    _score_block,
    grid=(TC_GRID,),
    in_specs=[
        pl.BlockSpec((NUM_FACTOR, TC_BLK), lambda b: (0, b)),
        pl.BlockSpec((NUM_FACTOR, NUM_FIELDS), lambda b: (0, 0)),
    ],
    out_specs=pl.BlockSpec((TC_BLK,), lambda b: (b,)),
    out_shape=jax.ShapeDtypeStruct((NUM_ROWS,), jnp.float32),
)


_mesh = plsc.VectorSubcoreMesh(core_axis_name="c", subcore_axis_name="s")


@functools.partial(
    pl.kernel,
    mesh=_mesh,
    compiler_params=pltpu.CompilerParams(use_tc_tiling_on_sc=False),
    out_type=jax.ShapeDtypeStruct((BATCH,), jnp.float32),
    scratch_types=[
        pltpu.VMEM((NUM_FIELDS, SPW), jnp.int32),
        pltpu.VMEM((NUM_FIELDS * SPW,), jnp.float32),
        pltpu.VMEM((SPW,), jnp.float32),
        pltpu.VMEM((L,), jnp.float32),
        pltpu.VMEM_SHARED((NUM_ROWS,), jnp.float32),
        pltpu.SemaphoreType.DMA,
        pltpu.SemaphoreType.DMA,
    ],
)
def _sc_gather(idx_hbm, scored_hbm, bias_hbm, out_hbm,
               idx_v, gbuf, out_v, bias_v, scored_sh, sem, sem_s):
    cid = lax.axis_index("c")
    sid = lax.axis_index("s")
    wid = sid * NC + cid

    @pl.when(sid == 0)
    def _stage_start():
        pltpu.async_copy(scored_hbm, scored_sh, sem_s)

    pltpu.sync_copy(idx_hbm.at[:, pl.ds(wid * SPW, SPW)], idx_v)
    pltpu.sync_copy(bias_hbm, bias_v)

    @pl.when(sid == 0)
    def _stage_drain():
        pltpu.make_async_copy(scored_hbm, scored_sh, sem_s).wait()

    plsc.subcore_barrier()

    copies = [
        pltpu.async_copy(scored_sh.at[idx_v.at[f, pl.ds(k * CHUNK, CHUNK)]],
                         gbuf.at[pl.ds(f * SPW + k * CHUNK, CHUNK)], sem)
        for f in range(NUM_FIELDS)
        for k in range(CPF)
    ]
    for c in copies:
        c.wait()

    def group_body(g, tok):
        base = g * L
        acc = bias_v[...] + gbuf[pl.ds(base, L)]
        for f in range(1, NUM_FIELDS):
            acc = acc + gbuf[pl.ds(f * SPW + base, L)]
        out_v[pl.ds(base, L)] = acc
        return tok

    lax.fori_loop(0, GROUPS, group_body, 0)
    pltpu.sync_copy(out_v, out_hbm.at[pl.ds(wid * SPW, SPW)])


def kernel(x, emb_table, W_lin, b_lin):
    table_t = emb_table.T
    w_t = W_lin.reshape(NUM_FIELDS, NUM_FACTOR).T
    scored = _tc_score(table_t, w_t)
    offsets = jnp.arange(NUM_FIELDS, dtype=jnp.int32) * FIELD_DIM
    idx_t = x.T + offsets[:, None]
    bias_vec = jnp.full((L,), b_lin[0], jnp.float32)
    return _sc_gather(idx_t, scored, bias_vec)

# --- scband reference (transcript-rebuilt; emitter-appended) ---
"""Pipeline reference for scband-logistic-regression-85289460564076 (READ-ONLY COPY).

The authoritative reference and input builder live on the scoring server;
editing this copy changes nothing except your own understanding.
"""

import jax, jax.numpy as jnp
import numpy as np

FIELD_DIMS = [40000] * 26
NUM_FIELDS = len(FIELD_DIMS)
NUM_FACTOR = 16
BATCH = 16384
NUM_INPUTS = sum(FIELD_DIMS)
DEEP_IN = NUM_FACTOR * NUM_FIELDS


def setup_inputs(seed: int = 0) -> dict:
    key = jax.random.key(seed)
    k1, k2, k3, k4 = jax.random.split(key, 4)
    x = jax.random.randint(k1, (BATCH, NUM_FIELDS), 0, 40000, dtype=jnp.int32)
    # xavier_uniform for embedding table [NUM_INPUTS, NUM_FACTOR]
    limit_e = float(np.sqrt(6.0 / (NUM_INPUTS + NUM_FACTOR)))
    emb_table = jax.random.uniform(k2, (NUM_INPUTS, NUM_FACTOR), minval=-limit_e, maxval=limit_e, dtype=jnp.float32)
    # nn.Linear default init (kaiming-uniform-ish): U(-1/sqrt(fan_in), 1/sqrt(fan_in))
    limit_l = float(1.0 / np.sqrt(DEEP_IN))
    W_lin = jax.random.uniform(k3, (1, DEEP_IN), minval=-limit_l, maxval=limit_l, dtype=jnp.float32)
    b_lin = jax.random.uniform(k4, (1,), minval=-limit_l, maxval=limit_l, dtype=jnp.float32)
    return {"x": x, "emb_table": emb_table, "W_lin": W_lin, "b_lin": b_lin}


def reference(x, emb_table, W_lin, b_lin):
    # offsets = cumsum([0] + field_dims[:-1])
    offsets = jnp.cumsum(jnp.concatenate([jnp.zeros((1,), dtype=jnp.int32), jnp.array(FIELD_DIMS[:-1], dtype=jnp.int32)]))
    idx = x + offsets[None, :]
    emb = jnp.take(emb_table, idx, axis=0)  # [B, num_field, num_factor]
    b = emb.shape[0]
    emb = emb.reshape((b, NUM_FIELDS * NUM_FACTOR))
    scores = emb @ W_lin.T + b_lin  # [B, 1]
    scores = jnp.squeeze(scores, axis=-1)
    return scores

if __name__ == "__main__":
    import jax
    _d = setup_inputs()
    print(jax.jit(kernel)(*tuple(_d.values())))

</pallas_src>

<mosaic_0001>
#map = affine_map<(d0, d1) -> (0, 0)>
#map1 = affine_map<(d0, d1) -> (0)>
module attributes {stable_mosaic.version = 14 : i64} {
  func.func @_sc_gather(%arg0: i32, %arg1: i32, %arg2: memref<26x16384xi32, #tpu.memory_space<hbm>>, %arg3: memref<1040000xf32, #tpu.memory_space<hbm>>, %arg4: memref<16xf32, #tpu.memory_space<hbm>>, %arg5: memref<16384xf32, #tpu.memory_space<hbm>>, %arg6: memref<26x512xi32, #tpu.memory_space<vmem>>, %arg7: memref<13312xf32, #tpu.memory_space<vmem>>, %arg8: memref<512xf32, #tpu.memory_space<vmem>>, %arg9: memref<16xf32, #tpu.memory_space<vmem>>, %arg10: memref<1040000xf32, #tpu.memory_space<vmem_shared>>, %arg11: memref<!tpu.dma_semaphore, #tpu.memory_space<semaphore_mem>>, %arg12: memref<!tpu.dma_semaphore, #tpu.memory_space<semaphore_mem>>) attributes {dimension_semantics = [#tpu.dimension_semantics<core_parallel>, #tpu.dimension_semantics<subcore_parallel>], iteration_bounds = array<i64: 2, 16>, scalar_prefetch = 0 : i64, scratch_operands = 7 : i64, tpu.core_type = #tpu.core_type<sc_vector_subcore>, window_params = [{transform_indices = #map}, {transform_indices = #map1}, {transform_indices = #map1}, {transform_indices = #map1}]} {
    %mul3A = arith.constant 2 : i32
    %mul3A_0 = arith.muli %arg1, %mul3A : i32
    %add3A = arith.addi %mul3A_0, %arg0 : i32
    %eq3A = arith.constant 0 : i32
    %eq3A_1 = arith.cmpi eq, %arg1, %eq3A : i32
    %convert_element_type3A = arith.extui %eq3A_1 : i1 to i32
    %cond3A = arith.constant 0 : i32
    %cond3A_2 = arith.cmpi ne, %convert_element_type3A, %cond3A : i32
    scf.if %cond3A_2 {
      tpu.enqueue_dma source(%arg3 : memref<1040000xf32, #tpu.memory_space<hbm>>) target(%arg10 : memref<1040000xf32, #tpu.memory_space<vmem_shared>>) target_semaphore(%arg12 : memref<!tpu.dma_semaphore, #tpu.memory_space<semaphore_mem>>)
    } else {
    }
    %mul3A_3 = arith.constant 512 : i32
    %mul3A_4 = arith.muli %add3A, %mul3A_3 : i32
    "tpu.region"() ({
      %run_scoped3A = tpu.sem_alloc : memref<!tpu.dma_semaphore, #tpu.memory_space<semaphore_mem>>
      %dma_start3A_1679 = arith.constant 0 : i32
      %dma_start3A_1680 = tpu.memref_slice %arg2[%dma_start3A_1679, %mul3A_4] : memref<26x16384xi32, #tpu.memory_space<hbm>> -> memref<26x512xi32, #tpu.memory_space<hbm>>
      %dma_start3A_1681 = arith.constant 0 : i32
      %dma_start3A_1682 = tpu.memref_slice %arg2[%dma_start3A_1681, %mul3A_4] : memref<26x16384xi32, #tpu.memory_space<hbm>> -> memref<26x512xi32, #tpu.memory_space<hbm>>
      tpu.enqueue_dma source(%dma_start3A_1682 : memref<26x512xi32, #tpu.memory_space<hbm>>) target(%arg6 : memref<26x512xi32, #tpu.memory_space<vmem>>) target_semaphore(%run_scoped3A : memref<!tpu.dma_semaphore, #tpu.memory_space<semaphore_mem>>)
      %dma_wait3A_1683 = arith.constant 0 : i32
      %dma_wait3A_1684 = tpu.memref_slice %arg2[%dma_wait3A_1683, %mul3A_4] : memref<26x16384xi32, #tpu.memory_space<hbm>> -> memref<26x512xi32, #tpu.memory_space<hbm>>
      %dma_wait3A_1685 = arith.constant 0 : i32
      %dma_wait3A_1686 = tpu.memref_slice %arg2[%dma_wait3A_1685, %mul3A_4] : memref<26x16384xi32, #tpu.memory_space<hbm>> -> memref<26x512xi32, #tpu.memory_space<hbm>>
      tpu.wait_dma2 semaphore(%run_scoped3A : memref<!tpu.dma_semaphore, #tpu.memory_space<semaphore_mem>>) src(%dma_wait3A_1686 : memref<26x512xi32, #tpu.memory_space<hbm>>) dst(%arg6 : memref<26x512xi32, #tpu.memory_space<vmem>>)
      tpu.yield
    }) : () -> ()
    "tpu.region"() ({
      %run_scoped3A = tpu.sem_alloc : memref<!tpu.dma_semaphore, #tpu.memory_space<semaphore_mem>>
      tpu.enqueue_dma source(%arg4 : memref<16xf32, #tpu.memory_space<hbm>>) target(%arg9 : memref<16xf32, #tpu.memory_space<vmem>>) target_semaphore(%run_scoped3A : memref<!tpu.dma_semaphore, #tpu.memory_space<semaphore_mem>>)
      tpu.wait_dma2 semaphore(%run_scoped3A : memref<!tpu.dma_semaphore, #tpu.memory_space<semaphore_mem>>) src(%arg4 : memref<16xf32, #tpu.memory_space<hbm>>) dst(%arg9 : memref<16xf32, #tpu.memory_space<vmem>>)
      tpu.yield
    }) : () -> ()
    %eq3A_5 = arith.constant 0 : i32
    %eq3A_6 = arith.cmpi eq, %arg1, %eq3A_5 : i32
    %convert_element_type3A_7 = arith.extui %eq3A_6 : i1 to i32
    %cond3A_8 = arith.constant 0 : i32
    %cond3A_9 = arith.cmpi ne, %convert_element_type3A_7, %cond3A_8 : i32
    scf.if %cond3A_9 {
      tpu.wait_dma2 semaphore(%arg12 : memref<!tpu.dma_semaphore, #tpu.memory_space<semaphore_mem>>) src(%arg3 : memref<1040000xf32, #tpu.memory_space<hbm>>) dst(%arg10 : memref<1040000xf32, #tpu.memory_space<vmem_shared>>)
    } else {
    }
    %barrier3A = arith.constant 0 : index
    tpu.barrier barrier_id(%barrier3A)
    %dma_start3A = arith.constant 0 : i32
    %dma_start3A_10 = arith.constant 0 : i32
    %dma_start3A_11 = tpu.memref_slice %arg7[%dma_start3A_10] : memref<13312xf32, #tpu.memory_space<vmem>> -> memref<128xf32, #tpu.memory_space<vmem>>
    %dma_start3A_12 = arith.constant 0 : i32
    %dma_start3A_13 = tpu.memref_slice %arg6[%dma_start3A, %dma_start3A_12] : memref<26x512xi32, #tpu.memory_space<vmem>> -> memref<1x128xi32, #tpu.memory_space<vmem>>
    %dma_start3A_14 = tpu.memref_squeeze %dma_start3A_13 : memref<1x128xi32, #tpu.memory_space<vmem>> -> memref<128xi32, #tpu.memory_space<vmem>>
    %dma_start3A_15 = arith.constant 0 : i32
    %dma_start3A_16 = tpu.memref_slice %arg10[%dma_start3A_15] : memref<1040000xf32, #tpu.memory_space<vmem_shared>> -> memref<1040000xf32, #tpu.memory_space<vmem_shared>>
    tpu.enqueue_indirect_dma source(%dma_start3A_16 : memref<1040000xf32, #tpu.memory_space<vmem_shared>>) target(%dma_start3A_11 : memref<128xf32, #tpu.memory_space<vmem>>) offsets(%dma_start3A_14 : memref<128xi32, #tpu.memory_space<vmem>>) semaphore(%arg11 : memref<!tpu.dma_semaphore, #tpu.memory_space<semaphore_mem>>)
    %dma_start3A_17 = arith.constant 0 : i32
    %dma_start3A_18 = arith.constant 128 : i32
    %dma_start3A_19 = tpu.memref_slice %arg7[%dma_start3A_18] : memref<13312xf32, #tpu.memory_space<vmem>> -> memref<128xf32, #tpu.memory_space<vmem>>
    %dma_start3A_20 = arith.constant 128 : i32
    %dma_start3A_21 = tpu.memref_slice %arg6[%dma_start3A_17, %dma_start3A_20] : memref<26x512xi32, #tpu.memory_space<vmem>> -> memref<1x128xi32, #tpu.memory_space<vmem>>
    %dma_start3A_22 = tpu.memref_squeeze %dma_start3A_21 : memref<1x128xi32, #tpu.memory_space<vmem>> -> memref<128xi32, #tpu.memory_space<vmem>>
    %dma_start3A_23 = arith.constant 0 : i32
    %dma_start3A_24 = tpu.memref_slice %arg10[%dma_start3A_23] : memref<1040000xf32, #tpu.memory_space<vmem_shared>> -> memref<1040000xf32, #tpu.memory_space<vmem_shared>>
    tpu.enqueue_indirect_dma source(%dma_start3A_24 : memref<1040000xf32, #tpu.memory_space<vmem_shared>>) target(%dma_start3A_19 : memref<128xf32, #tpu.memory_space<vmem>>) offsets(%dma_start3A_22 : memref<128xi32, #tpu.memory_space<vmem>>) semaphore(%arg11 : memref<!tpu.dma_semaphore, #tpu.memory_space<semaphore_mem>>)
    %dma_start3A_25 = arith.constant 0 : i32
    %dma_start3A_26 = arith.constant 256 : i32
    %dma_start3A_27 = tpu.memref_slice %arg7[%dma_start3A_26] : memref<13312xf32, #tpu.memory_space<vmem>> -> memref<128xf32, #tpu.memory_space<vmem>>
    %dma_start3A_28 = arith.constant 256 : i32
    %dma_start3A_29 = tpu.memref_slice %arg6[%dma_start3A_25, %dma_start3A_28] : memref<26x512xi32, #tpu.memory_space<vmem>> -> memref<1x128xi32, #tpu.memory_space<vmem>>
    %dma_start3A_30 = tpu.memref_squeeze %dma_start3A_29 : memref<1x128xi32, #tpu.memory_space<vmem>> -> memref<128xi32, #tpu.memory_space<vmem>>
    %dma_start3A_31 = arith.constant 0 : i32
    %dma_start3A_32 = tpu.memref_slice %arg10[%dma_start3A_31] : memref<1040000xf32, #tpu.memory_space<vmem_shared>> -> memref<1040000xf32, #tpu.memory_space<vmem_shared>>
    tpu.enqueue_indirect_dma source(%dma_start3A_32 : memref<1040000xf32, #tpu.memory_space<vmem_shared>>) target(%dma_start3A_27 : memref<128xf32, #tpu.memory_space<vmem>>) offsets(%dma_start3A_30 : memref<128xi32, #tpu.memory_space<vmem>>) semaphore(%arg11 : memref<!tpu.dma_semaphore, #tpu.memory_space<semaphore_mem>>)
    %dma_start3A_33 = arith.constant 0 : i32
    %dma_start3A_34 = arith.constant 384 : i32
    %dma_start3A_35 = tpu.memref_slice %arg7[%dma_start3A_34] : memref<13312xf32, #tpu.memory_space<vmem>> -> memref<128xf32, #tpu.memory_space<vmem>>
    %dma_start3A_36 = arith.constant 384 : i32
    %dma_start3A_37 = tpu.memref_slice %arg6[%dma_start3A_33, %dma_start3A_36] : memref<26x512xi32, #tpu.memory_space<vmem>> -> memref<1x128xi32, #tpu.memory_space<vmem>>
    %dma_start3A_38 = tpu.memref_squeeze %dma_start3A_37 : memref<1x128xi32, #tpu.memory_space<vmem>> -> memref<128xi32, #tpu.memory_space<vmem>>
    %dma_start3A_39 = arith.constant 0 : i32
    %dma_start3A_40 = tpu.memref_slice %arg10[%dma_start3A_39] : memref<1040000xf32, #tpu.memory_space<vmem_shared>> -> memref<1040000xf32, #tpu.memory_space<vmem_shared>>
    tpu.enqueue_indirect_dma source(%dma_start3A_40 : memref<1040000xf32, #tpu.memory_space<vmem_shared>>) target(%dma_start3A_35 : memref<128xf32, #tpu.memory_space<vmem>>) offsets(%dma_start3A_38 : memref<128xi32, #tpu.memory_space<vmem>>) semaphore(%arg11 : memref<!tpu.dma_semaphore, #tpu.memory_space<semaphore_mem>>)
    %dma_start3A_41 = arith.constant 1 : i32
    %dma_start3A_42 = arith.constant 512 : i32
    %dma_start3A_43 = tpu.memref_slice %arg7[%dma_start3A_42] : memref<13312xf32, #tpu.memory_space<vmem>> -> memref<128xf32, #tpu.memory_space<vmem>>
    %dma_start3A_44 = arith.constant 0 : i32
    %dma_start3A_45 = tpu.memref_slice %arg6[%dma_start3A_41, %dma_start3A_44] : memref<26x512xi32, #tpu.memory_space<vmem>> -> memref<1x128xi32, #tpu.memory_space<vmem>>
    %dma_start3A_46 = tpu.memref_squeeze %dma_start3A_45 : memref<1x128xi32, #tpu.memory_space<vmem>> -> memref<128xi32, #tpu.memory_space<vmem>>
    %dma_start3A_47 = arith.constant 0 : i32
    %dma_start3A_48 = tpu.memref_slice %arg10[%dma_start3A_47] : memref<1040000xf32, #tpu.memory_space<vmem_shared>> -> memref<1040000xf32, #tpu.memory_space<vmem_shared>>
    tpu.enqueue_indirect_dma source(%dma_start3A_48 : memref<1040000xf32, #tpu.memory_space<vmem_shared>>) target(%dma_start3A_43 : memref<128xf32, #tpu.memory_space<vmem>>) offsets(%dma_start3A_46 : memref<128xi32, #tpu.memory_space<vmem>>) semaphore(%arg11 : memref<!tpu.dma_semaphore, #tpu.memory_space<semaphore_mem>>)
    %dma_start3A_49 = arith.constant 1 : i32
    %dma_start3A_50 = arith.constant 640 : i32
    %dma_start3A_51 = tpu.memref_slice %arg7[%dma_start3A_50] : memref<13312xf32, #tpu.memory_space<vmem>> -> memref<128xf32, #tpu.memory_space<vmem>>
    %dma_start3A_52 = arith.constant 128 : i32
    %dma_start3A_53 = tpu.memref_slice %arg6[%dma_start3A_49, %dma_start3A_52] : memref<26x512xi32, #tpu.memory_space<vmem>> -> memref<1x128xi32, #tpu.memory_space<vmem>>
    %dma_start3A_54 = tpu.memref_squeeze %dma_start3A_53 : memref<1x128xi32, #tpu.memory_space<vmem>> -> memref<128xi32, #tpu.memory_space<vmem>>
    %dma_start3A_55 = arith.constant 0 : i32
    %dma_start3A_56 = tpu.memref_slice %arg10[%dma_start3A_55] : memref<1040000xf32, #tpu.memory_space<vmem_shared>> -> memref<1040000xf32, #tpu.memory_space<vmem_shared>>
    tpu.enqueue_indirect_dma source(%dma_start3A_56 : memref<1040000xf32, #tpu.memory_space<vmem_shared>>) target(%dma_start3A_51 : memref<128xf32, #tpu.memory_space<vmem>>) offsets(%dma_start3A_54 : memref<128xi32, #tpu.memory_space<vmem>>) semaphore(%arg11 : memref<!tpu.dma_semaphore, #tpu.memory_space<semaphore_mem>>)
    %dma_start3A_57 = arith.constant 1 : i32
    %dma_start3A_58 = arith.constant 768 : i32
    %dma_start3A_59 = tpu.memref_slice %arg7[%dma_start3A_58] : memref<13312xf32, #tpu.memory_space<vmem>> -> memref<128xf32, #tpu.memory_space<vmem>>
    %dma_start3A_60 = arith.constant 256 : i32
    %dma_start3A_61 = tpu.memref_slice %arg6[%dma_start3A_57, %dma_start3A_60] : memref<26x512xi32, #tpu.memory_space<vmem>> -> memref<1x128xi32, #tpu.memory_space<vmem>>
    %dma_start3A_62 = tpu.memref_squeeze %dma_start3A_61 : memref<1x128xi32, #tpu.memory_space<vmem>> -> memref<128xi32, #tpu.memory_space<vmem>>
    %dma_start3A_63 = arith.constant 0 : i32
    %dma_start3A_64 = tpu.memref_slice %arg10[%dma_start3A_63] : memref<1040000xf32, #tpu.memory_space<vmem_shared>> -> memref<1040000xf32, #tpu.memory_space<vmem_shared>>
    tpu.enqueue_indirect_dma source(%dma_start3A_64 : memref<1040000xf32, #tpu.memory_space<vmem_shared>>) target(%dma_start3A_59 : memref<128xf32, #tpu.memory_space<vmem>>) offsets(%dma_start3A_62 : memref<128xi32, #tpu.memory_space<vmem>>) semaphore(%arg11 : memref<!tpu.dma_semaphore, #tpu.memory_space<semaphore_mem>>)
    %dma_start3A_65 = arith.constant 1 : i32
    %dma_start3A_66 = arith.constant 896 : i32
    %dma_start3A_67 = tpu.memref_slice %arg7[%dma_start3A_66] : memref<13312xf32, #tpu.memory_space<vmem>> -> memref<128xf32, #tpu.memory_space<vmem>>
    %dma_start3A_68 = arith.constant 384 : i32
    %dma_start3A_69 = tpu.memref_slice %arg6[%dma_start3A_65, %dma_start3A_68] : memref<26x512xi32, #tpu.memory_space<vmem>> -> memref<1x128xi32, #tpu.memory_space<vmem>>
    %dma_start3A_70 = tpu.memref_squeeze %dma_start3A_69 : memref<1x128xi32, #tpu.memory_space<vmem>> -> memref<128xi32, #tpu.memory_space<vmem>>
    %dma_start3A_71 = arith.constant 0 : i32
    %dma_start3A_72 = tpu.memref_slice %arg10[%dma_start3A_71] : memref<1040000xf32, #tpu.memory_space<vmem_shared>> -> memref<1040000xf32, #tpu.memory_space<vmem_shared>>
    tpu.enqueue_indirect_dma source(%dma_start3A_72 : memref<1040000xf32, #tpu.memory_space<vmem_shared>>) target(%dma_start3A_67 : memref<128xf32, #tpu.memory_space<vmem>>) offsets(%dma_start3A_70 : memref<128xi32, #tpu.memory_space<vmem>>) semaphore(%arg11 : memref<!tpu.dma_semaphore, #tpu.memory_space<semaphore_mem>>)
    %dma_start3A_73 = arith.constant 2 : i32
    %dma_start3A_74 = arith.constant 1024 : i32
    %dma_start3A_75 = tpu.memref_slice %arg7[%dma_start3A_74] : memref<13312xf32, #tpu.memory_space<vmem>> -> memref<128xf32, #tpu.memory_space<vmem>>
    %dma_start3A_76 = arith.constant 0 : i32
    %dma_start3A_77 = tpu.memref_slice %arg6[%dma_start3A_73, %dma_start3A_76] : memref<26x512xi32, #tpu.memory_space<vmem>> -> memref<1x128xi32, #tpu.memory_space<vmem>>
    %dma_start3A_78 = tpu.memref_squeeze %dma_start3A_77 : memref<1x128xi32, #tpu.memory_space<vmem>> -> memref<128xi32, #tpu.memory_space<vmem>>
    %dma_start3A_79 = arith.constant 0 : i32
    %dma_start3A_80 = tpu.memref_slice %arg10[%dma_start3A_79] : memref<1040000xf32, #tpu.memory_space<vmem_shared>> -> memref<1040000xf32, #tpu.memory_space<vmem_shared>>
    tpu.enqueue_indirect_dma source(%dma_start3A_80 : memref<1040000xf32, #tpu.memory_space<vmem_shared>>) target(%dma_start3A_75 : memref<128xf32, #tpu.memory_space<vmem>>) offsets(%dma_start3A_78 : memref<128xi32, #tpu.memory_space<vmem>>) semaphore(%arg11 : memref<!tpu.dma_semaphore, #tpu.memory_space<semaphore_mem>>)
    %dma_start3A_81 = arith.constant 2 : i32
    %dma_start3A_82 = arith.constant 1152 : i32
    %dma_start3A_83 = tpu.memref_slice %arg7[%dma_start3A_82] : memref<13312xf32, #tpu.memory_space<vmem>> -> memref<128xf32, #tpu.memory_space<vmem>>
    %dma_start3A_84 = arith.constant 128 : i32
    %dma_start3A_85 = tpu.memref_slice %arg6[%dma_start3A_81, %dma_start3A_84] : memref<26x512xi32, #tpu.memory_space<vmem>> -> memref<1x128xi32, #tpu.memory_space<vmem>>
    %dma_start3A_86 = tpu.memref_squeeze %dma_start3A_85 : memref<1x128xi32, #tpu.memory_space<vmem>> -> memref<128xi32, #tpu.memory_space<vmem>>
    %dma_start3A_87 = arith.constant 0 : i32
    %dma_start3A_88 = tpu.memref_slice %arg10[%dma_start3A_87] : memref<1040000xf32, #tpu.memory_space<vmem_shared>> -> memref<1040000xf32, #tpu.memory_space<vmem_shared>>
    tpu.enqueue_indirect_dma source(%dma_start3A_88 : memref<1040000xf32, #tpu.memory_space<vmem_shared>>) target(%dma_start3A_83 : memref<128xf32, #tpu.memory_space<vmem>>) offsets(%dma_start3A_86 : memref<128xi32, #tpu.memory_space<vmem>>) semaphore(%arg11 : memref<!tpu.dma_semaphore, #tpu.memory_space<semaphore_mem>>)
    %dma_start3A_89 = arith.constant 2 : i32
    %dma_start3A_90 = arith.constant 1280 : i32
    %dma_start3A_91 = tpu.memref_slice %arg7[%dma_start3A_90] : memref<13312xf32, #tpu.memory_space<vmem>> -> memref<128xf32, #tpu.memory_space<vmem>>
    %dma_start3A_92 = arith.constant 256 : i32
    %dma_start3A_93 = tpu.memref_slice %arg6[%dma_start3A_89, %dma_start3A_92] : memref<26x512xi32, #tpu.memory_space<vmem>> -> memref<1x128xi32, #tpu.memory_space<vmem>>
    %dma_start3A_94 = tpu.memref_squeeze %dma_start3A_93 : memref<1x128xi32, #tpu.memory_space<vmem>> -> memref<128xi32, #tpu.memory_space<vmem>>
    %dma_start3A_95 = arith.constant 0 : i32
    %dma_start3A_96 = tpu.memref_slice %arg10[%dma_start3A_95] : memref<1040000xf32, #tpu.memory_space<vmem_shared>> -> memref<1040000xf32, #tpu.memory_space<vmem_shared>>
    tpu.enqueue_indirect_dma source(%dma_start3A_96 : memref<1040000xf32, #tpu.memory_space<vmem_shared>>) target(%dma_start3A_91 : memref<128xf32, #tpu.memory_space<vmem>>) offsets(%dma_start3A_94 : memref<128xi32, #tpu.memory_space<vmem>>) semaphore(%arg11 : memref<!tpu.dma_semaphore, #tpu.memory_space<semaphore_mem>>)
    %dma_start3A_97 = arith.constant 2 : i32
    %dma_start3A_98 = arith.constant 1408 : i32
    %dma_start3A_99 = tpu.memref_slice %arg7[%dma_start3A_98] : memref<13312xf32, #tpu.memory_space<vmem>> -> memref<128xf32, #tpu.memory_space<vmem>>
    %dma_start3A_100 = arith.constant 384 : i32
    %dma_start3A_101 = tpu.memref_slice %arg6[%dma_start3A_97, %dma_start3A_100] : memref<26x512xi32, #tpu.memory_space<vmem>> -> memref<1x128xi32, #tpu.memory_space<vmem>>
    %dma_start3A_102 = tpu.memref_squeeze %dma_start3A_101 : memref<1x128xi32, #tpu.memory_space<vmem>> -> memref<128xi32, #tpu.memory_space<vmem>>
    %dma_start3A_103 = arith.constant 0 : i32
    %dma_start3A_104 = tpu.memref_slice %arg10[%dma_start3A_103] : memref<1040000xf32, #tpu.memory_space<vmem_shared>> -> memref<1040000xf32, #tpu.memory_space<vmem_shared>>
    tpu.enqueue_indirect_dma source(%dma_start3A_104 : memref<1040000xf32, #tpu.memory_space<vmem_shared>>) target(%dma_start3A_99 : memref<128xf32, #tpu.memory_space<vmem>>) offsets(%dma_start3A_102 : memref<128xi32, #tpu.memory_space<vmem>>) semaphore(%arg11 : memref<!tpu.dma_semaphore, #tpu.memory_space<semaphore_mem>>)
    %dma_start3A_105 = arith.constant 3 : i32
    %dma_start3A_106 = arith.constant 1536 : i32
    %dma_start3A_107 = tpu.memref_slice %arg7[%dma_start3A_106] : memref<13312xf32, #tpu.memory_space<vmem>> -> memref<128xf32, #tpu.memory_space<vmem>>
    %dma_start3A_108 = arith.constant 0 : i32
    %dma_start3A_109 = tpu.memref_slice %arg6[%dma_start3A_105, %dma_start3A_108] : memref<26x512xi32, #tpu.memory_space<vmem>> -> memref<1x128xi32, #tpu.memory_space<vmem>>
    %dma_start3A_110 = tpu.memref_squeeze %dma_start3A_109 : memref<1x128xi32, #tpu.memory_space<vmem>> -> memref<128xi32, #tpu.memory_space<vmem>>
    %dma_start3A_111 = arith.constant 0 : i32
    %dma_start3A_112 = tpu.memref_slice %arg10[%dma_start3A_111] : memref<1040000xf32, #tpu.memory_space<vmem_shared>> -> memref<1040000xf32, #tpu.memory_space<vmem_shared>>
    tpu.enqueue_indirect_dma source(%dma_start3A_112 : memref<1040000xf32, #tpu.memory_space<vmem_shared>>) target(%dma_start3A_107 : memref<128xf32, #tpu.memory_space<vmem>>) offsets(%dma_start3A_110 : memref<128xi32, #tpu.memory_space<vmem>>) semaphore(%arg11 : memref<!tpu.dma_semaphore, #tpu.memory_space<semaphore_mem>>)
    %dma_start3A_113 = arith.constant 3 : i32
    %dma_start3A_114 = arith.constant 1664 : i32
    %dma_start3A_115 = tpu.memref_slice %arg7[%dma_start3A_114] : memref<13312xf32, #tpu.memory_space<vmem>> -> memref<128xf32, #tpu.memory_space<vmem>>
    %dma_start3A_116 = arith.constant 128 : i32
    %dma_start3A_117 = tpu.memref_slice %arg6[%dma_start3A_113, %dma_start3A_116] : memref<26x512xi32, #tpu.memory_space<vmem>> -> memref<1x128xi32, #tpu.memory_space<vmem>>
    %dma_start3A_118 = tpu.memref_squeeze %dma_start3A_117 : memref<1x128xi32, #tpu.memory_space<vmem>> -> memref<128xi32, #tpu.memory_space<vmem>>
    %dma_start3A_119 = arith.constant 0 : i32
    %dma_start3A_120 = tpu.memref_slice %arg10[%dma_start3A_119] : memref<1040000xf32, #tpu.memory_space<vmem_shared>> -> memref<1040000xf32, #tpu.memory_space<vmem_shared>>
    tpu.enqueue_indirect_dma source(%dma_start3A_120 : memref<1040000xf32, #tpu.memory_space<vmem_shared>>) target(%dma_start3A_115 : memref<128xf32, #tpu.memory_space<vmem>>) offsets(%dma_start3A_118 : memref<128xi32, #tpu.memory_space<vmem>>) semaphore(%arg11 : memref<!tpu.dma_semaphore, #tpu.memory_space<semaphore_mem>>)
    %dma_start3A_121 = arith.constant 3 : i32
    %dma_start3A_122 = arith.constant 1792 : i32
    %dma_start3A_123 = tpu.memref_slice %arg7[%dma_start3A_122] : memref<13312xf32, #tpu.memory_space<vmem>> -> memref<128xf32, #tpu.memory_space<vmem>>
    %dma_start3A_124 = arith.constant 256 : i32
    %dma_start3A_125 = tpu.memref_slice %arg6[%dma_start3A_121, %dma_start3A_124] : memref<26x512xi32, #tpu.memory_space<vmem>> -> memref<1x128xi32, #tpu.memory_space<vmem>>
    %dma_start3A_126 = tpu.memref_squeeze %dma_start3A_125 : memref<1x128xi32, #tpu.memory_space<vmem>> -> memref<128xi32, #tpu.memory_space<vmem>>
    %dma_start3A_127 = arith.constant 0 : i32
    %dma_start3A_128 = tpu.memref_slice %arg10[%dma_start3A_127] : memref<1040000xf32, #tpu.memory_space<vmem_shared>> -> memref<1040000xf32, #tpu.memory_space<vmem_shared>>
    tpu.enqueue_indirect_dma source(%dma_start3A_128 : memref<1040000xf32, #tpu.memory_space<vmem_shared>>) target(%dma_start3A_123 : memref<128xf32, #tpu.memory_space<vmem>>) offsets(%dma_start3A_126 : memref<128xi32, #tpu.memory_space<vmem>>) semaphore(%arg11 : memref<!tpu.dma_semaphore, #tpu.memory_space<semaphore_mem>>)
    %dma_start3A_129 = arith.constant 3 : i32
    %dma_start3A_130 = arith.constant 1920 : i32
    %dma_start3A_131 = tpu.memref_slice %arg7[%dma_start3A_130] : memref<13312xf32, #tpu.memory_space<vmem>> -> memref<128xf32, #tpu.memory_space<vmem>>
    %dma_start3A_132 = arith.constant 384 : i32
    %dma_start3A_133 = tpu.memref_slice %arg6[%dma_start3A_129, %dma_start3A_132] : memref<26x512xi32, #tpu.memory_space<vmem>> -> memref<1x128xi32, #tpu.memory_space<vmem>>
    %dma_start3A_134 = tpu.memref_squeeze %dma_start3A_133 : memref<1x128xi32, #tpu.memory_space<vmem>> -> memref<128xi32, #tpu.memory_space<vmem>>
    %dma_start3A_135 = arith.constant 0 : i32
    %dma_start3A_136 = tpu.memref_slice %arg10[%dma_start3A_135] : memref<1040000xf32, #tpu.memory_space<vmem_shared>> -> memref<1040000xf32, #tpu.memory_space<vmem_shared>>
    tpu.enqueue_indirect_dma source(%dma_start3A_136 : memref<1040000xf32, #tpu.memory_space<vmem_shared>>) target(%dma_start3A_131 : memref<128xf32, #tpu.memory_space<vmem>>) offsets(%dma_start3A_134 : memref<128xi32, #tpu.memory_space<vmem>>) semaphore(%arg11 : memref<!tpu.dma_semaphore, #tpu.memory_space<semaphore_mem>>)
    %dma_start3A_137 = arith.constant 4 : i32
    %dma_start3A_138 = arith.constant 2048 : i32
    %dma_start3A_139 = tpu.memref_slice %arg7[%dma_start3A_138] : memref<13312xf32, #tpu.memory_space<vmem>> -> memref<128xf32, #tpu.memory_space<vmem>>
    %dma_start3A_140 = arith.constant 0 : i32
    %dma_start3A_141 = tpu.memref_slice %arg6[%dma_start3A_137, %dma_start3A_140] : memref<26x512xi32, #tpu.memory_space<vmem>> -> memref<1x128xi32, #tpu.memory_space<vmem>>
    %dma_start3A_142 = tpu.memref_squeeze %dma_start3A_141 : memref<1x128xi32, #tpu.memory_space<vmem>> -> memref<128xi32, #tpu.memory_space<vmem>>
    %dma_start3A_143 = arith.constant 0 : i32
    %dma_start3A_144 = tpu.memref_slice %arg10[%dma_start3A_143] : memref<1040000xf32, #tpu.memory_space<vmem_shared>> -> memref<1040000xf32, #tpu.memory_space<vmem_shared>>
    tpu.enqueue_indirect_dma source(%dma_start3A_144 : memref<1040000xf32, #tpu.memory_space<vmem_shared>>) target(%dma_start3A_139 : memref<128xf32, #tpu.memory_space<vmem>>) offsets(%dma_start3A_142 : memref<128xi32, #tpu.memory_space<vmem>>) semaphore(%arg11 : memref<!tpu.dma_semaphore, #tpu.memory_space<semaphore_mem>>)
    %dma_start3A_145 = arith.constant 4 : i32
    %dma_start3A_146 = arith.constant 2176 : i32
    %dma_start3A_147 = tpu.memref_slice %arg7[%dma_start3A_146] : memref<13312xf32, #tpu.memory_space<vmem>> -> memref<128xf32, #tpu.memory_space<vmem>>
    %dma_start3A_148 = arith.constant 128 : i32
    %dma_start3A_149 = tpu.memref_slice %arg6[%dma_start3A_145, %dma_start3A_148] : memref<26x512xi32, #tpu.memory_space<vmem>> -> memref<1x128xi32, #tpu.memory_space<vmem>>
    %dma_start3A_150 = tpu.memref_squeeze %dma_start3A_149 : memref<1x128xi32, #tpu.memory_space<vmem>> -> memref<128xi32, #tpu.memory_space<vmem>>
    %dma_start3A_151 = arith.constant 0 : i32
    %dma_start3A_152 = tpu.memref_slice %arg10[%dma_start3A_151] : memref<1040000xf32, #tpu.memory_space<vmem_shared>> -> memref<1040000xf32, #tpu.memory_space<vmem_shared>>
    tpu.enqueue_indirect_dma source(%dma_start3A_152 : memref<1040000xf32, #tpu.memory_space<vmem_shared>>) target(%dma_start3A_147 : memref<128xf32, #tpu.memory_space<vmem>>) offsets(%dma_start3A_150 : memref<128xi32, #tpu.memory_space<vmem>>) semaphore(%arg11 : memref<!tpu.dma_semaphore, #tpu.memory_space<semaphore_mem>>)
    %dma_start3A_153 = arith.constant 4 : i32
    %dma_start3A_154 = arith.constant 2304 : i32
    %dma_start3A_155 = tpu.memref_slice %arg7[%dma_start3A_154] : memref<13312xf32, #tpu.memory_space<vmem>> -> memref<128xf32, #tpu.memory_space<vmem>>
    %dma_start3A_156 = arith.constant 256 : i32
    %dma_start3A_157 = tpu.memref_slice %arg6[%dma_start3A_153, %dma_start3A_156] : memref<26x512xi32, #tpu.memory_space<vmem>> -> memref<1x128xi32, #tpu.memory_space<vmem>>
    %dma_start3A_158 = tpu.memref_squeeze %dma_start3A_157 : memref<1x128xi32, #tpu.memory_space<vmem>> -> memref<128xi32, #tpu.memory_space<vmem>>
    %dma_start3A_159 = arith.constant 0 : i32
    %dma_start3A_160 = tpu.memref_slice %arg10[%dma_start3A_159] : memref<1040000xf32, #tpu.memory_space<vmem_shared>> -> memref<1040000xf32, #tpu.memory_space<vmem_shared>>
    tpu.enqueue_indirect_dma source(%dma_start3A_160 : memref<1040000xf32, #tpu.memory_space<vmem_shared>>) target(%dma_start3A_155 : memref<128xf32, #tpu.memory_space<vmem>>) offsets(%dma_start3A_158 : memref<128xi32, #tpu.memory_space<vmem>>) semaphore(%arg11 : memref<!tpu.dma_semaphore, #tpu.memory_space<semaphore_mem>>)
    %dma_start3A_161 = arith.constant 4 : i32
    %dma_start3A_162 = arith.constant 2432 : i32
    %dma_start3A_163 = tpu.memref_slice %arg7[%dma_start3A_162] : memref<13312xf32, #tpu.memory_space<vmem>> -> memref<128xf32, #tpu.memory_space<vmem>>
    %dma_start3A_164 = arith.constant 384 : i32
    %dma_start3A_165 = tpu.memref_slice %arg6[%dma_start3A_161, %dma_start3A_164] : memref<26x512xi32, #tpu.memory_space<vmem>> -> memref<1x128xi32, #tpu.memory_space<vmem>>
    %dma_start3A_166 = tpu.memref_squeeze %dma_start3A_165 : memref<1x128xi32, #tpu.memory_space<vmem>> -> memref<128xi32, #tpu.memory_space<vmem>>
    %dma_start3A_167 = arith.constant 0 : i32
    %dma_start3A_168 = tpu.memref_slice %arg10[%dma_start3A_167] : memref<1040000xf32, #tpu.memory_space<vmem_shared>> -> memref<1040000xf32, #tpu.memory_space<vmem_shared>>
    tpu.enqueue_indirect_dma source(%dma_start3A_168 : memref<1040000xf32, #tpu.memory_space<vmem_shared>>) target(%dma_start3A_163 : memref<128xf32, #tpu.memory_space<vmem>>) offsets(%dma_start3A_166 : memref<128xi32, #tpu.memory_space<vmem>>) semaphore(%arg11 : memref<!tpu.dma_semaphore, #tpu.memory_space<semaphore_mem>>)
    %dma_start3A_169 = arith.constant 5 : i32
    %dma_start3A_170 = arith.constant 2560 : i32
    %dma_start3A_171 = tpu.memref_slice %arg7[%dma_start3A_170] : memref<13312xf32, #tpu.memory_space<vmem>> -> memref<128xf32, #tpu.memory_space<vmem>>
    %dma_start3A_172 = arith.constant 0 : i32
    %dma_start3A_173 = tpu.memref_slice %arg6[%dma_start3A_169, %dma_start3A_172] : memref<26x512xi32, #tpu.memory_space<vmem>> -> memref<1x128xi32, #tpu.memory_space<vmem>>
    %dma_start3A_174 = tpu.memref_squeeze %dma_start3A_173 : memref<1x128xi32, #tpu.memory_space<vmem>> -> memref<128xi32, #tpu.memory_space<vmem>>
    %dma_start3A_175 = arith.constant 0 : i32
    %dma_start3A_176 = tpu.memref_slice %arg10[%dma_start3A_175] : memref<1040000xf32, #tpu.memory_space<vmem_shared>> -> memref<1040000xf32, #tpu.memory_space<vmem_shared>>
    tpu.enqueue_indirect_dma source(%dma_start3A_176 : memref<1040000xf32, #tpu.memory_space<vmem_shared>>) target(%dma_start3A_171 : memref<128xf32, #tpu.memory_space<vmem>>) offsets(%dma_start3A_174 : memref<128xi32, #tpu.memory_space<vmem>>) semaphore(%arg11 : memref<!tpu.dma_semaphore, #tpu.memory_space<semaphore_mem>>)
    %dma_start3A_177 = arith.constant 5 : i32
    %dma_start3A_178 = arith.constant 2688 : i32
    %dma_start3A_179 = tpu.memref_slice %arg7[%dma_start3A_178] : memref<13312xf32, #tpu.memory_space<vmem>> -> memref<128xf32, #tpu.memory_space<vmem>>
    %dma_start3A_180 = arith.constant 128 : i32
    %dma_start3A_181 = tpu.memref_slice %arg6[%dma_start3A_177, %dma_start3A_180] : memref<26x512xi32, #tpu.memory_space<vmem>> -> memref<1x128xi32, #tpu.memory_space<vmem>>
    %dma_start3A_182 = tpu.memref_squeeze %dma_start3A_181 : memref<1x128xi32, #tpu.memory_space<vmem>> -> memref<128xi32, #tpu.memory_space<vmem>>
    %dma_start3A_183 = arith.constant 0 : i32
    %dma_start3A_184 = tpu.memref_slice %arg10[%dma_start3A_183] : memref<1040000xf32, #tpu.memory_space<vmem_shared>> -> memref<1040000xf32, #tpu.memory_space<vmem_shared>>
    tpu.enqueue_indirect_dma source(%dma_start3A_184 : memref<1040000xf32, #tpu.memory_space<vmem_shared>>) target(%dma_start3A_179 : memref<128xf32, #tpu.memory_space<vmem>>) offsets(%dma_start3A_182 : memref<128xi32, #tpu.memory_space<vmem>>) semaphore(%arg11 : memref<!tpu.dma_semaphore, #tpu.memory_space<semaphore_mem>>)
    %dma_start3A_185 = arith.constant 5 : i32
    %dma_start3A_186 = arith.constant 2816 : i32
    %dma_start3A_187 = tpu.memref_slice %arg7[%dma_start3A_186] : memref<13312xf32, #tpu.memory_space<vmem>> -> memref<128xf32, #tpu.memory_space<vmem>>
    %dma_start3A_188 = arith.constant 256 : i32
    %dma_start3A_189 = tpu.memref_slice %arg6[%dma_start3A_185, %dma_start3A_188] : memref<26x512xi32, #tpu.memory_space<vmem>> -> memref<1x128xi32, #tpu.memory_space<vmem>>
    %dma_start3A_190 = tpu.memref_squeeze %dma_start3A_189 : memref<1x128xi32, #tpu.memory_space<vmem>> -> memref<128xi32, #tpu.memory_space<vmem>>
    %dma_start3A_191 = arith.constant 0 : i32
    %dma_start3A_192 = tpu.memref_slice %arg10[%dma_start3A_191] : memref<1040000xf32, #tpu.memory_space<vmem_shared>> -> memref<1040000xf32, #tpu.memory_space<vmem_shared>>
    tpu.enqueue_indirect_dma source(%dma_start3A_192 : memref<1040000xf32, #tpu.memory_space<vmem_shared>>) target(%dma_start3A_187 : memref<128xf32, #tpu.memory_space<vmem>>) offsets(%dma_start3A_190 : memref<128xi32, #tpu.memory_space<vmem>>) semaphore(%arg11 : memref<!tpu.dma_semaphore, #tpu.memory_space<semaphore_mem>>)
    %dma_start3A_193 = arith.constant 5 : i32
    %dma_start3A_194 = arith.constant 2944 : i32
    %dma_start3A_195 = tpu.memref_slice %arg7[%dma_start3A_194] : memref<13312xf32, #tpu.memory_space<vmem>> -> memref<128xf32, #tpu.memory_space<vmem>>
    %dma_start3A_196 = arith.constant 384 : i32
    %dma_start3A_197 = tpu.memref_slice %arg6[%dma_start3A_193, %dma_start3A_196] : memref<26x512xi32, #tpu.memory_space<vmem>> -> memref<1x128xi32, #tpu.memory_space<vmem>>
    %dma_start3A_198 = tpu.memref_squeeze %dma_start3A_197 : memref<1x128xi32, #tpu.memory_space<vmem>> -> memref<128xi32, #tpu.memory_space<vmem>>
    %dma_start3A_199 = arith.constant 0 : i32
    %dma_start3A_200 = tpu.memref_slice %arg10[%dma_start3A_199] : memref<1040000xf32, #tpu.memory_space<vmem_shared>> -> memref<1040000xf32, #tpu.memory_space<vmem_shared>>
    tpu.enqueue_indirect_dma source(%dma_start3A_200 : memref<1040000xf32, #tpu.memory_space<vmem_shared>>) target(%dma_start3A_195 : memref<128xf32, #tpu.memory_space<vmem>>) offsets(%dma_start3A_198 : memref<128xi32, #tpu.memory_space<vmem>>) semaphore(%arg11 : memref<!tpu.dma_semaphore, #tpu.memory_space<semaphore_mem>>)
    %dma_start3A_201 = arith.constant 6 : i32
    %dma_start3A_202 = arith.constant 3072 : i32
    %dma_start3A_203 = tpu.memref_slice %arg7[%dma_start3A_202] : memref<13312xf32, #tpu.memory_space<vmem>> -> memref<128xf32, #tpu.memory_space<vmem>>
    %dma_start3A_204 = arith.constant 0 : i32
    %dma_start3A_205 = tpu.memref_slice %arg6[%dma_start3A_201, %dma_start3A_204] : memref<26x512xi32, #tpu.memory_space<vmem>> -> memref<1x128xi32, #tpu.memory_space<vmem>>
    %dma_start3A_206 = tpu.memref_squeeze %dma_start3A_205 : memref<1x128xi32, #tpu.memory_space<vmem>> -> memref<128xi32, #tpu.memory_space<vmem>>
    %dma_start3A_207 = arith.constant 0 : i32
    %dma_start3A_208 = tpu.memref_slice %arg10[%dma_start3A_207] : memref<1040000xf32, #tpu.memory_space<vmem_shared>> -> memref<1040000xf32, #tpu.memory_space<vmem_shared>>
    tpu.enqueue_indirect_dma source(%dma_start3A_208 : memref<1040000xf32, #tpu.memory_space<vmem_shared>>) target(%dma_start3A_203 : memref<128xf32, #tpu.memory_space<vmem>>) offsets(%dma_start3A_206 : memref<128xi32, #tpu.memory_space<vmem>>) semaphore(%arg11 : memref<!tpu.dma_semaphore, #tpu.memory_space<semaphore_mem>>)
    %dma_start3A_209 = arith.constant 6 : i32
    %dma_start3A_210 = arith.constant 3200 : i32
    %dma_start3A_211 = tpu.memref_slice %arg7[%dma_start3A_210] : memref<13312xf32, #tpu.memory_space<vmem>> -> memref<128xf32, #tpu.memory_space<vmem>>
    %dma_start3A_212 = arith.constant 128 : i32
    %dma_start3A_213 = tpu.memref_slice %arg6[%dma_start3A_209, %dma_start3A_212] : memref<26x512xi32, #tpu.memory_space<vmem>> -> memref<1x128xi32, #tpu.memory_space<vmem>>
    %dma_start3A_214 = tpu.memref_squeeze %dma_start3A_213 : memref<1x128xi32, #tpu.memory_space<vmem>> -> memref<128xi32, #tpu.memory_space<vmem>>
    %dma_start3A_215 = arith.constant 0 : i32
    %dma_start3A_216 = tpu.memref_slice %arg10[%dma_start3A_215] : memref<1040000xf32, #tpu.memory_space<vmem_shared>> -> memref<1040000xf32, #tpu.memory_space<vmem_shared>>
    tpu.enqueue_indirect_dma source(%dma_start3A_216 : memref<1040000xf32, #tpu.memory_space<vmem_shared>>) target(%dma_start3A_211 : memref<128xf32, #tpu.memory_space<vmem>>) offsets(%dma_start3A_214 : memref<128xi32, #tpu.memory_space<vmem>>) semaphore(%arg11 : memref<!tpu.dma_semaphore, #tpu.memory_space<semaphore_mem>>)
    %dma_start3A_217 = arith.constant 6 : i32
    %dma_start3A_218 = arith.constant 3328 : i32
    %dma_start3A_219 = tpu.memref_slice %arg7[%dma_start3A_218] : memref<13312xf32, #tpu.memory_space<vmem>> -> memref<128xf32, #tpu.memory_space<vmem>>
    %dma_start3A_220 = arith.constant 256 : i32
    %dma_start3A_221 = tpu.memref_slice %arg6[%dma_start3A_217, %dma_start3A_220] : memref<26x512xi32, #tpu.memory_space<vmem>> -> memref<1x128xi32, #tpu.memory_space<vmem>>
    %dma_start3A_222 = tpu.memref_squeeze %dma_start3A_221 : memref<1x128xi32, #tpu.memory_space<vmem>> -> memref<128xi32, #tpu.memory_space<vmem>>
    %dma_start3A_223 = arith.constant 0 : i32
    %dma_start3A_224 = tpu.memref_slice %arg10[%dma_start3A_223] : memref<1040000xf32, #tpu.memory_space<vmem_shared>> -> memref<1040000xf32, #tpu.memory_space<vmem_shared>>
    tpu.enqueue_indirect_dma source(%dma_start3A_224 : memref<1040000xf32, #tpu.memory_space<vmem_shared>>) target(%dma_start3A_219 : memref<128xf32, #tpu.memory_space<vmem>>) offsets(%dma_start3A_222 : memref<128xi32, #tpu.memory_space<vmem>>) semaphore(%arg11 : memref<!tpu.dma_semaphore, #tpu.memory_space<semaphore_mem>>)
    %dma_start3A_225 = arith.constant 6 : i32
    %dma_start3A_226 = arith.constant 3456 : i32
    %dma_start3A_227 = tpu.memref_slice %arg7[%dma_start3A_226] : memref<13312xf32, #tpu.memory_space<vmem>> -> memref<128xf32, #tpu.memory_space<vmem>>
    %dma_start3A_228 = arith.constant 384 : i32
    %dma_start3A_229 = tpu.memref_slice %arg6[%dma_start3A_225, %dma_start3A_228] : memref<26x512xi32, #tpu.memory_space<vmem>> -> memref<1x128xi32, #tpu.memory_space<vmem>>
    %dma_start3A_230 = tpu.memref_squeeze %dma_start3A_229 : memref<1x128xi32, #tpu.memory_space<vmem>> -> memref<128xi32, #tpu.memory_space<vmem>>
    %dma_start3A_231 = arith.constant 0 : i32
    %dma_start3A_232 = tpu.memref_slice %arg10[%dma_start3A_231] : memref<1040000xf32, #tpu.memory_space<vmem_shared>> -> memref<1040000xf32, #tpu.memory_space<vmem_shared>>
    tpu.enqueue_indirect_dma source(%dma_start3A_232 : memref<1040000xf32, #tpu.memory_space<vmem_shared>>) target(%dma_start3A_227 : memref<128xf32, #tpu.memory_space<vmem>>) offsets(%dma_start3A_230 : memref<128xi32, #tpu.memory_space<vmem>>) semaphore(%arg11 : memref<!tpu.dma_semaphore, #tpu.memory_space<semaphore_mem>>)
    %dma_start3A_233 = arith.constant 7 : i32
    %dma_start3A_234 = arith.constant 3584 : i32
    %dma_start3A_235 = tpu.memref_slice %arg7[%dma_start3A_234] : memref<13312xf32, #tpu.memory_space<vmem>> -> memref<128xf32, #tpu.memory_space<vmem>>
    %dma_start3A_236 = arith.constant 0 : i32
    %dma_start3A_237 = tpu.memref_slice %arg6[%dma_start3A_233, %dma_start3A_236] : memref<26x512xi32, #tpu.memory_space<vmem>> -> memref<1x128xi32, #tpu.memory_space<vmem>>
    %dma_start3A_238 = tpu.memref_squeeze %dma_start3A_237 : memref<1x128xi32, #tpu.memory_space<vmem>> -> memref<128xi32, #tpu.memory_space<vmem>>
    %dma_start3A_239 = arith.constant 0 : i32
    %dma_start3A_240 = tpu.memref_slice %arg10[%dma_start3A_239] : memref<1040000xf32, #tpu.memory_space<vmem_shared>> -> memref<1040000xf32, #tpu.memory_space<vmem_shared>>
    tpu.enqueue_indirect_dma source(%dma_start3A_240 : memref<1040000xf32, #tpu.memory_space<vmem_shared>>) target(%dma_start3A_235 : memref<128xf32, #tpu.memory_space<vmem>>) offsets(%dma_start3A_238 : memref<128xi32, #tpu.memory_space<vmem>>) semaphore(%arg11 : memref<!tpu.dma_semaphore, #tpu.memory_space<semaphore_mem>>)
    %dma_start3A_241 = arith.constant 7 : i32
    %dma_start3A_242 = arith.constant 3712 : i32
    %dma_start3A_243 = tpu.memref_slice %arg7[%dma_start3A_242] : memref<13312xf32, #tpu.memory_space<vmem>> -> memref<128xf32, #tpu.memory_space<vmem>>
    %dma_start3A_244 = arith.constant 128 : i32
    %dma_start3A_245 = tpu.memref_slice %arg6[%dma_start3A_241, %dma_start3A_244] : memref<26x512xi32, #tpu.memory_space<vmem>> -> memref<1x128xi32, #tpu.memory_space<vmem>>
    %dma_start3A_246 = tpu.memref_squeeze %dma_start3A_245 : memref<1x128xi32, #tpu.memory_space<vmem>> -> memref<128xi32, #tpu.memory_space<vmem>>
    %dma_start3A_247 = arith.constant 0 : i32
    %dma_start3A_248 = tpu.memref_slice %arg10[%dma_start3A_247] : memref<1040000xf32, #tpu.memory_space<vmem_shared>> -> memref<1040000xf32, #tpu.memory_space<vmem_shared>>
    tpu.enqueue_indirect_dma source(%dma_start3A_248 : memref<1040000xf32, #tpu.memory_space<vmem_shared>>) target(%dma_start3A_243 : memref<128xf32, #tpu.memory_space<vmem>>) offsets(%dma_start3A_246 : memref<128xi32, #tpu.memory_space<vmem>>) semaphore(%arg11 : memref<!tpu.dma_semaphore, #tpu.memory_space<semaphore_mem>>)
    %dma_start3A_249 = arith.constant 7 : i32
    %dma_start3A_250 = arith.constant 3840 : i32
    %dma_start3A_251 = tpu.memref_slice %arg7[%dma_start3A_250] : memref<13312xf32, #tpu.memory_space<vmem>> -> memref<128xf32, #tpu.memory_space<vmem>>
    %dma_start3A_252 = arith.constant 256 : i32
    %dma_start3A_253 = tpu.memref_slice %arg6[%dma_start3A_249, %dma_start3A_252] : memref<26x512xi32, #tpu.memory_space<vmem>> -> memref<1x128xi32, #tpu.memory_space<vmem>>
    %dma_start3A_254 = tpu.memref_squeeze %dma_start3A_253 : memref<1x128xi32, #tpu.memory_space<vmem>> -> memref<128xi32, #tpu.memory_space<vmem>>
    %dma_start3A_255 = arith.constant 0 : i32
    %dma_start3A_256 = tpu.memref_slice %arg10[%dma_start3A_255] : memref<1040000xf32, #tpu.memory_space<vmem_shared>> -> memref<1040000xf32, #tpu.memory_space<vmem_shared>>
    tpu.enqueue_indirect_dma source(%dma_start3A_256 : memref<1040000xf32, #tpu.memory_space<vmem_shared>>) target(%dma_start3A_251 : memref<128xf32, #tpu.memory_space<vmem>>) offsets(%dma_start3A_254 : memref<128xi32, #tpu.memory_space<vmem>>) semaphore(%arg11 : memref<!tpu.dma_semaphore, #tpu.memory_space<semaphore_mem>>)
    %dma_start3A_257 = arith.constant 7 : i32
    %dma_start3A_258 = arith.constant 3968 : i32
    %dma_start3A_259 = tpu.memref_slice %arg7[%dma_start3A_258] : memref<13312xf32, #tpu.memory_space<vmem>> -> memref<128xf32, #tpu.memory_space<vmem>>
    %dma_start3A_260 = arith.constant 384 : i32
    %dma_start3A_261 = tpu.memref_slice %arg6[%dma_start3A_257, %dma_start3A_260] : memref<26x512xi32, #tpu.memory_space<vmem>> -> memref<1x128xi32, #tpu.memory_space<vmem>>
    %dma_start3A_262 = tpu.memref_squeeze %dma_start3A_261 : memref<1x128xi32, #tpu.memory_space<vmem>> -> memref<128xi32, #tpu.memory_space<vmem>>
    %dma_start3A_263 = arith.constant 0 : i32
    %dma_start3A_264 = tpu.memref_slice %arg10[%dma_start3A_263] : memref<1040000xf32, #tpu.memory_space<vmem_shared>> -> memref<1040000xf32, #tpu.memory_space<vmem_shared>>
    tpu.enqueue_indirect_dma source(%dma_start3A_264 : memref<1040000xf32, #tpu.memory_space<vmem_shared>>) target(%dma_start3A_259 : memref<128xf32, #tpu.memory_space<vmem>>) offsets(%dma_start3A_262 : memref<128xi32, #tpu.memory_space<vmem>>) semaphore(%arg11 : memref<!tpu.dma_semaphore, #tpu.memory_space<semaphore_mem>>)
    %dma_start3A_265 = arith.constant 8 : i32
    %dma_start3A_266 = arith.constant 4096 : i32
    %dma_start3A_267 = tpu.memref_slice %arg7[%dma_start3A_266] : memref<13312xf32, #tpu.memory_space<vmem>> -> memref<128xf32, #tpu.memory_space<vmem>>
    %dma_start3A_268 = arith.constant 0 : i32
    %dma_start3A_269 = tpu.memref_slice %arg6[%dma_start3A_265, %dma_start3A_268] : memref<26x512xi32, #tpu.memory_space<vmem>> -> memref<1x128xi32, #tpu.memory_space<vmem>>
    %dma_start3A_270 = tpu.memref_squeeze %dma_start3A_269 : memref<1x128xi32, #tpu.memory_space<vmem>> -> memref<128xi32, #tpu.memory_space<vmem>>
    %dma_start3A_271 = arith.constant 0 : i32
    %dma_start3A_272 = tpu.memref_slice %arg10[%dma_start3A_271] : memref<1040000xf32, #tpu.memory_space<vmem_shared>> -> memref<1040000xf32, #tpu.memory_space<vmem_shared>>
    tpu.enqueue_indirect_dma source(%dma_start3A_272 : memref<1040000xf32, #tpu.memory_space<vmem_shared>>) target(%dma_start3A_267 : memref<128xf32, #tpu.memory_space<vmem>>) offsets(%dma_start3A_270 : memref<128xi32, #tpu.memory_space<vmem>>) semaphore(%arg11 : memref<!tpu.dma_semaphore, #tpu.memory_space<semaphore_mem>>)
    %dma_start3A_273 = arith.constant 8 : i32
    %dma_start3A_274 = arith.constant 4224 : i32
    %dma_start3A_275 = tpu.memref_slice %arg7[%dma_start3A_274] : memref<13312xf32, #tpu.memory_space<vmem>> -> memref<128xf32, #tpu.memory_space<vmem>>
    %dma_start3A_276 = arith.constant 128 : i32
    %dma_start3A_277 = tpu.memref_slice %arg6[%dma_start3A_273, %dma_start3A_276] : memref<26x512xi32, #tpu.memory_space<vmem>> -> memref<1x128xi32, #tpu.memory_space<vmem>>
    %dma_start3A_278 = tpu.memref_squeeze %dma_start3A_277 : memref<1x128xi32, #tpu.memory_space<vmem>> -> memref<128xi32, #tpu.memory_space<vmem>>
    %dma_start3A_279 = arith.constant 0 : i32
    %dma_start3A_280 = tpu.memref_slice %arg10[%dma_start3A_279] : memref<1040000xf32, #tpu.memory_space<vmem_shared>> -> memref<1040000xf32, #tpu.memory_space<vmem_shared>>
    tpu.enqueue_indirect_dma source(%dma_start3A_280 : memref<1040000xf32, #tpu.memory_space<vmem_shared>>) target(%dma_start3A_275 : memref<128xf32, #tpu.memory_space<vmem>>) offsets(%dma_start3A_278 : memref<128xi32, #tpu.memory_space<vmem>>) semaphore(%arg11 : memref<!tpu.dma_semaphore, #tpu.memory_space<semaphore_mem>>)
    %dma_start3A_281 = arith.constant 8 : i32
    %dma_start3A_282 = arith.constant 4352 : i32
    %dma_start3A_283 = tpu.memref_slice %arg7[%dma_start3A_282] : memref<13312xf32, #tpu.memory_space<vmem>> -> memref<128xf32, #tpu.memory_space<vmem>>
    %dma_start3A_284 = arith.constant 256 : i32
    %dma_start3A_285 = tpu.memref_slice %arg6[%dma_start3A_281, %dma_start3A_284] : memref<26x512xi32, #tpu.memory_space<vmem>> -> memref<1x128xi32, #tpu.memory_space<vmem>>
    %dma_start3A_286 = tpu.memref_squeeze %dma_start3A_285 : memref<1x128xi32, #tpu.memory_space<vmem>> -> memref<128xi32, #tpu.memory_space<vmem>>
    %dma_start3A_287 = arith.constant 0 : i32
    %dma_start3A_288 = tpu.memref_slice %arg10[%dma_start3A_287] : memref<1040000xf32, #tpu.memory_space<vmem_shared>> -> memref<1040000xf32, #tpu.memory_space<vmem_shared>>
    tpu.enqueue_indirect_dma source(%dma_start3A_288 : memref<1040000xf32, #tpu.memory_space<vmem_shared>>) target(%dma_start3A_283 : memref<128xf32, #tpu.memory_space<vmem>>) offsets(%dma_start3A_286 : memref<128xi32, #tpu.memory_space<vmem>>) semaphore(%arg11 : memref<!tpu.dma_semaphore, #tpu.memory_space<semaphore_mem>>)
    %dma_start3A_289 = arith.constant 8 : i32
    %dma_start3A_290 = arith.constant 4480 : i32
    %dma_start3A_291 = tpu.memref_slice %arg7[%dma_start3A_290] : memref<13312xf32, #tpu.memory_space<vmem>> -> memref<128xf32, #tpu.memory_space<vmem>>
    %dma_start3A_292 = arith.constant 384 : i32
    %dma_start3A_293 = tpu.memref_slice %arg6[%dma_start3A_289, %dma_start3A_292] : memref<26x512xi32, #tpu.memory_space<vmem>> -> memref<1x128xi32, #tpu.memory_space<vmem>>
    %dma_start3A_294 = tpu.memref_squeeze %dma_start3A_293 : memref<1x128xi32, #tpu.memory_space<vmem>> -> memref<128xi32, #tpu.memory_space<vmem>>
    %dma_start3A_295 = arith.constant 0 : i32
    %dma_start3A_296 = tpu.memref_slice %arg10[%dma_start3A_295] : memref<1040000xf32, #tpu.memory_space<vmem_shared>> -> memref<1040000xf32, #tpu.memory_space<vmem_shared>>
    tpu.enqueue_indirect_dma source(%dma_start3A_296 : memref<1040000xf32, #tpu.memory_space<vmem_shared>>) target(%dma_start3A_291 : memref<128xf32, #tpu.memory_space<vmem>>) offsets(%dma_start3A_294 : memref<128xi32, #tpu.memory_space<vmem>>) semaphore(%arg11 : memref<!tpu.dma_semaphore, #tpu.memory_space<semaphore_mem>>)
    %dma_start3A_297 = arith.constant 9 : i32
    %dma_start3A_298 = arith.constant 4608 : i32
    %dma_start3A_299 = tpu.memref_slice %arg7[%dma_start3A_298] : memref<13312xf32, #tpu.memory_space<vmem>> -> memref<128xf32, #tpu.memory_space<vmem>>
    %dma_start3A_300 = arith.constant 0 : i32
    %dma_start3A_301 = tpu.memref_slice %arg6[%dma_start3A_297, %dma_start3A_300] : memref<26x512xi32, #tpu.memory_space<vmem>> -> memref<1x128xi32, #tpu.memory_space<vmem>>
    %dma_start3A_302 = tpu.memref_squeeze %dma_start3A_301 : memref<1x128xi32, #tpu.memory_space<vmem>> -> memref<128xi32, #tpu.memory_space<vmem>>
    %dma_start3A_303 = arith.constant 0 : i32
    %dma_start3A_304 = tpu.memref_slice %arg10[%dma_start3A_303] : memref<1040000xf32, #tpu.memory_space<vmem_shared>> -> memref<1040000xf32, #tpu.memory_space<vmem_shared>>
    tpu.enqueue_indirect_dma source(%dma_start3A_304 : memref<1040000xf32, #tpu.memory_space<vmem_shared>>) target(%dma_start3A_299 : memref<128xf32, #tpu.memory_space<vmem>>) offsets(%dma_start3A_302 : memref<128xi32, #tpu.memory_space<vmem>>) semaphore(%arg11 : memref<!tpu.dma_semaphore, #tpu.memory_space<semaphore_mem>>)
    %dma_start3A_305 = arith.constant 9 : i32
    %dma_start3A_306 = arith.constant 4736 : i32
    %dma_start3A_307 = tpu.memref_slice %arg7[%dma_start3A_306] : memref<13312xf32, #tpu.memory_space<vmem>> -> memref<128xf32, #tpu.memory_space<vmem>>
    %dma_start3A_308 = arith.constant 128 : i32
    %dma_start3A_309 = tpu.memref_slice %arg6[%dma_start3A_305, %dma_start3A_308] : memref<26x512xi32, #tpu.memory_space<vmem>> -> memref<1x128xi32, #tpu.memory_space<vmem>>
    %dma_start3A_310 = tpu.memref_squeeze %dma_start3A_309 : memref<1x128xi32, #tpu.memory_space<vmem>> -> memref<128xi32, #tpu.memory_space<vmem>>
    %dma_start3A_311 = arith.constant 0 : i32
    %dma_start3A_312 = tpu.memref_slice %arg10[%dma_start3A_311] : memref<1040000xf32, #tpu.memory_space<vmem_shared>> -> memref<1040000xf32, #tpu.memory_space<vmem_shared>>
    tpu.enqueue_indirect_dma source(%dma_start3A_312 : memref<1040000xf32, #tpu.memory_space<vmem_shared>>) target(%dma_start3A_307 : memref<128xf32, #tpu.memory_space<vmem>>) offsets(%dma_start3A_310 : memref<128xi32, #tpu.memory_space<vmem>>) semaphore(%arg11 : memref<!tpu.dma_semaphore, #tpu.memory_space<semaphore_mem>>)
    %dma_start3A_313 = arith.constant 9 : i32
    %dma_start3A_314 = arith.constant 4864 : i32
    %dma_start3A_315 = tpu.memref_slice %arg7[%dma_start3A_314] : memref<13312xf32, #tpu.memory_space<vmem>> -> memref<128xf32, #tpu.memory_space<vmem>>
    %dma_start3A_316 = arith.constant 256 : i32
    %dma_start3A_317 = tpu.memref_slice %arg6[%dma_start3A_313, %dma_start3A_316] : memref<26x512xi32, #tpu.memory_space<vmem>> -> memref<1x128xi32, #tpu.memory_space<vmem>>
    %dma_start3A_318 = tpu.memref_squeeze %dma_start3A_317 : memref<1x128xi32, #tpu.memory_space<vmem>> -> memref<128xi32, #tpu.memory_space<vmem>>
    %dma_start3A_319 = arith.constant 0 : i32
    %dma_start3A_320 = tpu.memref_slice %arg10[%dma_start3A_319] : memref<1040000xf32, #tpu.memory_space<vmem_shared>> -> memref<1040000xf32, #tpu.memory_space<vmem_shared>>
    tpu.enqueue_indirect_dma source(%dma_start3A_320 : memref<1040000xf32, #tpu.memory_space<vmem_shared>>) target(%dma_start3A_315 : memref<128xf32, #tpu.memory_space<vmem>>) offsets(%dma_start3A_318 : memref<128xi32, #tpu.memory_space<vmem>>) semaphore(%arg11 : memref<!tpu.dma_semaphore, #tpu.memory_space<semaphore_mem>>)
    %dma_start3A_321 = arith.constant 9 : i32
    %dma_start3A_322 = arith.constant 4992 : i32
    %dma_start3A_323 = tpu.memref_slice %arg7[%dma_start3A_322] : memref<13312xf32, #tpu.memory_space<vmem>> -> memref<128xf32, #tpu.memory_space<vmem>>
    %dma_start3A_324 = arith.constant 384 : i32
    %dma_start3A_325 = tpu.memref_slice %arg6[%dma_start3A_321, %dma_start3A_324] : memref<26x512xi32, #tpu.memory_space<vmem>> -> memref<1x128xi32, #tpu.memory_space<vmem>>
    %dma_start3A_326 = tpu.memref_squeeze %dma_start3A_325 : memref<1x128xi32, #tpu.memory_space<vmem>> -> memref<128xi32, #tpu.memory_space<vmem>>
    %dma_start3A_327 = arith.constant 0 : i32
    %dma_start3A_328 = tpu.memref_slice %arg10[%dma_start3A_327] : memref<1040000xf32, #tpu.memory_space<vmem_shared>> -> memref<1040000xf32, #tpu.memory_space<vmem_shared>>
    tpu.enqueue_indirect_dma source(%dma_start3A_328 : memref<1040000xf32, #tpu.memory_space<vmem_shared>>) target(%dma_start3A_323 : memref<128xf32, #tpu.memory_space<vmem>>) offsets(%dma_start3A_326 : memref<128xi32, #tpu.memory_space<vmem>>) semaphore(%arg11 : memref<!tpu.dma_semaphore, #tpu.memory_space<semaphore_mem>>)
    %dma_start3A_329 = arith.constant 10 : i32
    %dma_start3A_330 = arith.constant 5120 : i32
    %dma_start3A_331 = tpu.memref_slice %arg7[%dma_start3A_330] : memref<13312xf32, #tpu.memory_space<vmem>> -> memref<128xf32, #tpu.memory_space<vmem>>
    %dma_start3A_332 = arith.constant 0 : i32
    %dma_start3A_333 = tpu.memref_slice %arg6[%dma_start3A_329, %dma_start3A_332] : memref<26x512xi32, #tpu.memory_space<vmem>> -> memref<1x128xi32, #tpu.memory_space<vmem>>
    %dma_start3A_334 = tpu.memref_squeeze %dma_start3A_333 : memref<1x128xi32, #tpu.memory_space<vmem>> -> memref<128xi32, #tpu.memory_space<vmem>>
    %dma_start3A_335 = arith.constant 0 : i32
    %dma_start3A_336 = tpu.memref_slice %arg10[%dma_start3A_335] : memref<1040000xf32, #tpu.memory_space<vmem_shared>> -> memref<1040000xf32, #tpu.memory_space<vmem_shared>>
    tpu.enqueue_indirect_dma source(%dma_start3A_336 : memref<1040000xf32, #tpu.memory_space<vmem_shared>>) target(%dma_start3A_331 : memref<128xf32, #tpu.memory_space<vmem>>) offsets(%dma_start3A_334 : memref<128xi32, #tpu.memory_space<vmem>>) semaphore(%arg11 : memref<!tpu.dma_semaphore, #tpu.memory_space<semaphore_mem>>)
    %dma_start3A_337 = arith.constant 10 : i32
    %dma_start3A_338 = arith.constant 5248 : i32
    %dma_start3A_339 = tpu.memref_slice %arg7[%dma_start3A_338] : memref<13312xf32, #tpu.memory_space<vmem>> -> memref<128xf32, #tpu.memory_space<vmem>>
    %dma_start3A_340 = arith.constant 128 : i32
    %dma_start3A_341 = tpu.memref_slice %arg6[%dma_start3A_337, %dma_start3A_340] : memref<26x512xi32, #tpu.memory_space<vmem>> -> memref<1x128xi32, #tpu.memory_space<vmem>>
    %dma_start3A_342 = tpu.memref_squeeze %dma_start3A_341 : memref<1x128xi32, #tpu.memory_space<vmem>> -> memref<128xi32, #tpu.memory_space<vmem>>
    %dma_start3A_343 = arith.constant 0 : i32
    %dma_start3A_344 = tpu.memref_slice %arg10[%dma_start3A_343] : memref<1040000xf32, #tpu.memory_space<vmem_shared>> -> memref<1040000xf32, #tpu.memory_space<vmem_shared>>
    tpu.enqueue_indirect_dma source(%dma_start3A_344 : memref<1040000xf32, #tpu.memory_space<vmem_shared>>) target(%dma_start3A_339 : memref<128xf32, #tpu.memory_space<vmem>>) offsets(%dma_start3A_342 : memref<128xi32, #tpu.memory_space<vmem>>) semaphore(%arg11 : memref<!tpu.dma_semaphore, #tpu.memory_space<semaphore_mem>>)
    %dma_start3A_345 = arith.constant 10 : i32
    %dma_start3A_346 = arith.constant 5376 : i32
    %dma_start3A_347 = tpu.memref_slice %arg7[%dma_start3A_346] : memref<13312xf32, #tpu.memory_space<vmem>> -> memref<128xf32, #tpu.memory_space<vmem>>
    %dma_start3A_348 = arith.constant 256 : i32
    %dma_start3A_349 = tpu.memref_slice %arg6[%dma_start3A_345, %dma_start3A_348] : memref<26x512xi32, #tpu.memory_space<vmem>> -> memref<1x128xi32, #tpu.memory_space<vmem>>
    %dma_start3A_350 = tpu.memref_squeeze %dma_start3A_349 : memref<1x128xi32, #tpu.memory_space<vmem>> -> memref<128xi32, #tpu.memory_space<vmem>>
    %dma_start3A_351 = arith.constant 0 : i32
    %dma_start3A_352 = tpu.memref_slice %arg10[%dma_start3A_351] : memref<1040000xf32, #tpu.memory_space<vmem_shared>> -> memref<1040000xf32, #tpu.memory_space<vmem_shared>>
    tpu.enqueue_indirect_dma source(%dma_start3A_352 : memref<1040000xf32, #tpu.memory_space<vmem_shared>>) target(%dma_start3A_347 : memref<128xf32, #tpu.memory_space<vmem>>) offsets(%dma_start3A_350 : memref<128xi32, #tpu.memory_space<vmem>>) semaphore(%arg11 : memref<!tpu.dma_semaphore, #tpu.memory_space<semaphore_mem>>)
    %dma_start3A_353 = arith.constant 10 : i32
    %dma_start3A_354 = arith.constant 5504 : i32
    %dma_start3A_355 = tpu.memref_slice %arg7[%dma_start3A_354] : memref<13312xf32, #tpu.memory_space<vmem>> -> memref<128xf32, #tpu.memory_space<vmem>>
    %dma_start3A_356 = arith.constant 384 : i32
    %dma_start3A_357 = tpu.memref_slice %arg6[%dma_start3A_353, %dma_start3A_356] : memref<26x512xi32, #tpu.memory_space<vmem>> -> memref<1x128xi32, #tpu.memory_space<vmem>>
    %dma_start3A_358 = tpu.memref_squeeze %dma_start3A_357 : memref<1x128xi32, #tpu.memory_space<vmem>> -> memref<128xi32, #tpu.memory_space<vmem>>
    %dma_start3A_359 = arith.constant 0 : i32
    %dma_start3A_360 = tpu.memref_slice %arg10[%dma_start3A_359] : memref<1040000xf32, #tpu.memory_space<vmem_shared>> -> memref<1040000xf32, #tpu.memory_space<vmem_shared>>
    tpu.enqueue_indirect_dma source(%dma_start3A_360 : memref<1040000xf32, #tpu.memory_space<vmem_shared>>) target(%dma_start3A_355 : memref<128xf32, #tpu.memory_space<vmem>>) offsets(%dma_start3A_358 : memref<128xi32, #tpu.memory_space<vmem>>) semaphore(%arg11 : memref<!tpu.dma_semaphore, #tpu.memory_space<semaphore_mem>>)
    %dma_start3A_361 = arith.constant 11 : i32
    %dma_start3A_362 = arith.constant 5632 : i32
    %dma_start3A_363 = tpu.memref_slice %arg7[%dma_start3A_362] : memref<13312xf32, #tpu.memory_space<vmem>> -> memref<128xf32, #tpu.memory_space<vmem>>
    %dma_start3A_364 = arith.constant 0 : i32
    %dma_start3A_365 = tpu.memref_slice %arg6[%dma_start3A_361, %dma_start3A_364] : memref<26x512xi32, #tpu.memory_space<vmem>> -> memref<1x128xi32, #tpu.memory_space<vmem>>
    %dma_start3A_366 = tpu.memref_squeeze %dma_start3A_365 : memref<1x128xi32, #tpu.memory_space<vmem>> -> memref<128xi32, #tpu.memory_space<vmem>>
    %dma_start3A_367 = arith.constant 0 : i32
    %dma_start3A_368 = tpu.memref_slice %arg10[%dma_start3A_367] : memref<1040000xf32, #tpu.memory_space<vmem_shared>> -> memref<1040000xf32, #tpu.memory_space<vmem_shared>>
    tpu.enqueue_indirect_dma source(%dma_start3A_368 : memref<1040000xf32, #tpu.memory_space<vmem_shared>>) target(%dma_start3A_363 : memref<128xf32, #tpu.memory_space<vmem>>) offsets(%dma_start3A_366 : memref<128xi32, #tpu.memory_space<vmem>>) semaphore(%arg11 : memref<!tpu.dma_semaphore, #tpu.memory_space<semaphore_mem>>)
    %dma_start3A_369 = arith.constant 11 : i32
    %dma_start3A_370 = arith.constant 5760 : i32
    %dma_start3A_371 = tpu.memref_slice %arg7[%dma_start3A_370] : memref<13312xf32, #tpu.memory_space<vmem>> -> memref<128xf32, #tpu.memory_space<vmem>>
    %dma_start3A_372 = arith.constant 128 : i32
    %dma_start3A_373 = tpu.memref_slice %arg6[%dma_start3A_369, %dma_start3A_372] : memref<26x512xi32, #tpu.memory_space<vmem>> -> memref<1x128xi32, #tpu.memory_space<vmem>>
    %dma_start3A_374 = tpu.memref_squeeze %dma_start3A_373 : memref<1x128xi32, #tpu.memory_space<vmem>> -> memref<128xi32, #tpu.memory_space<vmem>>
    %dma_start3A_375 = arith.constant 0 : i32
    %dma_start3A_376 = tpu.memref_slice %arg10[%dma_start3A_375] : memref<1040000xf32, #tpu.memory_space<vmem_shared>> -> memref<1040000xf32, #tpu.memory_space<vmem_shared>>
    tpu.enqueue_indirect_dma source(%dma_start3A_376 : memref<1040000xf32, #tpu.memory_space<vmem_shared>>) target(%dma_start3A_371 : memref<128xf32, #tpu.memory_space<vmem>>) offsets(%dma_start3A_374 : memref<128xi32, #tpu.memory_space<vmem>>) semaphore(%arg11 : memref<!tpu.dma_semaphore, #tpu.memory_space<semaphore_mem>>)
    %dma_start3A_377 = arith.constant 11 : i32
    %dma_start3A_378 = arith.constant 5888 : i32
    %dma_start3A_379 = tpu.memref_slice %arg7[%dma_start3A_378] : memref<13312xf32, #tpu.memory_space<vmem>> -> memref<128xf32, #tpu.memory_space<vmem>>
    %dma_start3A_380 = arith.constant 256 : i32
    %dma_start3A_381 = tpu.memref_slice %arg6[%dma_start3A_377, %dma_start3A_380] : memref<26x512xi32, #tpu.memory_space<vmem>> -> memref<1x128xi32, #tpu.memory_space<vmem>>
    %dma_start3A_382 = tpu.memref_squeeze %dma_start3A_381 : memref<1x128xi32, #tpu.memory_space<vmem>> -> memref<128xi32, #tpu.memory_space<vmem>>
    %dma_start3A_383 = arith.constant 0 : i32
    %dma_start3A_384 = tpu.memref_slice %arg10[%dma_start3A_383] : memref<1040000xf32, #tpu.memory_space<vmem_shared>> -> memref<1040000xf32, #tpu.memory_space<vmem_shared>>
    tpu.enqueue_indirect_dma source(%dma_start3A_384 : memref<1040000xf32, #tpu.memory_space<vmem_shared>>) target(%dma_start3A_379 : memref<128xf32, #tpu.memory_space<vmem>>) offsets(%dma_start3A_382 : memref<128xi32, #tpu.memory_space<vmem>>) semaphore(%arg11 : memref<!tpu.dma_semaphore, #tpu.memory_space<semaphore_mem>>)
    %dma_start3A_385 = arith.constant 11 : i32
    %dma_start3A_386 = arith.constant 6016 : i32
    %dma_start3A_387 = tpu.memref_slice %arg7[%dma_start3A_386] : memref<13312xf32, #tpu.memory_space<vmem>> -> memref<128xf32, #tpu.memory_space<vmem>>
    %dma_start3A_388 = arith.constant 384 : i32
    %dma_start3A_389 = tpu.memref_slice %arg6[%dma_start3A_385, %dma_start3A_388] : memref<26x512xi32, #tpu.memory_space<vmem>> -> memref<1x128xi32, #tpu.memory_space<vmem>>
    %dma_start3A_390 = tpu.memref_squeeze %dma_start3A_389 : memref<1x128xi32, #tpu.memory_space<vmem>> -> memref<128xi32, #tpu.memory_space<vmem>>
    %dma_start3A_391 = arith.constant 0 : i32
    %dma_start3A_392 = tpu.memref_slice %arg10[%dma_start3A_391] : memref<1040000xf32, #tpu.memory_space<vmem_shared>> -> memref<1040000xf32, #tpu.memory_space<vmem_shared>>
    tpu.enqueue_indirect_dma source(%dma_start3A_392 : memref<1040000xf32, #tpu.memory_space<vmem_shared>>) target(%dma_start3A_387 : memref<128xf32, #tpu.memory_space<vmem>>) offsets(%dma_start3A_390 : memref<128xi32, #tpu.memory_space<vmem>>) semaphore(%arg11 : memref<!tpu.dma_semaphore, #tpu.memory_space<semaphore_mem>>)
    %dma_start3A_393 = arith.constant 12 : i32
    %dma_start3A_394 = arith.constant 6144 : i32
    %dma_start3A_395 = tpu.memref_slice %arg7[%dma_start3A_394] : memref<13312xf32, #tpu.memory_space<vmem>> -> memref<128xf32, #tpu.memory_space<vmem>>
    %dma_start3A_396 = arith.constant 0 : i32
    %dma_start3A_397 = tpu.memref_slice %arg6[%dma_start3A_393, %dma_start3A_396] : memref<26x512xi32, #tpu.memory_space<vmem>> -> memref<1x128xi32, #tpu.memory_space<vmem>>
    %dma_start3A_398 = tpu.memref_squeeze %dma_start3A_397 : memref<1x128xi32, #tpu.memory_space<vmem>> -> memref<128xi32, #tpu.memory_space<vmem>>
    %dma_start3A_399 = arith.constant 0 : i32
    %dma_start3A_400 = tpu.memref_slice %arg10[%dma_start3A_399] : memref<1040000xf32, #tpu.memory_space<vmem_shared>> -> memref<1040000xf32, #tpu.memory_space<vmem_shared>>
    tpu.enqueue_indirect_dma source(%dma_start3A_400 : memref<1040000xf32, #tpu.memory_space<vmem_shared>>) target(%dma_start3A_395 : memref<128xf32, #tpu.memory_space<vmem>>) offsets(%dma_start3A_398 : memref<128xi32, #tpu.memory_space<vmem>>) semaphore(%arg11 : memref<!tpu.dma_semaphore, #tpu.memory_space<semaphore_mem>>)
    %dma_start3A_401 = arith.constant 12 : i32
    %dma_start3A_402 = arith.constant 6272 : i32
    %dma_start3A_403 = tpu.memref_slice %arg7[%dma_start3A_402] : memref<13312xf32, #tpu.memory_space<vmem>> -> memref<128xf32, #tpu.memory_space<vmem>>
    %dma_start3A_404 = arith.constant 128 : i32
    %dma_start3A_405 = tpu.memref_slice %arg6[%dma_start3A_401, %dma_start3A_404] : memref<26x512xi32, #tpu.memory_space<vmem>> -> memref<1x128xi32, #tpu.memory_space<vmem>>
    %dma_start3A_406 = tpu.memref_squeeze %dma_start3A_405 : memref<1x128xi32, #tpu.memory_space<vmem>> -> memref<128xi32, #tpu.memory_space<vmem>>
    %dma_start3A_407 = arith.constant 0 : i32
    %dma_start3A_408 = tpu.memref_slice %arg10[%dma_start3A_407] : memref<1040000xf32, #tpu.memory_space<vmem_shared>> -> memref<1040000xf32, #tpu.memory_space<vmem_shared>>
    tpu.enqueue_indirect_dma source(%dma_start3A_408 : memref<1040000xf32, #tpu.memory_space<vmem_shared>>) target(%dma_start3A_403 : memref<128xf32, #tpu.memory_space<vmem>>) offsets(%dma_start3A_406 : memref<128xi32, #tpu.memory_space<vmem>>) semaphore(%arg11 : memref<!tpu.dma_semaphore, #tpu.memory_space<semaphore_mem>>)
    %dma_start3A_409 = arith.constant 12 : i32
    %dma_start3A_410 = arith.constant 6400 : i32
    %dma_start3A_411 = tpu.memref_slice %arg7[%dma_start3A_410] : memref<13312xf32, #tpu.memory_space<vmem>> -> memref<128xf32, #tpu.memory_space<vmem>>
    %dma_start3A_412 = arith.constant 256 : i32
    %dma_start3A_413 = tpu.memref_slice %arg6[%dma_start3A_409, %dma_start3A_412] : memref<26x512xi32, #tpu.memory_space<vmem>> -> memref<1x128xi32, #tpu.memory_space<vmem>>
    %dma_start3A_414 = tpu.memref_squeeze %dma_start3A_413 : memref<1x128xi32, #tpu.memory_space<vmem>> -> memref<128xi32, #tpu.memory_space<vmem>>
    %dma_start3A_415 = arith.constant 0 : i32
    %dma_start3A_416 = tpu.memref_slice %arg10[%dma_start3A_415] : memref<1040000xf32, #tpu.memory_space<vmem_shared>> -> memref<1040000xf32, #tpu.memory_space<vmem_shared>>
    tpu.enqueue_indirect_dma source(%dma_start3A_416 : memref<1040000xf32, #tpu.memory_space<vmem_shared>>) target(%dma_start3A_411 : memref<128xf32, #tpu.memory_space<vmem>>) offsets(%dma_start3A_414 : memref<128xi32, #tpu.memory_space<vmem>>) semaphore(%arg11 : memref<!tpu.dma_semaphore, #tpu.memory_space<semaphore_mem>>)
    %dma_start3A_417 = arith.constant 12 : i32
    %dma_start3A_418 = arith.constant 6528 : i32
    %dma_start3A_419 = tpu.memref_slice %arg7[%dma_start3A_418] : memref<13312xf32, #tpu.memory_space<vmem>> -> memref<128xf32, #tpu.memory_space<vmem>>
    %dma_start3A_420 = arith.constant 384 : i32
    %dma_start3A_421 = tpu.memref_slice %arg6[%dma_start3A_417, %dma_start3A_420] : memref<26x512xi32, #tpu.memory_space<vmem>> -> memref<1x128xi32, #tpu.memory_space<vmem>>
    %dma_start3A_422 = tpu.memref_squeeze %dma_start3A_421 : memref<1x128xi32, #tpu.memory_space<vmem>> -> memref<128xi32, #tpu.memory_space<vmem>>
    %dma_start3A_423 = arith.constant 0 : i32
    %dma_start3A_424 = tpu.memref_slice %arg10[%dma_start3A_423] : memref<1040000xf32, #tpu.memory_space<vmem_shared>> -> memref<1040000xf32, #tpu.memory_space<vmem_shared>>
    tpu.enqueue_indirect_dma source(%dma_start3A_424 : memref<1040000xf32, #tpu.memory_space<vmem_shared>>) target(%dma_start3A_419 : memref<128xf32, #tpu.memory_space<vmem>>) offsets(%dma_start3A_422 : memref<128xi32, #tpu.memory_space<vmem>>) semaphore(%arg11 : memref<!tpu.dma_semaphore, #tpu.memory_space<semaphore_mem>>)
    %dma_start3A_425 = arith.constant 13 : i32
    %dma_start3A_426 = arith.constant 6656 : i32
    %dma_start3A_427 = tpu.memref_slice %arg7[%dma_start3A_426] : memref<13312xf32, #tpu.memory_space<vmem>> -> memref<128xf32, #tpu.memory_space<vmem>>
    %dma_start3A_428 = arith.constant 0 : i32
    %dma_start3A_429 = tpu.memref_slice %arg6[%dma_start3A_425, %dma_start3A_428] : memref<26x512xi32, #tpu.memory_space<vmem>> -> memref<1x128xi32, #tpu.memory_space<vmem>>
    %dma_start3A_430 = tpu.memref_squeeze %dma_start3A_429 : memref<1x128xi32, #tpu.memory_space<vmem>> -> memref<128xi32, #tpu.memory_space<vmem>>
    %dma_start3A_431 = arith.constant 0 : i32
    %dma_start3A_432 = tpu.memref_slice %arg10[%dma_start3A_431] : memref<1040000xf32, #tpu.memory_space<vmem_shared>> -> memref<1040000xf32, #tpu.memory_space<vmem_shared>>
    tpu.enqueue_indirect_dma source(%dma_start3A_432 : memref<1040000xf32, #tpu.memory_space<vmem_shared>>) target(%dma_start3A_427 : memref<128xf32, #tpu.memory_space<vmem>>) offsets(%dma_start3A_430 : memref<128xi32, #tpu.memory_space<vmem>>) semaphore(%arg11 : memref<!tpu.dma_semaphore, #tpu.memory_space<semaphore_mem>>)
    %dma_start3A_433 = arith.constant 13 : i32
    %dma_start3A_434 = arith.constant 6784 : i32
    %dma_start3A_435 = tpu.memref_slice %arg7[%dma_start3A_434] : memref<13312xf32, #tpu.memory_space<vmem>> -> memref<128xf32, #tpu.memory_space<vmem>>
    %dma_start3A_436 = arith.constant 128 : i32
    %dma_start3A_437 = tpu.memref_slice %arg6[%dma_start3A_433, %dma_start3A_436] : memref<26x512xi32, #tpu.memory_space<vmem>> -> memref<1x128xi32, #tpu.memory_space<vmem>>
    %dma_start3A_438 = tpu.memref_squeeze %dma_start3A_437 : memref<1x128xi32, #tpu.memory_space<vmem>> -> memref<128xi32, #tpu.memory_space<vmem>>
    %dma_start3A_439 = arith.constant 0 : i32
    %dma_start3A_440 = tpu.memref_slice %arg10[%dma_start3A_439] : memref<1040000xf32, #tpu.memory_space<vmem_shared>> -> memref<1040000xf32, #tpu.memory_space<vmem_shared>>
    tpu.enqueue_indirect_dma source(%dma_start3A_440 : memref<1040000xf32, #tpu.memory_space<vmem_shared>>) target(%dma_start3A_435 : memref<128xf32, #tpu.memory_space<vmem>>) offsets(%dma_start3A_438 : memref<128xi32, #tpu.memory_space<vmem>>) semaphore(%arg11 : memref<!tpu.dma_semaphore, #tpu.memory_space<semaphore_mem>>)
    %dma_start3A_441 = arith.constant 13 : i32
    %dma_start3A_442 = arith.constant 6912 : i32
    %dma_start3A_443 = tpu.memref_slice %arg7[%dma_start3A_442] : memref<13312xf32, #tpu.memory_space<vmem>> -> memref<128xf32, #tpu.memory_space<vmem>>
    %dma_start3A_444 = arith.constant 256 : i32
    %dma_start3A_445 = tpu.memref_slice %arg6[%dma_start3A_441, %dma_start3A_444] : memref<26x512xi32, #tpu.memory_space<vmem>> -> memref<1x128xi32, #tpu.memory_space<vmem>>
    %dma_start3A_446 = tpu.memref_squeeze %dma_start3A_445 : memref<1x128xi32, #tpu.memory_space<vmem>> -> memref<128xi32, #tpu.memory_space<vmem>>
    %dma_start3A_447 = arith.constant 0 : i32
    %dma_start3A_448 = tpu.memref_slice %arg10[%dma_start3A_447] : memref<1040000xf32, #tpu.memory_space<vmem_shared>> -> memref<1040000xf32, #tpu.memory_space<vmem_shared>>
    tpu.enqueue_indirect_dma source(%dma_start3A_448 : memref<1040000xf32, #tpu.memory_space<vmem_shared>>) target(%dma_start3A_443 : memref<128xf32, #tpu.memory_space<vmem>>) offsets(%dma_start3A_446 : memref<128xi32, #tpu.memory_space<vmem>>) semaphore(%arg11 : memref<!tpu.dma_semaphore, #tpu.memory_space<semaphore_mem>>)
    %dma_start3A_449 = arith.constant 13 : i32
    %dma_start3A_450 = arith.constant 7040 : i32
    %dma_start3A_451 = tpu.memref_slice %arg7[%dma_start3A_450] : memref<13312xf32, #tpu.memory_space<vmem>> -> memref<128xf32, #tpu.memory_space<vmem>>
    %dma_start3A_452 = arith.constant 384 : i32
    %dma_start3A_453 = tpu.memref_slice %arg6[%dma_start3A_449, %dma_start3A_452] : memref<26x512xi32, #tpu.memory_space<vmem>> -> memref<1x128xi32, #tpu.memory_space<vmem>>
    %dma_start3A_454 = tpu.memref_squeeze %dma_start3A_453 : memref<1x128xi32, #tpu.memory_space<vmem>> -> memref<128xi32, #tpu.memory_space<vmem>>
    %dma_start3A_455 = arith.constant 0 : i32
    %dma_start3A_456 = tpu.memref_slice %arg10[%dma_start3A_455] : memref<1040000xf32, #tpu.memory_space<vmem_shared>> -> memref<1040000xf32, #tpu.memory_space<vmem_shared>>
    tpu.enqueue_indirect_dma source(%dma_start3A_456 : memref<1040000xf32, #tpu.memory_space<vmem_shared>>) target(%dma_start3A_451 : memref<128xf32, #tpu.memory_space<vmem>>) offsets(%dma_start3A_454 : memref<128xi32, #tpu.memory_space<vmem>>) semaphore(%arg11 : memref<!tpu.dma_semaphore, #tpu.memory_space<semaphore_mem>>)
    %dma_start3A_457 = arith.constant 14 : i32
    %dma_start3A_458 = arith.constant 7168 : i32
    %dma_start3A_459 = tpu.memref_slice %arg7[%dma_start3A_458] : memref<13312xf32, #tpu.memory_space<vmem>> -> memref<128xf32, #tpu.memory_space<vmem>>
    %dma_start3A_460 = arith.constant 0 : i32
    %dma_start3A_461 = tpu.memref_slice %arg6[%dma_start3A_457, %dma_start3A_460] : memref<26x512xi32, #tpu.memory_space<vmem>> -> memref<1x128xi32, #tpu.memory_space<vmem>>
    %dma_start3A_462 = tpu.memref_squeeze %dma_start3A_461 : memref<1x128xi32, #tpu.memory_space<vmem>> -> memref<128xi32, #tpu.memory_space<vmem>>
    %dma_start3A_463 = arith.constant 0 : i32
    %dma_start3A_464 = tpu.memref_slice %arg10[%dma_start3A_463] : memref<1040000xf32, #tpu.memory_space<vmem_shared>> -> memref<1040000xf32, #tpu.memory_space<vmem_shared>>
    tpu.enqueue_indirect_dma source(%dma_start3A_464 : memref<1040000xf32, #tpu.memory_space<vmem_shared>>) target(%dma_start3A_459 : memref<128xf32, #tpu.memory_space<vmem>>) offsets(%dma_start3A_462 : memref<128xi32, #tpu.memory_space<vmem>>) semaphore(%arg11 : memref<!tpu.dma_semaphore, #tpu.memory_space<semaphore_mem>>)
    %dma_start3A_465 = arith.constant 14 : i32
    %dma_start3A_466 = arith.constant 7296 : i32
    %dma_start3A_467 = tpu.memref_slice %arg7[%dma_start3A_466] : memref<13312xf32, #tpu.memory_space<vmem>> -> memref<128xf32, #tpu.memory_space<vmem>>
    %dma_start3A_468 = arith.constant 128 : i32
    %dma_start3A_469 = tpu.memref_slice %arg6[%dma_start3A_465, %dma_start3A_468] : memref<26x512xi32, #tpu.memory_space<vmem>> -> memref<1x128xi32, #tpu.memory_space<vmem>>
    %dma_start3A_470 = tpu.memref_squeeze %dma_start3A_469 : memref<1x128xi32, #tpu.memory_space<vmem>> -> memref<128xi32, #tpu.memory_space<vmem>>
    %dma_start3A_471 = arith.constant 0 : i32
    %dma_start3A_472 = tpu.memref_slice %arg10[%dma_start3A_471] : memref<1040000xf32, #tpu.memory_space<vmem_shared>> -> memref<1040000xf32, #tpu.memory_space<vmem_shared>>
    tpu.enqueue_indirect_dma source(%dma_start3A_472 : memref<1040000xf32, #tpu.memory_space<vmem_shared>>) target(%dma_start3A_467 : memref<128xf32, #tpu.memory_space<vmem>>) offsets(%dma_start3A_470 : memref<128xi32, #tpu.memory_space<vmem>>) semaphore(%arg11 : memref<!tpu.dma_semaphore, #tpu.memory_space<semaphore_mem>>)
    %dma_start3A_473 = arith.constant 14 : i32
    %dma_start3A_474 = arith.constant 7424 : i32
    %dma_start3A_475 = tpu.memref_slice %arg7[%dma_start3A_474] : memref<13312xf32, #tpu.memory_space<vmem>> -> memref<128xf32, #tpu.memory_space<vmem>>
    %dma_start3A_476 = arith.constant 256 : i32
    %dma_start3A_477 = tpu.memref_slice %arg6[%dma_start3A_473, %dma_start3A_476] : memref<26x512xi32, #tpu.memory_space<vmem>> -> memref<1x128xi32, #tpu.memory_space<vmem>>
    %dma_start3A_478 = tpu.memref_squeeze %dma_start3A_477 : memref<1x128xi32, #tpu.memory_space<vmem>> -> memref<128xi32, #tpu.memory_space<vmem>>
    %dma_start3A_479 = arith.constant 0 : i32
    %dma_start3A_480 = tpu.memref_slice %arg10[%dma_start3A_479] : memref<1040000xf32, #tpu.memory_space<vmem_shared>> -> memref<1040000xf32, #tpu.memory_space<vmem_shared>>
    tpu.enqueue_indirect_dma source(%dma_start3A_480 : memref<1040000xf32, #tpu.memory_space<vmem_shared>>) target(%dma_start3A_475 : memref<128xf32, #tpu.memory_space<vmem>>) offsets(%dma_start3A_478 : memref<128xi32, #tpu.memory_space<vmem>>) semaphore(%arg11 : memref<!tpu.dma_semaphore, #tpu.memory_space<semaphore_mem>>)
    %dma_start3A_481 = arith.constant 14 : i32
    %dma_start3A_482 = arith.constant 7552 : i32
    %dma_start3A_483 = tpu.memref_slice %arg7[%dma_start3A_482] : memref<13312xf32, #tpu.memory_space<vmem>> -> memref<128xf32, #tpu.memory_space<vmem>>
    %dma_start3A_484 = arith.constant 384 : i32
    %dma_start3A_485 = tpu.memref_slice %arg6[%dma_start3A_481, %dma_start3A_484] : memref<26x512xi32, #tpu.memory_space<vmem>> -> memref<1x128xi32, #tpu.memory_space<vmem>>
    %dma_start3A_486 = tpu.memref_squeeze %dma_start3A_485 : memref<1x128xi32, #tpu.memory_space<vmem>> -> memref<128xi32, #tpu.memory_space<vmem>>
    %dma_start3A_487 = arith.constant 0 : i32
    %dma_start3A_488 = tpu.memref_slice %arg10[%dma_start3A_487] : memref<1040000xf32, #tpu.memory_space<vmem_shared>> -> memref<1040000xf32, #tpu.memory_space<vmem_shared>>
    tpu.enqueue_indirect_dma source(%dma_start3A_488 : memref<1040000xf32, #tpu.memory_space<vmem_shared>>) target(%dma_start3A_483 : memref<128xf32, #tpu.memory_space<vmem>>) offsets(%dma_start3A_486 : memref<128xi32, #tpu.memory_space<vmem>>) semaphore(%arg11 : memref<!tpu.dma_semaphore, #tpu.memory_space<semaphore_mem>>)
    %dma_start3A_489 = arith.constant 15 : i32
    %dma_start3A_490 = arith.constant 7680 : i32
    %dma_start3A_491 = tpu.memref_slice %arg7[%dma_start3A_490] : memref<13312xf32, #tpu.memory_space<vmem>> -> memref<128xf32, #tpu.memory_space<vmem>>
    %dma_start3A_492 = arith.constant 0 : i32
    %dma_start3A_493 = tpu.memref_slice %arg6[%dma_start3A_489, %dma_start3A_492] : memref<26x512xi32, #tpu.memory_space<vmem>> -> memref<1x128xi32, #tpu.memory_space<vmem>>
    %dma_start3A_494 = tpu.memref_squeeze %dma_start3A_493 : memref<1x128xi32, #tpu.memory_space<vmem>> -> memref<128xi32, #tpu.memory_space<vmem>>
    %dma_start3A_495 = arith.constant 0 : i32
    %dma_start3A_496 = tpu.memref_slice %arg10[%dma_start3A_495] : memref<1040000xf32, #tpu.memory_space<vmem_shared>> -> memref<1040000xf32, #tpu.memory_space<vmem_shared>>
    tpu.enqueue_indirect_dma source(%dma_start3A_496 : memref<1040000xf32, #tpu.memory_space<vmem_shared>>) target(%dma_start3A_491 : memref<128xf32, #tpu.memory_space<vmem>>) offsets(%dma_start3A_494 : memref<128xi32, #tpu.memory_space<vmem>>) semaphore(%arg11 : memref<!tpu.dma_semaphore, #tpu.memory_space<semaphore_mem>>)
    %dma_start3A_497 = arith.constant 15 : i32
    %dma_start3A_498 = arith.constant 7808 : i32
    %dma_start3A_499 = tpu.memref_slice %arg7[%dma_start3A_498] : memref<13312xf32, #tpu.memory_space<vmem>> -> memref<128xf32, #tpu.memory_space<vmem>>
    %dma_start3A_500 = arith.constant 128 : i32
    %dma_start3A_501 = tpu.memref_slice %arg6[%dma_start3A_497, %dma_start3A_500] : memref<26x512xi32, #tpu.memory_space<vmem>> -> memref<1x128xi32, #tpu.memory_space<vmem>>
    %dma_start3A_502 = tpu.memref_squeeze %dma_start3A_501 : memref<1x128xi32, #tpu.memory_space<vmem>> -> memref<128xi32, #tpu.memory_space<vmem>>
    %dma_start3A_503 = arith.constant 0 : i32
    %dma_start3A_504 = tpu.memref_slice %arg10[%dma_start3A_503] : memref<1040000xf32, #tpu.memory_space<vmem_shared>> -> memref<1040000xf32, #tpu.memory_space<vmem_shared>>
    tpu.enqueue_indirect_dma source(%dma_start3A_504 : memref<1040000xf32, #tpu.memory_space<vmem_shared>>) target(%dma_start3A_499 : memref<128xf32, #tpu.memory_space<vmem>>) offsets(%dma_start3A_502 : memref<128xi32, #tpu.memory_space<vmem>>) semaphore(%arg11 : memref<!tpu.dma_semaphore, #tpu.memory_space<semaphore_mem>>)
    %dma_start3A_505 = arith.constant 15 : i32
    %dma_start3A_506 = arith.constant 7936 : i32
    %dma_start3A_507 = tpu.memref_slice %arg7[%dma_start3A_506] : memref<13312xf32, #tpu.memory_space<vmem>> -> memref<128xf32, #tpu.memory_space<vmem>>
    %dma_start3A_508 = arith.constant 256 : i32
    %dma_start3A_509 = tpu.memref_slice %arg6[%dma_start3A_505, %dma_start3A_508] : memref<26x512xi32, #tpu.memory_space<vmem>> -> memref<1x128xi32, #tpu.memory_space<vmem>>
    %dma_start3A_510 = tpu.memref_squeeze %dma_start3A_509 : memref<1x128xi32, #tpu.memory_space<vmem>> -> memref<128xi32, #tpu.memory_space<vmem>>
    %dma_start3A_511 = arith.constant 0 : i32
    %dma_start3A_512 = tpu.memref_slice %arg10[%dma_start3A_511] : memref<1040000xf32, #tpu.memory_space<vmem_shared>> -> memref<1040000xf32, #tpu.memory_space<vmem_shared>>
    tpu.enqueue_indirect_dma source(%dma_start3A_512 : memref<1040000xf32, #tpu.memory_space<vmem_shared>>) target(%dma_start3A_507 : memref<128xf32, #tpu.memory_space<vmem>>) offsets(%dma_start3A_510 : memref<128xi32, #tpu.memory_space<vmem>>) semaphore(%arg11 : memref<!tpu.dma_semaphore, #tpu.memory_space<semaphore_mem>>)
    %dma_start3A_513 = arith.constant 15 : i32
    %dma_start3A_514 = arith.constant 8064 : i32
    %dma_start3A_515 = tpu.memref_slice %arg7[%dma_start3A_514] : memref<13312xf32, #tpu.memory_space<vmem>> -> memref<128xf32, #tpu.memory_space<vmem>>
    %dma_start3A_516 = arith.constant 384 : i32
    %dma_start3A_517 = tpu.memref_slice %arg6[%dma_start3A_513, %dma_start3A_516] : memref<26x512xi32, #tpu.memory_space<vmem>> -> memref<1x128xi32, #tpu.memory_space<vmem>>
    %dma_start3A_518 = tpu.memref_squeeze %dma_start3A_517 : memref<1x128xi32, #tpu.memory_space<vmem>> -> memref<128xi32, #tpu.memory_space<vmem>>
    %dma_start3A_519 = arith.constant 0 : i32
    %dma_start3A_520 = tpu.memref_slice %arg10[%dma_start3A_519] : memref<1040000xf32, #tpu.memory_space<vmem_shared>> -> memref<1040000xf32, #tpu.memory_space<vmem_shared>>
    tpu.enqueue_indirect_dma source(%dma_start3A_520 : memref<1040000xf32, #tpu.memory_space<vmem_shared>>) target(%dma_start3A_515 : memref<128xf32, #tpu.memory_space<vmem>>) offsets(%dma_start3A_518 : memref<128xi32, #tpu.memory_space<vmem>>) semaphore(%arg11 : memref<!tpu.dma_semaphore, #tpu.memory_space<semaphore_mem>>)
    %dma_start3A_521 = arith.constant 16 : i32
    %dma_start3A_522 = arith.constant 8192 : i32
    %dma_start3A_523 = tpu.memref_slice %arg7[%dma_start3A_522] : memref<13312xf32, #tpu.memory_space<vmem>> -> memref<128xf32, #tpu.memory_space<vmem>>
    %dma_start3A_524 = arith.constant 0 : i32
    %dma_start3A_525 = tpu.memref_slice %arg6[%dma_start3A_521, %dma_start3A_524] : memref<26x512xi32, #tpu.memory_space<vmem>> -> memref<1x128xi32, #tpu.memory_space<vmem>>
    %dma_start3A_526 = tpu.memref_squeeze %dma_start3A_525 : memref<1x128xi32, #tpu.memory_space<vmem>> -> memref<128xi32, #tpu.memory_space<vmem>>
    %dma_start3A_527 = arith.constant 0 : i32
    %dma_start3A_528 = tpu.memref_slice %arg10[%dma_start3A_527] : memref<1040000xf32, #tpu.memory_space<vmem_shared>> -> memref<1040000xf32, #tpu.memory_space<vmem_shared>>
    tpu.enqueue_indirect_dma source(%dma_start3A_528 : memref<1040000xf32, #tpu.memory_space<vmem_shared>>) target(%dma_start3A_523 : memref<128xf32, #tpu.memory_space<vmem>>) offsets(%dma_start3A_526 : memref<128xi32, #tpu.memory_space<vmem>>) semaphore(%arg11 : memref<!tpu.dma_semaphore, #tpu.memory_space<semaphore_mem>>)
    %dma_start3A_529 = arith.constant 16 : i32
    %dma_start3A_530 = arith.constant 8320 : i32
    %dma_start3A_531 = tpu.memref_slice %arg7[%dma_start3A_530] : memref<13312xf32, #tpu.memory_space<vmem>> -> memref<128xf32, #tpu.memory_space<vmem>>
    %dma_start3A_532 = arith.constant 128 : i32
    %dma_start3A_533 = tpu.memref_slice %arg6[%dma_start3A_529, %dma_start3A_532] : memref<26x512xi32, #tpu.memory_space<vmem>> -> memref<1x128xi32, #tpu.memory_space<vmem>>
    %dma_start3A_534 = tpu.memref_squeeze %dma_start3A_533 : memref<1x128xi32, #tpu.memory_space<vmem>> -> memref<128xi32, #tpu.memory_space<vmem>>
    %dma_start3A_535 = arith.constant 0 : i32
    %dma_start3A_536 = tpu.memref_slice %arg10[%dma_start3A_535] : memref<1040000xf32, #tpu.memory_space<vmem_shared>> -> memref<1040000xf32, #tpu.memory_space<vmem_shared>>
    tpu.enqueue_indirect_dma source(%dma_start3A_536 : memref<1040000xf32, #tpu.memory_space<vmem_shared>>) target(%dma_start3A_531 : memref<128xf32, #tpu.memory_space<vmem>>) offsets(%dma_start3A_534 : memref<128xi32, #tpu.memory_space<vmem>>) semaphore(%arg11 : memref<!tpu.dma_semaphore, #tpu.memory_space<semaphore_mem>>)
    %dma_start3A_537 = arith.constant 16 : i32
    %dma_start3A_538 = arith.constant 8448 : i32
    %dma_start3A_539 = tpu.memref_slice %arg7[%dma_start3A_538] : memref<13312xf32, #tpu.memory_space<vmem>> -> memref<128xf32, #tpu.memory_space<vmem>>
    %dma_start3A_540 = arith.constant 256 : i32
    %dma_start3A_541 = tpu.memref_slice %arg6[%dma_start3A_537, %dma_start3A_540] : memref<26x512xi32, #tpu.memory_space<vmem>> -> memref<1x128xi32, #tpu.memory_space<vmem>>
    %dma_start3A_542 = tpu.memref_squeeze %dma_start3A_541 : memref<1x128xi32, #tpu.memory_space<vmem>> -> memref<128xi32, #tpu.memory_space<vmem>>
    %dma_start3A_543 = arith.constant 0 : i32
    %dma_start3A_544 = tpu.memref_slice %arg10[%dma_start3A_543] : memref<1040000xf32, #tpu.memory_space<vmem_shared>> -> memref<1040000xf32, #tpu.memory_space<vmem_shared>>
    tpu.enqueue_indirect_dma source(%dma_start3A_544 : memref<1040000xf32, #tpu.memory_space<vmem_shared>>) target(%dma_start3A_539 : memref<128xf32, #tpu.memory_space<vmem>>) offsets(%dma_start3A_542 : memref<128xi32, #tpu.memory_space<vmem>>) semaphore(%arg11 : memref<!tpu.dma_semaphore, #tpu.memory_space<semaphore_mem>>)
    %dma_start3A_545 = arith.constant 16 : i32
    %dma_start3A_546 = arith.constant 8576 : i32
    %dma_start3A_547 = tpu.memref_slice %arg7[%dma_start3A_546] : memref<13312xf32, #tpu.memory_space<vmem>> -> memref<128xf32, #tpu.memory_space<vmem>>
    %dma_start3A_548 = arith.constant 384 : i32
    %dma_start3A_549 = tpu.memref_slice %arg6[%dma_start3A_545, %dma_start3A_548] : memref<26x512xi32, #tpu.memory_space<vmem>> -> memref<1x128xi32, #tpu.memory_space<vmem>>
    %dma_start3A_550 = tpu.memref_squeeze %dma_start3A_549 : memref<1x128xi32, #tpu.memory_space<vmem>> -> memref<128xi32, #tpu.memory_space<vmem>>
    %dma_start3A_551 = arith.constant 0 : i32
    %dma_start3A_552 = tpu.memref_slice %arg10[%dma_start3A_551] : memref<1040000xf32, #tpu.memory_space<vmem_shared>> -> memref<1040000xf32, #tpu.memory_space<vmem_shared>>
    tpu.enqueue_indirect_dma source(%dma_start3A_552 : memref<1040000xf32, #tpu.memory_space<vmem_shared>>) target(%dma_start3A_547 : memref<128xf32, #tpu.memory_space<vmem>>) offsets(%dma_start3A_550 : memref<128xi32, #tpu.memory_space<vmem>>) semaphore(%arg11 : memref<!tpu.dma_semaphore, #tpu.memory_space<semaphore_mem>>)
    %dma_start3A_553 = arith.constant 17 : i32
    %dma_start3A_554 = arith.constant 8704 : i32
    %dma_start3A_555 = tpu.memref_slice %arg7[%dma_start3A_554] : memref<13312xf32, #tpu.memory_space<vmem>> -> memref<128xf32, #tpu.memory_space<vmem>>
    %dma_start3A_556 = arith.constant 0 : i32
    %dma_start3A_557 = tpu.memref_slice %arg6[%dma_start3A_553, %dma_start3A_556] : memref<26x512xi32, #tpu.memory_space<vmem>> -> memref<1x128xi32, #tpu.memory_space<vmem>>
    %dma_start3A_558 = tpu.memref_squeeze %dma_start3A_557 : memref<1x128xi32, #tpu.memory_space<vmem>> -> memref<128xi32, #tpu.memory_space<vmem>>
    %dma_start3A_559 = arith.constant 0 : i32
    %dma_start3A_560 = tpu.memref_slice %arg10[%dma_start3A_559] : memref<1040000xf32, #tpu.memory_space<vmem_shared>> -> memref<1040000xf32, #tpu.memory_space<vmem_shared>>
    tpu.enqueue_indirect_dma source(%dma_start3A_560 : memref<1040000xf32, #tpu.memory_space<vmem_shared>>) target(%dma_start3A_555 : memref<128xf32, #tpu.memory_space<vmem>>) offsets(%dma_start3A_558 : memref<128xi32, #tpu.memory_space<vmem>>) semaphore(%arg11 : memref<!tpu.dma_semaphore, #tpu.memory_space<semaphore_mem>>)
    %dma_start3A_561 = arith.constant 17 : i32
    %dma_start3A_562 = arith.constant 8832 : i32
    %dma_start3A_563 = tpu.memref_slice %arg7[%dma_start3A_562] : memref<13312xf32, #tpu.memory_space<vmem>> -> memref<128xf32, #tpu.memory_space<vmem>>
    %dma_start3A_564 = arith.constant 128 : i32
    %dma_start3A_565 = tpu.memref_slice %arg6[%dma_start3A_561, %dma_start3A_564] : memref<26x512xi32, #tpu.memory_space<vmem>> -> memref<1x128xi32, #tpu.memory_space<vmem>>
    %dma_start3A_566 = tpu.memref_squeeze %dma_start3A_565 : memref<1x128xi32, #tpu.memory_space<vmem>> -> memref<128xi32, #tpu.memory_space<vmem>>
    %dma_start3A_567 = arith.constant 0 : i32
    %dma_start3A_568 = tpu.memref_slice %arg10[%dma_start3A_567] : memref<1040000xf32, #tpu.memory_space<vmem_shared>> -> memref<1040000xf32, #tpu.memory_space<vmem_shared>>
    tpu.enqueue_indirect_dma source(%dma_start3A_568 : memref<1040000xf32, #tpu.memory_space<vmem_shared>>) target(%dma_start3A_563 : memref<128xf32, #tpu.memory_space<vmem>>) offsets(%dma_start3A_566 : memref<128xi32, #tpu.memory_space<vmem>>) semaphore(%arg11 : memref<!tpu.dma_semaphore, #tpu.memory_space<semaphore_mem>>)
    %dma_start3A_569 = arith.constant 17 : i32
    %dma_start3A_570 = arith.constant 8960 : i32
    %dma_start3A_571 = tpu.memref_slice %arg7[%dma_start3A_570] : memref<13312xf32, #tpu.memory_space<vmem>> -> memref<128xf32, #tpu.memory_space<vmem>>
    %dma_start3A_572 = arith.constant 256 : i32
    %dma_start3A_573 = tpu.memref_slice %arg6[%dma_start3A_569, %dma_start3A_572] : memref<26x512xi32, #tpu.memory_space<vmem>> -> memref<1x128xi32, #tpu.memory_space<vmem>>
    %dma_start3A_574 = tpu.memref_squeeze %dma_start3A_573 : memref<1x128xi32, #tpu.memory_space<vmem>> -> memref<128xi32, #tpu.memory_space<vmem>>
    %dma_start3A_575 = arith.constant 0 : i32
    %dma_start3A_576 = tpu.memref_slice %arg10[%dma_start3A_575] : memref<1040000xf32, #tpu.memory_space<vmem_shared>> -> memref<1040000xf32, #tpu.memory_space<vmem_shared>>
    tpu.enqueue_indirect_dma source(%dma_start3A_576 : memref<1040000xf32, #tpu.memory_space<vmem_shared>>) target(%dma_start3A_571 : memref<128xf32, #tpu.memory_space<vmem>>) offsets(%dma_start3A_574 : memref<128xi32, #tpu.memory_space<vmem>>) semaphore(%arg11 : memref<!tpu.dma_semaphore, #tpu.memory_space<semaphore_mem>>)
    %dma_start3A_577 = arith.constant 17 : i32
    %dma_start3A_578 = arith.constant 9088 : i32
    %dma_start3A_579 = tpu.memref_slice %arg7[%dma_start3A_578] : memref<13312xf32, #tpu.memory_space<vmem>> -> memref<128xf32, #tpu.memory_space<vmem>>
    %dma_start3A_580 = arith.constant 384 : i32
    %dma_start3A_581 = tpu.memref_slice %arg6[%dma_start3A_577, %dma_start3A_580] : memref<26x512xi32, #tpu.memory_space<vmem>> -> memref<1x128xi32, #tpu.memory_space<vmem>>
    %dma_start3A_582 = tpu.memref_squeeze %dma_start3A_581 : memref<1x128xi32, #tpu.memory_space<vmem>> -> memref<128xi32, #tpu.memory_space<vmem>>
    %dma_start3A_583 = arith.constant 0 : i32
    %dma_start3A_584 = tpu.memref_slice %arg10[%dma_start3A_583] : memref<1040000xf32, #tpu.memory_space<vmem_shared>> -> memref<1040000xf32, #tpu.memory_space<vmem_shared>>
    tpu.enqueue_indirect_dma source(%dma_start3A_584 : memref<1040000xf32, #tpu.memory_space<vmem_shared>>) target(%dma_start3A_579 : memref<128xf32, #tpu.memory_space<vmem>>) offsets(%dma_start3A_582 : memref<128xi32, #tpu.memory_space<vmem>>) semaphore(%arg11 : memref<!tpu.dma_semaphore, #tpu.memory_space<semaphore_mem>>)
    %dma_start3A_585 = arith.constant 18 : i32
    %dma_start3A_586 = arith.constant 9216 : i32
    %dma_start3A_587 = tpu.memref_slice %arg7[%dma_start3A_586] : memref<13312xf32, #tpu.memory_space<vmem>> -> memref<128xf32, #tpu.memory_space<vmem>>
    %dma_start3A_588 = arith.constant 0 : i32
    %dma_start3A_589 = tpu.memref_slice %arg6[%dma_start3A_585, %dma_start3A_588] : memref<26x512xi32, #tpu.memory_space<vmem>> -> memref<1x128xi32, #tpu.memory_space<vmem>>
    %dma_start3A_590 = tpu.memref_squeeze %dma_start3A_589 : memref<1x128xi32, #tpu.memory_space<vmem>> -> memref<128xi32, #tpu.memory_space<vmem>>
    %dma_start3A_591 = arith.constant 0 : i32
    %dma_start3A_592 = tpu.memref_slice %arg10[%dma_start3A_591] : memref<1040000xf32, #tpu.memory_space<vmem_shared>> -> memref<1040000xf32, #tpu.memory_space<vmem_shared>>
    tpu.enqueue_indirect_dma source(%dma_start3A_592 : memref<1040000xf32, #tpu.memory_space<vmem_shared>>) target(%dma_start3A_587 : memref<128xf32, #tpu.memory_space<vmem>>) offsets(%dma_start3A_590 : memref<128xi32, #tpu.memory_space<vmem>>) semaphore(%arg11 : memref<!tpu.dma_semaphore, #tpu.memory_space<semaphore_mem>>)
    %dma_start3A_593 = arith.constant 18 : i32
    %dma_start3A_594 = arith.constant 9344 : i32
    %dma_start3A_595 = tpu.memref_slice %arg7[%dma_start3A_594] : memref<13312xf32, #tpu.memory_space<vmem>> -> memref<128xf32, #tpu.memory_space<vmem>>
    %dma_start3A_596 = arith.constant 128 : i32
    %dma_start3A_597 = tpu.memref_slice %arg6[%dma_start3A_593, %dma_start3A_596] : memref<26x512xi32, #tpu.memory_space<vmem>> -> memref<1x128xi32, #tpu.memory_space<vmem>>
    %dma_start3A_598 = tpu.memref_squeeze %dma_start3A_597 : memref<1x128xi32, #tpu.memory_space<vmem>> -> memref<128xi32, #tpu.memory_space<vmem>>
    %dma_start3A_599 = arith.constant 0 : i32
    %dma_start3A_600 = tpu.memref_slice %arg10[%dma_start3A_599] : memref<1040000xf32, #tpu.memory_space<vmem_shared>> -> memref<1040000xf32, #tpu.memory_space<vmem_shared>>
    tpu.enqueue_indirect_dma source(%dma_start3A_600 : memref<1040000xf32, #tpu.memory_space<vmem_shared>>) target(%dma_start3A_595 : memref<128xf32, #tpu.memory_space<vmem>>) offsets(%dma_start3A_598 : memref<128xi32, #tpu.memory_space<vmem>>) semaphore(%arg11 : memref<!tpu.dma_semaphore, #tpu.memory_space<semaphore_mem>>)
    %dma_start3A_601 = arith.constant 18 : i32
    %dma_start3A_602 = arith.constant 9472 : i32
    %dma_start3A_603 = tpu.memref_slice %arg7[%dma_start3A_602] : memref<13312xf32, #tpu.memory_space<vmem>> -> memref<128xf32, #tpu.memory_space<vmem>>
    %dma_start3A_604 = arith.constant 256 : i32
    %dma_start3A_605 = tpu.memref_slice %arg6[%dma_start3A_601, %dma_start3A_604] : memref<26x512xi32, #tpu.memory_space<vmem>> -> memref<1x128xi32, #tpu.memory_space<vmem>>
    %dma_start3A_606 = tpu.memref_squeeze %dma_start3A_605 : memref<1x128xi32, #tpu.memory_space<vmem>> -> memref<128xi32, #tpu.memory_space<vmem>>
    %dma_start3A_607 = arith.constant 0 : i32
    %dma_start3A_608 = tpu.memref_slice %arg10[%dma_start3A_607] : memref<1040000xf32, #tpu.memory_space<vmem_shared>> -> memref<1040000xf32, #tpu.memory_space<vmem_shared>>
    tpu.enqueue_indirect_dma source(%dma_start3A_608 : memref<1040000xf32, #tpu.memory_space<vmem_shared>>) target(%dma_start3A_603 : memref<128xf32, #tpu.memory_space<vmem>>) offsets(%dma_start3A_606 : memref<128xi32, #tpu.memory_space<vmem>>) semaphore(%arg11 : memref<!tpu.dma_semaphore, #tpu.memory_space<semaphore_mem>>)
    %dma_start3A_609 = arith.constant 18 : i32
    %dma_start3A_610 = arith.constant 9600 : i32
    %dma_start3A_611 = tpu.memref_slice %arg7[%dma_start3A_610] : memref<13312xf32, #tpu.memory_space<vmem>> -> memref<128xf32, #tpu.memory_space<vmem>>
    %dma_start3A_612 = arith.constant 384 : i32
    %dma_start3A_613 = tpu.memref_slice %arg6[%dma_start3A_609, %dma_start3A_612] : memref<26x512xi32, #tpu.memory_space<vmem>> -> memref<1x128xi32, #tpu.memory_space<vmem>>
    %dma_start3A_614 = tpu.memref_squeeze %dma_start3A_613 : memref<1x128xi32, #tpu.memory_space<vmem>> -> memref<128xi32, #tpu.memory_space<vmem>>
    %dma_start3A_615 = arith.constant 0 : i32
    %dma_start3A_616 = tpu.memref_slice %arg10[%dma_start3A_615] : memref<1040000xf32, #tpu.memory_space<vmem_shared>> -> memref<1040000xf32, #tpu.memory_space<vmem_shared>>
    tpu.enqueue_indirect_dma source(%dma_start3A_616 : memref<1040000xf32, #tpu.memory_space<vmem_shared>>) target(%dma_start3A_611 : memref<128xf32, #tpu.memory_space<vmem>>) offsets(%dma_start3A_614 : memref<128xi32, #tpu.memory_space<vmem>>) semaphore(%arg11 : memref<!tpu.dma_semaphore, #tpu.memory_space<semaphore_mem>>)
    %dma_start3A_617 = arith.constant 19 : i32
    %dma_start3A_618 = arith.constant 9728 : i32
    %dma_start3A_619 = tpu.memref_slice %arg7[%dma_start3A_618] : memref<13312xf32, #tpu.memory_space<vmem>> -> memref<128xf32, #tpu.memory_space<vmem>>
    %dma_start3A_620 = arith.constant 0 : i32
    %dma_start3A_621 = tpu.memref_slice %arg6[%dma_start3A_617, %dma_start3A_620] : memref<26x512xi32, #tpu.memory_space<vmem>> -> memref<1x128xi32, #tpu.memory_space<vmem>>
    %dma_start3A_622 = tpu.memref_squeeze %dma_start3A_621 : memref<1x128xi32, #tpu.memory_space<vmem>> -> memref<128xi32, #tpu.memory_space<vmem>>
    %dma_start3A_623 = arith.constant 0 : i32
    %dma_start3A_624 = tpu.memref_slice %arg10[%dma_start3A_623] : memref<1040000xf32, #tpu.memory_space<vmem_shared>> -> memref<1040000xf32, #tpu.memory_space<vmem_shared>>
    tpu.enqueue_indirect_dma source(%dma_start3A_624 : memref<1040000xf32, #tpu.memory_space<vmem_shared>>) target(%dma_start3A_619 : memref<128xf32, #tpu.memory_space<vmem>>) offsets(%dma_start3A_622 : memref<128xi32, #tpu.memory_space<vmem>>) semaphore(%arg11 : memref<!tpu.dma_semaphore, #tpu.memory_space<semaphore_mem>>)
    %dma_start3A_625 = arith.constant 19 : i32
    %dma_start3A_626 = arith.constant 9856 : i32
    %dma_start3A_627 = tpu.memref_slice %arg7[%dma_start3A_626] : memref<13312xf32, #tpu.memory_space<vmem>> -> memref<128xf32, #tpu.memory_space<vmem>>
    %dma_start3A_628 = arith.constant 128 : i32
    %dma_start3A_629 = tpu.memref_slice %arg6[%dma_start3A_625, %dma_start3A_628] : memref<26x512xi32, #tpu.memory_space<vmem>> -> memref<1x128xi32, #tpu.memory_space<vmem>>
    %dma_start3A_630 = tpu.memref_squeeze %dma_start3A_629 : memref<1x128xi32, #tpu.memory_space<vmem>> -> memref<128xi32, #tpu.memory_space<vmem>>
    %dma_start3A_631 = arith.constant 0 : i32
    %dma_start3A_632 = tpu.memref_slice %arg10[%dma_start3A_631] : memref<1040000xf32, #tpu.memory_space<vmem_shared>> -> memref<1040000xf32, #tpu.memory_space<vmem_shared>>
    tpu.enqueue_indirect_dma source(%dma_start3A_632 : memref<1040000xf32, #tpu.memory_space<vmem_shared>>) target(%dma_start3A_627 : memref<128xf32, #tpu.memory_space<vmem>>) offsets(%dma_start3A_630 : memref<128xi32, #tpu.memory_space<vmem>>) semaphore(%arg11 : memref<!tpu.dma_semaphore, #tpu.memory_space<semaphore_mem>>)
    %dma_start3A_633 = arith.constant 19 : i32
    %dma_start3A_634 = arith.constant 9984 : i32
    %dma_start3A_635 = tpu.memref_slice %arg7[%dma_start3A_634] : memref<13312xf32, #tpu.memory_space<vmem>> -> memref<128xf32, #tpu.memory_space<vmem>>
    %dma_start3A_636 = arith.constant 256 : i32
    %dma_start3A_637 = tpu.memref_slice %arg6[%dma_start3A_633, %dma_start3A_636] : memref<26x512xi32, #tpu.memory_space<vmem>> -> memref<1x128xi32, #tpu.memory_space<vmem>>
    %dma_start3A_638 = tpu.memref_squeeze %dma_start3A_637 : memref<1x128xi32, #tpu.memory_space<vmem>> -> memref<128xi32, #tpu.memory_space<vmem>>
    %dma_start3A_639 = arith.constant 0 : i32
    %dma_start3A_640 = tpu.memref_slice %arg10[%dma_start3A_639] : memref<1040000xf32, #tpu.memory_space<vmem_shared>> -> memref<1040000xf32, #tpu.memory_space<vmem_shared>>
    tpu.enqueue_indirect_dma source(%dma_start3A_640 : memref<1040000xf32, #tpu.memory_space<vmem_shared>>) target(%dma_start3A_635 : memref<128xf32, #tpu.memory_space<vmem>>) offsets(%dma_start3A_638 : memref<128xi32, #tpu.memory_space<vmem>>) semaphore(%arg11 : memref<!tpu.dma_semaphore, #tpu.memory_space<semaphore_mem>>)
    %dma_start3A_641 = arith.constant 19 : i32
    %dma_start3A_642 = arith.constant 10112 : i32
    %dma_start3A_643 = tpu.memref_slice %arg7[%dma_start3A_642] : memref<13312xf32, #tpu.memory_space<vmem>> -> memref<128xf32, #tpu.memory_space<vmem>>
    %dma_start3A_644 = arith.constant 384 : i32
    %dma_start3A_645 = tpu.memref_slice %arg6[%dma_start3A_641, %dma_start3A_644] : memref<26x512xi32, #tpu.memory_space<vmem>> -> memref<1x128xi32, #tpu.memory_space<vmem>>
    %dma_start3A_646 = tpu.memref_squeeze %dma_start3A_645 : memref<1x128xi32, #tpu.memory_space<vmem>> -> memref<128xi32, #tpu.memory_space<vmem>>
    %dma_start3A_647 = arith.constant 0 : i32
    %dma_start3A_648 = tpu.memref_slice %arg10[%dma_start3A_647] : memref<1040000xf32, #tpu.memory_space<vmem_shared>> -> memref<1040000xf32, #tpu.memory_space<vmem_shared>>
    tpu.enqueue_indirect_dma source(%dma_start3A_648 : memref<1040000xf32, #tpu.memory_space<vmem_shared>>) target(%dma_start3A_643 : memref<128xf32, #tpu.memory_space<vmem>>) offsets(%dma_start3A_646 : memref<128xi32, #tpu.memory_space<vmem>>) semaphore(%arg11 : memref<!tpu.dma_semaphore, #tpu.memory_space<semaphore_mem>>)
    %dma_start3A_649 = arith.constant 20 : i32
    %dma_start3A_650 = arith.constant 10240 : i32
    %dma_start3A_651 = tpu.memref_slice %arg7[%dma_start3A_650] : memref<13312xf32, #tpu.memory_space<vmem>> -> memref<128xf32, #tpu.memory_space<vmem>>
    %dma_start3A_652 = arith.constant 0 : i32
    %dma_start3A_653 = tpu.memref_slice %arg6[%dma_start3A_649, %dma_start3A_652] : memref<26x512xi32, #tpu.memory_space<vmem>> -> memref<1x128xi32, #tpu.memory_space<vmem>>
    %dma_start3A_654 = tpu.memref_squeeze %dma_start3A_653 : memref<1x128xi32, #tpu.memory_space<vmem>> -> memref<128xi32, #tpu.memory_space<vmem>>
    %dma_start3A_655 = arith.constant 0 : i32
    %dma_start3A_656 = tpu.memref_slice %arg10[%dma_start3A_655] : memref<1040000xf32, #tpu.memory_space<vmem_shared>> -> memref<1040000xf32, #tpu.memory_space<vmem_shared>>
    tpu.enqueue_indirect_dma source(%dma_start3A_656 : memref<1040000xf32, #tpu.memory_space<vmem_shared>>) target(%dma_start3A_651 : memref<128xf32, #tpu.memory_space<vmem>>) offsets(%dma_start3A_654 : memref<128xi32, #tpu.memory_space<vmem>>) semaphore(%arg11 : memref<!tpu.dma_semaphore, #tpu.memory_space<semaphore_mem>>)
    %dma_start3A_657 = arith.constant 20 : i32
    %dma_start3A_658 = arith.constant 10368 : i32
    %dma_start3A_659 = tpu.memref_slice %arg7[%dma_start3A_658] : memref<13312xf32, #tpu.memory_space<vmem>> -> memref<128xf32, #tpu.memory_space<vmem>>
    %dma_start3A_660 = arith.constant 128 : i32
    %dma_start3A_661 = tpu.memref_slice %arg6[%dma_start3A_657, %dma_start3A_660] : memref<26x512xi32, #tpu.memory_space<vmem>> -> memref<1x128xi32, #tpu.memory_space<vmem>>
    %dma_start3A_662 = tpu.memref_squeeze %dma_start3A_661 : memref<1x128xi32, #tpu.memory_space<vmem>> -> memref<128xi32, #tpu.memory_space<vmem>>
    %dma_start3A_663 = arith.constant 0 : i32
    %dma_start3A_664 = tpu.memref_slice %arg10[%dma_start3A_663] : memref<1040000xf32, #tpu.memory_space<vmem_shared>> -> memref<1040000xf32, #tpu.memory_space<vmem_shared>>
    tpu.enqueue_indirect_dma source(%dma_start3A_664 : memref<1040000xf32, #tpu.memory_space<vmem_shared>>) target(%dma_start3A_659 : memref<128xf32, #tpu.memory_space<vmem>>) offsets(%dma_start3A_662 : memref<128xi32, #tpu.memory_space<vmem>>) semaphore(%arg11 : memref<!tpu.dma_semaphore, #tpu.memory_space<semaphore_mem>>)
    %dma_start3A_665 = arith.constant 20 : i32
    %dma_start3A_666 = arith.constant 10496 : i32
    %dma_start3A_667 = tpu.memref_slice %arg7[%dma_start3A_666] : memref<13312xf32, #tpu.memory_space<vmem>> -> memref<128xf32, #tpu.memory_space<vmem>>
    %dma_start3A_668 = arith.constant 256 : i32
    %dma_start3A_669 = tpu.memref_slice %arg6[%dma_start3A_665, %dma_start3A_668] : memref<26x512xi32, #tpu.memory_space<vmem>> -> memref<1x128xi32, #tpu.memory_space<vmem>>
    %dma_start3A_670 = tpu.memref_squeeze %dma_start3A_669 : memref<1x128xi32, #tpu.memory_space<vmem>> -> memref<128xi32, #tpu.memory_space<vmem>>
    %dma_start3A_671 = arith.constant 0 : i32
    %dma_start3A_672 = tpu.memref_slice %arg10[%dma_start3A_671] : memref<1040000xf32, #tpu.memory_space<vmem_shared>> -> memref<1040000xf32, #tpu.memory_space<vmem_shared>>
    tpu.enqueue_indirect_dma source(%dma_start3A_672 : memref<1040000xf32, #tpu.memory_space<vmem_shared>>) target(%dma_start3A_667 : memref<128xf32, #tpu.memory_space<vmem>>) offsets(%dma_start3A_670 : memref<128xi32, #tpu.memory_space<vmem>>) semaphore(%arg11 : memref<!tpu.dma_semaphore, #tpu.memory_space<semaphore_mem>>)
    %dma_start3A_673 = arith.constant 20 : i32
    %dma_start3A_674 = arith.constant 10624 : i32
    %dma_start3A_675 = tpu.memref_slice %arg7[%dma_start3A_674] : memref<13312xf32, #tpu.memory_space<vmem>> -> memref<128xf32, #tpu.memory_space<vmem>>
    %dma_start3A_676 = arith.constant 384 : i32
    %dma_start3A_677 = tpu.memref_slice %arg6[%dma_start3A_673, %dma_start3A_676] : memref<26x512xi32, #tpu.memory_space<vmem>> -> memref<1x128xi32, #tpu.memory_space<vmem>>
    %dma_start3A_678 = tpu.memref_squeeze %dma_start3A_677 : memref<1x128xi32, #tpu.memory_space<vmem>> -> memref<128xi32, #tpu.memory_space<vmem>>
    %dma_start3A_679 = arith.constant 0 : i32
    %dma_start3A_680 = tpu.memref_slice %arg10[%dma_start3A_679] : memref<1040000xf32, #tpu.memory_space<vmem_shared>> -> memref<1040000xf32, #tpu.memory_space<vmem_shared>>
    tpu.enqueue_indirect_dma source(%dma_start3A_680 : memref<1040000xf32, #tpu.memory_space<vmem_shared>>) target(%dma_start3A_675 : memref<128xf32, #tpu.memory_space<vmem>>) offsets(%dma_start3A_678 : memref<128xi32, #tpu.memory_space<vmem>>) semaphore(%arg11 : memref<!tpu.dma_semaphore, #tpu.memory_space<semaphore_mem>>)
    %dma_start3A_681 = arith.constant 21 : i32
    %dma_start3A_682 = arith.constant 10752 : i32
    %dma_start3A_683 = tpu.memref_slice %arg7[%dma_start3A_682] : memref<13312xf32, #tpu.memory_space<vmem>> -> memref<128xf32, #tpu.memory_space<vmem>>
    %dma_start3A_684 = arith.constant 0 : i32
    %dma_start3A_685 = tpu.memref_slice %arg6[%dma_start3A_681, %dma_start3A_684] : memref<26x512xi32, #tpu.memory_space<vmem>> -> memref<1x128xi32, #tpu.memory_space<vmem>>
    %dma_start3A_686 = tpu.memref_squeeze %dma_start3A_685 : memref<1x128xi32, #tpu.memory_space<vmem>> -> memref<128xi32, #tpu.memory_space<vmem>>
    %dma_start3A_687 = arith.constant 0 : i32
    %dma_start3A_688 = tpu.memref_slice %arg10[%dma_start3A_687] : memref<1040000xf32, #tpu.memory_space<vmem_shared>> -> memref<1040000xf32, #tpu.memory_space<vmem_shared>>
    tpu.enqueue_indirect_dma source(%dma_start3A_688 : memref<1040000xf32, #tpu.memory_space<vmem_shared>>) target(%dma_start3A_683 : memref<128xf32, #tpu.memory_space<vmem>>) offsets(%dma_start3A_686 : memref<128xi32, #tpu.memory_space<vmem>>) semaphore(%arg11 : memref<!tpu.dma_semaphore, #tpu.memory_space<semaphore_mem>>)
    %dma_start3A_689 = arith.constant 21 : i32
    %dma_start3A_690 = arith.constant 10880 : i32
    %dma_start3A_691 = tpu.memref_slice %arg7[%dma_start3A_690] : memref<13312xf32, #tpu.memory_space<vmem>> -> memref<128xf32, #tpu.memory_space<vmem>>
    %dma_start3A_692 = arith.constant 128 : i32
    %dma_start3A_693 = tpu.memref_slice %arg6[%dma_start3A_689, %dma_start3A_692] : memref<26x512xi32, #tpu.memory_space<vmem>> -> memref<1x128xi32, #tpu.memory_space<vmem>>
    %dma_start3A_694 = tpu.memref_squeeze %dma_start3A_693 : memref<1x128xi32, #tpu.memory_space<vmem>> -> memref<128xi32, #tpu.memory_space<vmem>>
    %dma_start3A_695 = arith.constant 0 : i32
    %dma_start3A_696 = tpu.memref_slice %arg10[%dma_start3A_695] : memref<1040000xf32, #tpu.memory_space<vmem_shared>> -> memref<1040000xf32, #tpu.memory_space<vmem_shared>>
    tpu.enqueue_indirect_dma source(%dma_start3A_696 : memref<1040000xf32, #tpu.memory_space<vmem_shared>>) target(%dma_start3A_691 : memref<128xf32, #tpu.memory_space<vmem>>) offsets(%dma_start3A_694 : memref<128xi32, #tpu.memory_space<vmem>>) semaphore(%arg11 : memref<!tpu.dma_semaphore, #tpu.memory_space<semaphore_mem>>)
    %dma_start3A_697 = arith.constant 21 : i32
    %dma_start3A_698 = arith.constant 11008 : i32
    %dma_start3A_699 = tpu.memref_slice %arg7[%dma_start3A_698] : memref<13312xf32, #tpu.memory_space<vmem>> -> memref<128xf32, #tpu.memory_space<vmem>>
    %dma_start3A_700 = arith.constant 256 : i32
    %dma_start3A_701 = tpu.memref_slice %arg6[%dma_start3A_697, %dma_start3A_700] : memref<26x512xi32, #tpu.memory_space<vmem>> -> memref<1x128xi32, #tpu.memory_space<vmem>>
    %dma_start3A_702 = tpu.memref_squeeze %dma_start3A_701 : memref<1x128xi32, #tpu.memory_space<vmem>> -> memref<128xi32, #tpu.memory_space<vmem>>
    %dma_start3A_703 = arith.constant 0 : i32
    %dma_start3A_704 = tpu.memref_slice %arg10[%dma_start3A_703] : memref<1040000xf32, #tpu.memory_space<vmem_shared>> -> memref<1040000xf32, #tpu.memory_space<vmem_shared>>
    tpu.enqueue_indirect_dma source(%dma_start3A_704 : memref<1040000xf32, #tpu.memory_space<vmem_shared>>) target(%dma_start3A_699 : memref<128xf32, #tpu.memory_space<vmem>>) offsets(%dma_start3A_702 : memref<128xi32, #tpu.memory_space<vmem>>) semaphore(%arg11 : memref<!tpu.dma_semaphore, #tpu.memory_space<semaphore_mem>>)
    %dma_start3A_705 = arith.constant 21 : i32
    %dma_start3A_706 = arith.constant 11136 : i32
    %dma_start3A_707 = tpu.memref_slice %arg7[%dma_start3A_706] : memref<13312xf32, #tpu.memory_space<vmem>> -> memref<128xf32, #tpu.memory_space<vmem>>
    %dma_start3A_708 = arith.constant 384 : i32
    %dma_start3A_709 = tpu.memref_slice %arg6[%dma_start3A_705, %dma_start3A_708] : memref<26x512xi32, #tpu.memory_space<vmem>> -> memref<1x128xi32, #tpu.memory_space<vmem>>
    %dma_start3A_710 = tpu.memref_squeeze %dma_start3A_709 : memref<1x128xi32, #tpu.memory_space<vmem>> -> memref<128xi32, #tpu.memory_space<vmem>>
    %dma_start3A_711 = arith.constant 0 : i32
    %dma_start3A_712 = tpu.memref_slice %arg10[%dma_start3A_711] : memref<1040000xf32, #tpu.memory_space<vmem_shared>> -> memref<1040000xf32, #tpu.memory_space<vmem_shared>>
    tpu.enqueue_indirect_dma source(%dma_start3A_712 : memref<1040000xf32, #tpu.memory_space<vmem_shared>>) target(%dma_start3A_707 : memref<128xf32, #tpu.memory_space<vmem>>) offsets(%dma_start3A_710 : memref<128xi32, #tpu.memory_space<vmem>>) semaphore(%arg11 : memref<!tpu.dma_semaphore, #tpu.memory_space<semaphore_mem>>)
    %dma_start3A_713 = arith.constant 22 : i32
    %dma_start3A_714 = arith.constant 11264 : i32
    %dma_start3A_715 = tpu.memref_slice %arg7[%dma_start3A_714] : memref<13312xf32, #tpu.memory_space<vmem>> -> memref<128xf32, #tpu.memory_space<vmem>>
    %dma_start3A_716 = arith.constant 0 : i32
    %dma_start3A_717 = tpu.memref_slice %arg6[%dma_start3A_713, %dma_start3A_716] : memref<26x512xi32, #tpu.memory_space<vmem>> -> memref<1x128xi32, #tpu.memory_space<vmem>>
    %dma_start3A_718 = tpu.memref_squeeze %dma_start3A_717 : memref<1x128xi32, #tpu.memory_space<vmem>> -> memref<128xi32, #tpu.memory_space<vmem>>
    %dma_start3A_719 = arith.constant 0 : i32
    %dma_start3A_720 = tpu.memref_slice %arg10[%dma_start3A_719] : memref<1040000xf32, #tpu.memory_space<vmem_shared>> -> memref<1040000xf32, #tpu.memory_space<vmem_shared>>
    tpu.enqueue_indirect_dma source(%dma_start3A_720 : memref<1040000xf32, #tpu.memory_space<vmem_shared>>) target(%dma_start3A_715 : memref<128xf32, #tpu.memory_space<vmem>>) offsets(%dma_start3A_718 : memref<128xi32, #tpu.memory_space<vmem>>) semaphore(%arg11 : memref<!tpu.dma_semaphore, #tpu.memory_space<semaphore_mem>>)
    %dma_start3A_721 = arith.constant 22 : i32
    %dma_start3A_722 = arith.constant 11392 : i32
    %dma_start3A_723 = tpu.memref_slice %arg7[%dma_start3A_722] : memref<13312xf32, #tpu.memory_space<vmem>> -> memref<128xf32, #tpu.memory_space<vmem>>
    %dma_start3A_724 = arith.constant 128 : i32
    %dma_start3A_725 = tpu.memref_slice %arg6[%dma_start3A_721, %dma_start3A_724] : memref<26x512xi32, #tpu.memory_space<vmem>> -> memref<1x128xi32, #tpu.memory_space<vmem>>
    %dma_start3A_726 = tpu.memref_squeeze %dma_start3A_725 : memref<1x128xi32, #tpu.memory_space<vmem>> -> memref<128xi32, #tpu.memory_space<vmem>>
    %dma_start3A_727 = arith.constant 0 : i32
    %dma_start3A_728 = tpu.memref_slice %arg10[%dma_start3A_727] : memref<1040000xf32, #tpu.memory_space<vmem_shared>> -> memref<1040000xf32, #tpu.memory_space<vmem_shared>>
    tpu.enqueue_indirect_dma source(%dma_start3A_728 : memref<1040000xf32, #tpu.memory_space<vmem_shared>>) target(%dma_start3A_723 : memref<128xf32, #tpu.memory_space<vmem>>) offsets(%dma_start3A_726 : memref<128xi32, #tpu.memory_space<vmem>>) semaphore(%arg11 : memref<!tpu.dma_semaphore, #tpu.memory_space<semaphore_mem>>)
    %dma_start3A_729 = arith.constant 22 : i32
    %dma_start3A_730 = arith.constant 11520 : i32
    %dma_start3A_731 = tpu.memref_slice %arg7[%dma_start3A_730] : memref<13312xf32, #tpu.memory_space<vmem>> -> memref<128xf32, #tpu.memory_space<vmem>>
    %dma_start3A_732 = arith.constant 256 : i32
    %dma_start3A_733 = tpu.memref_slice %arg6[%dma_start3A_729, %dma_start3A_732] : memref<26x512xi32, #tpu.memory_space<vmem>> -> memref<1x128xi32, #tpu.memory_space<vmem>>
    %dma_start3A_734 = tpu.memref_squeeze %dma_start3A_733 : memref<1x128xi32, #tpu.memory_space<vmem>> -> memref<128xi32, #tpu.memory_space<vmem>>
    %dma_start3A_735 = arith.constant 0 : i32
    %dma_start3A_736 = tpu.memref_slice %arg10[%dma_start3A_735] : memref<1040000xf32, #tpu.memory_space<vmem_shared>> -> memref<1040000xf32, #tpu.memory_space<vmem_shared>>
    tpu.enqueue_indirect_dma source(%dma_start3A_736 : memref<1040000xf32, #tpu.memory_space<vmem_shared>>) target(%dma_start3A_731 : memref<128xf32, #tpu.memory_space<vmem>>) offsets(%dma_start3A_734 : memref<128xi32, #tpu.memory_space<vmem>>) semaphore(%arg11 : memref<!tpu.dma_semaphore, #tpu.memory_space<semaphore_mem>>)
    %dma_start3A_737 = arith.constant 22 : i32
    %dma_start3A_738 = arith.constant 11648 : i32
    %dma_start3A_739 = tpu.memref_slice %arg7[%dma_start3A_738] : memref<13312xf32, #tpu.memory_space<vmem>> -> memref<128xf32, #tpu.memory_space<vmem>>
    %dma_start3A_740 = arith.constant 384 : i32
    %dma_start3A_741 = tpu.memref_slice %arg6[%dma_start3A_737, %dma_start3A_740] : memref<26x512xi32, #tpu.memory_space<vmem>> -> memref<1x128xi32, #tpu.memory_space<vmem>>
    %dma_start3A_742 = tpu.memref_squeeze %dma_start3A_741 : memref<1x128xi32, #tpu.memory_space<vmem>> -> memref<128xi32, #tpu.memory_space<vmem>>
    %dma_start3A_743 = arith.constant 0 : i32
    %dma_start3A_744 = tpu.memref_slice %arg10[%dma_start3A_743] : memref<1040000xf32, #tpu.memory_space<vmem_shared>> -> memref<1040000xf32, #tpu.memory_space<vmem_shared>>
    tpu.enqueue_indirect_dma source(%dma_start3A_744 : memref<1040000xf32, #tpu.memory_space<vmem_shared>>) target(%dma_start3A_739 : memref<128xf32, #tpu.memory_space<vmem>>) offsets(%dma_start3A_742 : memref<128xi32, #tpu.memory_space<vmem>>) semaphore(%arg11 : memref<!tpu.dma_semaphore, #tpu.memory_space<semaphore_mem>>)
    %dma_start3A_745 = arith.constant 23 : i32
    %dma_start3A_746 = arith.constant 11776 : i32
    %dma_start3A_747 = tpu.memref_slice %arg7[%dma_start3A_746] : memref<13312xf32, #tpu.memory_space<vmem>> -> memref<128xf32, #tpu.memory_space<vmem>>
    %dma_start3A_748 = arith.constant 0 : i32
    %dma_start3A_749 = tpu.memref_slice %arg6[%dma_start3A_745, %dma_start3A_748] : memref<26x512xi32, #tpu.memory_space<vmem>> -> memref<1x128xi32, #tpu.memory_space<vmem>>
    %dma_start3A_750 = tpu.memref_squeeze %dma_start3A_749 : memref<1x128xi32, #tpu.memory_space<vmem>> -> memref<128xi32, #tpu.memory_space<vmem>>
    %dma_start3A_751 = arith.constant 0 : i32
    %dma_start3A_752 = tpu.memref_slice %arg10[%dma_start3A_751] : memref<1040000xf32, #tpu.memory_space<vmem_shared>> -> memref<1040000xf32, #tpu.memory_space<vmem_shared>>
    tpu.enqueue_indirect_dma source(%dma_start3A_752 : memref<1040000xf32, #tpu.memory_space<vmem_shared>>) target(%dma_start3A_747 : memref<128xf32, #tpu.memory_space<vmem>>) offsets(%dma_start3A_750 : memref<128xi32, #tpu.memory_space<vmem>>) semaphore(%arg11 : memref<!tpu.dma_semaphore, #tpu.memory_space<semaphore_mem>>)
    %dma_start3A_753 = arith.constant 23 : i32
    %dma_start3A_754 = arith.constant 11904 : i32
    %dma_start3A_755 = tpu.memref_slice %arg7[%dma_start3A_754] : memref<13312xf32, #tpu.memory_space<vmem>> -> memref<128xf32, #tpu.memory_space<vmem>>
    %dma_start3A_756 = arith.constant 128 : i32
    %dma_start3A_757 = tpu.memref_slice %arg6[%dma_start3A_753, %dma_start3A_756] : memref<26x512xi32, #tpu.memory_space<vmem>> -> memref<1x128xi32, #tpu.memory_space<vmem>>
    %dma_start3A_758 = tpu.memref_squeeze %dma_start3A_757 : memref<1x128xi32, #tpu.memory_space<vmem>> -> memref<128xi32, #tpu.memory_space<vmem>>
    %dma_start3A_759 = arith.constant 0 : i32
    %dma_start3A_760 = tpu.memref_slice %arg10[%dma_start3A_759] : memref<1040000xf32, #tpu.memory_space<vmem_shared>> -> memref<1040000xf32, #tpu.memory_space<vmem_shared>>
    tpu.enqueue_indirect_dma source(%dma_start3A_760 : memref<1040000xf32, #tpu.memory_space<vmem_shared>>) target(%dma_start3A_755 : memref<128xf32, #tpu.memory_space<vmem>>) offsets(%dma_start3A_758 : memref<128xi32, #tpu.memory_space<vmem>>) semaphore(%arg11 : memref<!tpu.dma_semaphore, #tpu.memory_space<semaphore_mem>>)
    %dma_start3A_761 = arith.constant 23 : i32
    %dma_start3A_762 = arith.constant 12032 : i32
    %dma_start3A_763 = tpu.memref_slice %arg7[%dma_start3A_762] : memref<13312xf32, #tpu.memory_space<vmem>> -> memref<128xf32, #tpu.memory_space<vmem>>
    %dma_start3A_764 = arith.constant 256 : i32
    %dma_start3A_765 = tpu.memref_slice %arg6[%dma_start3A_761, %dma_start3A_764] : memref<26x512xi32, #tpu.memory_space<vmem>> -> memref<1x128xi32, #tpu.memory_space<vmem>>
    %dma_start3A_766 = tpu.memref_squeeze %dma_start3A_765 : memref<1x128xi32, #tpu.memory_space<vmem>> -> memref<128xi32, #tpu.memory_space<vmem>>
    %dma_start3A_767 = arith.constant 0 : i32
    %dma_start3A_768 = tpu.memref_slice %arg10[%dma_start3A_767] : memref<1040000xf32, #tpu.memory_space<vmem_shared>> -> memref<1040000xf32, #tpu.memory_space<vmem_shared>>
    tpu.enqueue_indirect_dma source(%dma_start3A_768 : memref<1040000xf32, #tpu.memory_space<vmem_shared>>) target(%dma_start3A_763 : memref<128xf32, #tpu.memory_space<vmem>>) offsets(%dma_start3A_766 : memref<128xi32, #tpu.memory_space<vmem>>) semaphore(%arg11 : memref<!tpu.dma_semaphore, #tpu.memory_space<semaphore_mem>>)
    %dma_start3A_769 = arith.constant 23 : i32
    %dma_start3A_770 = arith.constant 12160 : i32
    %dma_start3A_771 = tpu.memref_slice %arg7[%dma_start3A_770] : memref<13312xf32, #tpu.memory_space<vmem>> -> memref<128xf32, #tpu.memory_space<vmem>>
    %dma_start3A_772 = arith.constant 384 : i32
    %dma_start3A_773 = tpu.memref_slice %arg6[%dma_start3A_769, %dma_start3A_772] : memref<26x512xi32, #tpu.memory_space<vmem>> -> memref<1x128xi32, #tpu.memory_space<vmem>>
    %dma_start3A_774 = tpu.memref_squeeze %dma_start3A_773 : memref<1x128xi32, #tpu.memory_space<vmem>> -> memref<128xi32, #tpu.memory_space<vmem>>
    %dma_start3A_775 = arith.constant 0 : i32
    %dma_start3A_776 = tpu.memref_slice %arg10[%dma_start3A_775] : memref<1040000xf32, #tpu.memory_space<vmem_shared>> -> memref<1040000xf32, #tpu.memory_space<vmem_shared>>
    tpu.enqueue_indirect_dma source(%dma_start3A_776 : memref<1040000xf32, #tpu.memory_space<vmem_shared>>) target(%dma_start3A_771 : memref<128xf32, #tpu.memory_space<vmem>>) offsets(%dma_start3A_774 : memref<128xi32, #tpu.memory_space<vmem>>) semaphore(%arg11 : memref<!tpu.dma_semaphore, #tpu.memory_space<semaphore_mem>>)
    %dma_start3A_777 = arith.constant 24 : i32
    %dma_start3A_778 = arith.constant 12288 : i32
    %dma_start3A_779 = tpu.memref_slice %arg7[%dma_start3A_778] : memref<13312xf32, #tpu.memory_space<vmem>> -> memref<128xf32, #tpu.memory_space<vmem>>
    %dma_start3A_780 = arith.constant 0 : i32
    %dma_start3A_781 = tpu.memref_slice %arg6[%dma_start3A_777, %dma_start3A_780] : memref<26x512xi32, #tpu.memory_space<vmem>> -> memref<1x128xi32, #tpu.memory_space<vmem>>
    %dma_start3A_782 = tpu.memref_squeeze %dma_start3A_781 : memref<1x128xi32, #tpu.memory_space<vmem>> -> memref<128xi32, #tpu.memory_space<vmem>>
    %dma_start3A_783 = arith.constant 0 : i32
    %dma_start3A_784 = tpu.memref_slice %arg10[%dma_start3A_783] : memref<1040000xf32, #tpu.memory_space<vmem_shared>> -> memref<1040000xf32, #tpu.memory_space<vmem_shared>>
    tpu.enqueue_indirect_dma source(%dma_start3A_784 : memref<1040000xf32, #tpu.memory_space<vmem_shared>>) target(%dma_start3A_779 : memref<128xf32, #tpu.memory_space<vmem>>) offsets(%dma_start3A_782 : memref<128xi32, #tpu.memory_space<vmem>>) semaphore(%arg11 : memref<!tpu.dma_semaphore, #tpu.memory_space<semaphore_mem>>)
    %dma_start3A_785 = arith.constant 24 : i32
    %dma_start3A_786 = arith.constant 12416 : i32
    %dma_start3A_787 = tpu.memref_slice %arg7[%dma_start3A_786] : memref<13312xf32, #tpu.memory_space<vmem>> -> memref<128xf32, #tpu.memory_space<vmem>>
    %dma_start3A_788 = arith.constant 128 : i32
    %dma_start3A_789 = tpu.memref_slice %arg6[%dma_start3A_785, %dma_start3A_788] : memref<26x512xi32, #tpu.memory_space<vmem>> -> memref<1x128xi32, #tpu.memory_space<vmem>>
    %dma_start3A_790 = tpu.memref_squeeze %dma_start3A_789 : memref<1x128xi32, #tpu.memory_space<vmem>> -> memref<128xi32, #tpu.memory_space<vmem>>
    %dma_start3A_791 = arith.constant 0 : i32
    %dma_start3A_792 = tpu.memref_slice %arg10[%dma_start3A_791] : memref<1040000xf32, #tpu.memory_space<vmem_shared>> -> memref<1040000xf32, #tpu.memory_space<vmem_shared>>
    tpu.enqueue_indirect_dma source(%dma_start3A_792 : memref<1040000xf32, #tpu.memory_space<vmem_shared>>) target(%dma_start3A_787 : memref<128xf32, #tpu.memory_space<vmem>>) offsets(%dma_start3A_790 : memref<128xi32, #tpu.memory_space<vmem>>) semaphore(%arg11 : memref<!tpu.dma_semaphore, #tpu.memory_space<semaphore_mem>>)
    %dma_start3A_793 = arith.constant 24 : i32
    %dma_start3A_794 = arith.constant 12544 : i32
    %dma_start3A_795 = tpu.memref_slice %arg7[%dma_start3A_794] : memref<13312xf32, #tpu.memory_space<vmem>> -> memref<128xf32, #tpu.memory_space<vmem>>
    %dma_start3A_796 = arith.constant 256 : i32
    %dma_start3A_797 = tpu.memref_slice %arg6[%dma_start3A_793, %dma_start3A_796] : memref<26x512xi32, #tpu.memory_space<vmem>> -> memref<1x128xi32, #tpu.memory_space<vmem>>
    %dma_start3A_798 = tpu.memref_squeeze %dma_start3A_797 : memref<1x128xi32, #tpu.memory_space<vmem>> -> memref<128xi32, #tpu.memory_space<vmem>>
    %dma_start3A_799 = arith.constant 0 : i32
    %dma_start3A_800 = tpu.memref_slice %arg10[%dma_start3A_799] : memref<1040000xf32, #tpu.memory_space<vmem_shared>> -> memref<1040000xf32, #tpu.memory_space<vmem_shared>>
    tpu.enqueue_indirect_dma source(%dma_start3A_800 : memref<1040000xf32, #tpu.memory_space<vmem_shared>>) target(%dma_start3A_795 : memref<128xf32, #tpu.memory_space<vmem>>) offsets(%dma_start3A_798 : memref<128xi32, #tpu.memory_space<vmem>>) semaphore(%arg11 : memref<!tpu.dma_semaphore, #tpu.memory_space<semaphore_mem>>)
    %dma_start3A_801 = arith.constant 24 : i32
    %dma_start3A_802 = arith.constant 12672 : i32
    %dma_start3A_803 = tpu.memref_slice %arg7[%dma_start3A_802] : memref<13312xf32, #tpu.memory_space<vmem>> -> memref<128xf32, #tpu.memory_space<vmem>>
    %dma_start3A_804 = arith.constant 384 : i32
    %dma_start3A_805 = tpu.memref_slice %arg6[%dma_start3A_801, %dma_start3A_804] : memref<26x512xi32, #tpu.memory_space<vmem>> -> memref<1x128xi32, #tpu.memory_space<vmem>>
    %dma_start3A_806 = tpu.memref_squeeze %dma_start3A_805 : memref<1x128xi32, #tpu.memory_space<vmem>> -> memref<128xi32, #tpu.memory_space<vmem>>
    %dma_start3A_807 = arith.constant 0 : i32
    %dma_start3A_808 = tpu.memref_slice %arg10[%dma_start3A_807] : memref<1040000xf32, #tpu.memory_space<vmem_shared>> -> memref<1040000xf32, #tpu.memory_space<vmem_shared>>
    tpu.enqueue_indirect_dma source(%dma_start3A_808 : memref<1040000xf32, #tpu.memory_space<vmem_shared>>) target(%dma_start3A_803 : memref<128xf32, #tpu.memory_space<vmem>>) offsets(%dma_start3A_806 : memref<128xi32, #tpu.memory_space<vmem>>) semaphore(%arg11 : memref<!tpu.dma_semaphore, #tpu.memory_space<semaphore_mem>>)
    %dma_start3A_809 = arith.constant 25 : i32
    %dma_start3A_810 = arith.constant 12800 : i32
    %dma_start3A_811 = tpu.memref_slice %arg7[%dma_start3A_810] : memref<13312xf32, #tpu.memory_space<vmem>> -> memref<128xf32, #tpu.memory_space<vmem>>
    %dma_start3A_812 = arith.constant 0 : i32
    %dma_start3A_813 = tpu.memref_slice %arg6[%dma_start3A_809, %dma_start3A_812] : memref<26x512xi32, #tpu.memory_space<vmem>> -> memref<1x128xi32, #tpu.memory_space<vmem>>
    %dma_start3A_814 = tpu.memref_squeeze %dma_start3A_813 : memref<1x128xi32, #tpu.memory_space<vmem>> -> memref<128xi32, #tpu.memory_space<vmem>>
    %dma_start3A_815 = arith.constant 0 : i32
    %dma_start3A_816 = tpu.memref_slice %arg10[%dma_start3A_815] : memref<1040000xf32, #tpu.memory_space<vmem_shared>> -> memref<1040000xf32, #tpu.memory_space<vmem_shared>>
    tpu.enqueue_indirect_dma source(%dma_start3A_816 : memref<1040000xf32, #tpu.memory_space<vmem_shared>>) target(%dma_start3A_811 : memref<128xf32, #tpu.memory_space<vmem>>) offsets(%dma_start3A_814 : memref<128xi32, #tpu.memory_space<vmem>>) semaphore(%arg11 : memref<!tpu.dma_semaphore, #tpu.memory_space<semaphore_mem>>)
    %dma_start3A_817 = arith.constant 25 : i32
    %dma_start3A_818 = arith.constant 12928 : i32
    %dma_start3A_819 = tpu.memref_slice %arg7[%dma_start3A_818] : memref<13312xf32, #tpu.memory_space<vmem>> -> memref<128xf32, #tpu.memory_space<vmem>>
    %dma_start3A_820 = arith.constant 128 : i32
    %dma_start3A_821 = tpu.memref_slice %arg6[%dma_start3A_817, %dma_start3A_820] : memref<26x512xi32, #tpu.memory_space<vmem>> -> memref<1x128xi32, #tpu.memory_space<vmem>>
    %dma_start3A_822 = tpu.memref_squeeze %dma_start3A_821 : memref<1x128xi32, #tpu.memory_space<vmem>> -> memref<128xi32, #tpu.memory_space<vmem>>
    %dma_start3A_823 = arith.constant 0 : i32
    %dma_start3A_824 = tpu.memref_slice %arg10[%dma_start3A_823] : memref<1040000xf32, #tpu.memory_space<vmem_shared>> -> memref<1040000xf32, #tpu.memory_space<vmem_shared>>
    tpu.enqueue_indirect_dma source(%dma_start3A_824 : memref<1040000xf32, #tpu.memory_space<vmem_shared>>) target(%dma_start3A_819 : memref<128xf32, #tpu.memory_space<vmem>>) offsets(%dma_start3A_822 : memref<128xi32, #tpu.memory_space<vmem>>) semaphore(%arg11 : memref<!tpu.dma_semaphore, #tpu.memory_space<semaphore_mem>>)
    %dma_start3A_825 = arith.constant 25 : i32
    %dma_start3A_826 = arith.constant 13056 : i32
    %dma_start3A_827 = tpu.memref_slice %arg7[%dma_start3A_826] : memref<13312xf32, #tpu.memory_space<vmem>> -> memref<128xf32, #tpu.memory_space<vmem>>
    %dma_start3A_828 = arith.constant 256 : i32
    %dma_start3A_829 = tpu.memref_slice %arg6[%dma_start3A_825, %dma_start3A_828] : memref<26x512xi32, #tpu.memory_space<vmem>> -> memref<1x128xi32, #tpu.memory_space<vmem>>
    %dma_start3A_830 = tpu.memref_squeeze %dma_start3A_829 : memref<1x128xi32, #tpu.memory_space<vmem>> -> memref<128xi32, #tpu.memory_space<vmem>>
    %dma_start3A_831 = arith.constant 0 : i32
    %dma_start3A_832 = tpu.memref_slice %arg10[%dma_start3A_831] : memref<1040000xf32, #tpu.memory_space<vmem_shared>> -> memref<1040000xf32, #tpu.memory_space<vmem_shared>>
    tpu.enqueue_indirect_dma source(%dma_start3A_832 : memref<1040000xf32, #tpu.memory_space<vmem_shared>>) target(%dma_start3A_827 : memref<128xf32, #tpu.memory_space<vmem>>) offsets(%dma_start3A_830 : memref<128xi32, #tpu.memory_space<vmem>>) semaphore(%arg11 : memref<!tpu.dma_semaphore, #tpu.memory_space<semaphore_mem>>)
    %dma_start3A_833 = arith.constant 25 : i32
    %dma_start3A_834 = arith.constant 13184 : i32
    %dma_start3A_835 = tpu.memref_slice %arg7[%dma_start3A_834] : memref<13312xf32, #tpu.memory_space<vmem>> -> memref<128xf32, #tpu.memory_space<vmem>>
    %dma_start3A_836 = arith.constant 384 : i32
    %dma_start3A_837 = tpu.memref_slice %arg6[%dma_start3A_833, %dma_start3A_836] : memref<26x512xi32, #tpu.memory_space<vmem>> -> memref<1x128xi32, #tpu.memory_space<vmem>>
    %dma_start3A_838 = tpu.memref_squeeze %dma_start3A_837 : memref<1x128xi32, #tpu.memory_space<vmem>> -> memref<128xi32, #tpu.memory_space<vmem>>
    %dma_start3A_839 = arith.constant 0 : i32
    %dma_start3A_840 = tpu.memref_slice %arg10[%dma_start3A_839] : memref<1040000xf32, #tpu.memory_space<vmem_shared>> -> memref<1040000xf32, #tpu.memory_space<vmem_shared>>
    tpu.enqueue_indirect_dma source(%dma_start3A_840 : memref<1040000xf32, #tpu.memory_space<vmem_shared>>) target(%dma_start3A_835 : memref<128xf32, #tpu.memory_space<vmem>>) offsets(%dma_start3A_838 : memref<128xi32, #tpu.memory_space<vmem>>) semaphore(%arg11 : memref<!tpu.dma_semaphore, #tpu.memory_space<semaphore_mem>>)
    %dma_wait3A = arith.constant 0 : i32
    %dma_wait3A_841 = arith.constant 0 : i32
    %dma_wait3A_842 = tpu.memref_slice %arg7[%dma_wait3A_841] : memref<13312xf32, #tpu.memory_space<vmem>> -> memref<128xf32, #tpu.memory_space<vmem>>
    %dma_wait3A_843 = arith.constant 0 : i32
    %dma_wait3A_844 = tpu.memref_slice %arg6[%dma_wait3A, %dma_wait3A_843] : memref<26x512xi32, #tpu.memory_space<vmem>> -> memref<1x128xi32, #tpu.memory_space<vmem>>
    %dma_wait3A_845 = tpu.memref_squeeze %dma_wait3A_844 : memref<1x128xi32, #tpu.memory_space<vmem>> -> memref<128xi32, #tpu.memory_space<vmem>>
    %dma_wait3A_846 = arith.constant 0 : i32
    %dma_wait3A_847 = tpu.memref_slice %arg10[%dma_wait3A_846] : memref<1040000xf32, #tpu.memory_space<vmem_shared>> -> memref<1040000xf32, #tpu.memory_space<vmem_shared>>
    tpu.wait_indirect_dma semaphore(%arg11 : memref<!tpu.dma_semaphore, #tpu.memory_space<semaphore_mem>>) src(%dma_wait3A_847 : memref<1040000xf32, #tpu.memory_space<vmem_shared>>) dst(%dma_wait3A_842 : memref<128xf32, #tpu.memory_space<vmem>>)
    %dma_wait3A_848 = arith.constant 0 : i32
    %dma_wait3A_849 = arith.constant 128 : i32
    %dma_wait3A_850 = tpu.memref_slice %arg7[%dma_wait3A_849] : memref<13312xf32, #tpu.memory_space<vmem>> -> memref<128xf32, #tpu.memory_space<vmem>>
    %dma_wait3A_851 = arith.constant 128 : i32
    %dma_wait3A_852 = tpu.memref_slice %arg6[%dma_wait3A_848, %dma_wait3A_851] : memref<26x512xi32, #tpu.memory_space<vmem>> -> memref<1x128xi32, #tpu.memory_space<vmem>>
    %dma_wait3A_853 = tpu.memref_squeeze %dma_wait3A_852 : memref<1x128xi32, #tpu.memory_space<vmem>> -> memref<128xi32, #tpu.memory_space<vmem>>
    %dma_wait3A_854 = arith.constant 0 : i32
    %dma_wait3A_855 = tpu.memref_slice %arg10[%dma_wait3A_854] : memref<1040000xf32, #tpu.memory_space<vmem_shared>> -> memref<1040000xf32, #tpu.memory_space<vmem_shared>>
    tpu.wait_indirect_dma semaphore(%arg11 : memref<!tpu.dma_semaphore, #tpu.memory_space<semaphore_mem>>) src(%dma_wait3A_855 : memref<1040000xf32, #tpu.memory_space<vmem_shared>>) dst(%dma_wait3A_850 : memref<128xf32, #tpu.memory_space<vmem>>)
    %dma_wait3A_856 = arith.constant 0 : i32
    %dma_wait3A_857 = arith.constant 256 : i32
    %dma_wait3A_858 = tpu.memref_slice %arg7[%dma_wait3A_857] : memref<13312xf32, #tpu.memory_space<vmem>> -> memref<128xf32, #tpu.memory_space<vmem>>
    %dma_wait3A_859 = arith.constant 256 : i32
    %dma_wait3A_860 = tpu.memref_slice %arg6[%dma_wait3A_856, %dma_wait3A_859] : memref<26x512xi32, #tpu.memory_space<vmem>> -> memref<1x128xi32, #tpu.memory_space<vmem>>
    %dma_wait3A_861 = tpu.memref_squeeze %dma_wait3A_860 : memref<1x128xi32, #tpu.memory_space<vmem>> -> memref<128xi32, #tpu.memory_space<vmem>>
    %dma_wait3A_862 = arith.constant 0 : i32
    %dma_wait3A_863 = tpu.memref_slice %arg10[%dma_wait3A_862] : memref<1040000xf32, #tpu.memory_space<vmem_shared>> -> memref<1040000xf32, #tpu.memory_space<vmem_shared>>
    tpu.wait_indirect_dma semaphore(%arg11 : memref<!tpu.dma_semaphore, #tpu.memory_space<semaphore_mem>>) src(%dma_wait3A_863 : memref<1040000xf32, #tpu.memory_space<vmem_shared>>) dst(%dma_wait3A_858 : memref<128xf32, #tpu.memory_space<vmem>>)
    %dma_wait3A_864 = arith.constant 0 : i32
    %dma_wait3A_865 = arith.constant 384 : i32
    %dma_wait3A_866 = tpu.memref_slice %arg7[%dma_wait3A_865] : memref<13312xf32, #tpu.memory_space<vmem>> -> memref<128xf32, #tpu.memory_space<vmem>>
    %dma_wait3A_867 = arith.constant 384 : i32
    %dma_wait3A_868 = tpu.memref_slice %arg6[%dma_wait3A_864, %dma_wait3A_867] : memref<26x512xi32, #tpu.memory_space<vmem>> -> memref<1x128xi32, #tpu.memory_space<vmem>>
    %dma_wait3A_869 = tpu.memref_squeeze %dma_wait3A_868 : memref<1x128xi32, #tpu.memory_space<vmem>> -> memref<128xi32, #tpu.memory_space<vmem>>
    %dma_wait3A_870 = arith.constant 0 : i32
    %dma_wait3A_871 = tpu.memref_slice %arg10[%dma_wait3A_870] : memref<1040000xf32, #tpu.memory_space<vmem_shared>> -> memref<1040000xf32, #tpu.memory_space<vmem_shared>>
    tpu.wait_indirect_dma semaphore(%arg11 : memref<!tpu.dma_semaphore, #tpu.memory_space<semaphore_mem>>) src(%dma_wait3A_871 : memref<1040000xf32, #tpu.memory_space<vmem_shared>>) dst(%dma_wait3A_866 : memref<128xf32, #tpu.memory_space<vmem>>)
    %dma_wait3A_872 = arith.constant 1 : i32
    %dma_wait3A_873 = arith.constant 512 : i32
    %dma_wait3A_874 = tpu.memref_slice %arg7[%dma_wait3A_873] : memref<13312xf32, #tpu.memory_space<vmem>> -> memref<128xf32, #tpu.memory_space<vmem>>
    %dma_wait3A_875 = arith.constant 0 : i32
    %dma_wait3A_876 = tpu.memref_slice %arg6[%dma_wait3A_872, %dma_wait3A_875] : memref<26x512xi32, #tpu.memory_space<vmem>> -> memref<1x128xi32, #tpu.memory_space<vmem>>
    %dma_wait3A_877 = tpu.memref_squeeze %dma_wait3A_876 : memref<1x128xi32, #tpu.memory_space<vmem>> -> memref<128xi32, #tpu.memory_space<vmem>>
    %dma_wait3A_878 = arith.constant 0 : i32
    %dma_wait3A_879 = tpu.memref_slice %arg10[%dma_wait3A_878] : memref<1040000xf32, #tpu.memory_space<vmem_shared>> -> memref<1040000xf32, #tpu.memory_space<vmem_shared>>
    tpu.wait_indirect_dma semaphore(%arg11 : memref<!tpu.dma_semaphore, #tpu.memory_space<semaphore_mem>>) src(%dma_wait3A_879 : memref<1040000xf32, #tpu.memory_space<vmem_shared>>) dst(%dma_wait3A_874 : memref<128xf32, #tpu.memory_space<vmem>>)
    %dma_wait3A_880 = arith.constant 1 : i32
    %dma_wait3A_881 = arith.constant 640 : i32
    %dma_wait3A_882 = tpu.memref_slice %arg7[%dma_wait3A_881] : memref<13312xf32, #tpu.memory_space<vmem>> -> memref<128xf32, #tpu.memory_space<vmem>>
    %dma_wait3A_883 = arith.constant 128 : i32
    %dma_wait3A_884 = tpu.memref_slice %arg6[%dma_wait3A_880, %dma_wait3A_883] : memref<26x512xi32, #tpu.memory_space<vmem>> -> memref<1x128xi32, #tpu.memory_space<vmem>>
    %dma_wait3A_885 = tpu.memref_squeeze %dma_wait3A_884 : memref<1x128xi32, #tpu.memory_space<vmem>> -> memref<128xi32, #tpu.memory_space<vmem>>
    %dma_wait3A_886 = arith.constant 0 : i32
    %dma_wait3A_887 = tpu.memref_slice %arg10[%dma_wait3A_886] : memref<1040000xf32, #tpu.memory_space<vmem_shared>> -> memref<1040000xf32, #tpu.memory_space<vmem_shared>>
    tpu.wait_indirect_dma semaphore(%arg11 : memref<!tpu.dma_semaphore, #tpu.memory_space<semaphore_mem>>) src(%dma_wait3A_887 : memref<1040000xf32, #tpu.memory_space<vmem_shared>>) dst(%dma_wait3A_882 : memref<128xf32, #tpu.memory_space<vmem>>)
    %dma_wait3A_888 = arith.constant 1 : i32
    %dma_wait3A_889 = arith.constant 768 : i32
    %dma_wait3A_890 = tpu.memref_slice %arg7[%dma_wait3A_889] : memref<13312xf32, #tpu.memory_space<vmem>> -> memref<128xf32, #tpu.memory_space<vmem>>
    %dma_wait3A_891 = arith.constant 256 : i32
    %dma_wait3A_892 = tpu.memref_slice %arg6[%dma_wait3A_888, %dma_wait3A_891] : memref<26x512xi32, #tpu.memory_space<vmem>> -> memref<1x128xi32, #tpu.memory_space<vmem>>
    %dma_wait3A_893 = tpu.memref_squeeze %dma_wait3A_892 : memref<1x128xi32, #tpu.memory_space<vmem>> -> memref<128xi32, #tpu.memory_space<vmem>>
    %dma_wait3A_894 = arith.constant 0 : i32
    %dma_wait3A_895 = tpu.memref_slice %arg10[%dma_wait3A_894] : memref<1040000xf32, #tpu.memory_space<vmem_shared>> -> memref<1040000xf32, #tpu.memory_space<vmem_shared>>
    tpu.wait_indirect_dma semaphore(%arg11 : memref<!tpu.dma_semaphore, #tpu.memory_space<semaphore_mem>>) src(%dma_wait3A_895 : memref<1040000xf32, #tpu.memory_space<vmem_shared>>) dst(%dma_wait3A_890 : memref<128xf32, #tpu.memory_space<vmem>>)
    %dma_wait3A_896 = arith.constant 1 : i32
    %dma_wait3A_897 = arith.constant 896 : i32
    %dma_wait3A_898 = tpu.memref_slice %arg7[%dma_wait3A_897] : memref<13312xf32, #tpu.memory_space<vmem>> -> memref<128xf32, #tpu.memory_space<vmem>>
    %dma_wait3A_899 = arith.constant 384 : i32
    %dma_wait3A_900 = tpu.memref_slice %arg6[%dma_wait3A_896, %dma_wait3A_899] : memref<26x512xi32, #tpu.memory_space<vmem>> -> memref<1x128xi32, #tpu.memory_space<vmem>>
    %dma_wait3A_901 = tpu.memref_squeeze %dma_wait3A_900 : memref<1x128xi32, #tpu.memory_space<vmem>> -> memref<128xi32, #tpu.memory_space<vmem>>
    %dma_wait3A_902 = arith.constant 0 : i32
    %dma_wait3A_903 = tpu.memref_slice %arg10[%dma_wait3A_902] : memref<1040000xf32, #tpu.memory_space<vmem_shared>> -> memref<1040000xf32, #tpu.memory_space<vmem_shared>>
    tpu.wait_indirect_dma semaphore(%arg11 : memref<!tpu.dma_semaphore, #tpu.memory_space<semaphore_mem>>) src(%dma_wait3A_903 : memref<1040000xf32, #tpu.memory_space<vmem_shared>>) dst(%dma_wait3A_898 : memref<128xf32, #tpu.memory_space<vmem>>)
    %dma_wait3A_904 = arith.constant 2 : i32
    %dma_wait3A_905 = arith.constant 1024 : i32
    %dma_wait3A_906 = tpu.memref_slice %arg7[%dma_wait3A_905] : memref<13312xf32, #tpu.memory_space<vmem>> -> memref<128xf32, #tpu.memory_space<vmem>>
    %dma_wait3A_907 = arith.constant 0 : i32
    %dma_wait3A_908 = tpu.memref_slice %arg6[%dma_wait3A_904, %dma_wait3A_907] : memref<26x512xi32, #tpu.memory_space<vmem>> -> memref<1x128xi32, #tpu.memory_space<vmem>>
    %dma_wait3A_909 = tpu.memref_squeeze %dma_wait3A_908 : memref<1x128xi32, #tpu.memory_space<vmem>> -> memref<128xi32, #tpu.memory_space<vmem>>
    %dma_wait3A_910 = arith.constant 0 : i32
    %dma_wait3A_911 = tpu.memref_slice %arg10[%dma_wait3A_910] : memref<1040000xf32, #tpu.memory_space<vmem_shared>> -> memref<1040000xf32, #tpu.memory_space<vmem_shared>>
    tpu.wait_indirect_dma semaphore(%arg11 : memref<!tpu.dma_semaphore, #tpu.memory_space<semaphore_mem>>) src(%dma_wait3A_911 : memref<1040000xf32, #tpu.memory_space<vmem_shared>>) dst(%dma_wait3A_906 : memref<128xf32, #tpu.memory_space<vmem>>)
    %dma_wait3A_912 = arith.constant 2 : i32
    %dma_wait3A_913 = arith.constant 1152 : i32
    %dma_wait3A_914 = tpu.memref_slice %arg7[%dma_wait3A_913] : memref<13312xf32, #tpu.memory_space<vmem>> -> memref<128xf32, #tpu.memory_space<vmem>>
    %dma_wait3A_915 = arith.constant 128 : i32
    %dma_wait3A_916 = tpu.memref_slice %arg6[%dma_wait3A_912, %dma_wait3A_915] : memref<26x512xi32, #tpu.memory_space<vmem>> -> memref<1x128xi32, #tpu.memory_space<vmem>>
    %dma_wait3A_917 = tpu.memref_squeeze %dma_wait3A_916 : memref<1x128xi32, #tpu.memory_space<vmem>> -> memref<128xi32, #tpu.memory_space<vmem>>
    %dma_wait3A_918 = arith.constant 0 : i32
    %dma_wait3A_919 = tpu.memref_slice %arg10[%dma_wait3A_918] : memref<1040000xf32, #tpu.memory_space<vmem_shared>> -> memref<1040000xf32, #tpu.memory_space<vmem_shared>>
    tpu.wait_indirect_dma semaphore(%arg11 : memref<!tpu.dma_semaphore, #tpu.memory_space<semaphore_mem>>) src(%dma_wait3A_919 : memref<1040000xf32, #tpu.memory_space<vmem_shared>>) dst(%dma_wait3A_914 : memref<128xf32, #tpu.memory_space<vmem>>)
    %dma_wait3A_920 = arith.constant 2 : i32
    %dma_wait3A_921 = arith.constant 1280 : i32
    %dma_wait3A_922 = tpu.memref_slice %arg7[%dma_wait3A_921] : memref<13312xf32, #tpu.memory_space<vmem>> -> memref<128xf32, #tpu.memory_space<vmem>>
    %dma_wait3A_923 = arith.constant 256 : i32
    %dma_wait3A_924 = tpu.memref_slice %arg6[%dma_wait3A_920, %dma_wait3A_923] : memref<26x512xi32, #tpu.memory_space<vmem>> -> memref<1x128xi32, #tpu.memory_space<vmem>>
    %dma_wait3A_925 = tpu.memref_squeeze %dma_wait3A_924 : memref<1x128xi32, #tpu.memory_space<vmem>> -> memref<128xi32, #tpu.memory_space<vmem>>
    %dma_wait3A_926 = arith.constant 0 : i32
    %dma_wait3A_927 = tpu.memref_slice %arg10[%dma_wait3A_926] : memref<1040000xf32, #tpu.memory_space<vmem_shared>> -> memref<1040000xf32, #tpu.memory_space<vmem_shared>>
    tpu.wait_indirect_dma semaphore(%arg11 : memref<!tpu.dma_semaphore, #tpu.memory_space<semaphore_mem>>) src(%dma_wait3A_927 : memref<1040000xf32, #tpu.memory_space<vmem_shared>>) dst(%dma_wait3A_922 : memref<128xf32, #tpu.memory_space<vmem>>)
    %dma_wait3A_928 = arith.constant 2 : i32
    %dma_wait3A_929 = arith.constant 1408 : i32
    %dma_wait3A_930 = tpu.memref_slice %arg7[%dma_wait3A_929] : memref<13312xf32, #tpu.memory_space<vmem>> -> memref<128xf32, #tpu.memory_space<vmem>>
    %dma_wait3A_931 = arith.constant 384 : i32
    %dma_wait3A_932 = tpu.memref_slice %arg6[%dma_wait3A_928, %dma_wait3A_931] : memref<26x512xi32, #tpu.memory_space<vmem>> -> memref<1x128xi32, #tpu.memory_space<vmem>>
    %dma_wait3A_933 = tpu.memref_squeeze %dma_wait3A_932 : memref<1x128xi32, #tpu.memory_space<vmem>> -> memref<128xi32, #tpu.memory_space<vmem>>
    %dma_wait3A_934 = arith.constant 0 : i32
    %dma_wait3A_935 = tpu.memref_slice %arg10[%dma_wait3A_934] : memref<1040000xf32, #tpu.memory_space<vmem_shared>> -> memref<1040000xf32, #tpu.memory_space<vmem_shared>>
    tpu.wait_indirect_dma semaphore(%arg11 : memref<!tpu.dma_semaphore, #tpu.memory_space<semaphore_mem>>) src(%dma_wait3A_935 : memref<1040000xf32, #tpu.memory_space<vmem_shared>>) dst(%dma_wait3A_930 : memref<128xf32, #tpu.memory_space<vmem>>)
    %dma_wait3A_936 = arith.constant 3 : i32
    %dma_wait3A_937 = arith.constant 1536 : i32
    %dma_wait3A_938 = tpu.memref_slice %arg7[%dma_wait3A_937] : memref<13312xf32, #tpu.memory_space<vmem>> -> memref<128xf32, #tpu.memory_space<vmem>>
    %dma_wait3A_939 = arith.constant 0 : i32
    %dma_wait3A_940 = tpu.memref_slice %arg6[%dma_wait3A_936, %dma_wait3A_939] : memref<26x512xi32, #tpu.memory_space<vmem>> -> memref<1x128xi32, #tpu.memory_space<vmem>>
    %dma_wait3A_941 = tpu.memref_squeeze %dma_wait3A_940 : memref<1x128xi32, #tpu.memory_space<vmem>> -> memref<128xi32, #tpu.memory_space<vmem>>
    %dma_wait3A_942 = arith.constant 0 : i32
    %dma_wait3A_943 = tpu.memref_slice %arg10[%dma_wait3A_942] : memref<1040000xf32, #tpu.memory_space<vmem_shared>> -> memref<1040000xf32, #tpu.memory_space<vmem_shared>>
    tpu.wait_indirect_dma semaphore(%arg11 : memref<!tpu.dma_semaphore, #tpu.memory_space<semaphore_mem>>) src(%dma_wait3A_943 : memref<1040000xf32, #tpu.memory_space<vmem_shared>>) dst(%dma_wait3A_938 : memref<128xf32, #tpu.memory_space<vmem>>)
    %dma_wait3A_944 = arith.constant 3 : i32
    %dma_wait3A_945 = arith.constant 1664 : i32
    %dma_wait3A_946 = tpu.memref_slice %arg7[%dma_wait3A_945] : memref<13312xf32, #tpu.memory_space<vmem>> -> memref<128xf32, #tpu.memory_space<vmem>>
    %dma_wait3A_947 = arith.constant 128 : i32
    %dma_wait3A_948 = tpu.memref_slice %arg6[%dma_wait3A_944, %dma_wait3A_947] : memref<26x512xi32, #tpu.memory_space<vmem>> -> memref<1x128xi32, #tpu.memory_space<vmem>>
    %dma_wait3A_949 = tpu.memref_squeeze %dma_wait3A_948 : memref<1x128xi32, #tpu.memory_space<vmem>> -> memref<128xi32, #tpu.memory_space<vmem>>
    %dma_wait3A_950 = arith.constant 0 : i32
    %dma_wait3A_951 = tpu.memref_slice %arg10[%dma_wait3A_950] : memref<1040000xf32, #tpu.memory_space<vmem_shared>> -> memref<1040000xf32, #tpu.memory_space<vmem_shared>>
    tpu.wait_indirect_dma semaphore(%arg11 : memref<!tpu.dma_semaphore, #tpu.memory_space<semaphore_mem>>) src(%dma_wait3A_951 : memref<1040000xf32, #tpu.memory_space<vmem_shared>>) dst(%dma_wait3A_946 : memref<128xf32, #tpu.memory_space<vmem>>)
    %dma_wait3A_952 = arith.constant 3 : i32
    %dma_wait3A_953 = arith.constant 1792 : i32
    %dma_wait3A_954 = tpu.memref_slice %arg7[%dma_wait3A_953] : memref<13312xf32, #tpu.memory_space<vmem>> -> memref<128xf32, #tpu.memory_space<vmem>>
    %dma_wait3A_955 = arith.constant 256 : i32
    %dma_wait3A_956 = tpu.memref_slice %arg6[%dma_wait3A_952, %dma_wait3A_955] : memref<26x512xi32, #tpu.memory_space<vmem>> -> memref<1x128xi32, #tpu.memory_space<vmem>>
    %dma_wait3A_957 = tpu.memref_squeeze %dma_wait3A_956 : memref<1x128xi32, #tpu.memory_space<vmem>> -> memref<128xi32, #tpu.memory_space<vmem>>
    %dma_wait3A_958 = arith.constant 0 : i32
    %dma_wait3A_959 = tpu.memref_slice %arg10[%dma_wait3A_958] : memref<1040000xf32, #tpu.memory_space<vmem_shared>> -> memref<1040000xf32, #tpu.memory_space<vmem_shared>>
    tpu.wait_indirect_dma semaphore(%arg11 : memref<!tpu.dma_semaphore, #tpu.memory_space<semaphore_mem>>) src(%dma_wait3A_959 : memref<1040000xf32, #tpu.memory_space<vmem_shared>>) dst(%dma_wait3A_954 : memref<128xf32, #tpu.memory_space<vmem>>)
    %dma_wait3A_960 = arith.constant 3 : i32
    %dma_wait3A_961 = arith.constant 1920 : i32
    %dma_wait3A_962 = tpu.memref_slice %arg7[%dma_wait3A_961] : memref<13312xf32, #tpu.memory_space<vmem>> -> memref<128xf32, #tpu.memory_space<vmem>>
    %dma_wait3A_963 = arith.constant 384 : i32
    %dma_wait3A_964 = tpu.memref_slice %arg6[%dma_wait3A_960, %dma_wait3A_963] : memref<26x512xi32, #tpu.memory_space<vmem>> -> memref<1x128xi32, #tpu.memory_space<vmem>>
    %dma_wait3A_965 = tpu.memref_squeeze %dma_wait3A_964 : memref<1x128xi32, #tpu.memory_space<vmem>> -> memref<128xi32, #tpu.memory_space<vmem>>
    %dma_wait3A_966 = arith.constant 0 : i32
    %dma_wait3A_967 = tpu.memref_slice %arg10[%dma_wait3A_966] : memref<1040000xf32, #tpu.memory_space<vmem_shared>> -> memref<1040000xf32, #tpu.memory_space<vmem_shared>>
    tpu.wait_indirect_dma semaphore(%arg11 : memref<!tpu.dma_semaphore, #tpu.memory_space<semaphore_mem>>) src(%dma_wait3A_967 : memref<1040000xf32, #tpu.memory_space<vmem_shared>>) dst(%dma_wait3A_962 : memref<128xf32, #tpu.memory_space<vmem>>)
    %dma_wait3A_968 = arith.constant 4 : i32
    %dma_wait3A_969 = arith.constant 2048 : i32
    %dma_wait3A_970 = tpu.memref_slice %arg7[%dma_wait3A_969] : memref<13312xf32, #tpu.memory_space<vmem>> -> memref<128xf32, #tpu.memory_space<vmem>>
    %dma_wait3A_971 = arith.constant 0 : i32
    %dma_wait3A_972 = tpu.memref_slice %arg6[%dma_wait3A_968, %dma_wait3A_971] : memref<26x512xi32, #tpu.memory_space<vmem>> -> memref<1x128xi32, #tpu.memory_space<vmem>>
    %dma_wait3A_973 = tpu.memref_squeeze %dma_wait3A_972 : memref<1x128xi32, #tpu.memory_space<vmem>> -> memref<128xi32, #tpu.memory_space<vmem>>
    %dma_wait3A_974 = arith.constant 0 : i32
    %dma_wait3A_975 = tpu.memref_slice %arg10[%dma_wait3A_974] : memref<1040000xf32, #tpu.memory_space<vmem_shared>> -> memref<1040000xf32, #tpu.memory_space<vmem_shared>>
    tpu.wait_indirect_dma semaphore(%arg11 : memref<!tpu.dma_semaphore, #tpu.memory_space<semaphore_mem>>) src(%dma_wait3A_975 : memref<1040000xf32, #tpu.memory_space<vmem_shared>>) dst(%dma_wait3A_970 : memref<128xf32, #tpu.memory_space<vmem>>)
    %dma_wait3A_976 = arith.constant 4 : i32
    %dma_wait3A_977 = arith.constant 2176 : i32
    %dma_wait3A_978 = tpu.memref_slice %arg7[%dma_wait3A_977] : memref<13312xf32, #tpu.memory_space<vmem>> -> memref<128xf32, #tpu.memory_space<vmem>>
    %dma_wait3A_979 = arith.constant 128 : i32
    %dma_wait3A_980 = tpu.memref_slice %arg6[%dma_wait3A_976, %dma_wait3A_979] : memref<26x512xi32, #tpu.memory_space<vmem>> -> memref<1x128xi32, #tpu.memory_space<vmem>>
    %dma_wait3A_981 = tpu.memref_squeeze %dma_wait3A_980 : memref<1x128xi32, #tpu.memory_space<vmem>> -> memref<128xi32, #tpu.memory_space<vmem>>
    %dma_wait3A_982 = arith.constant 0 : i32
    %dma_wait3A_983 = tpu.memref_slice %arg10[%dma_wait3A_982] : memref<1040000xf32, #tpu.memory_space<vmem_shared>> -> memref<1040000xf32, #tpu.memory_space<vmem_shared>>
    tpu.wait_indirect_dma semaphore(%arg11 : memref<!tpu.dma_semaphore, #tpu.memory_space<semaphore_mem>>) src(%dma_wait3A_983 : memref<1040000xf32, #tpu.memory_space<vmem_shared>>) dst(%dma_wait3A_978 : memref<128xf32, #tpu.memory_space<vmem>>)
    %dma_wait3A_984 = arith.constant 4 : i32
    %dma_wait3A_985 = arith.constant 2304 : i32
    %dma_wait3A_986 = tpu.memref_slice %arg7[%dma_wait3A_985] : memref<13312xf32, #tpu.memory_space<vmem>> -> memref<128xf32, #tpu.memory_space<vmem>>
    %dma_wait3A_987 = arith.constant 256 : i32
    %dma_wait3A_988 = tpu.memref_slice %arg6[%dma_wait3A_984, %dma_wait3A_987] : memref<26x512xi32, #tpu.memory_space<vmem>> -> memref<1x128xi32, #tpu.memory_space<vmem>>
    %dma_wait3A_989 = tpu.memref_squeeze %dma_wait3A_988 : memref<1x128xi32, #tpu.memory_space<vmem>> -> memref<128xi32, #tpu.memory_space<vmem>>
    %dma_wait3A_990 = arith.constant 0 : i32
    %dma_wait3A_991 = tpu.memref_slice %arg10[%dma_wait3A_990] : memref<1040000xf32, #tpu.memory_space<vmem_shared>> -> memref<1040000xf32, #tpu.memory_space<vmem_shared>>
    tpu.wait_indirect_dma semaphore(%arg11 : memref<!tpu.dma_semaphore, #tpu.memory_space<semaphore_mem>>) src(%dma_wait3A_991 : memref<1040000xf32, #tpu.memory_space<vmem_shared>>) dst(%dma_wait3A_986 : memref<128xf32, #tpu.memory_space<vmem>>)
    %dma_wait3A_992 = arith.constant 4 : i32
    %dma_wait3A_993 = arith.constant 2432 : i32
    %dma_wait3A_994 = tpu.memref_slice %arg7[%dma_wait3A_993] : memref<13312xf32, #tpu.memory_space<vmem>> -> memref<128xf32, #tpu.memory_space<vmem>>
    %dma_wait3A_995 = arith.constant 384 : i32
    %dma_wait3A_996 = tpu.memref_slice %arg6[%dma_wait3A_992, %dma_wait3A_995] : memref<26x512xi32, #tpu.memory_space<vmem>> -> memref<1x128xi32, #tpu.memory_space<vmem>>
    %dma_wait3A_997 = tpu.memref_squeeze %dma_wait3A_996 : memref<1x128xi32, #tpu.memory_space<vmem>> -> memref<128xi32, #tpu.memory_space<vmem>>
    %dma_wait3A_998 = arith.constant 0 : i32
    %dma_wait3A_999 = tpu.memref_slice %arg10[%dma_wait3A_998] : memref<1040000xf32, #tpu.memory_space<vmem_shared>> -> memref<1040000xf32, #tpu.memory_space<vmem_shared>>
    tpu.wait_indirect_dma semaphore(%arg11 : memref<!tpu.dma_semaphore, #tpu.memory_space<semaphore_mem>>) src(%dma_wait3A_999 : memref<1040000xf32, #tpu.memory_space<vmem_shared>>) dst(%dma_wait3A_994 : memref<128xf32, #tpu.memory_space<vmem>>)
    %dma_wait3A_1000 = arith.constant 5 : i32
    %dma_wait3A_1001 = arith.constant 2560 : i32
    %dma_wait3A_1002 = tpu.memref_slice %arg7[%dma_wait3A_1001] : memref<13312xf32, #tpu.memory_space<vmem>> -> memref<128xf32, #tpu.memory_space<vmem>>
    %dma_wait3A_1003 = arith.constant 0 : i32
    %dma_wait3A_1004 = tpu.memref_slice %arg6[%dma_wait3A_1000, %dma_wait3A_1003] : memref<26x512xi32, #tpu.memory_space<vmem>> -> memref<1x128xi32, #tpu.memory_space<vmem>>
    %dma_wait3A_1005 = tpu.memref_squeeze %dma_wait3A_1004 : memref<1x128xi32, #tpu.memory_space<vmem>> -> memref<128xi32, #tpu.memory_space<vmem>>
    %dma_wait3A_1006 = arith.constant 0 : i32
    %dma_wait3A_1007 = tpu.memref_slice %arg10[%dma_wait3A_1006] : memref<1040000xf32, #tpu.memory_space<vmem_shared>> -> memref<1040000xf32, #tpu.memory_space<vmem_shared>>
    tpu.wait_indirect_dma semaphore(%arg11 : memref<!tpu.dma_semaphore, #tpu.memory_space<semaphore_mem>>) src(%dma_wait3A_1007 : memref<1040000xf32, #tpu.memory_space<vmem_shared>>) dst(%dma_wait3A_1002 : memref<128xf32, #tpu.memory_space<vmem>>)
    %dma_wait3A_1008 = arith.constant 5 : i32
    %dma_wait3A_1009 = arith.constant 2688 : i32
    %dma_wait3A_1010 = tpu.memref_slice %arg7[%dma_wait3A_1009] : memref<13312xf32, #tpu.memory_space<vmem>> -> memref<128xf32, #tpu.memory_space<vmem>>
    %dma_wait3A_1011 = arith.constant 128 : i32
    %dma_wait3A_1012 = tpu.memref_slice %arg6[%dma_wait3A_1008, %dma_wait3A_1011] : memref<26x512xi32, #tpu.memory_space<vmem>> -> memref<1x128xi32, #tpu.memory_space<vmem>>
    %dma_wait3A_1013 = tpu.memref_squeeze %dma_wait3A_1012 : memref<1x128xi32, #tpu.memory_space<vmem>> -> memref<128xi32, #tpu.memory_space<vmem>>
    %dma_wait3A_1014 = arith.constant 0 : i32
    %dma_wait3A_1015 = tpu.memref_slice %arg10[%dma_wait3A_1014] : memref<1040000xf32, #tpu.memory_space<vmem_shared>> -> memref<1040000xf32, #tpu.memory_space<vmem_shared>>
    tpu.wait_indirect_dma semaphore(%arg11 : memref<!tpu.dma_semaphore, #tpu.memory_space<semaphore_mem>>) src(%dma_wait3A_1015 : memref<1040000xf32, #tpu.memory_space<vmem_shared>>) dst(%dma_wait3A_1010 : memref<128xf32, #tpu.memory_space<vmem>>)
    %dma_wait3A_1016 = arith.constant 5 : i32
    %dma_wait3A_1017 = arith.constant 2816 : i32
    %dma_wait3A_1018 = tpu.memref_slice %arg7[%dma_wait3A_1017] : memref<13312xf32, #tpu.memory_space<vmem>> -> memref<128xf32, #tpu.memory_space<vmem>>
    %dma_wait3A_1019 = arith.constant 256 : i32
    %dma_wait3A_1020 = tpu.memref_slice %arg6[%dma_wait3A_1016, %dma_wait3A_1019] : memref<26x512xi32, #tpu.memory_space<vmem>> -> memref<1x128xi32, #tpu.memory_space<vmem>>
    %dma_wait3A_1021 = tpu.memref_squeeze %dma_wait3A_1020 : memref<1x128xi32, #tpu.memory_space<vmem>> -> memref<128xi32, #tpu.memory_space<vmem>>
    %dma_wait3A_1022 = arith.constant 0 : i32
    %dma_wait3A_1023 = tpu.memref_slice %arg10[%dma_wait3A_1022] : memref<1040000xf32, #tpu.memory_space<vmem_shared>> -> memref<1040000xf32, #tpu.memory_space<vmem_shared>>
    tpu.wait_indirect_dma semaphore(%arg11 : memref<!tpu.dma_semaphore, #tpu.memory_space<semaphore_mem>>) src(%dma_wait3A_1023 : memref<1040000xf32, #tpu.memory_space<vmem_shared>>) dst(%dma_wait3A_1018 : memref<128xf32, #tpu.memory_space<vmem>>)
    %dma_wait3A_1024 = arith.constant 5 : i32
    %dma_wait3A_1025 = arith.constant 2944 : i32
    %dma_wait3A_1026 = tpu.memref_slice %arg7[%dma_wait3A_1025] : memref<13312xf32, #tpu.memory_space<vmem>> -> memref<128xf32, #tpu.memory_space<vmem>>
    %dma_wait3A_1027 = arith.constant 384 : i32
    %dma_wait3A_1028 = tpu.memref_slice %arg6[%dma_wait3A_1024, %dma_wait3A_1027] : memref<26x512xi32, #tpu.memory_space<vmem>> -> memref<1x128xi32, #tpu.memory_space<vmem>>
    %dma_wait3A_1029 = tpu.memref_squeeze %dma_wait3A_1028 : memref<1x128xi32, #tpu.memory_space<vmem>> -> memref<128xi32, #tpu.memory_space<vmem>>
    %dma_wait3A_1030 = arith.constant 0 : i32
    %dma_wait3A_1031 = tpu.memref_slice %arg10[%dma_wait3A_1030] : memref<1040000xf32, #tpu.memory_space<vmem_shared>> -> memref<1040000xf32, #tpu.memory_space<vmem_shared>>
    tpu.wait_indirect_dma semaphore(%arg11 : memref<!tpu.dma_semaphore, #tpu.memory_space<semaphore_mem>>) src(%dma_wait3A_1031 : memref<1040000xf32, #tpu.memory_space<vmem_shared>>) dst(%dma_wait3A_1026 : memref<128xf32, #tpu.memory_space<vmem>>)
    %dma_wait3A_1032 = arith.constant 6 : i32
    %dma_wait3A_1033 = arith.constant 3072 : i32
    %dma_wait3A_1034 = tpu.memref_slice %arg7[%dma_wait3A_1033] : memref<13312xf32, #tpu.memory_space<vmem>> -> memref<128xf32, #tpu.memory_space<vmem>>
    %dma_wait3A_1035 = arith.constant 0 : i32
    %dma_wait3A_1036 = tpu.memref_slice %arg6[%dma_wait3A_1032, %dma_wait3A_1035] : memref<26x512xi32, #tpu.memory_space<vmem>> -> memref<1x128xi32, #tpu.memory_space<vmem>>
    %dma_wait3A_1037 = tpu.memref_squeeze %dma_wait3A_1036 : memref<1x128xi32, #tpu.memory_space<vmem>> -> memref<128xi32, #tpu.memory_space<vmem>>
    %dma_wait3A_1038 = arith.constant 0 : i32
    %dma_wait3A_1039 = tpu.memref_slice %arg10[%dma_wait3A_1038] : memref<1040000xf32, #tpu.memory_space<vmem_shared>> -> memref<1040000xf32, #tpu.memory_space<vmem_shared>>
    tpu.wait_indirect_dma semaphore(%arg11 : memref<!tpu.dma_semaphore, #tpu.memory_space<semaphore_mem>>) src(%dma_wait3A_1039 : memref<1040000xf32, #tpu.memory_space<vmem_shared>>) dst(%dma_wait3A_1034 : memref<128xf32, #tpu.memory_space<vmem>>)
    %dma_wait3A_1040 = arith.constant 6 : i32
    %dma_wait3A_1041 = arith.constant 3200 : i32
    %dma_wait3A_1042 = tpu.memref_slice %arg7[%dma_wait3A_1041] : memref<13312xf32, #tpu.memory_space<vmem>> -> memref<128xf32, #tpu.memory_space<vmem>>
    %dma_wait3A_1043 = arith.constant 128 : i32
    %dma_wait3A_1044 = tpu.memref_slice %arg6[%dma_wait3A_1040, %dma_wait3A_1043] : memref<26x512xi32, #tpu.memory_space<vmem>> -> memref<1x128xi32, #tpu.memory_space<vmem>>
    %dma_wait3A_1045 = tpu.memref_squeeze %dma_wait3A_1044 : memref<1x128xi32, #tpu.memory_space<vmem>> -> memref<128xi32, #tpu.memory_space<vmem>>
    %dma_wait3A_1046 = arith.constant 0 : i32
    %dma_wait3A_1047 = tpu.memref_slice %arg10[%dma_wait3A_1046] : memref<1040000xf32, #tpu.memory_space<vmem_shared>> -> memref<1040000xf32, #tpu.memory_space<vmem_shared>>
    tpu.wait_indirect_dma semaphore(%arg11 : memref<!tpu.dma_semaphore, #tpu.memory_space<semaphore_mem>>) src(%dma_wait3A_1047 : memref<1040000xf32, #tpu.memory_space<vmem_shared>>) dst(%dma_wait3A_1042 : memref<128xf32, #tpu.memory_space<vmem>>)
    %dma_wait3A_1048 = arith.constant 6 : i32
    %dma_wait3A_1049 = arith.constant 3328 : i32
    %dma_wait3A_1050 = tpu.memref_slice %arg7[%dma_wait3A_1049] : memref<13312xf32, #tpu.memory_space<vmem>> -> memref<128xf32, #tpu.memory_space<vmem>>
    %dma_wait3A_1051 = arith.constant 256 : i32
    %dma_wait3A_1052 = tpu.memref_slice %arg6[%dma_wait3A_1048, %dma_wait3A_1051] : memref<26x512xi32, #tpu.memory_space<vmem>> -> memref<1x128xi32, #tpu.memory_space<vmem>>
    %dma_wait3A_1053 = tpu.memref_squeeze %dma_wait3A_1052 : memref<1x128xi32, #tpu.memory_space<vmem>> -> memref<128xi32, #tpu.memory_space<vmem>>
    %dma_wait3A_1054 = arith.constant 0 : i32
    %dma_wait3A_1055 = tpu.memref_slice %arg10[%dma_wait3A_1054] : memref<1040000xf32, #tpu.memory_space<vmem_shared>> -> memref<1040000xf32, #tpu.memory_space<vmem_shared>>
    tpu.wait_indirect_dma semaphore(%arg11 : memref<!tpu.dma_semaphore, #tpu.memory_space<semaphore_mem>>) src(%dma_wait3A_1055 : memref<1040000xf32, #tpu.memory_space<vmem_shared>>) dst(%dma_wait3A_1050 : memref<128xf32, #tpu.memory_space<vmem>>)
    %dma_wait3A_1056 = arith.constant 6 : i32
    %dma_wait3A_1057 = arith.constant 3456 : i32
    %dma_wait3A_1058 = tpu.memref_slice %arg7[%dma_wait3A_1057] : memref<13312xf32, #tpu.memory_space<vmem>> -> memref<128xf32, #tpu.memory_space<vmem>>
    %dma_wait3A_1059 = arith.constant 384 : i32
    %dma_wait3A_1060 = tpu.memref_slice %arg6[%dma_wait3A_1056, %dma_wait3A_1059] : memref<26x512xi32, #tpu.memory_space<vmem>> -> memref<1x128xi32, #tpu.memory_space<vmem>>
    %dma_wait3A_1061 = tpu.memref_squeeze %dma_wait3A_1060 : memref<1x128xi32, #tpu.memory_space<vmem>> -> memref<128xi32, #tpu.memory_space<vmem>>
    %dma_wait3A_1062 = arith.constant 0 : i32
    %dma_wait3A_1063 = tpu.memref_slice %arg10[%dma_wait3A_1062] : memref<1040000xf32, #tpu.memory_space<vmem_shared>> -> memref<1040000xf32, #tpu.memory_space<vmem_shared>>
    tpu.wait_indirect_dma semaphore(%arg11 : memref<!tpu.dma_semaphore, #tpu.memory_space<semaphore_mem>>) src(%dma_wait3A_1063 : memref<1040000xf32, #tpu.memory_space<vmem_shared>>) dst(%dma_wait3A_1058 : memref<128xf32, #tpu.memory_space<vmem>>)
    %dma_wait3A_1064 = arith.constant 7 : i32
    %dma_wait3A_1065 = arith.constant 3584 : i32
    %dma_wait3A_1066 = tpu.memref_slice %arg7[%dma_wait3A_1065] : memref<13312xf32, #tpu.memory_space<vmem>> -> memref<128xf32, #tpu.memory_space<vmem>>
    %dma_wait3A_1067 = arith.constant 0 : i32
    %dma_wait3A_1068 = tpu.memref_slice %arg6[%dma_wait3A_1064, %dma_wait3A_1067] : memref<26x512xi32, #tpu.memory_space<vmem>> -> memref<1x128xi32, #tpu.memory_space<vmem>>
    %dma_wait3A_1069 = tpu.memref_squeeze %dma_wait3A_1068 : memref<1x128xi32, #tpu.memory_space<vmem>> -> memref<128xi32, #tpu.memory_space<vmem>>
    %dma_wait3A_1070 = arith.constant 0 : i32
    %dma_wait3A_1071 = tpu.memref_slice %arg10[%dma_wait3A_1070] : memref<1040000xf32, #tpu.memory_space<vmem_shared>> -> memref<1040000xf32, #tpu.memory_space<vmem_shared>>
    tpu.wait_indirect_dma semaphore(%arg11 : memref<!tpu.dma_semaphore, #tpu.memory_space<semaphore_mem>>) src(%dma_wait3A_1071 : memref<1040000xf32, #tpu.memory_space<vmem_shared>>) dst(%dma_wait3A_1066 : memref<128xf32, #tpu.memory_space<vmem>>)
    %dma_wait3A_1072 = arith.constant 7 : i32
    %dma_wait3A_1073 = arith.constant 3712 : i32
    %dma_wait3A_1074 = tpu.memref_slice %arg7[%dma_wait3A_1073] : memref<13312xf32, #tpu.memory_space<vmem>> -> memref<128xf32, #tpu.memory_space<vmem>>
    %dma_wait3A_1075 = arith.constant 128 : i32
    %dma_wait3A_1076 = tpu.memref_slice %arg6[%dma_wait3A_1072, %dma_wait3A_1075] : memref<26x512xi32, #tpu.memory_space<vmem>> -> memref<1x128xi32, #tpu.memory_space<vmem>>
    %dma_wait3A_1077 = tpu.memref_squeeze %dma_wait3A_1076 : memref<1x128xi32, #tpu.memory_space<vmem>> -> memref<128xi32, #tpu.memory_space<vmem>>
    %dma_wait3A_1078 = arith.constant 0 : i32
    %dma_wait3A_1079 = tpu.memref_slice %arg10[%dma_wait3A_1078] : memref<1040000xf32, #tpu.memory_space<vmem_shared>> -> memref<1040000xf32, #tpu.memory_space<vmem_shared>>
    tpu.wait_indirect_dma semaphore(%arg11 : memref<!tpu.dma_semaphore, #tpu.memory_space<semaphore_mem>>) src(%dma_wait3A_1079 : memref<1040000xf32, #tpu.memory_space<vmem_shared>>) dst(%dma_wait3A_1074 : memref<128xf32, #tpu.memory_space<vmem>>)
    %dma_wait3A_1080 = arith.constant 7 : i32
    %dma_wait3A_1081 = arith.constant 3840 : i32
    %dma_wait3A_1082 = tpu.memref_slice %arg7[%dma_wait3A_1081] : memref<13312xf32, #tpu.memory_space<vmem>> -> memref<128xf32, #tpu.memory_space<vmem>>
    %dma_wait3A_1083 = arith.constant 256 : i32
    %dma_wait3A_1084 = tpu.memref_slice %arg6[%dma_wait3A_1080, %dma_wait3A_1083] : memref<26x512xi32, #tpu.memory_space<vmem>> -> memref<1x128xi32, #tpu.memory_space<vmem>>
    %dma_wait3A_1085 = tpu.memref_squeeze %dma_wait3A_1084 : memref<1x128xi32, #tpu.memory_space<vmem>> -> memref<128xi32, #tpu.memory_space<vmem>>
    %dma_wait3A_1086 = arith.constant 0 : i32
    %dma_wait3A_1087 = tpu.memref_slice %arg10[%dma_wait3A_1086] : memref<1040000xf32, #tpu.memory_space<vmem_shared>> -> memref<1040000xf32, #tpu.memory_space<vmem_shared>>
    tpu.wait_indirect_dma semaphore(%arg11 : memref<!tpu.dma_semaphore, #tpu.memory_space<semaphore_mem>>) src(%dma_wait3A_1087 : memref<1040000xf32, #tpu.memory_space<vmem_shared>>) dst(%dma_wait3A_1082 : memref<128xf32, #tpu.memory_space<vmem>>)
    %dma_wait3A_1088 = arith.constant 7 : i32
    %dma_wait3A_1089 = arith.constant 3968 : i32
    %dma_wait3A_1090 = tpu.memref_slice %arg7[%dma_wait3A_1089] : memref<13312xf32, #tpu.memory_space<vmem>> -> memref<128xf32, #tpu.memory_space<vmem>>
    %dma_wait3A_1091 = arith.constant 384 : i32
    %dma_wait3A_1092 = tpu.memref_slice %arg6[%dma_wait3A_1088, %dma_wait3A_1091] : memref<26x512xi32, #tpu.memory_space<vmem>> -> memref<1x128xi32, #tpu.memory_space<vmem>>
    %dma_wait3A_1093 = tpu.memref_squeeze %dma_wait3A_1092 : memref<1x128xi32, #tpu.memory_space<vmem>> -> memref<128xi32, #tpu.memory_space<vmem>>
    %dma_wait3A_1094 = arith.constant 0 : i32
    %dma_wait3A_1095 = tpu.memref_slice %arg10[%dma_wait3A_1094] : memref<1040000xf32, #tpu.memory_space<vmem_shared>> -> memref<1040000xf32, #tpu.memory_space<vmem_shared>>
    tpu.wait_indirect_dma semaphore(%arg11 : memref<!tpu.dma_semaphore, #tpu.memory_space<semaphore_mem>>) src(%dma_wait3A_1095 : memref<1040000xf32, #tpu.memory_space<vmem_shared>>) dst(%dma_wait3A_1090 : memref<128xf32, #tpu.memory_space<vmem>>)
    %dma_wait3A_1096 = arith.constant 8 : i32
    %dma_wait3A_1097 = arith.constant 4096 : i32
    %dma_wait3A_1098 = tpu.memref_slice %arg7[%dma_wait3A_1097] : memref<13312xf32, #tpu.memory_space<vmem>> -> memref<128xf32, #tpu.memory_space<vmem>>
    %dma_wait3A_1099 = arith.constant 0 : i32
    %dma_wait3A_1100 = tpu.memref_slice %arg6[%dma_wait3A_1096, %dma_wait3A_1099] : memref<26x512xi32, #tpu.memory_space<vmem>> -> memref<1x128xi32, #tpu.memory_space<vmem>>
    %dma_wait3A_1101 = tpu.memref_squeeze %dma_wait3A_1100 : memref<1x128xi32, #tpu.memory_space<vmem>> -> memref<128xi32, #tpu.memory_space<vmem>>
    %dma_wait3A_1102 = arith.constant 0 : i32
    %dma_wait3A_1103 = tpu.memref_slice %arg10[%dma_wait3A_1102] : memref<1040000xf32, #tpu.memory_space<vmem_shared>> -> memref<1040000xf32, #tpu.memory_space<vmem_shared>>
    tpu.wait_indirect_dma semaphore(%arg11 : memref<!tpu.dma_semaphore, #tpu.memory_space<semaphore_mem>>) src(%dma_wait3A_1103 : memref<1040000xf32, #tpu.memory_space<vmem_shared>>) dst(%dma_wait3A_1098 : memref<128xf32, #tpu.memory_space<vmem>>)
    %dma_wait3A_1104 = arith.constant 8 : i32
    %dma_wait3A_1105 = arith.constant 4224 : i32
    %dma_wait3A_1106 = tpu.memref_slice %arg7[%dma_wait3A_1105] : memref<13312xf32, #tpu.memory_space<vmem>> -> memref<128xf32, #tpu.memory_space<vmem>>
    %dma_wait3A_1107 = arith.constant 128 : i32
    %dma_wait3A_1108 = tpu.memref_slice %arg6[%dma_wait3A_1104, %dma_wait3A_1107] : memref<26x512xi32, #tpu.memory_space<vmem>> -> memref<1x128xi32, #tpu.memory_space<vmem>>
    %dma_wait3A_1109 = tpu.memref_squeeze %dma_wait3A_1108 : memref<1x128xi32, #tpu.memory_space<vmem>> -> memref<128xi32, #tpu.memory_space<vmem>>
    %dma_wait3A_1110 = arith.constant 0 : i32
    %dma_wait3A_1111 = tpu.memref_slice %arg10[%dma_wait3A_1110] : memref<1040000xf32, #tpu.memory_space<vmem_shared>> -> memref<1040000xf32, #tpu.memory_space<vmem_shared>>
    tpu.wait_indirect_dma semaphore(%arg11 : memref<!tpu.dma_semaphore, #tpu.memory_space<semaphore_mem>>) src(%dma_wait3A_1111 : memref<1040000xf32, #tpu.memory_space<vmem_shared>>) dst(%dma_wait3A_1106 : memref<128xf32, #tpu.memory_space<vmem>>)
    %dma_wait3A_1112 = arith.constant 8 : i32
    %dma_wait3A_1113 = arith.constant 4352 : i32
    %dma_wait3A_1114 = tpu.memref_slice %arg7[%dma_wait3A_1113] : memref<13312xf32, #tpu.memory_space<vmem>> -> memref<128xf32, #tpu.memory_space<vmem>>
    %dma_wait3A_1115 = arith.constant 256 : i32
    %dma_wait3A_1116 = tpu.memref_slice %arg6[%dma_wait3A_1112, %dma_wait3A_1115] : memref<26x512xi32, #tpu.memory_space<vmem>> -> memref<1x128xi32, #tpu.memory_space<vmem>>
    %dma_wait3A_1117 = tpu.memref_squeeze %dma_wait3A_1116 : memref<1x128xi32, #tpu.memory_space<vmem>> -> memref<128xi32, #tpu.memory_space<vmem>>
    %dma_wait3A_1118 = arith.constant 0 : i32
    %dma_wait3A_1119 = tpu.memref_slice %arg10[%dma_wait3A_1118] : memref<1040000xf32, #tpu.memory_space<vmem_shared>> -> memref<1040000xf32, #tpu.memory_space<vmem_shared>>
    tpu.wait_indirect_dma semaphore(%arg11 : memref<!tpu.dma_semaphore, #tpu.memory_space<semaphore_mem>>) src(%dma_wait3A_1119 : memref<1040000xf32, #tpu.memory_space<vmem_shared>>) dst(%dma_wait3A_1114 : memref<128xf32, #tpu.memory_space<vmem>>)
    %dma_wait3A_1120 = arith.constant 8 : i32
    %dma_wait3A_1121 = arith.constant 4480 : i32
    %dma_wait3A_1122 = tpu.memref_slice %arg7[%dma_wait3A_1121] : memref<13312xf32, #tpu.memory_space<vmem>> -> memref<128xf32, #tpu.memory_space<vmem>>
    %dma_wait3A_1123 = arith.constant 384 : i32
    %dma_wait3A_1124 = tpu.memref_slice %arg6[%dma_wait3A_1120, %dma_wait3A_1123] : memref<26x512xi32, #tpu.memory_space<vmem>> -> memref<1x128xi32, #tpu.memory_space<vmem>>
    %dma_wait3A_1125 = tpu.memref_squeeze %dma_wait3A_1124 : memref<1x128xi32, #tpu.memory_space<vmem>> -> memref<128xi32, #tpu.memory_space<vmem>>
    %dma_wait3A_1126 = arith.constant 0 : i32
    %dma_wait3A_1127 = tpu.memref_slice %arg10[%dma_wait3A_1126] : memref<1040000xf32, #tpu.memory_space<vmem_shared>> -> memref<1040000xf32, #tpu.memory_space<vmem_shared>>
    tpu.wait_indirect_dma semaphore(%arg11 : memref<!tpu.dma_semaphore, #tpu.memory_space<semaphore_mem>>) src(%dma_wait3A_1127 : memref<1040000xf32, #tpu.memory_space<vmem_shared>>) dst(%dma_wait3A_1122 : memref<128xf32, #tpu.memory_space<vmem>>)
    %dma_wait3A_1128 = arith.constant 9 : i32
    %dma_wait3A_1129 = arith.constant 4608 : i32
    %dma_wait3A_1130 = tpu.memref_slice %arg7[%dma_wait3A_1129] : memref<13312xf32, #tpu.memory_space<vmem>> -> memref<128xf32, #tpu.memory_space<vmem>>
    %dma_wait3A_1131 = arith.constant 0 : i32
    %dma_wait3A_1132 = tpu.memref_slice %arg6[%dma_wait3A_1128, %dma_wait3A_1131] : memref<26x512xi32, #tpu.memory_space<vmem>> -> memref<1x128xi32, #tpu.memory_space<vmem>>
    %dma_wait3A_1133 = tpu.memref_squeeze %dma_wait3A_1132 : memref<1x128xi32, #tpu.memory_space<vmem>> -> memref<128xi32, #tpu.memory_space<vmem>>
    %dma_wait3A_1134 = arith.constant 0 : i32
    %dma_wait3A_1135 = tpu.memref_slice %arg10[%dma_wait3A_1134] : memref<1040000xf32, #tpu.memory_space<vmem_shared>> -> memref<1040000xf32, #tpu.memory_space<vmem_shared>>
    tpu.wait_indirect_dma semaphore(%arg11 : memref<!tpu.dma_semaphore, #tpu.memory_space<semaphore_mem>>) src(%dma_wait3A_1135 : memref<1040000xf32, #tpu.memory_space<vmem_shared>>) dst(%dma_wait3A_1130 : memref<128xf32, #tpu.memory_space<vmem>>)
    %dma_wait3A_1136 = arith.constant 9 : i32
    %dma_wait3A_1137 = arith.constant 4736 : i32
    %dma_wait3A_1138 = tpu.memref_slice %arg7[%dma_wait3A_1137] : memref<13312xf32, #tpu.memory_space<vmem>> -> memref<128xf32, #tpu.memory_space<vmem>>
    %dma_wait3A_1139 = arith.constant 128 : i32
    %dma_wait3A_1140 = tpu.memref_slice %arg6[%dma_wait3A_1136, %dma_wait3A_1139] : memref<26x512xi32, #tpu.memory_space<vmem>> -> memref<1x128xi32, #tpu.memory_space<vmem>>
    %dma_wait3A_1141 = tpu.memref_squeeze %dma_wait3A_1140 : memref<1x128xi32, #tpu.memory_space<vmem>> -> memref<128xi32, #tpu.memory_space<vmem>>
    %dma_wait3A_1142 = arith.constant 0 : i32
    %dma_wait3A_1143 = tpu.memref_slice %arg10[%dma_wait3A_1142] : memref<1040000xf32, #tpu.memory_space<vmem_shared>> -> memref<1040000xf32, #tpu.memory_space<vmem_shared>>
    tpu.wait_indirect_dma semaphore(%arg11 : memref<!tpu.dma_semaphore, #tpu.memory_space<semaphore_mem>>) src(%dma_wait3A_1143 : memref<1040000xf32, #tpu.memory_space<vmem_shared>>) dst(%dma_wait3A_1138 : memref<128xf32, #tpu.memory_space<vmem>>)
    %dma_wait3A_1144 = arith.constant 9 : i32
    %dma_wait3A_1145 = arith.constant 4864 : i32
    %dma_wait3A_1146 = tpu.memref_slice %arg7[%dma_wait3A_1145] : memref<13312xf32, #tpu.memory_space<vmem>> -> memref<128xf32, #tpu.memory_space<vmem>>
    %dma_wait3A_1147 = arith.constant 256 : i32
    %dma_wait3A_1148 = tpu.memref_slice %arg6[%dma_wait3A_1144, %dma_wait3A_1147] : memref<26x512xi32, #tpu.memory_space<vmem>> -> memref<1x128xi32, #tpu.memory_space<vmem>>
    %dma_wait3A_1149 = tpu.memref_squeeze %dma_wait3A_1148 : memref<1x128xi32, #tpu.memory_space<vmem>> -> memref<128xi32, #tpu.memory_space<vmem>>
    %dma_wait3A_1150 = arith.constant 0 : i32
    %dma_wait3A_1151 = tpu.memref_slice %arg10[%dma_wait3A_1150] : memref<1040000xf32, #tpu.memory_space<vmem_shared>> -> memref<1040000xf32, #tpu.memory_space<vmem_shared>>
    tpu.wait_indirect_dma semaphore(%arg11 : memref<!tpu.dma_semaphore, #tpu.memory_space<semaphore_mem>>) src(%dma_wait3A_1151 : memref<1040000xf32, #tpu.memory_space<vmem_shared>>) dst(%dma_wait3A_1146 : memref<128xf32, #tpu.memory_space<vmem>>)
    %dma_wait3A_1152 = arith.constant 9 : i32
    %dma_wait3A_1153 = arith.constant 4992 : i32
    %dma_wait3A_1154 = tpu.memref_slice %arg7[%dma_wait3A_1153] : memref<13312xf32, #tpu.memory_space<vmem>> -> memref<128xf32, #tpu.memory_space<vmem>>
    %dma_wait3A_1155 = arith.constant 384 : i32
    %dma_wait3A_1156 = tpu.memref_slice %arg6[%dma_wait3A_1152, %dma_wait3A_1155] : memref<26x512xi32, #tpu.memory_space<vmem>> -> memref<1x128xi32, #tpu.memory_space<vmem>>
    %dma_wait3A_1157 = tpu.memref_squeeze %dma_wait3A_1156 : memref<1x128xi32, #tpu.memory_space<vmem>> -> memref<128xi32, #tpu.memory_space<vmem>>
    %dma_wait3A_1158 = arith.constant 0 : i32
    %dma_wait3A_1159 = tpu.memref_slice %arg10[%dma_wait3A_1158] : memref<1040000xf32, #tpu.memory_space<vmem_shared>> -> memref<1040000xf32, #tpu.memory_space<vmem_shared>>
    tpu.wait_indirect_dma semaphore(%arg11 : memref<!tpu.dma_semaphore, #tpu.memory_space<semaphore_mem>>) src(%dma_wait3A_1159 : memref<1040000xf32, #tpu.memory_space<vmem_shared>>) dst(%dma_wait3A_1154 : memref<128xf32, #tpu.memory_space<vmem>>)
    %dma_wait3A_1160 = arith.constant 10 : i32
    %dma_wait3A_1161 = arith.constant 5120 : i32
    %dma_wait3A_1162 = tpu.memref_slice %arg7[%dma_wait3A_1161] : memref<13312xf32, #tpu.memory_space<vmem>> -> memref<128xf32, #tpu.memory_space<vmem>>
    %dma_wait3A_1163 = arith.constant 0 : i32
    %dma_wait3A_1164 = tpu.memref_slice %arg6[%dma_wait3A_1160, %dma_wait3A_1163] : memref<26x512xi32, #tpu.memory_space<vmem>> -> memref<1x128xi32, #tpu.memory_space<vmem>>
    %dma_wait3A_1165 = tpu.memref_squeeze %dma_wait3A_1164 : memref<1x128xi32, #tpu.memory_space<vmem>> -> memref<128xi32, #tpu.memory_space<vmem>>
    %dma_wait3A_1166 = arith.constant 0 : i32
    %dma_wait3A_1167 = tpu.memref_slice %arg10[%dma_wait3A_1166] : memref<1040000xf32, #tpu.memory_space<vmem_shared>> -> memref<1040000xf32, #tpu.memory_space<vmem_shared>>
    tpu.wait_indirect_dma semaphore(%arg11 : memref<!tpu.dma_semaphore, #tpu.memory_space<semaphore_mem>>) src(%dma_wait3A_1167 : memref<1040000xf32, #tpu.memory_space<vmem_shared>>) dst(%dma_wait3A_1162 : memref<128xf32, #tpu.memory_space<vmem>>)
    %dma_wait3A_1168 = arith.constant 10 : i32
    %dma_wait3A_1169 = arith.constant 5248 : i32
    %dma_wait3A_1170 = tpu.memref_slice %arg7[%dma_wait3A_1169] : memref<13312xf32, #tpu.memory_space<vmem>> -> memref<128xf32, #tpu.memory_space<vmem>>
    %dma_wait3A_1171 = arith.constant 128 : i32
    %dma_wait3A_1172 = tpu.memref_slice %arg6[%dma_wait3A_1168, %dma_wait3A_1171] : memref<26x512xi32, #tpu.memory_space<vmem>> -> memref<1x128xi32, #tpu.memory_space<vmem>>
    %dma_wait3A_1173 = tpu.memref_squeeze %dma_wait3A_1172 : memref<1x128xi32, #tpu.memory_space<vmem>> -> memref<128xi32, #tpu.memory_space<vmem>>
    %dma_wait3A_1174 = arith.constant 0 : i32
    %dma_wait3A_1175 = tpu.memref_slice %arg10[%dma_wait3A_1174] : memref<1040000xf32, #tpu.memory_space<vmem_shared>> -> memref<1040000xf32, #tpu.memory_space<vmem_shared>>
    tpu.wait_indirect_dma semaphore(%arg11 : memref<!tpu.dma_semaphore, #tpu.memory_space<semaphore_mem>>) src(%dma_wait3A_1175 : memref<1040000xf32, #tpu.memory_space<vmem_shared>>) dst(%dma_wait3A_1170 : memref<128xf32, #tpu.memory_space<vmem>>)
    %dma_wait3A_1176 = arith.constant 10 : i32
    %dma_wait3A_1177 = arith.constant 5376 : i32
    %dma_wait3A_1178 = tpu.memref_slice %arg7[%dma_wait3A_1177] : memref<13312xf32, #tpu.memory_space<vmem>> -> memref<128xf32, #tpu.memory_space<vmem>>
    %dma_wait3A_1179 = arith.constant 256 : i32
    %dma_wait3A_1180 = tpu.memref_slice %arg6[%dma_wait3A_1176, %dma_wait3A_1179] : memref<26x512xi32, #tpu.memory_space<vmem>> -> memref<1x128xi32, #tpu.memory_space<vmem>>
    %dma_wait3A_1181 = tpu.memref_squeeze %dma_wait3A_1180 : memref<1x128xi32, #tpu.memory_space<vmem>> -> memref<128xi32, #tpu.memory_space<vmem>>
    %dma_wait3A_1182 = arith.constant 0 : i32
    %dma_wait3A_1183 = tpu.memref_slice %arg10[%dma_wait3A_1182] : memref<1040000xf32, #tpu.memory_space<vmem_shared>> -> memref<1040000xf32, #tpu.memory_space<vmem_shared>>
    tpu.wait_indirect_dma semaphore(%arg11 : memref<!tpu.dma_semaphore, #tpu.memory_space<semaphore_mem>>) src(%dma_wait3A_1183 : memref<1040000xf32, #tpu.memory_space<vmem_shared>>) dst(%dma_wait3A_1178 : memref<128xf32, #tpu.memory_space<vmem>>)
    %dma_wait3A_1184 = arith.constant 10 : i32
    %dma_wait3A_1185 = arith.constant 5504 : i32
    %dma_wait3A_1186 = tpu.memref_slice %arg7[%dma_wait3A_1185] : memref<13312xf32, #tpu.memory_space<vmem>> -> memref<128xf32, #tpu.memory_space<vmem>>
    %dma_wait3A_1187 = arith.constant 384 : i32
    %dma_wait3A_1188 = tpu.memref_slice %arg6[%dma_wait3A_1184, %dma_wait3A_1187] : memref<26x512xi32, #tpu.memory_space<vmem>> -> memref<1x128xi32, #tpu.memory_space<vmem>>
    %dma_wait3A_1189 = tpu.memref_squeeze %dma_wait3A_1188 : memref<1x128xi32, #tpu.memory_space<vmem>> -> memref<128xi32, #tpu.memory_space<vmem>>
    %dma_wait3A_1190 = arith.constant 0 : i32
    %dma_wait3A_1191 = tpu.memref_slice %arg10[%dma_wait3A_1190] : memref<1040000xf32, #tpu.memory_space<vmem_shared>> -> memref<1040000xf32, #tpu.memory_space<vmem_shared>>
    tpu.wait_indirect_dma semaphore(%arg11 : memref<!tpu.dma_semaphore, #tpu.memory_space<semaphore_mem>>) src(%dma_wait3A_1191 : memref<1040000xf32, #tpu.memory_space<vmem_shared>>) dst(%dma_wait3A_1186 : memref<128xf32, #tpu.memory_space<vmem>>)
    %dma_wait3A_1192 = arith.constant 11 : i32
    %dma_wait3A_1193 = arith.constant 5632 : i32
    %dma_wait3A_1194 = tpu.memref_slice %arg7[%dma_wait3A_1193] : memref<13312xf32, #tpu.memory_space<vmem>> -> memref<128xf32, #tpu.memory_space<vmem>>
    %dma_wait3A_1195 = arith.constant 0 : i32
    %dma_wait3A_1196 = tpu.memref_slice %arg6[%dma_wait3A_1192, %dma_wait3A_1195] : memref<26x512xi32, #tpu.memory_space<vmem>> -> memref<1x128xi32, #tpu.memory_space<vmem>>
    %dma_wait3A_1197 = tpu.memref_squeeze %dma_wait3A_1196 : memref<1x128xi32, #tpu.memory_space<vmem>> -> memref<128xi32, #tpu.memory_space<vmem>>
    %dma_wait3A_1198 = arith.constant 0 : i32
    %dma_wait3A_1199 = tpu.memref_slice %arg10[%dma_wait3A_1198] : memref<1040000xf32, #tpu.memory_space<vmem_shared>> -> memref<1040000xf32, #tpu.memory_space<vmem_shared>>
    tpu.wait_indirect_dma semaphore(%arg11 : memref<!tpu.dma_semaphore, #tpu.memory_space<semaphore_mem>>) src(%dma_wait3A_1199 : memref<1040000xf32, #tpu.memory_space<vmem_shared>>) dst(%dma_wait3A_1194 : memref<128xf32, #tpu.memory_space<vmem>>)
    %dma_wait3A_1200 = arith.constant 11 : i32
    %dma_wait3A_1201 = arith.constant 5760 : i32
    %dma_wait3A_1202 = tpu.memref_slice %arg7[%dma_wait3A_1201] : memref<13312xf32, #tpu.memory_space<vmem>> -> memref<128xf32, #tpu.memory_space<vmem>>
    %dma_wait3A_1203 = arith.constant 128 : i32
    %dma_wait3A_1204 = tpu.memref_slice %arg6[%dma_wait3A_1200, %dma_wait3A_1203] : memref<26x512xi32, #tpu.memory_space<vmem>> -> memref<1x128xi32, #tpu.memory_space<vmem>>
    %dma_wait3A_1205 = tpu.memref_squeeze %dma_wait3A_1204 : memref<1x128xi32, #tpu.memory_space<vmem>> -> memref<128xi32, #tpu.memory_space<vmem>>
    %dma_wait3A_1206 = arith.constant 0 : i32
    %dma_wait3A_1207 = tpu.memref_slice %arg10[%dma_wait3A_1206] : memref<1040000xf32, #tpu.memory_space<vmem_shared>> -> memref<1040000xf32, #tpu.memory_space<vmem_shared>>
    tpu.wait_indirect_dma semaphore(%arg11 : memref<!tpu.dma_semaphore, #tpu.memory_space<semaphore_mem>>) src(%dma_wait3A_1207 : memref<1040000xf32, #tpu.memory_space<vmem_shared>>) dst(%dma_wait3A_1202 : memref<128xf32, #tpu.memory_space<vmem>>)
    %dma_wait3A_1208 = arith.constant 11 : i32
    %dma_wait3A_1209 = arith.constant 5888 : i32
    %dma_wait3A_1210 = tpu.memref_slice %arg7[%dma_wait3A_1209] : memref<13312xf32, #tpu.memory_space<vmem>> -> memref<128xf32, #tpu.memory_space<vmem>>
    %dma_wait3A_1211 = arith.constant 256 : i32
    %dma_wait3A_1212 = tpu.memref_slice %arg6[%dma_wait3A_1208, %dma_wait3A_1211] : memref<26x512xi32, #tpu.memory_space<vmem>> -> memref<1x128xi32, #tpu.memory_space<vmem>>
    %dma_wait3A_1213 = tpu.memref_squeeze %dma_wait3A_1212 : memref<1x128xi32, #tpu.memory_space<vmem>> -> memref<128xi32, #tpu.memory_space<vmem>>
    %dma_wait3A_1214 = arith.constant 0 : i32
    %dma_wait3A_1215 = tpu.memref_slice %arg10[%dma_wait3A_1214] : memref<1040000xf32, #tpu.memory_space<vmem_shared>> -> memref<1040000xf32, #tpu.memory_space<vmem_shared>>
    tpu.wait_indirect_dma semaphore(%arg11 : memref<!tpu.dma_semaphore, #tpu.memory_space<semaphore_mem>>) src(%dma_wait3A_1215 : memref<1040000xf32, #tpu.memory_space<vmem_shared>>) dst(%dma_wait3A_1210 : memref<128xf32, #tpu.memory_space<vmem>>)
    %dma_wait3A_1216 = arith.constant 11 : i32
    %dma_wait3A_1217 = arith.constant 6016 : i32
    %dma_wait3A_1218 = tpu.memref_slice %arg7[%dma_wait3A_1217] : memref<13312xf32, #tpu.memory_space<vmem>> -> memref<128xf32, #tpu.memory_space<vmem>>
    %dma_wait3A_1219 = arith.constant 384 : i32
    %dma_wait3A_1220 = tpu.memref_slice %arg6[%dma_wait3A_1216, %dma_wait3A_1219] : memref<26x512xi32, #tpu.memory_space<vmem>> -> memref<1x128xi32, #tpu.memory_space<vmem>>
    %dma_wait3A_1221 = tpu.memref_squeeze %dma_wait3A_1220 : memref<1x128xi32, #tpu.memory_space<vmem>> -> memref<128xi32, #tpu.memory_space<vmem>>
    %dma_wait3A_1222 = arith.constant 0 : i32
    %dma_wait3A_1223 = tpu.memref_slice %arg10[%dma_wait3A_1222] : memref<1040000xf32, #tpu.memory_space<vmem_shared>> -> memref<1040000xf32, #tpu.memory_space<vmem_shared>>
    tpu.wait_indirect_dma semaphore(%arg11 : memref<!tpu.dma_semaphore, #tpu.memory_space<semaphore_mem>>) src(%dma_wait3A_1223 : memref<1040000xf32, #tpu.memory_space<vmem_shared>>) dst(%dma_wait3A_1218 : memref<128xf32, #tpu.memory_space<vmem>>)
    %dma_wait3A_1224 = arith.constant 12 : i32
    %dma_wait3A_1225 = arith.constant 6144 : i32
    %dma_wait3A_1226 = tpu.memref_slice %arg7[%dma_wait3A_1225] : memref<13312xf32, #tpu.memory_space<vmem>> -> memref<128xf32, #tpu.memory_space<vmem>>
    %dma_wait3A_1227 = arith.constant 0 : i32
    %dma_wait3A_1228 = tpu.memref_slice %arg6[%dma_wait3A_1224, %dma_wait3A_1227] : memref<26x512xi32, #tpu.memory_space<vmem>> -> memref<1x128xi32, #tpu.memory_space<vmem>>
    %dma_wait3A_1229 = tpu.memref_squeeze %dma_wait3A_1228 : memref<1x128xi32, #tpu.memory_space<vmem>> -> memref<128xi32, #tpu.memory_space<vmem>>
    %dma_wait3A_1230 = arith.constant 0 : i32
    %dma_wait3A_1231 = tpu.memref_slice %arg10[%dma_wait3A_1230] : memref<1040000xf32, #tpu.memory_space<vmem_shared>> -> memref<1040000xf32, #tpu.memory_space<vmem_shared>>
    tpu.wait_indirect_dma semaphore(%arg11 : memref<!tpu.dma_semaphore, #tpu.memory_space<semaphore_mem>>) src(%dma_wait3A_1231 : memref<1040000xf32, #tpu.memory_space<vmem_shared>>) dst(%dma_wait3A_1226 : memref<128xf32, #tpu.memory_space<vmem>>)
    %dma_wait3A_1232 = arith.constant 12 : i32
    %dma_wait3A_1233 = arith.constant 6272 : i32
    %dma_wait3A_1234 = tpu.memref_slice %arg7[%dma_wait3A_1233] : memref<13312xf32, #tpu.memory_space<vmem>> -> memref<128xf32, #tpu.memory_space<vmem>>
    %dma_wait3A_1235 = arith.constant 128 : i32
    %dma_wait3A_1236 = tpu.memref_slice %arg6[%dma_wait3A_1232, %dma_wait3A_1235] : memref<26x512xi32, #tpu.memory_space<vmem>> -> memref<1x128xi32, #tpu.memory_space<vmem>>
    %dma_wait3A_1237 = tpu.memref_squeeze %dma_wait3A_1236 : memref<1x128xi32, #tpu.memory_space<vmem>> -> memref<128xi32, #tpu.memory_space<vmem>>
    %dma_wait3A_1238 = arith.constant 0 : i32
    %dma_wait3A_1239 = tpu.memref_slice %arg10[%dma_wait3A_1238] : memref<1040000xf32, #tpu.memory_space<vmem_shared>> -> memref<1040000xf32, #tpu.memory_space<vmem_shared>>
    tpu.wait_indirect_dma semaphore(%arg11 : memref<!tpu.dma_semaphore, #tpu.memory_space<semaphore_mem>>) src(%dma_wait3A_1239 : memref<1040000xf32, #tpu.memory_space<vmem_shared>>) dst(%dma_wait3A_1234 : memref<128xf32, #tpu.memory_space<vmem>>)
    %dma_wait3A_1240 = arith.constant 12 : i32
    %dma_wait3A_1241 = arith.constant 6400 : i32
    %dma_wait3A_1242 = tpu.memref_slice %arg7[%dma_wait3A_1241] : memref<13312xf32, #tpu.memory_space<vmem>> -> memref<128xf32, #tpu.memory_space<vmem>>
    %dma_wait3A_1243 = arith.constant 256 : i32
    %dma_wait3A_1244 = tpu.memref_slice %arg6[%dma_wait3A_1240, %dma_wait3A_1243] : memref<26x512xi32, #tpu.memory_space<vmem>> -> memref<1x128xi32, #tpu.memory_space<vmem>>
    %dma_wait3A_1245 = tpu.memref_squeeze %dma_wait3A_1244 : memref<1x128xi32, #tpu.memory_space<vmem>> -> memref<128xi32, #tpu.memory_space<vmem>>
    %dma_wait3A_1246 = arith.constant 0 : i32
    %dma_wait3A_1247 = tpu.memref_slice %arg10[%dma_wait3A_1246] : memref<1040000xf32, #tpu.memory_space<vmem_shared>> -> memref<1040000xf32, #tpu.memory_space<vmem_shared>>
    tpu.wait_indirect_dma semaphore(%arg11 : memref<!tpu.dma_semaphore, #tpu.memory_space<semaphore_mem>>) src(%dma_wait3A_1247 : memref<1040000xf32, #tpu.memory_space<vmem_shared>>) dst(%dma_wait3A_1242 : memref<128xf32, #tpu.memory_space<vmem>>)
    %dma_wait3A_1248 = arith.constant 12 : i32
    %dma_wait3A_1249 = arith.constant 6528 : i32
    %dma_wait3A_1250 = tpu.memref_slice %arg7[%dma_wait3A_1249] : memref<13312xf32, #tpu.memory_space<vmem>> -> memref<128xf32, #tpu.memory_space<vmem>>
    %dma_wait3A_1251 = arith.constant 384 : i32
    %dma_wait3A_1252 = tpu.memref_slice %arg6[%dma_wait3A_1248, %dma_wait3A_1251] : memref<26x512xi32, #tpu.memory_space<vmem>> -> memref<1x128xi32, #tpu.memory_space<vmem>>
    %dma_wait3A_1253 = tpu.memref_squeeze %dma_wait3A_1252 : memref<1x128xi32, #tpu.memory_space<vmem>> -> memref<128xi32, #tpu.memory_space<vmem>>
    %dma_wait3A_1254 = arith.constant 0 : i32
    %dma_wait3A_1255 = tpu.memref_slice %arg10[%dma_wait3A_1254] : memref<1040000xf32, #tpu.memory_space<vmem_shared>> -> memref<1040000xf32, #tpu.memory_space<vmem_shared>>
    tpu.wait_indirect_dma semaphore(%arg11 : memref<!tpu.dma_semaphore, #tpu.memory_space<semaphore_mem>>) src(%dma_wait3A_1255 : memref<1040000xf32, #tpu.memory_space<vmem_shared>>) dst(%dma_wait3A_1250 : memref<128xf32, #tpu.memory_space<vmem>>)
    %dma_wait3A_1256 = arith.constant 13 : i32
    %dma_wait3A_1257 = arith.constant 6656 : i32
    %dma_wait3A_1258 = tpu.memref_slice %arg7[%dma_wait3A_1257] : memref<13312xf32, #tpu.memory_space<vmem>> -> memref<128xf32, #tpu.memory_space<vmem>>
    %dma_wait3A_1259 = arith.constant 0 : i32
    %dma_wait3A_1260 = tpu.memref_slice %arg6[%dma_wait3A_1256, %dma_wait3A_1259] : memref<26x512xi32, #tpu.memory_space<vmem>> -> memref<1x128xi32, #tpu.memory_space<vmem>>
    %dma_wait3A_1261 = tpu.memref_squeeze %dma_wait3A_1260 : memref<1x128xi32, #tpu.memory_space<vmem>> -> memref<128xi32, #tpu.memory_space<vmem>>
    %dma_wait3A_1262 = arith.constant 0 : i32
    %dma_wait3A_1263 = tpu.memref_slice %arg10[%dma_wait3A_1262] : memref<1040000xf32, #tpu.memory_space<vmem_shared>> -> memref<1040000xf32, #tpu.memory_space<vmem_shared>>
    tpu.wait_indirect_dma semaphore(%arg11 : memref<!tpu.dma_semaphore, #tpu.memory_space<semaphore_mem>>) src(%dma_wait3A_1263 : memref<1040000xf32, #tpu.memory_space<vmem_shared>>) dst(%dma_wait3A_1258 : memref<128xf32, #tpu.memory_space<vmem>>)
    %dma_wait3A_1264 = arith.constant 13 : i32
    %dma_wait3A_1265 = arith.constant 6784 : i32
    %dma_wait3A_1266 = tpu.memref_slice %arg7[%dma_wait3A_1265] : memref<13312xf32, #tpu.memory_space<vmem>> -> memref<128xf32, #tpu.memory_space<vmem>>
    %dma_wait3A_1267 = arith.constant 128 : i32
    %dma_wait3A_1268 = tpu.memref_slice %arg6[%dma_wait3A_1264, %dma_wait3A_1267] : memref<26x512xi32, #tpu.memory_space<vmem>> -> memref<1x128xi32, #tpu.memory_space<vmem>>
    %dma_wait3A_1269 = tpu.memref_squeeze %dma_wait3A_1268 : memref<1x128xi32, #tpu.memory_space<vmem>> -> memref<128xi32, #tpu.memory_space<vmem>>
    %dma_wait3A_1270 = arith.constant 0 : i32
    %dma_wait3A_1271 = tpu.memref_slice %arg10[%dma_wait3A_1270] : memref<1040000xf32, #tpu.memory_space<vmem_shared>> -> memref<1040000xf32, #tpu.memory_space<vmem_shared>>
    tpu.wait_indirect_dma semaphore(%arg11 : memref<!tpu.dma_semaphore, #tpu.memory_space<semaphore_mem>>) src(%dma_wait3A_1271 : memref<1040000xf32, #tpu.memory_space<vmem_shared>>) dst(%dma_wait3A_1266 : memref<128xf32, #tpu.memory_space<vmem>>)
    %dma_wait3A_1272 = arith.constant 13 : i32
    %dma_wait3A_1273 = arith.constant 6912 : i32
    %dma_wait3A_1274 = tpu.memref_slice %arg7[%dma_wait3A_1273] : memref<13312xf32, #tpu.memory_space<vmem>> -> memref<128xf32, #tpu.memory_space<vmem>>
    %dma_wait3A_1275 = arith.constant 256 : i32
    %dma_wait3A_1276 = tpu.memref_slice %arg6[%dma_wait3A_1272, %dma_wait3A_1275] : memref<26x512xi32, #tpu.memory_space<vmem>> -> memref<1x128xi32, #tpu.memory_space<vmem>>
    %dma_wait3A_1277 = tpu.memref_squeeze %dma_wait3A_1276 : memref<1x128xi32, #tpu.memory_space<vmem>> -> memref<128xi32, #tpu.memory_space<vmem>>
    %dma_wait3A_1278 = arith.constant 0 : i32
    %dma_wait3A_1279 = tpu.memref_slice %arg10[%dma_wait3A_1278] : memref<1040000xf32, #tpu.memory_space<vmem_shared>> -> memref<1040000xf32, #tpu.memory_space<vmem_shared>>
    tpu.wait_indirect_dma semaphore(%arg11 : memref<!tpu.dma_semaphore, #tpu.memory_space<semaphore_mem>>) src(%dma_wait3A_1279 : memref<1040000xf32, #tpu.memory_space<vmem_shared>>) dst(%dma_wait3A_1274 : memref<128xf32, #tpu.memory_space<vmem>>)
    %dma_wait3A_1280 = arith.constant 13 : i32
    %dma_wait3A_1281 = arith.constant 7040 : i32
    %dma_wait3A_1282 = tpu.memref_slice %arg7[%dma_wait3A_1281] : memref<13312xf32, #tpu.memory_space<vmem>> -> memref<128xf32, #tpu.memory_space<vmem>>
    %dma_wait3A_1283 = arith.constant 384 : i32
    %dma_wait3A_1284 = tpu.memref_slice %arg6[%dma_wait3A_1280, %dma_wait3A_1283] : memref<26x512xi32, #tpu.memory_space<vmem>> -> memref<1x128xi32, #tpu.memory_space<vmem>>
    %dma_wait3A_1285 = tpu.memref_squeeze %dma_wait3A_1284 : memref<1x128xi32, #tpu.memory_space<vmem>> -> memref<128xi32, #tpu.memory_space<vmem>>
    %dma_wait3A_1286 = arith.constant 0 : i32
    %dma_wait3A_1287 = tpu.memref_slice %arg10[%dma_wait3A_1286] : memref<1040000xf32, #tpu.memory_space<vmem_shared>> -> memref<1040000xf32, #tpu.memory_space<vmem_shared>>
    tpu.wait_indirect_dma semaphore(%arg11 : memref<!tpu.dma_semaphore, #tpu.memory_space<semaphore_mem>>) src(%dma_wait3A_1287 : memref<1040000xf32, #tpu.memory_space<vmem_shared>>) dst(%dma_wait3A_1282 : memref<128xf32, #tpu.memory_space<vmem>>)
    %dma_wait3A_1288 = arith.constant 14 : i32
    %dma_wait3A_1289 = arith.constant 7168 : i32
    %dma_wait3A_1290 = tpu.memref_slice %arg7[%dma_wait3A_1289] : memref<13312xf32, #tpu.memory_space<vmem>> -> memref<128xf32, #tpu.memory_space<vmem>>
    %dma_wait3A_1291 = arith.constant 0 : i32
    %dma_wait3A_1292 = tpu.memref_slice %arg6[%dma_wait3A_1288, %dma_wait3A_1291] : memref<26x512xi32, #tpu.memory_space<vmem>> -> memref<1x128xi32, #tpu.memory_space<vmem>>
    %dma_wait3A_1293 = tpu.memref_squeeze %dma_wait3A_1292 : memref<1x128xi32, #tpu.memory_space<vmem>> -> memref<128xi32, #tpu.memory_space<vmem>>
    %dma_wait3A_1294 = arith.constant 0 : i32
    %dma_wait3A_1295 = tpu.memref_slice %arg10[%dma_wait3A_1294] : memref<1040000xf32, #tpu.memory_space<vmem_shared>> -> memref<1040000xf32, #tpu.memory_space<vmem_shared>>
    tpu.wait_indirect_dma semaphore(%arg11 : memref<!tpu.dma_semaphore, #tpu.memory_space<semaphore_mem>>) src(%dma_wait3A_1295 : memref<1040000xf32, #tpu.memory_space<vmem_shared>>) dst(%dma_wait3A_1290 : memref<128xf32, #tpu.memory_space<vmem>>)
    %dma_wait3A_1296 = arith.constant 14 : i32
    %dma_wait3A_1297 = arith.constant 7296 : i32
    %dma_wait3A_1298 = tpu.memref_slice %arg7[%dma_wait3A_1297] : memref<13312xf32, #tpu.memory_space<vmem>> -> memref<128xf32, #tpu.memory_space<vmem>>
    %dma_wait3A_1299 = arith.constant 128 : i32
    %dma_wait3A_1300 = tpu.memref_slice %arg6[%dma_wait3A_1296, %dma_wait3A_1299] : memref<26x512xi32, #tpu.memory_space<vmem>> -> memref<1x128xi32, #tpu.memory_space<vmem>>
    %dma_wait3A_1301 = tpu.memref_squeeze %dma_wait3A_1300 : memref<1x128xi32, #tpu.memory_space<vmem>> -> memref<128xi32, #tpu.memory_space<vmem>>
    %dma_wait3A_1302 = arith.constant 0 : i32
    %dma_wait3A_1303 = tpu.memref_slice %arg10[%dma_wait3A_1302] : memref<1040000xf32, #tpu.memory_space<vmem_shared>> -> memref<1040000xf32, #tpu.memory_space<vmem_shared>>
    tpu.wait_indirect_dma semaphore(%arg11 : memref<!tpu.dma_semaphore, #tpu.memory_space<semaphore_mem>>) src(%dma_wait3A_1303 : memref<1040000xf32, #tpu.memory_space<vmem_shared>>) dst(%dma_wait3A_1298 : memref<128xf32, #tpu.memory_space<vmem>>)
    %dma_wait3A_1304 = arith.constant 14 : i32
    %dma_wait3A_1305 = arith.constant 7424 : i32
    %dma_wait3A_1306 = tpu.memref_slice %arg7[%dma_wait3A_1305] : memref<13312xf32, #tpu.memory_space<vmem>> -> memref<128xf32, #tpu.memory_space<vmem>>
    %dma_wait3A_1307 = arith.constant 256 : i32
    %dma_wait3A_1308 = tpu.memref_slice %arg6[%dma_wait3A_1304, %dma_wait3A_1307] : memref<26x512xi32, #tpu.memory_space<vmem>> -> memref<1x128xi32, #tpu.memory_space<vmem>>
    %dma_wait3A_1309 = tpu.memref_squeeze %dma_wait3A_1308 : memref<1x128xi32, #tpu.memory_space<vmem>> -> memref<128xi32, #tpu.memory_space<vmem>>
    %dma_wait3A_1310 = arith.constant 0 : i32
    %dma_wait3A_1311 = tpu.memref_slice %arg10[%dma_wait3A_1310] : memref<1040000xf32, #tpu.memory_space<vmem_shared>> -> memref<1040000xf32, #tpu.memory_space<vmem_shared>>
    tpu.wait_indirect_dma semaphore(%arg11 : memref<!tpu.dma_semaphore, #tpu.memory_space<semaphore_mem>>) src(%dma_wait3A_1311 : memref<1040000xf32, #tpu.memory_space<vmem_shared>>) dst(%dma_wait3A_1306 : memref<128xf32, #tpu.memory_space<vmem>>)
    %dma_wait3A_1312 = arith.constant 14 : i32
    %dma_wait3A_1313 = arith.constant 7552 : i32
    %dma_wait3A_1314 = tpu.memref_slice %arg7[%dma_wait3A_1313] : memref<13312xf32, #tpu.memory_space<vmem>> -> memref<128xf32, #tpu.memory_space<vmem>>
    %dma_wait3A_1315 = arith.constant 384 : i32
    %dma_wait3A_1316 = tpu.memref_slice %arg6[%dma_wait3A_1312, %dma_wait3A_1315] : memref<26x512xi32, #tpu.memory_space<vmem>> -> memref<1x128xi32, #tpu.memory_space<vmem>>
    %dma_wait3A_1317 = tpu.memref_squeeze %dma_wait3A_1316 : memref<1x128xi32, #tpu.memory_space<vmem>> -> memref<128xi32, #tpu.memory_space<vmem>>
    %dma_wait3A_1318 = arith.constant 0 : i32
    %dma_wait3A_1319 = tpu.memref_slice %arg10[%dma_wait3A_1318] : memref<1040000xf32, #tpu.memory_space<vmem_shared>> -> memref<1040000xf32, #tpu.memory_space<vmem_shared>>
    tpu.wait_indirect_dma semaphore(%arg11 : memref<!tpu.dma_semaphore, #tpu.memory_space<semaphore_mem>>) src(%dma_wait3A_1319 : memref<1040000xf32, #tpu.memory_space<vmem_shared>>) dst(%dma_wait3A_1314 : memref<128xf32, #tpu.memory_space<vmem>>)
    %dma_wait3A_1320 = arith.constant 15 : i32
    %dma_wait3A_1321 = arith.constant 7680 : i32
    %dma_wait3A_1322 = tpu.memref_slice %arg7[%dma_wait3A_1321] : memref<13312xf32, #tpu.memory_space<vmem>> -> memref<128xf32, #tpu.memory_space<vmem>>
    %dma_wait3A_1323 = arith.constant 0 : i32
    %dma_wait3A_1324 = tpu.memref_slice %arg6[%dma_wait3A_1320, %dma_wait3A_1323] : memref<26x512xi32, #tpu.memory_space<vmem>> -> memref<1x128xi32, #tpu.memory_space<vmem>>
    %dma_wait3A_1325 = tpu.memref_squeeze %dma_wait3A_1324 : memref<1x128xi32, #tpu.memory_space<vmem>> -> memref<128xi32, #tpu.memory_space<vmem>>
    %dma_wait3A_1326 = arith.constant 0 : i32
    %dma_wait3A_1327 = tpu.memref_slice %arg10[%dma_wait3A_1326] : memref<1040000xf32, #tpu.memory_space<vmem_shared>> -> memref<1040000xf32, #tpu.memory_space<vmem_shared>>
    tpu.wait_indirect_dma semaphore(%arg11 : memref<!tpu.dma_semaphore, #tpu.memory_space<semaphore_mem>>) src(%dma_wait3A_1327 : memref<1040000xf32, #tpu.memory_space<vmem_shared>>) dst(%dma_wait3A_1322 : memref<128xf32, #tpu.memory_space<vmem>>)
    %dma_wait3A_1328 = arith.constant 15 : i32
    %dma_wait3A_1329 = arith.constant 7808 : i32
    %dma_wait3A_1330 = tpu.memref_slice %arg7[%dma_wait3A_1329] : memref<13312xf32, #tpu.memory_space<vmem>> -> memref<128xf32, #tpu.memory_space<vmem>>
    %dma_wait3A_1331 = arith.constant 128 : i32
    %dma_wait3A_1332 = tpu.memref_slice %arg6[%dma_wait3A_1328, %dma_wait3A_1331] : memref<26x512xi32, #tpu.memory_space<vmem>> -> memref<1x128xi32, #tpu.memory_space<vmem>>
    %dma_wait3A_1333 = tpu.memref_squeeze %dma_wait3A_1332 : memref<1x128xi32, #tpu.memory_space<vmem>> -> memref<128xi32, #tpu.memory_space<vmem>>
    %dma_wait3A_1334 = arith.constant 0 : i32
    %dma_wait3A_1335 = tpu.memref_slice %arg10[%dma_wait3A_1334] : memref<1040000xf32, #tpu.memory_space<vmem_shared>> -> memref<1040000xf32, #tpu.memory_space<vmem_shared>>
    tpu.wait_indirect_dma semaphore(%arg11 : memref<!tpu.dma_semaphore, #tpu.memory_space<semaphore_mem>>) src(%dma_wait3A_1335 : memref<1040000xf32, #tpu.memory_space<vmem_shared>>) dst(%dma_wait3A_1330 : memref<128xf32, #tpu.memory_space<vmem>>)
    %dma_wait3A_1336 = arith.constant 15 : i32
    %dma_wait3A_1337 = arith.constant 7936 : i32
    %dma_wait3A_1338 = tpu.memref_slice %arg7[%dma_wait3A_1337] : memref<13312xf32, #tpu.memory_space<vmem>> -> memref<128xf32, #tpu.memory_space<vmem>>
    %dma_wait3A_1339 = arith.constant 256 : i32
    %dma_wait3A_1340 = tpu.memref_slice %arg6[%dma_wait3A_1336, %dma_wait3A_1339] : memref<26x512xi32, #tpu.memory_space<vmem>> -> memref<1x128xi32, #tpu.memory_space<vmem>>
    %dma_wait3A_1341 = tpu.memref_squeeze %dma_wait3A_1340 : memref<1x128xi32, #tpu.memory_space<vmem>> -> memref<128xi32, #tpu.memory_space<vmem>>
    %dma_wait3A_1342 = arith.constant 0 : i32
    %dma_wait3A_1343 = tpu.memref_slice %arg10[%dma_wait3A_1342] : memref<1040000xf32, #tpu.memory_space<vmem_shared>> -> memref<1040000xf32, #tpu.memory_space<vmem_shared>>
    tpu.wait_indirect_dma semaphore(%arg11 : memref<!tpu.dma_semaphore, #tpu.memory_space<semaphore_mem>>) src(%dma_wait3A_1343 : memref<1040000xf32, #tpu.memory_space<vmem_shared>>) dst(%dma_wait3A_1338 : memref<128xf32, #tpu.memory_space<vmem>>)
    %dma_wait3A_1344 = arith.constant 15 : i32
    %dma_wait3A_1345 = arith.constant 8064 : i32
    %dma_wait3A_1346 = tpu.memref_slice %arg7[%dma_wait3A_1345] : memref<13312xf32, #tpu.memory_space<vmem>> -> memref<128xf32, #tpu.memory_space<vmem>>
    %dma_wait3A_1347 = arith.constant 384 : i32
    %dma_wait3A_1348 = tpu.memref_slice %arg6[%dma_wait3A_1344, %dma_wait3A_1347] : memref<26x512xi32, #tpu.memory_space<vmem>> -> memref<1x128xi32, #tpu.memory_space<vmem>>
    %dma_wait3A_1349 = tpu.memref_squeeze %dma_wait3A_1348 : memref<1x128xi32, #tpu.memory_space<vmem>> -> memref<128xi32, #tpu.memory_space<vmem>>
    %dma_wait3A_1350 = arith.constant 0 : i32
    %dma_wait3A_1351 = tpu.memref_slice %arg10[%dma_wait3A_1350] : memref<1040000xf32, #tpu.memory_space<vmem_shared>> -> memref<1040000xf32, #tpu.memory_space<vmem_shared>>
    tpu.wait_indirect_dma semaphore(%arg11 : memref<!tpu.dma_semaphore, #tpu.memory_space<semaphore_mem>>) src(%dma_wait3A_1351 : memref<1040000xf32, #tpu.memory_space<vmem_shared>>) dst(%dma_wait3A_1346 : memref<128xf32, #tpu.memory_space<vmem>>)
    %dma_wait3A_1352 = arith.constant 16 : i32
    %dma_wait3A_1353 = arith.constant 8192 : i32
    %dma_wait3A_1354 = tpu.memref_slice %arg7[%dma_wait3A_1353] : memref<13312xf32, #tpu.memory_space<vmem>> -> memref<128xf32, #tpu.memory_space<vmem>>
    %dma_wait3A_1355 = arith.constant 0 : i32
    %dma_wait3A_1356 = tpu.memref_slice %arg6[%dma_wait3A_1352, %dma_wait3A_1355] : memref<26x512xi32, #tpu.memory_space<vmem>> -> memref<1x128xi32, #tpu.memory_space<vmem>>
    %dma_wait3A_1357 = tpu.memref_squeeze %dma_wait3A_1356 : memref<1x128xi32, #tpu.memory_space<vmem>> -> memref<128xi32, #tpu.memory_space<vmem>>
    %dma_wait3A_1358 = arith.constant 0 : i32
    %dma_wait3A_1359 = tpu.memref_slice %arg10[%dma_wait3A_1358] : memref<1040000xf32, #tpu.memory_space<vmem_shared>> -> memref<1040000xf32, #tpu.memory_space<vmem_shared>>
    tpu.wait_indirect_dma semaphore(%arg11 : memref<!tpu.dma_semaphore, #tpu.memory_space<semaphore_mem>>) src(%dma_wait3A_1359 : memref<1040000xf32, #tpu.memory_space<vmem_shared>>) dst(%dma_wait3A_1354 : memref<128xf32, #tpu.memory_space<vmem>>)
    %dma_wait3A_1360 = arith.constant 16 : i32
    %dma_wait3A_1361 = arith.constant 8320 : i32
    %dma_wait3A_1362 = tpu.memref_slice %arg7[%dma_wait3A_1361] : memref<13312xf32, #tpu.memory_space<vmem>> -> memref<128xf32, #tpu.memory_space<vmem>>
    %dma_wait3A_1363 = arith.constant 128 : i32
    %dma_wait3A_1364 = tpu.memref_slice %arg6[%dma_wait3A_1360, %dma_wait3A_1363] : memref<26x512xi32, #tpu.memory_space<vmem>> -> memref<1x128xi32, #tpu.memory_space<vmem>>
    %dma_wait3A_1365 = tpu.memref_squeeze %dma_wait3A_1364 : memref<1x128xi32, #tpu.memory_space<vmem>> -> memref<128xi32, #tpu.memory_space<vmem>>
    %dma_wait3A_1366 = arith.constant 0 : i32
    %dma_wait3A_1367 = tpu.memref_slice %arg10[%dma_wait3A_1366] : memref<1040000xf32, #tpu.memory_space<vmem_shared>> -> memref<1040000xf32, #tpu.memory_space<vmem_shared>>
    tpu.wait_indirect_dma semaphore(%arg11 : memref<!tpu.dma_semaphore, #tpu.memory_space<semaphore_mem>>) src(%dma_wait3A_1367 : memref<1040000xf32, #tpu.memory_space<vmem_shared>>) dst(%dma_wait3A_1362 : memref<128xf32, #tpu.memory_space<vmem>>)
    %dma_wait3A_1368 = arith.constant 16 : i32
    %dma_wait3A_1369 = arith.constant 8448 : i32
    %dma_wait3A_1370 = tpu.memref_slice %arg7[%dma_wait3A_1369] : memref<13312xf32, #tpu.memory_space<vmem>> -> memref<128xf32, #tpu.memory_space<vmem>>
    %dma_wait3A_1371 = arith.constant 256 : i32
    %dma_wait3A_1372 = tpu.memref_slice %arg6[%dma_wait3A_1368, %dma_wait3A_1371] : memref<26x512xi32, #tpu.memory_space<vmem>> -> memref<1x128xi32, #tpu.memory_space<vmem>>
    %dma_wait3A_1373 = tpu.memref_squeeze %dma_wait3A_1372 : memref<1x128xi32, #tpu.memory_space<vmem>> -> memref<128xi32, #tpu.memory_space<vmem>>
    %dma_wait3A_1374 = arith.constant 0 : i32
    %dma_wait3A_1375 = tpu.memref_slice %arg10[%dma_wait3A_1374] : memref<1040000xf32, #tpu.memory_space<vmem_shared>> -> memref<1040000xf32, #tpu.memory_space<vmem_shared>>
    tpu.wait_indirect_dma semaphore(%arg11 : memref<!tpu.dma_semaphore, #tpu.memory_space<semaphore_mem>>) src(%dma_wait3A_1375 : memref<1040000xf32, #tpu.memory_space<vmem_shared>>) dst(%dma_wait3A_1370 : memref<128xf32, #tpu.memory_space<vmem>>)
    %dma_wait3A_1376 = arith.constant 16 : i32
    %dma_wait3A_1377 = arith.constant 8576 : i32
    %dma_wait3A_1378 = tpu.memref_slice %arg7[%dma_wait3A_1377] : memref<13312xf32, #tpu.memory_space<vmem>> -> memref<128xf32, #tpu.memory_space<vmem>>
    %dma_wait3A_1379 = arith.constant 384 : i32
    %dma_wait3A_1380 = tpu.memref_slice %arg6[%dma_wait3A_1376, %dma_wait3A_1379] : memref<26x512xi32, #tpu.memory_space<vmem>> -> memref<1x128xi32, #tpu.memory_space<vmem>>
    %dma_wait3A_1381 = tpu.memref_squeeze %dma_wait3A_1380 : memref<1x128xi32, #tpu.memory_space<vmem>> -> memref<128xi32, #tpu.memory_space<vmem>>
    %dma_wait3A_1382 = arith.constant 0 : i32
    %dma_wait3A_1383 = tpu.memref_slice %arg10[%dma_wait3A_1382] : memref<1040000xf32, #tpu.memory_space<vmem_shared>> -> memref<1040000xf32, #tpu.memory_space<vmem_shared>>
    tpu.wait_indirect_dma semaphore(%arg11 : memref<!tpu.dma_semaphore, #tpu.memory_space<semaphore_mem>>) src(%dma_wait3A_1383 : memref<1040000xf32, #tpu.memory_space<vmem_shared>>) dst(%dma_wait3A_1378 : memref<128xf32, #tpu.memory_space<vmem>>)
    %dma_wait3A_1384 = arith.constant 17 : i32
    %dma_wait3A_1385 = arith.constant 8704 : i32
    %dma_wait3A_1386 = tpu.memref_slice %arg7[%dma_wait3A_1385] : memref<13312xf32, #tpu.memory_space<vmem>> -> memref<128xf32, #tpu.memory_space<vmem>>
    %dma_wait3A_1387 = arith.constant 0 : i32
    %dma_wait3A_1388 = tpu.memref_slice %arg6[%dma_wait3A_1384, %dma_wait3A_1387] : memref<26x512xi32, #tpu.memory_space<vmem>> -> memref<1x128xi32, #tpu.memory_space<vmem>>
    %dma_wait3A_1389 = tpu.memref_squeeze %dma_wait3A_1388 : memref<1x128xi32, #tpu.memory_space<vmem>> -> memref<128xi32, #tpu.memory_space<vmem>>
    %dma_wait3A_1390 = arith.constant 0 : i32
    %dma_wait3A_1391 = tpu.memref_slice %arg10[%dma_wait3A_1390] : memref<1040000xf32, #tpu.memory_space<vmem_shared>> -> memref<1040000xf32, #tpu.memory_space<vmem_shared>>
    tpu.wait_indirect_dma semaphore(%arg11 : memref<!tpu.dma_semaphore, #tpu.memory_space<semaphore_mem>>) src(%dma_wait3A_1391 : memref<1040000xf32, #tpu.memory_space<vmem_shared>>) dst(%dma_wait3A_1386 : memref<128xf32, #tpu.memory_space<vmem>>)
    %dma_wait3A_1392 = arith.constant 17 : i32
    %dma_wait3A_1393 = arith.constant 8832 : i32
    %dma_wait3A_1394 = tpu.memref_slice %arg7[%dma_wait3A_1393] : memref<13312xf32, #tpu.memory_space<vmem>> -> memref<128xf32, #tpu.memory_space<vmem>>
    %dma_wait3A_1395 = arith.constant 128 : i32
    %dma_wait3A_1396 = tpu.memref_slice %arg6[%dma_wait3A_1392, %dma_wait3A_1395] : memref<26x512xi32, #tpu.memory_space<vmem>> -> memref<1x128xi32, #tpu.memory_space<vmem>>
    %dma_wait3A_1397 = tpu.memref_squeeze %dma_wait3A_1396 : memref<1x128xi32, #tpu.memory_space<vmem>> -> memref<128xi32, #tpu.memory_space<vmem>>
    %dma_wait3A_1398 = arith.constant 0 : i32
    %dma_wait3A_1399 = tpu.memref_slice %arg10[%dma_wait3A_1398] : memref<1040000xf32, #tpu.memory_space<vmem_shared>> -> memref<1040000xf32, #tpu.memory_space<vmem_shared>>
    tpu.wait_indirect_dma semaphore(%arg11 : memref<!tpu.dma_semaphore, #tpu.memory_space<semaphore_mem>>) src(%dma_wait3A_1399 : memref<1040000xf32, #tpu.memory_space<vmem_shared>>) dst(%dma_wait3A_1394 : memref<128xf32, #tpu.memory_space<vmem>>)
    %dma_wait3A_1400 = arith.constant 17 : i32
    %dma_wait3A_1401 = arith.constant 8960 : i32
    %dma_wait3A_1402 = tpu.memref_slice %arg7[%dma_wait3A_1401] : memref<13312xf32, #tpu.memory_space<vmem>> -> memref<128xf32, #tpu.memory_space<vmem>>
    %dma_wait3A_1403 = arith.constant 256 : i32
    %dma_wait3A_1404 = tpu.memref_slice %arg6[%dma_wait3A_1400, %dma_wait3A_1403] : memref<26x512xi32, #tpu.memory_space<vmem>> -> memref<1x128xi32, #tpu.memory_space<vmem>>
    %dma_wait3A_1405 = tpu.memref_squeeze %dma_wait3A_1404 : memref<1x128xi32, #tpu.memory_space<vmem>> -> memref<128xi32, #tpu.memory_space<vmem>>
    %dma_wait3A_1406 = arith.constant 0 : i32
    %dma_wait3A_1407 = tpu.memref_slice %arg10[%dma_wait3A_1406] : memref<1040000xf32, #tpu.memory_space<vmem_shared>> -> memref<1040000xf32, #tpu.memory_space<vmem_shared>>
    tpu.wait_indirect_dma semaphore(%arg11 : memref<!tpu.dma_semaphore, #tpu.memory_space<semaphore_mem>>) src(%dma_wait3A_1407 : memref<1040000xf32, #tpu.memory_space<vmem_shared>>) dst(%dma_wait3A_1402 : memref<128xf32, #tpu.memory_space<vmem>>)
    %dma_wait3A_1408 = arith.constant 17 : i32
    %dma_wait3A_1409 = arith.constant 9088 : i32
    %dma_wait3A_1410 = tpu.memref_slice %arg7[%dma_wait3A_1409] : memref<13312xf32, #tpu.memory_space<vmem>> -> memref<128xf32, #tpu.memory_space<vmem>>
    %dma_wait3A_1411 = arith.constant 384 : i32
    %dma_wait3A_1412 = tpu.memref_slice %arg6[%dma_wait3A_1408, %dma_wait3A_1411] : memref<26x512xi32, #tpu.memory_space<vmem>> -> memref<1x128xi32, #tpu.memory_space<vmem>>
    %dma_wait3A_1413 = tpu.memref_squeeze %dma_wait3A_1412 : memref<1x128xi32, #tpu.memory_space<vmem>> -> memref<128xi32, #tpu.memory_space<vmem>>
    %dma_wait3A_1414 = arith.constant 0 : i32
    %dma_wait3A_1415 = tpu.memref_slice %arg10[%dma_wait3A_1414] : memref<1040000xf32, #tpu.memory_space<vmem_shared>> -> memref<1040000xf32, #tpu.memory_space<vmem_shared>>
    tpu.wait_indirect_dma semaphore(%arg11 : memref<!tpu.dma_semaphore, #tpu.memory_space<semaphore_mem>>) src(%dma_wait3A_1415 : memref<1040000xf32, #tpu.memory_space<vmem_shared>>) dst(%dma_wait3A_1410 : memref<128xf32, #tpu.memory_space<vmem>>)
    %dma_wait3A_1416 = arith.constant 18 : i32
    %dma_wait3A_1417 = arith.constant 9216 : i32
    %dma_wait3A_1418 = tpu.memref_slice %arg7[%dma_wait3A_1417] : memref<13312xf32, #tpu.memory_space<vmem>> -> memref<128xf32, #tpu.memory_space<vmem>>
    %dma_wait3A_1419 = arith.constant 0 : i32
    %dma_wait3A_1420 = tpu.memref_slice %arg6[%dma_wait3A_1416, %dma_wait3A_1419] : memref<26x512xi32, #tpu.memory_space<vmem>> -> memref<1x128xi32, #tpu.memory_space<vmem>>
    %dma_wait3A_1421 = tpu.memref_squeeze %dma_wait3A_1420 : memref<1x128xi32, #tpu.memory_space<vmem>> -> memref<128xi32, #tpu.memory_space<vmem>>
    %dma_wait3A_1422 = arith.constant 0 : i32
    %dma_wait3A_1423 = tpu.memref_slice %arg10[%dma_wait3A_1422] : memref<1040000xf32, #tpu.memory_space<vmem_shared>> -> memref<1040000xf32, #tpu.memory_space<vmem_shared>>
    tpu.wait_indirect_dma semaphore(%arg11 : memref<!tpu.dma_semaphore, #tpu.memory_space<semaphore_mem>>) src(%dma_wait3A_1423 : memref<1040000xf32, #tpu.memory_space<vmem_shared>>) dst(%dma_wait3A_1418 : memref<128xf32, #tpu.memory_space<vmem>>)
    %dma_wait3A_1424 = arith.constant 18 : i32
    %dma_wait3A_1425 = arith.constant 9344 : i32
    %dma_wait3A_1426 = tpu.memref_slice %arg7[%dma_wait3A_1425] : memref<13312xf32, #tpu.memory_space<vmem>> -> memref<128xf32, #tpu.memory_space<vmem>>
    %dma_wait3A_1427 = arith.constant 128 : i32
    %dma_wait3A_1428 = tpu.memref_slice %arg6[%dma_wait3A_1424, %dma_wait3A_1427] : memref<26x512xi32, #tpu.memory_space<vmem>> -> memref<1x128xi32, #tpu.memory_space<vmem>>
    %dma_wait3A_1429 = tpu.memref_squeeze %dma_wait3A_1428 : memref<1x128xi32, #tpu.memory_space<vmem>> -> memref<128xi32, #tpu.memory_space<vmem>>
    %dma_wait3A_1430 = arith.constant 0 : i32
    %dma_wait3A_1431 = tpu.memref_slice %arg10[%dma_wait3A_1430] : memref<1040000xf32, #tpu.memory_space<vmem_shared>> -> memref<1040000xf32, #tpu.memory_space<vmem_shared>>
    tpu.wait_indirect_dma semaphore(%arg11 : memref<!tpu.dma_semaphore, #tpu.memory_space<semaphore_mem>>) src(%dma_wait3A_1431 : memref<1040000xf32, #tpu.memory_space<vmem_shared>>) dst(%dma_wait3A_1426 : memref<128xf32, #tpu.memory_space<vmem>>)
    %dma_wait3A_1432 = arith.constant 18 : i32
    %dma_wait3A_1433 = arith.constant 9472 : i32
    %dma_wait3A_1434 = tpu.memref_slice %arg7[%dma_wait3A_1433] : memref<13312xf32, #tpu.memory_space<vmem>> -> memref<128xf32, #tpu.memory_space<vmem>>
    %dma_wait3A_1435 = arith.constant 256 : i32
    %dma_wait3A_1436 = tpu.memref_slice %arg6[%dma_wait3A_1432, %dma_wait3A_1435] : memref<26x512xi32, #tpu.memory_space<vmem>> -> memref<1x128xi32, #tpu.memory_space<vmem>>
    %dma_wait3A_1437 = tpu.memref_squeeze %dma_wait3A_1436 : memref<1x128xi32, #tpu.memory_space<vmem>> -> memref<128xi32, #tpu.memory_space<vmem>>
    %dma_wait3A_1438 = arith.constant 0 : i32
    %dma_wait3A_1439 = tpu.memref_slice %arg10[%dma_wait3A_1438] : memref<1040000xf32, #tpu.memory_space<vmem_shared>> -> memref<1040000xf32, #tpu.memory_space<vmem_shared>>
    tpu.wait_indirect_dma semaphore(%arg11 : memref<!tpu.dma_semaphore, #tpu.memory_space<semaphore_mem>>) src(%dma_wait3A_1439 : memref<1040000xf32, #tpu.memory_space<vmem_shared>>) dst(%dma_wait3A_1434 : memref<128xf32, #tpu.memory_space<vmem>>)
    %dma_wait3A_1440 = arith.constant 18 : i32
    %dma_wait3A_1441 = arith.constant 9600 : i32
    %dma_wait3A_1442 = tpu.memref_slice %arg7[%dma_wait3A_1441] : memref<13312xf32, #tpu.memory_space<vmem>> -> memref<128xf32, #tpu.memory_space<vmem>>
    %dma_wait3A_1443 = arith.constant 384 : i32
    %dma_wait3A_1444 = tpu.memref_slice %arg6[%dma_wait3A_1440, %dma_wait3A_1443] : memref<26x512xi32, #tpu.memory_space<vmem>> -> memref<1x128xi32, #tpu.memory_space<vmem>>
    %dma_wait3A_1445 = tpu.memref_squeeze %dma_wait3A_1444 : memref<1x128xi32, #tpu.memory_space<vmem>> -> memref<128xi32, #tpu.memory_space<vmem>>
    %dma_wait3A_1446 = arith.constant 0 : i32
    %dma_wait3A_1447 = tpu.memref_slice %arg10[%dma_wait3A_1446] : memref<1040000xf32, #tpu.memory_space<vmem_shared>> -> memref<1040000xf32, #tpu.memory_space<vmem_shared>>
    tpu.wait_indirect_dma semaphore(%arg11 : memref<!tpu.dma_semaphore, #tpu.memory_space<semaphore_mem>>) src(%dma_wait3A_1447 : memref<1040000xf32, #tpu.memory_space<vmem_shared>>) dst(%dma_wait3A_1442 : memref<128xf32, #tpu.memory_space<vmem>>)
    %dma_wait3A_1448 = arith.constant 19 : i32
    %dma_wait3A_1449 = arith.constant 9728 : i32
    %dma_wait3A_1450 = tpu.memref_slice %arg7[%dma_wait3A_1449] : memref<13312xf32, #tpu.memory_space<vmem>> -> memref<128xf32, #tpu.memory_space<vmem>>
    %dma_wait3A_1451 = arith.constant 0 : i32
    %dma_wait3A_1452 = tpu.memref_slice %arg6[%dma_wait3A_1448, %dma_wait3A_1451] : memref<26x512xi32, #tpu.memory_space<vmem>> -> memref<1x128xi32, #tpu.memory_space<vmem>>
    %dma_wait3A_1453 = tpu.memref_squeeze %dma_wait3A_1452 : memref<1x128xi32, #tpu.memory_space<vmem>> -> memref<128xi32, #tpu.memory_space<vmem>>
    %dma_wait3A_1454 = arith.constant 0 : i32
    %dma_wait3A_1455 = tpu.memref_slice %arg10[%dma_wait3A_1454] : memref<1040000xf32, #tpu.memory_space<vmem_shared>> -> memref<1040000xf32, #tpu.memory_space<vmem_shared>>
    tpu.wait_indirect_dma semaphore(%arg11 : memref<!tpu.dma_semaphore, #tpu.memory_space<semaphore_mem>>) src(%dma_wait3A_1455 : memref<1040000xf32, #tpu.memory_space<vmem_shared>>) dst(%dma_wait3A_1450 : memref<128xf32, #tpu.memory_space<vmem>>)
    %dma_wait3A_1456 = arith.constant 19 : i32
    %dma_wait3A_1457 = arith.constant 9856 : i32
    %dma_wait3A_1458 = tpu.memref_slice %arg7[%dma_wait3A_1457] : memref<13312xf32, #tpu.memory_space<vmem>> -> memref<128xf32, #tpu.memory_space<vmem>>
    %dma_wait3A_1459 = arith.constant 128 : i32
    %dma_wait3A_1460 = tpu.memref_slice %arg6[%dma_wait3A_1456, %dma_wait3A_1459] : memref<26x512xi32, #tpu.memory_space<vmem>> -> memref<1x128xi32, #tpu.memory_space<vmem>>
    %dma_wait3A_1461 = tpu.memref_squeeze %dma_wait3A_1460 : memref<1x128xi32, #tpu.memory_space<vmem>> -> memref<128xi32, #tpu.memory_space<vmem>>
    %dma_wait3A_1462 = arith.constant 0 : i32
    %dma_wait3A_1463 = tpu.memref_slice %arg10[%dma_wait3A_1462] : memref<1040000xf32, #tpu.memory_space<vmem_shared>> -> memref<1040000xf32, #tpu.memory_space<vmem_shared>>
    tpu.wait_indirect_dma semaphore(%arg11 : memref<!tpu.dma_semaphore, #tpu.memory_space<semaphore_mem>>) src(%dma_wait3A_1463 : memref<1040000xf32, #tpu.memory_space<vmem_shared>>) dst(%dma_wait3A_1458 : memref<128xf32, #tpu.memory_space<vmem>>)
    %dma_wait3A_1464 = arith.constant 19 : i32
    %dma_wait3A_1465 = arith.constant 9984 : i32
    %dma_wait3A_1466 = tpu.memref_slice %arg7[%dma_wait3A_1465] : memref<13312xf32, #tpu.memory_space<vmem>> -> memref<128xf32, #tpu.memory_space<vmem>>
    %dma_wait3A_1467 = arith.constant 256 : i32
    %dma_wait3A_1468 = tpu.memref_slice %arg6[%dma_wait3A_1464, %dma_wait3A_1467] : memref<26x512xi32, #tpu.memory_space<vmem>> -> memref<1x128xi32, #tpu.memory_space<vmem>>
    %dma_wait3A_1469 = tpu.memref_squeeze %dma_wait3A_1468 : memref<1x128xi32, #tpu.memory_space<vmem>> -> memref<128xi32, #tpu.memory_space<vmem>>
    %dma_wait3A_1470 = arith.constant 0 : i32
    %dma_wait3A_1471 = tpu.memref_slice %arg10[%dma_wait3A_1470] : memref<1040000xf32, #tpu.memory_space<vmem_shared>> -> memref<1040000xf32, #tpu.memory_space<vmem_shared>>
    tpu.wait_indirect_dma semaphore(%arg11 : memref<!tpu.dma_semaphore, #tpu.memory_space<semaphore_mem>>) src(%dma_wait3A_1471 : memref<1040000xf32, #tpu.memory_space<vmem_shared>>) dst(%dma_wait3A_1466 : memref<128xf32, #tpu.memory_space<vmem>>)
    %dma_wait3A_1472 = arith.constant 19 : i32
    %dma_wait3A_1473 = arith.constant 10112 : i32
    %dma_wait3A_1474 = tpu.memref_slice %arg7[%dma_wait3A_1473] : memref<13312xf32, #tpu.memory_space<vmem>> -> memref<128xf32, #tpu.memory_space<vmem>>
    %dma_wait3A_1475 = arith.constant 384 : i32
    %dma_wait3A_1476 = tpu.memref_slice %arg6[%dma_wait3A_1472, %dma_wait3A_1475] : memref<26x512xi32, #tpu.memory_space<vmem>> -> memref<1x128xi32, #tpu.memory_space<vmem>>
    %dma_wait3A_1477 = tpu.memref_squeeze %dma_wait3A_1476 : memref<1x128xi32, #tpu.memory_space<vmem>> -> memref<128xi32, #tpu.memory_space<vmem>>
    %dma_wait3A_1478 = arith.constant 0 : i32
    %dma_wait3A_1479 = tpu.memref_slice %arg10[%dma_wait3A_1478] : memref<1040000xf32, #tpu.memory_space<vmem_shared>> -> memref<1040000xf32, #tpu.memory_space<vmem_shared>>
    tpu.wait_indirect_dma semaphore(%arg11 : memref<!tpu.dma_semaphore, #tpu.memory_space<semaphore_mem>>) src(%dma_wait3A_1479 : memref<1040000xf32, #tpu.memory_space<vmem_shared>>) dst(%dma_wait3A_1474 : memref<128xf32, #tpu.memory_space<vmem>>)
    %dma_wait3A_1480 = arith.constant 20 : i32
    %dma_wait3A_1481 = arith.constant 10240 : i32
    %dma_wait3A_1482 = tpu.memref_slice %arg7[%dma_wait3A_1481] : memref<13312xf32, #tpu.memory_space<vmem>> -> memref<128xf32, #tpu.memory_space<vmem>>
    %dma_wait3A_1483 = arith.constant 0 : i32
    %dma_wait3A_1484 = tpu.memref_slice %arg6[%dma_wait3A_1480, %dma_wait3A_1483] : memref<26x512xi32, #tpu.memory_space<vmem>> -> memref<1x128xi32, #tpu.memory_space<vmem>>
    %dma_wait3A_1485 = tpu.memref_squeeze %dma_wait3A_1484 : memref<1x128xi32, #tpu.memory_space<vmem>> -> memref<128xi32, #tpu.memory_space<vmem>>
    %dma_wait3A_1486 = arith.constant 0 : i32
    %dma_wait3A_1487 = tpu.memref_slice %arg10[%dma_wait3A_1486] : memref<1040000xf32, #tpu.memory_space<vmem_shared>> -> memref<1040000xf32, #tpu.memory_space<vmem_shared>>
    tpu.wait_indirect_dma semaphore(%arg11 : memref<!tpu.dma_semaphore, #tpu.memory_space<semaphore_mem>>) src(%dma_wait3A_1487 : memref<1040000xf32, #tpu.memory_space<vmem_shared>>) dst(%dma_wait3A_1482 : memref<128xf32, #tpu.memory_space<vmem>>)
    %dma_wait3A_1488 = arith.constant 20 : i32
    %dma_wait3A_1489 = arith.constant 10368 : i32
    %dma_wait3A_1490 = tpu.memref_slice %arg7[%dma_wait3A_1489] : memref<13312xf32, #tpu.memory_space<vmem>> -> memref<128xf32, #tpu.memory_space<vmem>>
    %dma_wait3A_1491 = arith.constant 128 : i32
    %dma_wait3A_1492 = tpu.memref_slice %arg6[%dma_wait3A_1488, %dma_wait3A_1491] : memref<26x512xi32, #tpu.memory_space<vmem>> -> memref<1x128xi32, #tpu.memory_space<vmem>>
    %dma_wait3A_1493 = tpu.memref_squeeze %dma_wait3A_1492 : memref<1x128xi32, #tpu.memory_space<vmem>> -> memref<128xi32, #tpu.memory_space<vmem>>
    %dma_wait3A_1494 = arith.constant 0 : i32
    %dma_wait3A_1495 = tpu.memref_slice %arg10[%dma_wait3A_1494] : memref<1040000xf32, #tpu.memory_space<vmem_shared>> -> memref<1040000xf32, #tpu.memory_space<vmem_shared>>
    tpu.wait_indirect_dma semaphore(%arg11 : memref<!tpu.dma_semaphore, #tpu.memory_space<semaphore_mem>>) src(%dma_wait3A_1495 : memref<1040000xf32, #tpu.memory_space<vmem_shared>>) dst(%dma_wait3A_1490 : memref<128xf32, #tpu.memory_space<vmem>>)
    %dma_wait3A_1496 = arith.constant 20 : i32
    %dma_wait3A_1497 = arith.constant 10496 : i32
    %dma_wait3A_1498 = tpu.memref_slice %arg7[%dma_wait3A_1497] : memref<13312xf32, #tpu.memory_space<vmem>> -> memref<128xf32, #tpu.memory_space<vmem>>
    %dma_wait3A_1499 = arith.constant 256 : i32
    %dma_wait3A_1500 = tpu.memref_slice %arg6[%dma_wait3A_1496, %dma_wait3A_1499] : memref<26x512xi32, #tpu.memory_space<vmem>> -> memref<1x128xi32, #tpu.memory_space<vmem>>
    %dma_wait3A_1501 = tpu.memref_squeeze %dma_wait3A_1500 : memref<1x128xi32, #tpu.memory_space<vmem>> -> memref<128xi32, #tpu.memory_space<vmem>>
    %dma_wait3A_1502 = arith.constant 0 : i32
    %dma_wait3A_1503 = tpu.memref_slice %arg10[%dma_wait3A_1502] : memref<1040000xf32, #tpu.memory_space<vmem_shared>> -> memref<1040000xf32, #tpu.memory_space<vmem_shared>>
    tpu.wait_indirect_dma semaphore(%arg11 : memref<!tpu.dma_semaphore, #tpu.memory_space<semaphore_mem>>) src(%dma_wait3A_1503 : memref<1040000xf32, #tpu.memory_space<vmem_shared>>) dst(%dma_wait3A_1498 : memref<128xf32, #tpu.memory_space<vmem>>)
    %dma_wait3A_1504 = arith.constant 20 : i32
    %dma_wait3A_1505 = arith.constant 10624 : i32
    %dma_wait3A_1506 = tpu.memref_slice %arg7[%dma_wait3A_1505] : memref<13312xf32, #tpu.memory_space<vmem>> -> memref<128xf32, #tpu.memory_space<vmem>>
    %dma_wait3A_1507 = arith.constant 384 : i32
    %dma_wait3A_1508 = tpu.memref_slice %arg6[%dma_wait3A_1504, %dma_wait3A_1507] : memref<26x512xi32, #tpu.memory_space<vmem>> -> memref<1x128xi32, #tpu.memory_space<vmem>>
    %dma_wait3A_1509 = tpu.memref_squeeze %dma_wait3A_1508 : memref<1x128xi32, #tpu.memory_space<vmem>> -> memref<128xi32, #tpu.memory_space<vmem>>
    %dma_wait3A_1510 = arith.constant 0 : i32
    %dma_wait3A_1511 = tpu.memref_slice %arg10[%dma_wait3A_1510] : memref<1040000xf32, #tpu.memory_space<vmem_shared>> -> memref<1040000xf32, #tpu.memory_space<vmem_shared>>
    tpu.wait_indirect_dma semaphore(%arg11 : memref<!tpu.dma_semaphore, #tpu.memory_space<semaphore_mem>>) src(%dma_wait3A_1511 : memref<1040000xf32, #tpu.memory_space<vmem_shared>>) dst(%dma_wait3A_1506 : memref<128xf32, #tpu.memory_space<vmem>>)
    %dma_wait3A_1512 = arith.constant 21 : i32
    %dma_wait3A_1513 = arith.constant 10752 : i32
    %dma_wait3A_1514 = tpu.memref_slice %arg7[%dma_wait3A_1513] : memref<13312xf32, #tpu.memory_space<vmem>> -> memref<128xf32, #tpu.memory_space<vmem>>
    %dma_wait3A_1515 = arith.constant 0 : i32
    %dma_wait3A_1516 = tpu.memref_slice %arg6[%dma_wait3A_1512, %dma_wait3A_1515] : memref<26x512xi32, #tpu.memory_space<vmem>> -> memref<1x128xi32, #tpu.memory_space<vmem>>
    %dma_wait3A_1517 = tpu.memref_squeeze %dma_wait3A_1516 : memref<1x128xi32, #tpu.memory_space<vmem>> -> memref<128xi32, #tpu.memory_space<vmem>>
    %dma_wait3A_1518 = arith.constant 0 : i32
    %dma_wait3A_1519 = tpu.memref_slice %arg10[%dma_wait3A_1518] : memref<1040000xf32, #tpu.memory_space<vmem_shared>> -> memref<1040000xf32, #tpu.memory_space<vmem_shared>>
    tpu.wait_indirect_dma semaphore(%arg11 : memref<!tpu.dma_semaphore, #tpu.memory_space<semaphore_mem>>) src(%dma_wait3A_1519 : memref<1040000xf32, #tpu.memory_space<vmem_shared>>) dst(%dma_wait3A_1514 : memref<128xf32, #tpu.memory_space<vmem>>)
    %dma_wait3A_1520 = arith.constant 21 : i32
    %dma_wait3A_1521 = arith.constant 10880 : i32
    %dma_wait3A_1522 = tpu.memref_slice %arg7[%dma_wait3A_1521] : memref<13312xf32, #tpu.memory_space<vmem>> -> memref<128xf32, #tpu.memory_space<vmem>>
    %dma_wait3A_1523 = arith.constant 128 : i32
    %dma_wait3A_1524 = tpu.memref_slice %arg6[%dma_wait3A_1520, %dma_wait3A_1523] : memref<26x512xi32, #tpu.memory_space<vmem>> -> memref<1x128xi32, #tpu.memory_space<vmem>>
    %dma_wait3A_1525 = tpu.memref_squeeze %dma_wait3A_1524 : memref<1x128xi32, #tpu.memory_space<vmem>> -> memref<128xi32, #tpu.memory_space<vmem>>
    %dma_wait3A_1526 = arith.constant 0 : i32
    %dma_wait3A_1527 = tpu.memref_slice %arg10[%dma_wait3A_1526] : memref<1040000xf32, #tpu.memory_space<vmem_shared>> -> memref<1040000xf32, #tpu.memory_space<vmem_shared>>
    tpu.wait_indirect_dma semaphore(%arg11 : memref<!tpu.dma_semaphore, #tpu.memory_space<semaphore_mem>>) src(%dma_wait3A_1527 : memref<1040000xf32, #tpu.memory_space<vmem_shared>>) dst(%dma_wait3A_1522 : memref<128xf32, #tpu.memory_space<vmem>>)
    %dma_wait3A_1528 = arith.constant 21 : i32
    %dma_wait3A_1529 = arith.constant 11008 : i32
    %dma_wait3A_1530 = tpu.memref_slice %arg7[%dma_wait3A_1529] : memref<13312xf32, #tpu.memory_space<vmem>> -> memref<128xf32, #tpu.memory_space<vmem>>
    %dma_wait3A_1531 = arith.constant 256 : i32
    %dma_wait3A_1532 = tpu.memref_slice %arg6[%dma_wait3A_1528, %dma_wait3A_1531] : memref<26x512xi32, #tpu.memory_space<vmem>> -> memref<1x128xi32, #tpu.memory_space<vmem>>
    %dma_wait3A_1533 = tpu.memref_squeeze %dma_wait3A_1532 : memref<1x128xi32, #tpu.memory_space<vmem>> -> memref<128xi32, #tpu.memory_space<vmem>>
    %dma_wait3A_1534 = arith.constant 0 : i32
    %dma_wait3A_1535 = tpu.memref_slice %arg10[%dma_wait3A_1534] : memref<1040000xf32, #tpu.memory_space<vmem_shared>> -> memref<1040000xf32, #tpu.memory_space<vmem_shared>>
    tpu.wait_indirect_dma semaphore(%arg11 : memref<!tpu.dma_semaphore, #tpu.memory_space<semaphore_mem>>) src(%dma_wait3A_1535 : memref<1040000xf32, #tpu.memory_space<vmem_shared>>) dst(%dma_wait3A_1530 : memref<128xf32, #tpu.memory_space<vmem>>)
    %dma_wait3A_1536 = arith.constant 21 : i32
    %dma_wait3A_1537 = arith.constant 11136 : i32
    %dma_wait3A_1538 = tpu.memref_slice %arg7[%dma_wait3A_1537] : memref<13312xf32, #tpu.memory_space<vmem>> -> memref<128xf32, #tpu.memory_space<vmem>>
    %dma_wait3A_1539 = arith.constant 384 : i32
    %dma_wait3A_1540 = tpu.memref_slice %arg6[%dma_wait3A_1536, %dma_wait3A_1539] : memref<26x512xi32, #tpu.memory_space<vmem>> -> memref<1x128xi32, #tpu.memory_space<vmem>>
    %dma_wait3A_1541 = tpu.memref_squeeze %dma_wait3A_1540 : memref<1x128xi32, #tpu.memory_space<vmem>> -> memref<128xi32, #tpu.memory_space<vmem>>
    %dma_wait3A_1542 = arith.constant 0 : i32
    %dma_wait3A_1543 = tpu.memref_slice %arg10[%dma_wait3A_1542] : memref<1040000xf32, #tpu.memory_space<vmem_shared>> -> memref<1040000xf32, #tpu.memory_space<vmem_shared>>
    tpu.wait_indirect_dma semaphore(%arg11 : memref<!tpu.dma_semaphore, #tpu.memory_space<semaphore_mem>>) src(%dma_wait3A_1543 : memref<1040000xf32, #tpu.memory_space<vmem_shared>>) dst(%dma_wait3A_1538 : memref<128xf32, #tpu.memory_space<vmem>>)
    %dma_wait3A_1544 = arith.constant 22 : i32
    %dma_wait3A_1545 = arith.constant 11264 : i32
    %dma_wait3A_1546 = tpu.memref_slice %arg7[%dma_wait3A_1545] : memref<13312xf32, #tpu.memory_space<vmem>> -> memref<128xf32, #tpu.memory_space<vmem>>
    %dma_wait3A_1547 = arith.constant 0 : i32
    %dma_wait3A_1548 = tpu.memref_slice %arg6[%dma_wait3A_1544, %dma_wait3A_1547] : memref<26x512xi32, #tpu.memory_space<vmem>> -> memref<1x128xi32, #tpu.memory_space<vmem>>
    %dma_wait3A_1549 = tpu.memref_squeeze %dma_wait3A_1548 : memref<1x128xi32, #tpu.memory_space<vmem>> -> memref<128xi32, #tpu.memory_space<vmem>>
    %dma_wait3A_1550 = arith.constant 0 : i32
    %dma_wait3A_1551 = tpu.memref_slice %arg10[%dma_wait3A_1550] : memref<1040000xf32, #tpu.memory_space<vmem_shared>> -> memref<1040000xf32, #tpu.memory_space<vmem_shared>>
    tpu.wait_indirect_dma semaphore(%arg11 : memref<!tpu.dma_semaphore, #tpu.memory_space<semaphore_mem>>) src(%dma_wait3A_1551 : memref<1040000xf32, #tpu.memory_space<vmem_shared>>) dst(%dma_wait3A_1546 : memref<128xf32, #tpu.memory_space<vmem>>)
    %dma_wait3A_1552 = arith.constant 22 : i32
    %dma_wait3A_1553 = arith.constant 11392 : i32
    %dma_wait3A_1554 = tpu.memref_slice %arg7[%dma_wait3A_1553] : memref<13312xf32, #tpu.memory_space<vmem>> -> memref<128xf32, #tpu.memory_space<vmem>>
    %dma_wait3A_1555 = arith.constant 128 : i32
    %dma_wait3A_1556 = tpu.memref_slice %arg6[%dma_wait3A_1552, %dma_wait3A_1555] : memref<26x512xi32, #tpu.memory_space<vmem>> -> memref<1x128xi32, #tpu.memory_space<vmem>>
    %dma_wait3A_1557 = tpu.memref_squeeze %dma_wait3A_1556 : memref<1x128xi32, #tpu.memory_space<vmem>> -> memref<128xi32, #tpu.memory_space<vmem>>
    %dma_wait3A_1558 = arith.constant 0 : i32
    %dma_wait3A_1559 = tpu.memref_slice %arg10[%dma_wait3A_1558] : memref<1040000xf32, #tpu.memory_space<vmem_shared>> -> memref<1040000xf32, #tpu.memory_space<vmem_shared>>
    tpu.wait_indirect_dma semaphore(%arg11 : memref<!tpu.dma_semaphore, #tpu.memory_space<semaphore_mem>>) src(%dma_wait3A_1559 : memref<1040000xf32, #tpu.memory_space<vmem_shared>>) dst(%dma_wait3A_1554 : memref<128xf32, #tpu.memory_space<vmem>>)
    %dma_wait3A_1560 = arith.constant 22 : i32
    %dma_wait3A_1561 = arith.constant 11520 : i32
    %dma_wait3A_1562 = tpu.memref_slice %arg7[%dma_wait3A_1561] : memref<13312xf32, #tpu.memory_space<vmem>> -> memref<128xf32, #tpu.memory_space<vmem>>
    %dma_wait3A_1563 = arith.constant 256 : i32
    %dma_wait3A_1564 = tpu.memref_slice %arg6[%dma_wait3A_1560, %dma_wait3A_1563] : memref<26x512xi32, #tpu.memory_space<vmem>> -> memref<1x128xi32, #tpu.memory_space<vmem>>
    %dma_wait3A_1565 = tpu.memref_squeeze %dma_wait3A_1564 : memref<1x128xi32, #tpu.memory_space<vmem>> -> memref<128xi32, #tpu.memory_space<vmem>>
    %dma_wait3A_1566 = arith.constant 0 : i32
    %dma_wait3A_1567 = tpu.memref_slice %arg10[%dma_wait3A_1566] : memref<1040000xf32, #tpu.memory_space<vmem_shared>> -> memref<1040000xf32, #tpu.memory_space<vmem_shared>>
    tpu.wait_indirect_dma semaphore(%arg11 : memref<!tpu.dma_semaphore, #tpu.memory_space<semaphore_mem>>) src(%dma_wait3A_1567 : memref<1040000xf32, #tpu.memory_space<vmem_shared>>) dst(%dma_wait3A_1562 : memref<128xf32, #tpu.memory_space<vmem>>)
    %dma_wait3A_1568 = arith.constant 22 : i32
    %dma_wait3A_1569 = arith.constant 11648 : i32
    %dma_wait3A_1570 = tpu.memref_slice %arg7[%dma_wait3A_1569] : memref<13312xf32, #tpu.memory_space<vmem>> -> memref<128xf32, #tpu.memory_space<vmem>>
    %dma_wait3A_1571 = arith.constant 384 : i32
    %dma_wait3A_1572 = tpu.memref_slice %arg6[%dma_wait3A_1568, %dma_wait3A_1571] : memref<26x512xi32, #tpu.memory_space<vmem>> -> memref<1x128xi32, #tpu.memory_space<vmem>>
    %dma_wait3A_1573 = tpu.memref_squeeze %dma_wait3A_1572 : memref<1x128xi32, #tpu.memory_space<vmem>> -> memref<128xi32, #tpu.memory_space<vmem>>
    %dma_wait3A_1574 = arith.constant 0 : i32
    %dma_wait3A_1575 = tpu.memref_slice %arg10[%dma_wait3A_1574] : memref<1040000xf32, #tpu.memory_space<vmem_shared>> -> memref<1040000xf32, #tpu.memory_space<vmem_shared>>
    tpu.wait_indirect_dma semaphore(%arg11 : memref<!tpu.dma_semaphore, #tpu.memory_space<semaphore_mem>>) src(%dma_wait3A_1575 : memref<1040000xf32, #tpu.memory_space<vmem_shared>>) dst(%dma_wait3A_1570 : memref<128xf32, #tpu.memory_space<vmem>>)
    %dma_wait3A_1576 = arith.constant 23 : i32
    %dma_wait3A_1577 = arith.constant 11776 : i32
    %dma_wait3A_1578 = tpu.memref_slice %arg7[%dma_wait3A_1577] : memref<13312xf32, #tpu.memory_space<vmem>> -> memref<128xf32, #tpu.memory_space<vmem>>
    %dma_wait3A_1579 = arith.constant 0 : i32
    %dma_wait3A_1580 = tpu.memref_slice %arg6[%dma_wait3A_1576, %dma_wait3A_1579] : memref<26x512xi32, #tpu.memory_space<vmem>> -> memref<1x128xi32, #tpu.memory_space<vmem>>
    %dma_wait3A_1581 = tpu.memref_squeeze %dma_wait3A_1580 : memref<1x128xi32, #tpu.memory_space<vmem>> -> memref<128xi32, #tpu.memory_space<vmem>>
    %dma_wait3A_1582 = arith.constant 0 : i32
    %dma_wait3A_1583 = tpu.memref_slice %arg10[%dma_wait3A_1582] : memref<1040000xf32, #tpu.memory_space<vmem_shared>> -> memref<1040000xf32, #tpu.memory_space<vmem_shared>>
    tpu.wait_indirect_dma semaphore(%arg11 : memref<!tpu.dma_semaphore, #tpu.memory_space<semaphore_mem>>) src(%dma_wait3A_1583 : memref<1040000xf32, #tpu.memory_space<vmem_shared>>) dst(%dma_wait3A_1578 : memref<128xf32, #tpu.memory_space<vmem>>)
    %dma_wait3A_1584 = arith.constant 23 : i32
    %dma_wait3A_1585 = arith.constant 11904 : i32
    %dma_wait3A_1586 = tpu.memref_slice %arg7[%dma_wait3A_1585] : memref<13312xf32, #tpu.memory_space<vmem>> -> memref<128xf32, #tpu.memory_space<vmem>>
    %dma_wait3A_1587 = arith.constant 128 : i32
    %dma_wait3A_1588 = tpu.memref_slice %arg6[%dma_wait3A_1584, %dma_wait3A_1587] : memref<26x512xi32, #tpu.memory_space<vmem>> -> memref<1x128xi32, #tpu.memory_space<vmem>>
    %dma_wait3A_1589 = tpu.memref_squeeze %dma_wait3A_1588 : memref<1x128xi32, #tpu.memory_space<vmem>> -> memref<128xi32, #tpu.memory_space<vmem>>
    %dma_wait3A_1590 = arith.constant 0 : i32
    %dma_wait3A_1591 = tpu.memref_slice %arg10[%dma_wait3A_1590] : memref<1040000xf32, #tpu.memory_space<vmem_shared>> -> memref<1040000xf32, #tpu.memory_space<vmem_shared>>
    tpu.wait_indirect_dma semaphore(%arg11 : memref<!tpu.dma_semaphore, #tpu.memory_space<semaphore_mem>>) src(%dma_wait3A_1591 : memref<1040000xf32, #tpu.memory_space<vmem_shared>>) dst(%dma_wait3A_1586 : memref<128xf32, #tpu.memory_space<vmem>>)
    %dma_wait3A_1592 = arith.constant 23 : i32
    %dma_wait3A_1593 = arith.constant 12032 : i32
    %dma_wait3A_1594 = tpu.memref_slice %arg7[%dma_wait3A_1593] : memref<13312xf32, #tpu.memory_space<vmem>> -> memref<128xf32, #tpu.memory_space<vmem>>
    %dma_wait3A_1595 = arith.constant 256 : i32
    %dma_wait3A_1596 = tpu.memref_slice %arg6[%dma_wait3A_1592, %dma_wait3A_1595] : memref<26x512xi32, #tpu.memory_space<vmem>> -> memref<1x128xi32, #tpu.memory_space<vmem>>
    %dma_wait3A_1597 = tpu.memref_squeeze %dma_wait3A_1596 : memref<1x128xi32, #tpu.memory_space<vmem>> -> memref<128xi32, #tpu.memory_space<vmem>>
    %dma_wait3A_1598 = arith.constant 0 : i32
    %dma_wait3A_1599 = tpu.memref_slice %arg10[%dma_wait3A_1598] : memref<1040000xf32, #tpu.memory_space<vmem_shared>> -> memref<1040000xf32, #tpu.memory_space<vmem_shared>>
    tpu.wait_indirect_dma semaphore(%arg11 : memref<!tpu.dma_semaphore, #tpu.memory_space<semaphore_mem>>) src(%dma_wait3A_1599 : memref<1040000xf32, #tpu.memory_space<vmem_shared>>) dst(%dma_wait3A_1594 : memref<128xf32, #tpu.memory_space<vmem>>)
    %dma_wait3A_1600 = arith.constant 23 : i32
    %dma_wait3A_1601 = arith.constant 12160 : i32
    %dma_wait3A_1602 = tpu.memref_slice %arg7[%dma_wait3A_1601] : memref<13312xf32, #tpu.memory_space<vmem>> -> memref<128xf32, #tpu.memory_space<vmem>>
    %dma_wait3A_1603 = arith.constant 384 : i32
    %dma_wait3A_1604 = tpu.memref_slice %arg6[%dma_wait3A_1600, %dma_wait3A_1603] : memref<26x512xi32, #tpu.memory_space<vmem>> -> memref<1x128xi32, #tpu.memory_space<vmem>>
    %dma_wait3A_1605 = tpu.memref_squeeze %dma_wait3A_1604 : memref<1x128xi32, #tpu.memory_space<vmem>> -> memref<128xi32, #tpu.memory_space<vmem>>
    %dma_wait3A_1606 = arith.constant 0 : i32
    %dma_wait3A_1607 = tpu.memref_slice %arg10[%dma_wait3A_1606] : memref<1040000xf32, #tpu.memory_space<vmem_shared>> -> memref<1040000xf32, #tpu.memory_space<vmem_shared>>
    tpu.wait_indirect_dma semaphore(%arg11 : memref<!tpu.dma_semaphore, #tpu.memory_space<semaphore_mem>>) src(%dma_wait3A_1607 : memref<1040000xf32, #tpu.memory_space<vmem_shared>>) dst(%dma_wait3A_1602 : memref<128xf32, #tpu.memory_space<vmem>>)
    %dma_wait3A_1608 = arith.constant 24 : i32
    %dma_wait3A_1609 = arith.constant 12288 : i32
    %dma_wait3A_1610 = tpu.memref_slice %arg7[%dma_wait3A_1609] : memref<13312xf32, #tpu.memory_space<vmem>> -> memref<128xf32, #tpu.memory_space<vmem>>
    %dma_wait3A_1611 = arith.constant 0 : i32
    %dma_wait3A_1612 = tpu.memref_slice %arg6[%dma_wait3A_1608, %dma_wait3A_1611] : memref<26x512xi32, #tpu.memory_space<vmem>> -> memref<1x128xi32, #tpu.memory_space<vmem>>
    %dma_wait3A_1613 = tpu.memref_squeeze %dma_wait3A_1612 : memref<1x128xi32, #tpu.memory_space<vmem>> -> memref<128xi32, #tpu.memory_space<vmem>>
    %dma_wait3A_1614 = arith.constant 0 : i32
    %dma_wait3A_1615 = tpu.memref_slice %arg10[%dma_wait3A_1614] : memref<1040000xf32, #tpu.memory_space<vmem_shared>> -> memref<1040000xf32, #tpu.memory_space<vmem_shared>>
    tpu.wait_indirect_dma semaphore(%arg11 : memref<!tpu.dma_semaphore, #tpu.memory_space<semaphore_mem>>) src(%dma_wait3A_1615 : memref<1040000xf32, #tpu.memory_space<vmem_shared>>) dst(%dma_wait3A_1610 : memref<128xf32, #tpu.memory_space<vmem>>)
    %dma_wait3A_1616 = arith.constant 24 : i32
    %dma_wait3A_1617 = arith.constant 12416 : i32
    %dma_wait3A_1618 = tpu.memref_slice %arg7[%dma_wait3A_1617] : memref<13312xf32, #tpu.memory_space<vmem>> -> memref<128xf32, #tpu.memory_space<vmem>>
    %dma_wait3A_1619 = arith.constant 128 : i32
    %dma_wait3A_1620 = tpu.memref_slice %arg6[%dma_wait3A_1616, %dma_wait3A_1619] : memref<26x512xi32, #tpu.memory_space<vmem>> -> memref<1x128xi32, #tpu.memory_space<vmem>>
    %dma_wait3A_1621 = tpu.memref_squeeze %dma_wait3A_1620 : memref<1x128xi32, #tpu.memory_space<vmem>> -> memref<128xi32, #tpu.memory_space<vmem>>
    %dma_wait3A_1622 = arith.constant 0 : i32
    %dma_wait3A_1623 = tpu.memref_slice %arg10[%dma_wait3A_1622] : memref<1040000xf32, #tpu.memory_space<vmem_shared>> -> memref<1040000xf32, #tpu.memory_space<vmem_shared>>
    tpu.wait_indirect_dma semaphore(%arg11 : memref<!tpu.dma_semaphore, #tpu.memory_space<semaphore_mem>>) src(%dma_wait3A_1623 : memref<1040000xf32, #tpu.memory_space<vmem_shared>>) dst(%dma_wait3A_1618 : memref<128xf32, #tpu.memory_space<vmem>>)
    %dma_wait3A_1624 = arith.constant 24 : i32
    %dma_wait3A_1625 = arith.constant 12544 : i32
    %dma_wait3A_1626 = tpu.memref_slice %arg7[%dma_wait3A_1625] : memref<13312xf32, #tpu.memory_space<vmem>> -> memref<128xf32, #tpu.memory_space<vmem>>
    %dma_wait3A_1627 = arith.constant 256 : i32
    %dma_wait3A_1628 = tpu.memref_slice %arg6[%dma_wait3A_1624, %dma_wait3A_1627] : memref<26x512xi32, #tpu.memory_space<vmem>> -> memref<1x128xi32, #tpu.memory_space<vmem>>
    %dma_wait3A_1629 = tpu.memref_squeeze %dma_wait3A_1628 : memref<1x128xi32, #tpu.memory_space<vmem>> -> memref<128xi32, #tpu.memory_space<vmem>>
    %dma_wait3A_1630 = arith.constant 0 : i32
    %dma_wait3A_1631 = tpu.memref_slice %arg10[%dma_wait3A_1630] : memref<1040000xf32, #tpu.memory_space<vmem_shared>> -> memref<1040000xf32, #tpu.memory_space<vmem_shared>>
    tpu.wait_indirect_dma semaphore(%arg11 : memref<!tpu.dma_semaphore, #tpu.memory_space<semaphore_mem>>) src(%dma_wait3A_1631 : memref<1040000xf32, #tpu.memory_space<vmem_shared>>) dst(%dma_wait3A_1626 : memref<128xf32, #tpu.memory_space<vmem>>)
    %dma_wait3A_1632 = arith.constant 24 : i32
    %dma_wait3A_1633 = arith.constant 12672 : i32
    %dma_wait3A_1634 = tpu.memref_slice %arg7[%dma_wait3A_1633] : memref<13312xf32, #tpu.memory_space<vmem>> -> memref<128xf32, #tpu.memory_space<vmem>>
    %dma_wait3A_1635 = arith.constant 384 : i32
    %dma_wait3A_1636 = tpu.memref_slice %arg6[%dma_wait3A_1632, %dma_wait3A_1635] : memref<26x512xi32, #tpu.memory_space<vmem>> -> memref<1x128xi32, #tpu.memory_space<vmem>>
    %dma_wait3A_1637 = tpu.memref_squeeze %dma_wait3A_1636 : memref<1x128xi32, #tpu.memory_space<vmem>> -> memref<128xi32, #tpu.memory_space<vmem>>
    %dma_wait3A_1638 = arith.constant 0 : i32
    %dma_wait3A_1639 = tpu.memref_slice %arg10[%dma_wait3A_1638] : memref<1040000xf32, #tpu.memory_space<vmem_shared>> -> memref<1040000xf32, #tpu.memory_space<vmem_shared>>
    tpu.wait_indirect_dma semaphore(%arg11 : memref<!tpu.dma_semaphore, #tpu.memory_space<semaphore_mem>>) src(%dma_wait3A_1639 : memref<1040000xf32, #tpu.memory_space<vmem_shared>>) dst(%dma_wait3A_1634 : memref<128xf32, #tpu.memory_space<vmem>>)
    %dma_wait3A_1640 = arith.constant 25 : i32
    %dma_wait3A_1641 = arith.constant 12800 : i32
    %dma_wait3A_1642 = tpu.memref_slice %arg7[%dma_wait3A_1641] : memref<13312xf32, #tpu.memory_space<vmem>> -> memref<128xf32, #tpu.memory_space<vmem>>
    %dma_wait3A_1643 = arith.constant 0 : i32
    %dma_wait3A_1644 = tpu.memref_slice %arg6[%dma_wait3A_1640, %dma_wait3A_1643] : memref<26x512xi32, #tpu.memory_space<vmem>> -> memref<1x128xi32, #tpu.memory_space<vmem>>
    %dma_wait3A_1645 = tpu.memref_squeeze %dma_wait3A_1644 : memref<1x128xi32, #tpu.memory_space<vmem>> -> memref<128xi32, #tpu.memory_space<vmem>>
    %dma_wait3A_1646 = arith.constant 0 : i32
    %dma_wait3A_1647 = tpu.memref_slice %arg10[%dma_wait3A_1646] : memref<1040000xf32, #tpu.memory_space<vmem_shared>> -> memref<1040000xf32, #tpu.memory_space<vmem_shared>>
    tpu.wait_indirect_dma semaphore(%arg11 : memref<!tpu.dma_semaphore, #tpu.memory_space<semaphore_mem>>) src(%dma_wait3A_1647 : memref<1040000xf32, #tpu.memory_space<vmem_shared>>) dst(%dma_wait3A_1642 : memref<128xf32, #tpu.memory_space<vmem>>)
    %dma_wait3A_1648 = arith.constant 25 : i32
    %dma_wait3A_1649 = arith.constant 12928 : i32
    %dma_wait3A_1650 = tpu.memref_slice %arg7[%dma_wait3A_1649] : memref<13312xf32, #tpu.memory_space<vmem>> -> memref<128xf32, #tpu.memory_space<vmem>>
    %dma_wait3A_1651 = arith.constant 128 : i32
    %dma_wait3A_1652 = tpu.memref_slice %arg6[%dma_wait3A_1648, %dma_wait3A_1651] : memref<26x512xi32, #tpu.memory_space<vmem>> -> memref<1x128xi32, #tpu.memory_space<vmem>>
    %dma_wait3A_1653 = tpu.memref_squeeze %dma_wait3A_1652 : memref<1x128xi32, #tpu.memory_space<vmem>> -> memref<128xi32, #tpu.memory_space<vmem>>
    %dma_wait3A_1654 = arith.constant 0 : i32
    %dma_wait3A_1655 = tpu.memref_slice %arg10[%dma_wait3A_1654] : memref<1040000xf32, #tpu.memory_space<vmem_shared>> -> memref<1040000xf32, #tpu.memory_space<vmem_shared>>
    tpu.wait_indirect_dma semaphore(%arg11 : memref<!tpu.dma_semaphore, #tpu.memory_space<semaphore_mem>>) src(%dma_wait3A_1655 : memref<1040000xf32, #tpu.memory_space<vmem_shared>>) dst(%dma_wait3A_1650 : memref<128xf32, #tpu.memory_space<vmem>>)
    %dma_wait3A_1656 = arith.constant 25 : i32
    %dma_wait3A_1657 = arith.constant 13056 : i32
    %dma_wait3A_1658 = tpu.memref_slice %arg7[%dma_wait3A_1657] : memref<13312xf32, #tpu.memory_space<vmem>> -> memref<128xf32, #tpu.memory_space<vmem>>
    %dma_wait3A_1659 = arith.constant 256 : i32
    %dma_wait3A_1660 = tpu.memref_slice %arg6[%dma_wait3A_1656, %dma_wait3A_1659] : memref<26x512xi32, #tpu.memory_space<vmem>> -> memref<1x128xi32, #tpu.memory_space<vmem>>
    %dma_wait3A_1661 = tpu.memref_squeeze %dma_wait3A_1660 : memref<1x128xi32, #tpu.memory_space<vmem>> -> memref<128xi32, #tpu.memory_space<vmem>>
    %dma_wait3A_1662 = arith.constant 0 : i32
    %dma_wait3A_1663 = tpu.memref_slice %arg10[%dma_wait3A_1662] : memref<1040000xf32, #tpu.memory_space<vmem_shared>> -> memref<1040000xf32, #tpu.memory_space<vmem_shared>>
    tpu.wait_indirect_dma semaphore(%arg11 : memref<!tpu.dma_semaphore, #tpu.memory_space<semaphore_mem>>) src(%dma_wait3A_1663 : memref<1040000xf32, #tpu.memory_space<vmem_shared>>) dst(%dma_wait3A_1658 : memref<128xf32, #tpu.memory_space<vmem>>)
    %dma_wait3A_1664 = arith.constant 25 : i32
    %dma_wait3A_1665 = arith.constant 13184 : i32
    %dma_wait3A_1666 = tpu.memref_slice %arg7[%dma_wait3A_1665] : memref<13312xf32, #tpu.memory_space<vmem>> -> memref<128xf32, #tpu.memory_space<vmem>>
    %dma_wait3A_1667 = arith.constant 384 : i32
    %dma_wait3A_1668 = tpu.memref_slice %arg6[%dma_wait3A_1664, %dma_wait3A_1667] : memref<26x512xi32, #tpu.memory_space<vmem>> -> memref<1x128xi32, #tpu.memory_space<vmem>>
    %dma_wait3A_1669 = tpu.memref_squeeze %dma_wait3A_1668 : memref<1x128xi32, #tpu.memory_space<vmem>> -> memref<128xi32, #tpu.memory_space<vmem>>
    %dma_wait3A_1670 = arith.constant 0 : i32
    %dma_wait3A_1671 = tpu.memref_slice %arg10[%dma_wait3A_1670] : memref<1040000xf32, #tpu.memory_space<vmem_shared>> -> memref<1040000xf32, #tpu.memory_space<vmem_shared>>
    tpu.wait_indirect_dma semaphore(%arg11 : memref<!tpu.dma_semaphore, #tpu.memory_space<semaphore_mem>>) src(%dma_wait3A_1671 : memref<1040000xf32, #tpu.memory_space<vmem_shared>>) dst(%dma_wait3A_1666 : memref<128xf32, #tpu.memory_space<vmem>>)
    %scan3A = arith.constant 0 : i32
    %scan3A_1672 = arith.constant 0 : i32
    %scan3A_1673 = arith.constant 32 : i32
    %scan3A_1674 = arith.addi %scan3A_1672, %scan3A_1673 : i32
    %scan3A_1675 = arith.constant 1 : i32
    scf.for %scan3A_1679 = %scan3A_1672 to %scan3A_1674 step %scan3A_1675  : i32 {
      %mul3A_1680 = arith.constant 16 : i32
      %mul3A_1681 = arith.muli %scan3A_1679, %mul3A_1680 : i32
      %get3A = arith.constant 0 : index
      %get3A_1682 = tpu.vector_load %arg9[%get3A] {strides = array<i32>} : memref<16xf32, #tpu.memory_space<vmem>>, vector<16xf32>,
      %get3A_1683 = vector.shape_cast %get3A_1682 : vector<16xf32> to vector<16xf32>
      %get3A_1684 = arith.index_cast %mul3A_1681 : i32 to index
      %get3A_1685 = tpu.vector_load %arg7[%get3A_1684] {strides = array<i32>} : memref<13312xf32, #tpu.memory_space<vmem>>, vector<16xf32>,
      %get3A_1686 = vector.shape_cast %get3A_1685 : vector<16xf32> to vector<16xf32>
      %add3A_1687 = arith.addf %get3A_1683, %get3A_1686 : vector<16xf32>
      %add3A_1688 = arith.constant 512 : i32
      %add3A_1689 = arith.addi %add3A_1688, %mul3A_1681 : i32
      %get3A_1690 = arith.index_cast %add3A_1689 : i32 to index
      %get3A_1691 = tpu.vector_load %arg7[%get3A_1690] {strides = array<i32>} : memref<13312xf32, #tpu.memory_space<vmem>>, vector<16xf32>,
      %get3A_1692 = vector.shape_cast %get3A_1691 : vector<16xf32> to vector<16xf32>
      %add3A_1693 = arith.addf %add3A_1687, %get3A_1692 : vector<16xf32>
      %add3A_1694 = arith.constant 1024 : i32
      %add3A_1695 = arith.addi %add3A_1694, %mul3A_1681 : i32
      %get3A_1696 = arith.index_cast %add3A_1695 : i32 to index
      %get3A_1697 = tpu.vector_load %arg7[%get3A_1696] {strides = array<i32>} : memref<13312xf32, #tpu.memory_space<vmem>>, vector<16xf32>,
      %get3A_1698 = vector.shape_cast %get3A_1697 : vector<16xf32> to vector<16xf32>
      %add3A_1699 = arith.addf %add3A_1693, %get3A_1698 : vector<16xf32>
      %add3A_1700 = arith.constant 1536 : i32
      %add3A_1701 = arith.addi %add3A_1700, %mul3A_1681 : i32
      %get3A_1702 = arith.index_cast %add3A_1701 : i32 to index
      %get3A_1703 = tpu.vector_load %arg7[%get3A_1702] {strides = array<i32>} : memref<13312xf32, #tpu.memory_space<vmem>>, vector<16xf32>,
      %get3A_1704 = vector.shape_cast %get3A_1703 : vector<16xf32> to vector<16xf32>
      %add3A_1705 = arith.addf %add3A_1699, %get3A_1704 : vector<16xf32>
      %add3A_1706 = arith.constant 2048 : i32
      %add3A_1707 = arith.addi %add3A_1706, %mul3A_1681 : i32
      %get3A_1708 = arith.index_cast %add3A_1707 : i32 to index
      %get3A_1709 = tpu.vector_load %arg7[%get3A_1708] {strides = array<i32>} : memref<13312xf32, #tpu.memory_space<vmem>>, vector<16xf32>,
      %get3A_1710 = vector.shape_cast %get3A_1709 : vector<16xf32> to vector<16xf32>
      %add3A_1711 = arith.addf %add3A_1705, %get3A_1710 : vector<16xf32>
      %add3A_1712 = arith.constant 2560 : i32
      %add3A_1713 = arith.addi %add3A_1712, %mul3A_1681 : i32
      %get3A_1714 = arith.index_cast %add3A_1713 : i32 to index
      %get3A_1715 = tpu.vector_load %arg7[%get3A_1714] {strides = array<i32>} : memref<13312xf32, #tpu.memory_space<vmem>>, vector<16xf32>,
      %get3A_1716 = vector.shape_cast %get3A_1715 : vector<16xf32> to vector<16xf32>
      %add3A_1717 = arith.addf %add3A_1711, %get3A_1716 : vector<16xf32>
      %add3A_1718 = arith.constant 3072 : i32
      %add3A_1719 = arith.addi %add3A_1718, %mul3A_1681 : i32
      %get3A_1720 = arith.index_cast %add3A_1719 : i32 to index
      %get3A_1721 = tpu.vector_load %arg7[%get3A_1720] {strides = array<i32>} : memref<13312xf32, #tpu.memory_space<vmem>>, vector<16xf32>,
      %get3A_1722 = vector.shape_cast %get3A_1721 : vector<16xf32> to vector<16xf32>
      %add3A_1723 = arith.addf %add3A_1717, %get3A_1722 : vector<16xf32>
      %add3A_1724 = arith.constant 3584 : i32
      %add3A_1725 = arith.addi %add3A_1724, %mul3A_1681 : i32
      %get3A_1726 = arith.index_cast %add3A_1725 : i32 to index
      %get3A_1727 = tpu.vector_load %arg7[%get3A_1726] {strides = array<i32>} : memref<13312xf32, #tpu.memory_space<vmem>>, vector<16xf32>,
      %get3A_1728 = vector.shape_cast %get3A_1727 : vector<16xf32> to vector<16xf32>
      %add3A_1729 = arith.addf %add3A_1723, %get3A_1728 : vector<16xf32>
      %add3A_1730 = arith.constant 4096 : i32
      %add3A_1731 = arith.addi %add3A_1730, %mul3A_1681 : i32
      %get3A_1732 = arith.index_cast %add3A_1731 : i32 to index
      %get3A_1733 = tpu.vector_load %arg7[%get3A_1732] {strides = array<i32>} : memref<13312xf32, #tpu.memory_space<vmem>>, vector<16xf32>,
      %get3A_1734 = vector.shape_cast %get3A_1733 : vector<16xf32> to vector<16xf32>
      %add3A_1735 = arith.addf %add3A_1729, %get3A_1734 : vector<16xf32>
      %add3A_1736 = arith.constant 4608 : i32
      %add3A_1737 = arith.addi %add3A_1736, %mul3A_1681 : i32
      %get3A_1738 = arith.index_cast %add3A_1737 : i32 to index
      %get3A_1739 = tpu.vector_load %arg7[%get3A_1738] {strides = array<i32>} : memref<13312xf32, #tpu.memory_space<vmem>>, vector<16xf32>,
      %get3A_1740 = vector.shape_cast %get3A_1739 : vector<16xf32> to vector<16xf32>
      %add3A_1741 = arith.addf %add3A_1735, %get3A_1740 : vector<16xf32>
      %add3A_1742 = arith.constant 5120 : i32
      %add3A_1743 = arith.addi %add3A_1742, %mul3A_1681 : i32
      %get3A_1744 = arith.index_cast %add3A_1743 : i32 to index
      %get3A_1745 = tpu.vector_load %arg7[%get3A_1744] {strides = array<i32>} : memref<13312xf32, #tpu.memory_space<vmem>>, vector<16xf32>,
      %get3A_1746 = vector.shape_cast %get3A_1745 : vector<16xf32> to vector<16xf32>
      %add3A_1747 = arith.addf %add3A_1741, %get3A_1746 : vector<16xf32>
      %add3A_1748 = arith.constant 5632 : i32
      %add3A_1749 = arith.addi %add3A_1748, %mul3A_1681 : i32
      %get3A_1750 = arith.index_cast %add3A_1749 : i32 to index
      %get3A_1751 = tpu.vector_load %arg7[%get3A_1750] {strides = array<i32>} : memref<13312xf32, #tpu.memory_space<vmem>>, vector<16xf32>,
      %get3A_1752 = vector.shape_cast %get3A_1751 : vector<16xf32> to vector<16xf32>
      %add3A_1753 = arith.addf %add3A_1747, %get3A_1752 : vector<16xf32>
      %add3A_1754 = arith.constant 6144 : i32
      %add3A_1755 = arith.addi %add3A_1754, %mul3A_1681 : i32
      %get3A_1756 = arith.index_cast %add3A_1755 : i32 to index
      %get3A_1757 = tpu.vector_load %arg7[%get3A_1756] {strides = array<i32>} : memref<13312xf32, #tpu.memory_space<vmem>>, vector<16xf32>,
      %get3A_1758 = vector.shape_cast %get3A_1757 : vector<16xf32> to vector<16xf32>
      %add3A_1759 = arith.addf %add3A_1753, %get3A_1758 : vector<16xf32>
      %add3A_1760 = arith.constant 6656 : i32
      %add3A_1761 = arith.addi %add3A_1760, %mul3A_1681 : i32
      %get3A_1762 = arith.index_cast %add3A_1761 : i32 to index
      %get3A_1763 = tpu.vector_load %arg7[%get3A_1762] {strides = array<i32>} : memref<13312xf32, #tpu.memory_space<vmem>>, vector<16xf32>,
      %get3A_1764 = vector.shape_cast %get3A_1763 : vector<16xf32> to vector<16xf32>
      %add3A_1765 = arith.addf %add3A_1759, %get3A_1764 : vector<16xf32>
      %add3A_1766 = arith.constant 7168 : i32
      %add3A_1767 = arith.addi %add3A_1766, %mul3A_1681 : i32
      %get3A_1768 = arith.index_cast %add3A_1767 : i32 to index
      %get3A_1769 = tpu.vector_load %arg7[%get3A_1768] {strides = array<i32>} : memref<13312xf32, #tpu.memory_space<vmem>>, vector<16xf32>,
      %get3A_1770 = vector.shape_cast %get3A_1769 : vector<16xf32> to vector<16xf32>
      %add3A_1771 = arith.addf %add3A_1765, %get3A_1770 : vector<16xf32>
      %add3A_1772 = arith.constant 7680 : i32
      %add3A_1773 = arith.addi %add3A_1772, %mul3A_1681 : i32
      %get3A_1774 = arith.index_cast %add3A_1773 : i32 to index
      %get3A_1775 = tpu.vector_load %arg7[%get3A_1774] {strides = array<i32>} : memref<13312xf32, #tpu.memory_space<vmem>>, vector<16xf32>,
      %get3A_1776 = vector.shape_cast %get3A_1775 : vector<16xf32> to vector<16xf32>
      %add3A_1777 = arith.addf %add3A_1771, %get3A_1776 : vector<16xf32>
      %add3A_1778 = arith.constant 8192 : i32
      %add3A_1779 = arith.addi %add3A_1778, %mul3A_1681 : i32
      %get3A_1780 = arith.index_cast %add3A_1779 : i32 to index
      %get3A_1781 = tpu.vector_load %arg7[%get3A_1780] {strides = array<i32>} : memref<13312xf32, #tpu.memory_space<vmem>>, vector<16xf32>,
      %get3A_1782 = vector.shape_cast %get3A_1781 : vector<16xf32> to vector<16xf32>
      %add3A_1783 = arith.addf %add3A_1777, %get3A_1782 : vector<16xf32>
      %add3A_1784 = arith.constant 8704 : i32
      %add3A_1785 = arith.addi %add3A_1784, %mul3A_1681 : i32
      %get3A_1786 = arith.index_cast %add3A_1785 : i32 to index
      %get3A_1787 = tpu.vector_load %arg7[%get3A_1786] {strides = array<i32>} : memref<13312xf32, #tpu.memory_space<vmem>>, vector<16xf32>,
      %get3A_1788 = vector.shape_cast %get3A_1787 : vector<16xf32> to vector<16xf32>
      %add3A_1789 = arith.addf %add3A_1783, %get3A_1788 : vector<16xf32>
      %add3A_1790 = arith.constant 9216 : i32
      %add3A_1791 = arith.addi %add3A_1790, %mul3A_1681 : i32
      %get3A_1792 = arith.index_cast %add3A_1791 : i32 to index
      %get3A_1793 = tpu.vector_load %arg7[%get3A_1792] {strides = array<i32>} : memref<13312xf32, #tpu.memory_space<vmem>>, vector<16xf32>,
      %get3A_1794 = vector.shape_cast %get3A_1793 : vector<16xf32> to vector<16xf32>
      %add3A_1795 = arith.addf %add3A_1789, %get3A_1794 : vector<16xf32>
      %add3A_1796 = arith.constant 9728 : i32
      %add3A_1797 = arith.addi %add3A_1796, %mul3A_1681 : i32
      %get3A_1798 = arith.index_cast %add3A_1797 : i32 to index
      %get3A_1799 = tpu.vector_load %arg7[%get3A_1798] {strides = array<i32>} : memref<13312xf32, #tpu.memory_space<vmem>>, vector<16xf32>,
      %get3A_1800 = vector.shape_cast %get3A_1799 : vector<16xf32> to vector<16xf32>
      %add3A_1801 = arith.addf %add3A_1795, %get3A_1800 : vector<16xf32>
      %add3A_1802 = arith.constant 10240 : i32
      %add3A_1803 = arith.addi %add3A_1802, %mul3A_1681 : i32
      %get3A_1804 = arith.index_cast %add3A_1803 : i32 to index
      %get3A_1805 = tpu.vector_load %arg7[%get3A_1804] {strides = array<i32>} : memref<13312xf32, #tpu.memory_space<vmem>>, vector<16xf32>,
      %get3A_1806 = vector.shape_cast %get3A_1805 : vector<16xf32> to vector<16xf32>
      %add3A_1807 = arith.addf %add3A_1801, %get3A_1806 : vector<16xf32>
      %add3A_1808 = arith.constant 10752 : i32
      %add3A_1809 = arith.addi %add3A_1808, %mul3A_1681 : i32
      %get3A_1810 = arith.index_cast %add3A_1809 : i32 to index
      %get3A_1811 = tpu.vector_load %arg7[%get3A_1810] {strides = array<i32>} : memref<13312xf32, #tpu.memory_space<vmem>>, vector<16xf32>,
      %get3A_1812 = vector.shape_cast %get3A_1811 : vector<16xf32> to vector<16xf32>
      %add3A_1813 = arith.addf %add3A_1807, %get3A_1812 : vector<16xf32>
      %add3A_1814 = arith.constant 11264 : i32
      %add3A_1815 = arith.addi %add3A_1814, %mul3A_1681 : i32
      %get3A_1816 = arith.index_cast %add3A_1815 : i32 to index
      %get3A_1817 = tpu.vector_load %arg7[%get3A_1816] {strides = array<i32>} : memref<13312xf32, #tpu.memory_space<vmem>>, vector<16xf32>,
      %get3A_1818 = vector.shape_cast %get3A_1817 : vector<16xf32> to vector<16xf32>
      %add3A_1819 = arith.addf %add3A_1813, %get3A_1818 : vector<16xf32>
      %add3A_1820 = arith.constant 11776 : i32
      %add3A_1821 = arith.addi %add3A_1820, %mul3A_1681 : i32
      %get3A_1822 = arith.index_cast %add3A_1821 : i32 to index
      %get3A_1823 = tpu.vector_load %arg7[%get3A_1822] {strides = array<i32>} : memref<13312xf32, #tpu.memory_space<vmem>>, vector<16xf32>,
      %get3A_1824 = vector.shape_cast %get3A_1823 : vector<16xf32> to vector<16xf32>
      %add3A_1825 = arith.addf %add3A_1819, %get3A_1824 : vector<16xf32>
      %add3A_1826 = arith.constant 12288 : i32
      %add3A_1827 = arith.addi %add3A_1826, %mul3A_1681 : i32
      %get3A_1828 = arith.index_cast %add3A_1827 : i32 to index
      %get3A_1829 = tpu.vector_load %arg7[%get3A_1828] {strides = array<i32>} : memref<13312xf32, #tpu.memory_space<vmem>>, vector<16xf32>,
      %get3A_1830 = vector.shape_cast %get3A_1829 : vector<16xf32> to vector<16xf32>
      %add3A_1831 = arith.addf %add3A_1825, %get3A_1830 : vector<16xf32>
      %add3A_1832 = arith.constant 12800 : i32
      %add3A_1833 = arith.addi %add3A_1832, %mul3A_1681 : i32
      %get3A_1834 = arith.index_cast %add3A_1833 : i32 to index
      %get3A_1835 = tpu.vector_load %arg7[%get3A_1834] {strides = array<i32>} : memref<13312xf32, #tpu.memory_space<vmem>>, vector<16xf32>,
      %get3A_1836 = vector.shape_cast %get3A_1835 : vector<16xf32> to vector<16xf32>
      %add3A_1837 = arith.addf %add3A_1831, %get3A_1836 : vector<16xf32>
      %swap3A = arith.index_cast %mul3A_1681 : i32 to index
      %swap3A_1838 = tpu.vector_load %arg8[%swap3A] {strides = array<i32>} : memref<512xf32, #tpu.memory_space<vmem>>, vector<16xf32>,
      %swap3A_1839 = vector.shape_cast %swap3A_1838 : vector<16xf32> to vector<16xf32>
      %swap3A_1840 = vector.shape_cast %add3A_1837 : vector<16xf32> to vector<16xf32>
      tpu.vector_store %arg8[%swap3A], %swap3A_1840 {strides = array<i32>} : memref<512xf32, #tpu.memory_space<vmem>>, vector<16xf32>,
    }
    %scan3A_1676 = arith.constant 32 : i32
    %mul3A_1677 = arith.constant 512 : i32
    %mul3A_1678 = arith.muli %add3A, %mul3A_1677 : i32
    "tpu.region"() ({
      %run_scoped3A = tpu.sem_alloc : memref<!tpu.dma_semaphore, #tpu.memory_space<semaphore_mem>>
      %dma_start3A_1679 = tpu.memref_slice %arg5[%mul3A_1678] : memref<16384xf32, #tpu.memory_space<hbm>> -> memref<512xf32, #tpu.memory_space<hbm>>
      %dma_start3A_1680 = tpu.memref_slice %arg5[%mul3A_1678] : memref<16384xf32, #tpu.memory_space<hbm>> -> memref<512xf32, #tpu.memory_space<hbm>>
      tpu.enqueue_dma source(%arg8 : memref<512xf32, #tpu.memory_space<vmem>>) target(%dma_start3A_1680 : memref<512xf32, #tpu.memory_space<hbm>>) target_semaphore(%run_scoped3A : memref<!tpu.dma_semaphore, #tpu.memory_space<semaphore_mem>>)
      %dma_wait3A_1681 = tpu.memref_slice %arg5[%mul3A_1678] : memref<16384xf32, #tpu.memory_space<hbm>> -> memref<512xf32, #tpu.memory_space<hbm>>
      %dma_wait3A_1682 = tpu.memref_slice %arg5[%mul3A_1678] : memref<16384xf32, #tpu.memory_space<hbm>> -> memref<512xf32, #tpu.memory_space<hbm>>
      tpu.wait_dma2 semaphore(%run_scoped3A : memref<!tpu.dma_semaphore, #tpu.memory_space<semaphore_mem>>) src(%arg8 : memref<512xf32, #tpu.memory_space<vmem>>) dst(%dma_wait3A_1682 : memref<512xf32, #tpu.memory_space<hbm>>)
      tpu.yield
    }) : () -> ()
    return
  }
}

module attributes {stable_mosaic.version = 14 : i64} {
  func.func @_score_block(%arg0: i32, %arg1: memref<16x32768xf32, #tpu.memory_space<vmem>>, %arg2: memref<16x26xf32, #tpu.memory_space<vmem>>, %arg3: memref<32768xf32, #tpu.memory_space<vmem>>) attributes {dimension_semantics = [#tpu.dimension_semantics<arbitrary>], iteration_bounds = array<i64: 32>, scalar_prefetch = 0 : i64, scratch_operands = 0 : i64, tpu.core_type = #tpu.core_type<tc>, window_params = [{transform_indices = @transform_0, window_bounds = array<i64: 16, 32768>}, {pipeline_mode = #tpu.pipeline_mode<synchronous>, transform_indices = @transform_1, window_bounds = array<i64: 16, 26>}, {transform_indices = @transform_2, window_bounds = array<i64: 32768>}]} {
    %mul3A = arith.constant 32768 : i32
    %mul3A_0 = arith.muli %arg0, %mul3A : i32
    %jit3A = arith.constant 40000 : i32
    %div3A = arith.divsi %mul3A_0, %jit3A : i32
    %sign3A = arith.constant 0 : i32
    %sign3A_1 = arith.cmpi sgt, %mul3A_0, %sign3A : i32
    %sign3A_2 = arith.extui %sign3A_1 : i1 to i32
    %sign3A_3 = arith.constant 0 : i32
    %sign3A_4 = arith.cmpi slt, %mul3A_0, %sign3A_3 : i32
    %sign3A_5 = arith.extui %sign3A_4 : i1 to i32
    %sign3A_6 = arith.subi %sign3A_2, %sign3A_5 : i32
    %sign3A_7 = arith.constant 0 : i32
    %sign3A_8 = arith.cmpi sgt, %jit3A, %sign3A_7 : i32
    %sign3A_9 = arith.extui %sign3A_8 : i1 to i32
    %sign3A_10 = arith.constant 0 : i32
    %sign3A_11 = arith.cmpi slt, %jit3A, %sign3A_10 : i32
    %sign3A_12 = arith.extui %sign3A_11 : i1 to i32
    %sign3A_13 = arith.subi %sign3A_9, %sign3A_12 : i32
    %ne3A = arith.cmpi ne, %sign3A_6, %sign3A_13 : i32
    %rem3A = arith.remsi %mul3A_0, %jit3A : i32
    %ne3A_14 = arith.constant 0 : i32
    %ne3A_15 = arith.cmpi ne, %rem3A, %ne3A_14 : i32
    %and3A = arith.andi %ne3A, %ne3A_15 : i1
    %sub3A = arith.constant 1 : i32
    %sub3A_16 = arith.subi %div3A, %sub3A : i32
    %select_n3A = arith.select %and3A, %sub3A_16, %div3A : i32
    %add3A = arith.constant 1 : i32
    %add3A_17 = arith.addi %select_n3A, %add3A : i32
    %min3A = arith.constant 25 : i32
    %min3A_18 = arith.minsi %add3A_17, %min3A : i32
    %add3A_19 = arith.constant 1 : i32
    %add3A_20 = arith.addi %select_n3A, %add3A_19 : i32
    %mul3A_21 = arith.constant 40000 : i32
    %mul3A_22 = arith.muli %add3A_20, %mul3A_21 : i32
    %sub3A_23 = arith.subi %mul3A_22, %mul3A_0 : i32
    %get3A = arith.constant 0 : index
    %get3A_24 = arith.constant 0 : index
    %get3A_25 = vector.load %arg2[%get3A, %get3A_24] : memref<16x26xf32, #tpu.memory_space<vmem>>, vector<16x26xf32>
    %iota3A = tpu.iota {dimensions = array<i32: 1>} : vector<1x26xi32>
    %eq3A = vector.broadcast %select_n3A : i32 to vector<1x26xi32>
    %eq3A_26 = arith.cmpi eq, %iota3A, %eq3A : vector<1x26xi32>
    %convert_element_type3A = arith.extui %eq3A_26 : vector<1x26xi1> to vector<1x26xi32>
    %convert_element_type3A_27 = arith.sitofp %convert_element_type3A : vector<1x26xi32> to vector<1x26xf32>
    %mul3A_28 = vector.broadcast %convert_element_type3A_27 : vector<1x26xf32> to vector<16x26xf32>
    %mul3A_29 = arith.mulf %get3A_25, %mul3A_28 : vector<16x26xf32>
    %reduce_sum3A = arith.constant dense<0.000000e+00> : vector<16xf32>
    %reduce_sum3A_30 = vector.multi_reduction <add>, %mul3A_29, %reduce_sum3A [1] : vector<16x26xf32> to vector<16xf32>
    %broadcast_in_dim3A = vector.shape_cast %reduce_sum3A_30 : vector<16xf32> to vector<16x1xf32>
    %eq3A_31 = vector.broadcast %min3A_18 : i32 to vector<1x26xi32>
    %eq3A_32 = arith.cmpi eq, %iota3A, %eq3A_31 : vector<1x26xi32>
    %convert_element_type3A_33 = arith.extui %eq3A_32 : vector<1x26xi1> to vector<1x26xi32>
    %convert_element_type3A_34 = arith.sitofp %convert_element_type3A_33 : vector<1x26xi32> to vector<1x26xf32>
    %mul3A_35 = vector.broadcast %convert_element_type3A_34 : vector<1x26xf32> to vector<16x26xf32>
    %mul3A_36 = arith.mulf %get3A_25, %mul3A_35 : vector<16x26xf32>
    %reduce_sum3A_37 = arith.constant dense<0.000000e+00> : vector<16xf32>
    %reduce_sum3A_38 = vector.multi_reduction <add>, %mul3A_36, %reduce_sum3A_37 [1] : vector<16x26xf32> to vector<16xf32>
    %broadcast_in_dim3A_39 = vector.shape_cast %reduce_sum3A_38 : vector<16xf32> to vector<16x1xf32>
    %iota3A_40 = tpu.iota {dimensions = array<i32: 1>} : vector<1x32768xi32>
    %lt3A = vector.broadcast %sub3A_23 : i32 to vector<1x32768xi32>
    %lt3A_41 = arith.cmpi slt, %iota3A_40, %lt3A : vector<1x32768xi32>
    %broadcast_in_dim3A_42 = vector.shape_cast %lt3A_41 : vector<1x32768xi1> to vector<1x32768xi1>
    %broadcast_in_dim3A_43 = vector.broadcast %broadcast_in_dim3A_42 : vector<1x32768xi1> to vector<16x32768xi1>
    %broadcast_in_dim3A_44 = vector.shape_cast %broadcast_in_dim3A : vector<16x1xf32> to vector<16x1xf32>
    %broadcast_in_dim3A_45 = vector.broadcast %broadcast_in_dim3A_44 : vector<16x1xf32> to vector<16x32768xf32>
    %broadcast_in_dim3A_46 = vector.shape_cast %broadcast_in_dim3A_39 : vector<16x1xf32> to vector<16x1xf32>
    %broadcast_in_dim3A_47 = vector.broadcast %broadcast_in_dim3A_46 : vector<16x1xf32> to vector<16x32768xf32>
    %select_n3A_48 = arith.select %broadcast_in_dim3A_43, %broadcast_in_dim3A_45, %broadcast_in_dim3A_47 : vector<16x32768xi1>, vector<16x32768xf32>
    %get3A_49 = arith.constant 0 : index
    %get3A_50 = arith.constant 0 : index
    %get3A_51 = vector.load %arg1[%get3A_49, %get3A_50] : memref<16x32768xf32, #tpu.memory_space<vmem>>, vector<16x32768xf32>
    %mul3A_52 = arith.mulf %get3A_51, %select_n3A_48 : vector<16x32768xf32>
    %reduce_sum3A_53 = arith.constant dense<0.000000e+00> : vector<32768xf32>
    %reduce_sum3A_54 = vector.multi_reduction <add>, %mul3A_52, %reduce_sum3A_53 [0] : vector<16x32768xf32> to vector<32768xf32>
    %swap3A = arith.constant 0 : index
    %swap3A_55 = vector.load %arg3[%swap3A] : memref<32768xf32, #tpu.memory_space<vmem>>, vector<32768xf32>
    tpu.vector_store %arg3[%swap3A], %reduce_sum3A_54 {strides = array<i32>} : memref<32768xf32, #tpu.memory_space<vmem>>, vector<32768xf32>,
    return
  }
  func.func @transform_0(%arg0: i32) -> (i32, i32) {
    %c0_i32 = arith.constant 0 : i32
    %c0_i32_0 = arith.constant 0 : i32
    return %c0_i32, %arg0 : i32, i32
  }
  func.func @transform_1(%arg0: i32) -> (i32, i32) {
    %c0_i32 = arith.constant 0 : i32
    %c0_i32_0 = arith.constant 0 : i32
    %c0_i32_1 = arith.constant 0 : i32
    return %c0_i32, %c0_i32_0 : i32, i32
  }
  func.func @transform_2(%arg0: i32) -> i32 {
    %c0_i32 = arith.constant 0 : i32
    return %arg0 : i32
  }
}

</mosaic_0001>

<sc_bundles>
// kernel: kernel.4.cloned.1.call-start
scs
__scs_entry_jumppad:
0x0: {  	(pc) =	sbr.rel $0x88, $3  }
0x1: {  	(tag) =	ssettag $0x0;
	lr =	simm.s32 $0x1  }
0x2: {  	[smem:$0x3F9D] =	sst lr;
	_ =	strace $0xD0000000  }
0x3: {  	_ = 	snop  }
0x4: {  	_ = 	snop  }
0x5: {  	_ = 	snop  }
0x6: {  	_ = 	snop  }
0x7: {  	_ = 	snop  }
__scs_overlays_trampoline_lowered:
0x8: {  	[smem:$0x3FAC] =	sst s0  }
0x9: {  	[smem:$0x3FAD] =	sst s1  }
0xa: {  	[smem:$0x3FAE] =	sst s2  }
0xb: {  	[smem:$0x3FAF] =	sst s3  }
0xc: {  	[smem:$0x3FB0] =	sst s4  }
0xd: {  	[smem:$0x3FB1] =	sst s5  }
0xe: {  	[smem:$0x3FB2] =	sst s6  }
0xf: {  	[smem:$0x3FB3] =	sst s7  }
0x10: {  	[smem:$0x3FB4] =	sst s8  }
0x11: {  	[smem:$0x3FB5] =	sst s9;
	s0 =	simm.s32 @!p0 $0x0  }
0x12: {  	s1 =	sld [smem:$0x3F9B];
	s0 =	simm.s32 @p0 $0x1  }
0x13: {  	[smem:$0x3FB6] =	sst s0;
	s0 =	simm.s32 @!p1 $0x0  }
0x14: {  	s2 =	sld [smem:$0x3F9A];
	s0 =	simm.s32 @p1 $0x1  }
0x15: {  	[smem:$0x3FB7] =	sst s0;
	s0 =	simm.s32 @!p2 $0x0  }
0x16: {  	s3 =	sld [smem:$0x3FDB];
	s0 =	simm.s32 @p2 $0x1  }
0x17: {  	s4 =	simm.s32 $0x1BF5;
	[smem:$0x3FB9] =	sst s0  }
0x18: {  	s0 =	sld [smem:$0x3F9C];
	_ =	swait.ge [sflag:s4], $0x0  }
0x19: {  	s7 =	sld [smem:$0x3F9D]  }
0x1a: {  	s8 =	sadd.s32 $0xFFFFE003, lr  }
0x1b: {  	s9 =	sadd.s32 $0xFFFFFEF7, lr;
	s5 =	simm.s32 $0xFFFFFFFF;
	p2 =	slt.u32 s8, $0xFFFFF086  }
0x1c: {  	p1 =	slt.u32 s9, $0xF7A;
	s5 =	simm.s32 @!p2 $0x0  }
0x1d: {  	s5 =	simm.s32 @p1 $0x1;
	p0 =	seq.s32 s7, s2  }
0x1e: {  	s7 =	smul.u32 @!p0 $0xF7A, s2;
	p2 =	seq.s32 @!p0 s5, $0x0  }
0x1f: {  	s9 =	smul.u32 $0xF7A, s1;
	s8 =	simm.s32 @!p0 $0x1BF5;
	p2 =	por !p2, p0  }
0x20: {  	[sflag:s8] =	ssyncset.s32 @!p0 $0xFFFFF086;
	s6 =	sadd.s32 @!p0 s3, s7;
	s7 =	simm.s32 @!p0 $0x108  }
0x21: {  	s3 =	sadd.s32 s3, s9;
	s6 =	sadd.s32 @!p0 $0x88, s6;
	s7 =	simm.s32 @p2 $0x1082  }
0x22: {  	[simem:s7], [sflag:s8] =	dma.local @!p0 [hbm:s6], $0xF7A  }
0x23: {  	s9 =	sor.u32 $0xD0000000, s2;
	s6 =	simm.s32 $0x108;
	_ =	swait.ge @!p0 [sflag:s8], $0x0  }
0x24: {  	s3 =	sadd.s32 $0x88, s3;
	s6 =	simm.s32 @!p1 $0x1082;
	[sflag:s4] =	ssyncset.s32 $0xFFFFF086  }
0x25: {  	[simem:s6], [sflag:s4] =	dma.local [hbm:s3], $0xF7A  }
0x26: {  	[smem:$0x3F9D] =	sst s1;
	(tag) =	ssettag s2;
	_ =	strace s9  }
0x27: {  	s1 =	sld [smem:$0x3FAD]  }
0x28: {  	s2 =	sld [smem:$0x3FAE]  }
0x29: {  	s4 =	sld [smem:$0x3FB0]  }
0x2a: {  	p0 =	seq.s32 s5, $0x0;
	s5 =	sld [smem:$0x3FB1]  }
0x2b: {  	s6 =	sld [smem:$0x3FB2]  }
0x2c: {  	s7 =	sld [smem:$0x3FB3]  }
0x2d: {  	s3 =	simm.s32 $0x108;
	s8 =	sld [smem:$0x3FB4]  }
0x2e: {  	s3 =	simm.s32 @!p0 $0x1082;
	s9 =	sld [smem:$0x3FB5]  }
0x2f: {  	lr =	sadd.s32 s0, s3;
	s0 =	sld [smem:$0x3FAC]  }
0x30: {  	s3 =	sld [smem:$0x3FAF]  }
0x31: {  	[smem:$0x3FB8] =	sst s10  }
0x32: {  	s10 =	sld [smem:$0x3FB6];
	_ =	sdelay $0x3  }
0x33: {  	p0 =	seq.s32 s10, $0x1;
	s10 =	sld [smem:$0x3FB8];
	_ =	sdelay $0x3  }
0x34: {  	[smem:$0x3FB8] =	sst s10  }
0x35: {  	s10 =	sld [smem:$0x3FB7];
	_ =	sdelay $0x3  }
0x36: {  	p1 =	seq.s32 s10, $0x1;
	s10 =	sld [smem:$0x3FB8];
	_ =	sdelay $0x3  }
0x37: {  	[smem:$0x3FB8] =	sst s10  }
0x38: {  	s10 =	sld [smem:$0x3FB9]  }
0x39: {  	_ = 	snop;
	(pc) =	sbr.ind lr, $3  }
0x3a: {  	_ = 	snop  }
0x3b: {  	_ = 	snop  }
0x3c: {  	p2 =	seq.s32 s10, $0x1;
	s10 =	sld [smem:$0x3FB8]  }
0x3d: {  	_ =	shalt  }
0x3e: {  	_ =	shalt  }
0x3f: {  	_ =	shalt  }
0x40: {  	_ =	shalt  }
0x41: {  	_ =	shalt  }
0x42: {  	_ =	shalt  }
0x43: {  	_ =	shalt  }
0x44: {  	_ =	shalt  }
0x45: {  	_ =	shalt  }
0x46: {  	_ =	shalt  }
0x47: {  	_ =	shalt  }
0x48: {  	_ =	shalt  }
0x49: {  	_ =	shalt  }
0x4a: {  	_ =	shalt  }
0x4b: {  	_ =	shalt  }
0x4c: {  	_ =	shalt  }
0x4d: {  	_ =	shalt  }
0x4e: {  	_ =	shalt  }
0x4f: {  	_ =	shalt  }
0x50: {  	_ =	shalt  }
0x51: {  	_ =	shalt  }
0x52: {  	_ =	shalt  }
0x53: {  	_ =	shalt  }
0x54: {  	_ =	shalt  }
0x55: {  	_ =	shalt  }
0x56: {  	_ =	shalt  }
0x57: {  	_ =	shalt  }
0x58: {  	_ =	shalt  }
0x59: {  	_ =	shalt  }
0x5a: {  	_ =	shalt  }
0x5b: {  	_ =	shalt  }
0x5c: {  	_ =	shalt  }
0x5d: {  	_ =	shalt  }
0x5e: {  	_ =	shalt  }
0x5f: {  	_ =	shalt  }
0x60: {  	_ =	shalt  }
0x61: {  	_ =	shalt  }
0x62: {  	_ =	shalt  }
0x63: {  	_ =	shalt  }
0x64: {  	_ =	shalt  }
0x65: {  	_ =	shalt  }
0x66: {  	_ =	shalt  }
0x67: {  	_ =	shalt  }
0x68: {  	_ =	shalt  }
0x69: {  	_ =	shalt  }
0x6a: {  	_ =	shalt  }
0x6b: {  	_ =	shalt  }
0x6c: {  	_ =	shalt  }
0x6d: {  	_ =	shalt  }
0x6e: {  	_ =	shalt  }
0x6f: {  	_ =	shalt  }
0x70: {  	_ =	shalt  }
0x71: {  	_ =	shalt  }
0x72: {  	_ =	shalt  }
0x73: {  	_ =	shalt  }
0x74: {  	_ =	shalt  }
0x75: {  	_ =	shalt  }
0x76: {  	_ =	shalt  }
0x77: {  	_ =	shalt  }
0x78: {  	_ =	shalt  }
0x79: {  	_ =	shalt  }
0x7a: {  	_ =	shalt  }
0x7b: {  	_ =	shalt  }
0x7c: {  	_ =	shalt  }
0x7d: {  	_ =	shalt  }
0x7e: {  	_ =	shalt  }
0x7f: {  	_ =	shalt  }
0x80: {  	_ =	shalt  }
0x81: {  	_ =	shalt  }
0x82: {  	_ =	shalt  }
0x83: {  	_ =	shalt  }
0x84: {  	_ =	shalt  }
0x85: {  	_ =	shalt  }
0x86: {  	_ =	shalt  }
0x87: {  	_ =	shalt  }
.Lfunc_end0:
.L_simem_size_0:
called_computation_lowered:
.L_overlay_start_0:
0x88: {  	s2 =	sld [smem:$0x3FD9]  }
0x89: {  	s3 =	sld [smem:$0x3FFE];
	_ =	sdelay $0x1  }
0x8a: {  	s1 =	srdreg.scid  }
0x8b: {  	s0 =	sand.u32 $0x1, s1  }
0x8c: {  	s17 =	sshll.u32 s0, $0xA;
	s2 =	sadd.s32 s3, s2  }
0x8d: {  	s2 =	sadd.s32 s2, s17  }
0x8e: {  	[smem:$0x3FC4] =	sst s2  }
0x8f: {  	_ = 	snop  }
0x90: {  	s2 =	sld [smem:$0x3FD0];
	(tm) =	ssettm $0x1  }
0x91: {  	s18 =	sld [smem:$0x3FFB];
	_ =	sdelay $0x3  }
0x92: {  	_ =	strace s18  }
0x93: {  	s3 =	sld [smem:$0x3FFC];
	_ =	sdelay $0x3  }
0x94: {  	_ =	strace s3  }
0x95: {  	s3 =	sld [smem:$0x3FFD];
	_ =	sdelay $0x3  }
0x96: {  	_ =	strace s3  }
0x97: {  	_ =	strace $0x8FFFFFFF  }
0x98: {  	s19 =	sld [smem:$0x3FDB];
	_ =	sdelay $0x1  }
0x99: {  	s4 =	simm.s32 $_scs_section_size  }
0x9a: {  	s5 =	simm.s32 $_size__tile_overlayer_lowered;
	s6 =	simm.s32 $_tile_overlayer_lowered  }
0x9b: {  	s22 =	simm.s32 $0x1BFF;
	s21 =	sshll.u32 s6, $0x1;
	s3 =	sadd.s32 s4, s19  }
0x9c: {  	s7 =	simm.s32 $0x0;
	s20 =	sshll.u32 s5, $0x1;
	s5 =	sadd.s32 s21, s3  }
0x9d: {  	[timem:s7], [sflag:s22] =	dma.local [hbm:s5], s20  }
0x9e: {  	_ =	swait.ge [sflag:s22], s20  }
0x9f: {  	s4 =	ssub.s32 $0x0, s20;
	[sflag:s22] =	ssyncset.done $0x0  }
0xa0: {  	[sflag:s22] =	ssyncadd.s32 s4;
	_ =	sdelay $0x1  }
0xa1: {  	s23 =	simm.s32 $0x1B8B  }
0xa2: {  	_ =	swait.ge [sflag:s23], $0x1  }
0xa3: {  	[sflag:s23] =	ssyncset.done $0x0  }
0xa4: {  	s25 =	simm.s32 $0x1B8E;
	s24 =	sld [smem:$0x3FFE];
	[sflag:s23] =	ssyncadd.s32 $0xFFFFFFFF  }
0xa5: {  	s26 =	simm.s32 $execute0_lowered;
	[smem:$0x3FD2] =	sst s25  }
0xa6: {  	s5 =	sshll.u32 s26, $0x1;
	_ =	strace $0x80000046;
	[dreg:$0x1] =	wrdreg $0xFFFFFFFF  }
0xa7: {  	s28 =	simm.s32 $_size_execute0_lowered;
	s3 =	sadd.s32 s3, s5;
	[dreg:$0x0] =	wrdreg $0x0  }
0xa8: {  	s5 =	sshll.u32 s28, $0x1;
	[dreg:$0x2] =	wrdreg s3  }
0xa9: {  	[dreg:$0x3] =	wrdreg s5  }
0xaa: {  	[dreg:$0x4] =	wrdreg $0xC0  }
0xab: {  	_ =	task [dreg:s7], $0x5FFFF  }
0xac: {  	[dreg:$0x1] =	wrdreg $0xFFFFFFFF  }
0xad: {  	[dreg:$0x0] =	wrdreg $0x60  }
0xae: {  	[dreg:$0x2] =	wrdreg s24  }
0xaf: {  	[dreg:$0x3] =	wrdreg s2  }
0xb0: {  	[dreg:$0x4] =	wrdreg $0x6A100  }
0xb1: {  	[dreg:$0x5] =	wrdreg $0x9  }
0xb2: {  	_ =	task.clear_ibuf [dreg:s7], $0x6FFFF;
	_ =	strace $0x90000046  }
0xb3: {  	s29 =	simm.s32 $0x9;
	_ =	strace $0x80000048  }
0xb4: {  	_ =	swait.ge [sflag:s29], $0x1  }
0xb5: {  	[sflag:s29] =	ssyncadd.s32 $0xFFFFFFFF  }
0xb6: {  	_ =	strace $0x90000048  }
0xb7: {  	_ =	sfence  }
0xb8: {  	s30 =	sld [smem:$0x0];
	_ =	sdelay $0x2  }
0xb9: {  	s31 =	sshll.u32 s1, $0xD;
	s1 =	sshrl.u32 s1, $0x2  }
0xba: {  	s3 =	sand.u32 $0x4000, s31;
	s1 =	sadd.s32 s1, s30  }
0xbb: {  	s0 =	sor.u32 s3, s0;
	s1 =	sshll.u32 s1, $0x11  }
0xbc: {  	s0 =	sor.u32 s1, s0  }
0xbd: {  	s0 =	sadd.s32 $0x8F2B, s0  }
0xbe: {  	[sflag:s0] =	ssyncadd.remote.s32 $0x1  }
0xbf: {  	_ =	sfence.sel $0xFFFF  }
0xc0: {  	[dreg:$0x0] =	wrdreg $0xFFFFFFFF;
	(pc) =	sbr.abs _section_cstart, $3  }
0xc1: {  	[dreg:$0x1] =	wrdreg $0xFFFFFFFF  }
0xc2: {  	_ =	task.clear_ibuf [dreg:s7], $0x2FFFF;
	_ =	strace $0x9FFFFFFF  }
0xc3: {  	(tm) =	ssettm $0x7FFFFFFF  }
tec
execute0_lowered:
.L_overlay_start_1:
0x0: {  	(tag) =	ssettag $0x1  }
0x1: {  	s0 =	rddreg [dreg:$0x0]  }
0x2: {  	s6 =	rddreg [dreg:$0x1]  }
0x3: {  	s1 =	rddreg [dreg:$0x2];
	s3 =	srdreg.scid  }
0x4: {  	s2 =	simm.s32 $0x0;
	s8 =	stileid.u32;
	s11 =	simm.s32 $0x3  }
0x5: {  	s13 =	simm.s32 $0x80;
	s15 =	simm.s32 $0x6480;
	s16 =	simm.s32 $0x3100  }
0x6: {  	s17 =	simm.s32 $0x6500;
	s18 =	simm.s32 $0x3180;
	s19 =	simm.s32 $0x6580  }
0x7: {  	s20 =	simm.s32 $0x3200;
	s21 =	simm.s32 $0x6600;
	s22 =	simm.s32 $0x3280  }
0x8: {  	s23 =	simm.s32 $0x6680;
	s24 =	simm.s32 $0x3300;
	s28 =	simm.s32 $0x6780  }
0x9: {  	s29 =	simm.s32 $0x1;
	s30 =	simm.s32 $0x6800;
	s31 =	simm.s32 $0x0  }
0xa: {  	s3 =	sand.u32 $0x1, s3;
	[smem:$0x7FF] =	sst s2;
	s4 =	sshll.u32 s8, $0x7  }
0xb: {  	p0 =	sne.s32 s8, $0x0;
	s5 =	sshll.u32 s3, $0x6;
	_ =	strace $0x80000047  }
0xc: {  	s25 =	ssub.s32 $0x2, s3;
	s3 =	sadd.s32 $0xD400, s0;
	s8 =	sshrl.u32 @!p0 s1, $0x3  }
0xd: {  	s7 =	sor.u32 s5, s4;
	s10 =	sshrl.u32 s25, $0x1;
	s4 =	sadd.s32 $0x2D000, s0  }
0xe: {  	s9 =	sadd.s32 s7, s0;
	s26 =	ssub.s32 s25, s10;
	s6 =	sadd.s32 s6, s7  }
0xf: {  	s10 =	simm.s32 $0x4000;
	s25 =	simm.s32 $0x6700;
	s5 =	sadd.s32 $0x400, s9  }
0x10: {  	s7 =	smax.u32 s26, $0x1;
	s9 =	simm.s32 $0x200;
	s26 =	simm.s32 $0x3380  }
.LBB2_1:
0x11: {  	s0 =	simm.s32 @!p0 $0x1C02  }
0x12: {  	[spmem:s8], [sflag:s0] =	dma.local @!p0 [hbm:s3], $0x1FBD0  }
0x13: {  	[tilespmem:s2], [sflag:$0x3] =	stream.strided.gather [hbm4b:s5+s9], $0x3400, s10, s9, $0x38;
	[tilespmem:$0x167F8] =	vst v63  }
0x14: {  	_ =	swait.ge [sflag:s11], $0x3400  }
0x15: {  	[sflag:s11] =	ssyncset.done $0x0  }
0x16: {  	s12 =	simm.s32 $0x6A00;
	[sflag:s11] =	ssyncadd.s32 $0xFFFFCC00  }
0x17: {  	[tilespmem:s12], [sflag:$0x3] =	stream.linear.gather [hbm4b:s4+s2], $0x10, $0x38;
	[tilespmem:$0x167F8] =	vst v63  }
0x18: {  	_ =	swait.ge [sflag:s11], $0x10  }
0x19: {  	[sflag:s11] =	ssyncset.done $0x0  }
0x1a: {  	s0 =	simm.s32 @!p0 $0x2;
	[sflag:s11] =	ssyncadd.s32 $0xFFFFFFF0  }
0x1b: {  	_ =	swait.ge @!p0 [sflag:s0], $0x1FBD0  }
0x1c: {  	[sflag:s0] =	ssyncset.done @!p0 $0x0  }
0x1d: {  	[sflag:s0] =	ssyncadd.s32 @!p0 $0xFFFE0430  }
0x1e: {  	s14 =	simm.s32 $0x3400;
	[bflag:$0x0] =	sbarrier.arrive $0xFFFF  }
0x1f: {  	[tilespmem:s14], [sflag:$0x1] =	stream.indirect.gather [spmem:s1], $0x1, s2, s13, $0xb8;
	[tilespmem:$0x167F8] =	vst v63  }
0x20: {  	s12 =	simm.s32 $0x3480  }
0x21: {  	[tilespmem:s12], [sflag:$0x1] =	stream.indirect.gather [spmem:s1], $0x1, s13, s13, $0xb8;
	[tilespmem:$0x167F8] =	vst v63  }
0x22: {  	s14 =	simm.s32 $0x100;
	s12 =	simm.s32 $0x3500  }
0x23: {  	[tilespmem:s12], [sflag:$0x1] =	stream.indirect.gather [spmem:s1], $0x1, s14, s13, $0xb8;
	[tilespmem:$0x167F8] =	vst v63  }
0x24: {  	s12 =	simm.s32 $0x180;
	s14 =	simm.s32 $0x3580  }
0x25: {  	[tilespmem:s14], [sflag:$0x1] =	stream.indirect.gather [spmem:s1], $0x1, s12, s13, $0xb8;
	[tilespmem:$0x167F8] =	vst v63  }
0x26: {  	s14 =	simm.s32 $0x3600  }
0x27: {  	[tilespmem:s14], [sflag:$0x1] =	stream.indirect.gather [spmem:s1], $0x1, s9, s13, $0xb8;
	[tilespmem:$0x167F8] =	vst v63  }
0x28: {  	s12 =	simm.s32 $0x280;
	s14 =	simm.s32 $0x3680  }
0x29: {  	[tilespmem:s14], [sflag:$0x1] =	stream.indirect.gather [spmem:s1], $0x1, s12, s13, $0xb8;
	[tilespmem:$0x167F8] =	vst v63  }
0x2a: {  	s12 =	simm.s32 $0x300;
	s14 =	simm.s32 $0x3700  }
0x2b: {  	[tilespmem:s14], [sflag:$0x1] =	stream.indirect.gather [spmem:s1], $0x1, s12, s13, $0xb8;
	[tilespmem:$0x167F8] =	vst v63  }
0x2c: {  	s12 =	simm.s32 $0x380;
	s14 =	simm.s32 $0x3780  }
0x2d: {  	[tilespmem:s14], [sflag:$0x1] =	stream.indirect.gather [spmem:s1], $0x1, s12, s13, $0xb8;
	[tilespmem:$0x167F8] =	vst v63  }
0x2e: {  	s12 =	simm.s32 $0x400;
	s14 =	simm.s32 $0x3800  }
0x2f: {  	[tilespmem:s14], [sflag:$0x1] =	stream.indirect.gather [spmem:s1], $0x1, s12, s13, $0xb8;
	[tilespmem:$0x167F8] =	vst v63  }
0x30: {  	s12 =	simm.s32 $0x480;
	s14 =	simm.s32 $0x3880  }
0x31: {  	[tilespmem:s14], [sflag:$0x1] =	stream.indirect.gather [spmem:s1], $0x1, s12, s13, $0xb8;
	[tilespmem:$0x167F8] =	vst v63  }
0x32: {  	s12 =	simm.s32 $0x500;
	s14 =	simm.s32 $0x3900  }
0x33: {  	[tilespmem:s14], [sflag:$0x1] =	stream.indirect.gather [spmem:s1], $0x1, s12, s13, $0xb8;
	[tilespmem:$0x167F8] =	vst v63  }
0x34: {  	s12 =	simm.s32 $0x580;
	s14 =	simm.s32 $0x3980  }
0x35: {  	[tilespmem:s14], [sflag:$0x1] =	stream.indirect.gather [spmem:s1], $0x1, s12, s13, $0xb8;
	[tilespmem:$0x167F8] =	vst v63  }
0x36: {  	s12 =	simm.s32 $0x600;
	s14 =	simm.s32 $0x3A00  }
0x37: {  	[tilespmem:s14], [sflag:$0x1] =	stream.indirect.gather [spmem:s1], $0x1, s12, s13, $0xb8;
	[tilespmem:$0x167F8] =	vst v63  }
0x38: {  	s12 =	simm.s32 $0x680;
	s14 =	simm.s32 $0x3A80  }
0x39: {  	[tilespmem:s14], [sflag:$0x1] =	stream.indirect.gather [spmem:s1], $0x1, s12, s13, $0xb8;
	[tilespmem:$0x167F8] =	vst v63  }
0x3a: {  	s12 =	simm.s32 $0x700;
	s14 =	simm.s32 $0x3B00  }
0x3b: {  	[tilespmem:s14], [sflag:$0x1] =	stream.indirect.gather [spmem:s1], $0x1, s12, s13, $0xb8;
	[tilespmem:$0x167F8] =	vst v63  }
0x3c: {  	s12 =	simm.s32 $0x780;
	s14 =	simm.s32 $0x3B80  }
0x3d: {  	[tilespmem:s14], [sflag:$0x1] =	stream.indirect.gather [spmem:s1], $0x1, s12, s13, $0xb8;
	[tilespmem:$0x167F8] =	vst v63  }
0x3e: {  	s12 =	simm.s32 $0x800;
	s14 =	simm.s32 $0x3C00  }
0x3f: {  	[tilespmem:s14], [sflag:$0x1] =	stream.indirect.gather [spmem:s1], $0x1, s12, s13, $0xb8;
	[tilespmem:$0x167F8] =	vst v63  }
0x40: {  	s12 =	simm.s32 $0x880;
	s14 =	simm.s32 $0x3C80  }
0x41: {  	[tilespmem:s14], [sflag:$0x1] =	stream.indirect.gather [spmem:s1], $0x1, s12, s13, $0xb8;
	[tilespmem:$0x167F8] =	vst v63  }
0x42: {  	s12 =	simm.s32 $0x900;
	s14 =	simm.s32 $0x3D00  }
0x43: {  	[tilespmem:s14], [sflag:$0x1] =	stream.indirect.gather [spmem:s1], $0x1, s12, s13, $0xb8;
	[tilespmem:$0x167F8] =	vst v63  }
0x44: {  	s12 =	simm.s32 $0x980;
	s14 =	simm.s32 $0x3D80  }
0x45: {  	[tilespmem:s14], [sflag:$0x1] =	stream.indirect.gather [spmem:s1], $0x1, s12, s13, $0xb8;
	[tilespmem:$0x167F8] =	vst v63  }
0x46: {  	s12 =	simm.s32 $0xA00;
	s14 =	simm.s32 $0x3E00  }
0x47: {  	[tilespmem:s14], [sflag:$0x1] =	stream.indirect.gather [spmem:s1], $0x1, s12, s13, $0xb8;
	[tilespmem:$0x167F8] =	vst v63  }
0x48: {  	s12 =	simm.s32 $0xA80;
	s14 =	simm.s32 $0x3E80  }
0x49: {  	[tilespmem:s14], [sflag:$0x1] =	stream.indirect.gather [spmem:s1], $0x1, s12, s13, $0xb8;
	[tilespmem:$0x167F8] =	vst v63  }
0x4a: {  	s12 =	simm.s32 $0xB00;
	s14 =	simm.s32 $0x3F00  }
0x4b: {  	[tilespmem:s14], [sflag:$0x1] =	stream.indirect.gather [spmem:s1], $0x1, s12, s13, $0xb8;
	[tilespmem:$0x167F8] =	vst v63  }
0x4c: {  	s12 =	simm.s32 $0xB80;
	s14 =	simm.s32 $0x3F80  }
0x4d: {  	[tilespmem:s14], [sflag:$0x1] =	stream.indirect.gather [spmem:s1], $0x1, s12, s13, $0xb8;
	[tilespmem:$0x167F8] =	vst v63  }
0x4e: {  	s14 =	simm.s32 $0xC00  }
0x4f: {  	[tilespmem:s10], [sflag:$0x1] =	stream.indirect.gather [spmem:s1], $0x1, s14, s13, $0xb8;
	[tilespmem:$0x167F8] =	vst v63  }
0x50: {  	s12 =	simm.s32 $0xC80;
	s14 =	simm.s32 $0x4080  }
0x51: {  	[tilespmem:s14], [sflag:$0x1] =	stream.indirect.gather [spmem:s1], $0x1, s12, s13, $0xb8;
	[tilespmem:$0x167F8] =	vst v63  }
0x52: {  	s12 =	simm.s32 $0xD00;
	s14 =	simm.s32 $0x4100  }
0x53: {  	[tilespmem:s14], [sflag:$0x1] =	stream.indirect.gather [spmem:s1], $0x1, s12, s13, $0xb8;
	[tilespmem:$0x167F8] =	vst v63  }
0x54: {  	s12 =	simm.s32 $0xD80;
	s14 =	simm.s32 $0x4180  }
0x55: {  	[tilespmem:s14], [sflag:$0x1] =	stream.indirect.gather [spmem:s1], $0x1, s12, s13, $0xb8;
	[tilespmem:$0x167F8] =	vst v63  }
0x56: {  	s12 =	simm.s32 $0xE00;
	s14 =	simm.s32 $0x4200  }
0x57: {  	[tilespmem:s14], [sflag:$0x1] =	stream.indirect.gather [spmem:s1], $0x1, s12, s13, $0xb8;
	[tilespmem:$0x167F8] =	vst v63  }
0x58: {  	s12 =	simm.s32 $0xE80;
	s14 =	simm.s32 $0x4280  }
0x59: {  	[tilespmem:s14], [sflag:$0x1] =	stream.indirect.gather [spmem:s1], $0x1, s12, s13, $0xb8;
	[tilespmem:$0x167F8] =	vst v63  }
0x5a: {  	s12 =	simm.s32 $0xF00;
	s14 =	simm.s32 $0x4300  }
0x5b: {  	[tilespmem:s14], [sflag:$0x1] =	stream.indirect.gather [spmem:s1], $0x1, s12, s13, $0xb8;
	[tilespmem:$0x167F8] =	vst v63  }
0x5c: {  	s12 =	simm.s32 $0xF80;
	s14 =	simm.s32 $0x4380  }
0x5d: {  	[tilespmem:s14], [sflag:$0x1] =	stream.indirect.gather [spmem:s1], $0x1, s12, s13, $0xb8;
	[tilespmem:$0x167F8] =	vst v63  }
0x5e: {  	s12 =	simm.s32 $0x1000;
	s14 =	simm.s32 $0x4400  }
0x5f: {  	[tilespmem:s14], [sflag:$0x1] =	stream.indirect.gather [spmem:s1], $0x1, s12, s13, $0xb8;
	[tilespmem:$0x167F8] =	vst v63  }
0x60: {  	s12 =	simm.s32 $0x1080;
	s14 =	simm.s32 $0x4480  }
0x61: {  	[tilespmem:s14], [sflag:$0x1] =	stream.indirect.gather [spmem:s1], $0x1, s12, s13, $0xb8;
	[tilespmem:$0x167F8] =	vst v63  }
0x62: {  	s12 =	simm.s32 $0x1100;
	s14 =	simm.s32 $0x4500  }
0x63: {  	[tilespmem:s14], [sflag:$0x1] =	stream.indirect.gather [spmem:s1], $0x1, s12, s13, $0xb8;
	[tilespmem:$0x167F8] =	vst v63  }
0x64: {  	s12 =	simm.s32 $0x1180;
	s14 =	simm.s32 $0x4580  }
0x65: {  	[tilespmem:s14], [sflag:$0x1] =	stream.indirect.gather [spmem:s1], $0x1, s12, s13, $0xb8;
	[tilespmem:$0x167F8] =	vst v63  }
0x66: {  	s12 =	simm.s32 $0x1200;
	s14 =	simm.s32 $0x4600  }
0x67: {  	[tilespmem:s14], [sflag:$0x1] =	stream.indirect.gather [spmem:s1], $0x1, s12, s13, $0xb8;
	[tilespmem:$0x167F8] =	vst v63  }
0x68: {  	s12 =	simm.s32 $0x1280;
	s14 =	simm.s32 $0x4680  }
0x69: {  	[tilespmem:s14], [sflag:$0x1] =	stream.indirect.gather [spmem:s1], $0x1, s12, s13, $0xb8;
	[tilespmem:$0x167F8] =	vst v63  }
0x6a: {  	s12 =	simm.s32 $0x1300;
	s14 =	simm.s32 $0x4700  }
0x6b: {  	[tilespmem:s14], [sflag:$0x1] =	stream.indirect.gather [spmem:s1], $0x1, s12, s13, $0xb8;
	[tilespmem:$0x167F8] =	vst v63  }
0x6c: {  	s12 =	simm.s32 $0x1380;
	s14 =	simm.s32 $0x4780  }
0x6d: {  	[tilespmem:s14], [sflag:$0x1] =	stream.indirect.gather [spmem:s1], $0x1, s12, s13, $0xb8;
	[tilespmem:$0x167F8] =	vst v63  }
0x6e: {  	s12 =	simm.s32 $0x1400;
	s14 =	simm.s32 $0x4800  }
0x6f: {  	[tilespmem:s14], [sflag:$0x1] =	stream.indirect.gather [spmem:s1], $0x1, s12, s13, $0xb8;
	[tilespmem:$0x167F8] =	vst v63  }
0x70: {  	s12 =	simm.s32 $0x1480;
	s14 =	simm.s32 $0x4880  }
0x71: {  	[tilespmem:s14], [sflag:$0x1] =	stream.indirect.gather [spmem:s1], $0x1, s12, s13, $0xb8;
	[tilespmem:$0x167F8] =	vst v63  }
0x72: {  	s12 =	simm.s32 $0x1500;
	s14 =	simm.s32 $0x4900  }
0x73: {  	[tilespmem:s14], [sflag:$0x1] =	stream.indirect.gather [spmem:s1], $0x1, s12, s13, $0xb8;
	[tilespmem:$0x167F8] =	vst v63  }
0x74: {  	s12 =	simm.s32 $0x1580;
	s14 =	simm.s32 $0x4980  }
0x75: {  	[tilespmem:s14], [sflag:$0x1] =	stream.indirect.gather [spmem:s1], $0x1, s12, s13, $0xb8;
	[tilespmem:$0x167F8] =	vst v63  }
0x76: {  	s12 =	simm.s32 $0x1600;
	s14 =	simm.s32 $0x4A00  }
0x77: {  	[tilespmem:s14], [sflag:$0x1] =	stream.indirect.gather [spmem:s1], $0x1, s12, s13, $0xb8;
	[tilespmem:$0x167F8] =	vst v63  }
0x78: {  	s12 =	simm.s32 $0x1680;
	s14 =	simm.s32 $0x4A80  }
0x79: {  	[tilespmem:s14], [sflag:$0x1] =	stream.indirect.gather [spmem:s1], $0x1, s12, s13, $0xb8;
	[tilespmem:$0x167F8] =	vst v63  }
0x7a: {  	s12 =	simm.s32 $0x1700;
	s14 =	simm.s32 $0x4B00  }
0x7b: {  	[tilespmem:s14], [sflag:$0x1] =	stream.indirect.gather [spmem:s1], $0x1, s12, s13, $0xb8;
	[tilespmem:$0x167F8] =	vst v63  }
0x7c: {  	s12 =	simm.s32 $0x1780;
	s14 =	simm.s32 $0x4B80  }
0x7d: {  	[tilespmem:s14], [sflag:$0x1] =	stream.indirect.gather [spmem:s1], $0x1, s12, s13, $0xb8;
	[tilespmem:$0x167F8] =	vst v63  }
0x7e: {  	s12 =	simm.s32 $0x1800;
	s14 =	simm.s32 $0x4C00  }
0x7f: {  	[tilespmem:s14], [sflag:$0x1] =	stream.indirect.gather [spmem:s1], $0x1, s12, s13, $0xb8;
	[tilespmem:$0x167F8] =	vst v63  }
0x80: {  	s12 =	simm.s32 $0x1880;
	s14 =	simm.s32 $0x4C80  }
0x81: {  	[tilespmem:s14], [sflag:$0x1] =	stream.indirect.gather [spmem:s1], $0x1, s12, s13, $0xb8;
	[tilespmem:$0x167F8] =	vst v63  }
0x82: {  	s12 =	simm.s32 $0x1900;
	s14 =	simm.s32 $0x4D00  }
0x83: {  	[tilespmem:s14], [sflag:$0x1] =	stream.indirect.gather [spmem:s1], $0x1, s12, s13, $0xb8;
	[tilespmem:$0x167F8] =	vst v63  }
0x84: {  	s12 =	simm.s32 $0x1980;
	s14 =	simm.s32 $0x4D80  }
0x85: {  	[tilespmem:s14], [sflag:$0x1] =	stream.indirect.gather [spmem:s1], $0x1, s12, s13, $0xb8;
	[tilespmem:$0x167F8] =	vst v63  }
0x86: {  	s12 =	simm.s32 $0x1A00;
	s14 =	simm.s32 $0x4E00  }
0x87: {  	[tilespmem:s14], [sflag:$0x1] =	stream.indirect.gather [spmem:s1], $0x1, s12, s13, $0xb8;
	[tilespmem:$0x167F8] =	vst v63  }
0x88: {  	s12 =	simm.s32 $0x1A80;
	s14 =	simm.s32 $0x4E80  }
0x89: {  	[tilespmem:s14], [sflag:$0x1] =	stream.indirect.gather [spmem:s1], $0x1, s12, s13, $0xb8;
	[tilespmem:$0x167F8] =	vst v63  }
0x8a: {  	s12 =	simm.s32 $0x1B00;
	s14 =	simm.s32 $0x4F00  }
0x8b: {  	[tilespmem:s14], [sflag:$0x1] =	stream.indirect.gather [spmem:s1], $0x1, s12, s13, $0xb8;
	[tilespmem:$0x167F8] =	vst v63  }
0x8c: {  	s12 =	simm.s32 $0x1B80;
	s14 =	simm.s32 $0x4F80  }
0x8d: {  	[tilespmem:s14], [sflag:$0x1] =	stream.indirect.gather [spmem:s1], $0x1, s12, s13, $0xb8;
	[tilespmem:$0x167F8] =	vst v63  }
0x8e: {  	s12 =	simm.s32 $0x1C00;
	s14 =	simm.s32 $0x5000  }
0x8f: {  	[tilespmem:s14], [sflag:$0x1] =	stream.indirect.gather [spmem:s1], $0x1, s12, s13, $0xb8;
	[tilespmem:$0x167F8] =	vst v63  }
0x90: {  	s12 =	simm.s32 $0x1C80;
	s14 =	simm.s32 $0x5080  }
0x91: {  	[tilespmem:s14], [sflag:$0x1] =	stream.indirect.gather [spmem:s1], $0x1, s12, s13, $0xb8;
	[tilespmem:$0x167F8] =	vst v63  }
0x92: {  	s12 =	simm.s32 $0x1D00;
	s14 =	simm.s32 $0x5100  }
0x93: {  	[tilespmem:s14], [sflag:$0x1] =	stream.indirect.gather [spmem:s1], $0x1, s12, s13, $0xb8;
	[tilespmem:$0x167F8] =	vst v63  }
0x94: {  	s12 =	simm.s32 $0x1D80;
	s14 =	simm.s32 $0x5180  }
0x95: {  	[tilespmem:s14], [sflag:$0x1] =	stream.indirect.gather [spmem:s1], $0x1, s12, s13, $0xb8;
	[tilespmem:$0x167F8] =	vst v63  }
0x96: {  	s12 =	simm.s32 $0x1E00;
	s14 =	simm.s32 $0x5200  }
0x97: {  	[tilespmem:s14], [sflag:$0x1] =	stream.indirect.gather [spmem:s1], $0x1, s12, s13, $0xb8;
	[tilespmem:$0x167F8] =	vst v63  }
0x98: {  	s12 =	simm.s32 $0x1E80;
	s14 =	simm.s32 $0x5280  }
0x99: {  	[tilespmem:s14], [sflag:$0x1] =	stream.indirect.gather [spmem:s1], $0x1, s12, s13, $0xb8;
	[tilespmem:$0x167F8] =	vst v63  }
0x9a: {  	s12 =	simm.s32 $0x1F00;
	s14 =	simm.s32 $0x5300  }
0x9b: {  	[tilespmem:s14], [sflag:$0x1] =	stream.indirect.gather [spmem:s1], $0x1, s12, s13, $0xb8;
	[tilespmem:$0x167F8] =	vst v63  }
0x9c: {  	s12 =	simm.s32 $0x1F80;
	s14 =	simm.s32 $0x5380  }
0x9d: {  	[tilespmem:s14], [sflag:$0x1] =	stream.indirect.gather [spmem:s1], $0x1, s12, s13, $0xb8;
	[tilespmem:$0x167F8] =	vst v63  }
0x9e: {  	s12 =	simm.s32 $0x2000;
	s14 =	simm.s32 $0x5400  }
0x9f: {  	[tilespmem:s14], [sflag:$0x1] =	stream.indirect.gather [spmem:s1], $0x1, s12, s13, $0xb8;
	[tilespmem:$0x167F8] =	vst v63  }
0xa0: {  	s12 =	simm.s32 $0x2080;
	s14 =	simm.s32 $0x5480  }
0xa1: {  	[tilespmem:s14], [sflag:$0x1] =	stream.indirect.gather [spmem:s1], $0x1, s12, s13, $0xb8;
	[tilespmem:$0x167F8] =	vst v63  }
0xa2: {  	s12 =	simm.s32 $0x2100;
	s14 =	simm.s32 $0x5500  }
0xa3: {  	[tilespmem:s14], [sflag:$0x1] =	stream.indirect.gather [spmem:s1], $0x1, s12, s13, $0xb8;
	[tilespmem:$0x167F8] =	vst v63  }
0xa4: {  	s12 =	simm.s32 $0x2180;
	s14 =	simm.s32 $0x5580  }
0xa5: {  	[tilespmem:s14], [sflag:$0x1] =	stream.indirect.gather [spmem:s1], $0x1, s12, s13, $0xb8;
	[tilespmem:$0x167F8] =	vst v63  }
0xa6: {  	s12 =	simm.s32 $0x2200;
	s14 =	simm.s32 $0x5600  }
0xa7: {  	[tilespmem:s14], [sflag:$0x1] =	stream.indirect.gather [spmem:s1], $0x1, s12, s13, $0xb8;
	[tilespmem:$0x167F8] =	vst v63  }
0xa8: {  	s12 =	simm.s32 $0x2280;
	s14 =	simm.s32 $0x5680  }
0xa9: {  	[tilespmem:s14], [sflag:$0x1] =	stream.indirect.gather [spmem:s1], $0x1, s12, s13, $0xb8;
	[tilespmem:$0x167F8] =	vst v63  }
0xaa: {  	s12 =	simm.s32 $0x2300;
	s14 =	simm.s32 $0x5700  }
0xab: {  	[tilespmem:s14], [sflag:$0x1] =	stream.indirect.gather [spmem:s1], $0x1, s12, s13, $0xb8;
	[tilespmem:$0x167F8] =	vst v63  }
0xac: {  	s12 =	simm.s32 $0x2380;
	s14 =	simm.s32 $0x5780  }
0xad: {  	[tilespmem:s14], [sflag:$0x1] =	stream.indirect.gather [spmem:s1], $0x1, s12, s13, $0xb8;
	[tilespmem:$0x167F8] =	vst v63  }
0xae: {  	s12 =	simm.s32 $0x2400;
	s14 =	simm.s32 $0x5800  }
0xaf: {  	[tilespmem:s14], [sflag:$0x1] =	stream.indirect.gather [spmem:s1], $0x1, s12, s13, $0xb8;
	[tilespmem:$0x167F8] =	vst v63  }
0xb0: {  	s12 =	simm.s32 $0x2480;
	s14 =	simm.s32 $0x5880  }
0xb1: {  	[tilespmem:s14], [sflag:$0x1] =	stream.indirect.gather [spmem:s1], $0x1, s12, s13, $0xb8;
	[tilespmem:$0x167F8] =	vst v63  }
0xb2: {  	s12 =	simm.s32 $0x2500;
	s14 =	simm.s32 $0x5900  }
0xb3: {  	[tilespmem:s14], [sflag:$0x1] =	stream.indirect.gather [spmem:s1], $0x1, s12, s13, $0xb8;
	[tilespmem:$0x167F8] =	vst v63  }
0xb4: {  	s12 =	simm.s32 $0x2580;
	s14 =	simm.s32 $0x5980  }
0xb5: {  	[tilespmem:s14], [sflag:$0x1] =	stream.indirect.gather [spmem:s1], $0x1, s12, s13, $0xb8;
	[tilespmem:$0x167F8] =	vst v63  }
0xb6: {  	s12 =	simm.s32 $0x2600;
	s14 =	simm.s32 $0x5A00  }
0xb7: {  	[tilespmem:s14], [sflag:$0x1] =	stream.indirect.gather [spmem:s1], $0x1, s12, s13, $0xb8;
	[tilespmem:$0x167F8] =	vst v63  }
0xb8: {  	s12 =	simm.s32 $0x2680;
	s14 =	simm.s32 $0x5A80  }
0xb9: {  	[tilespmem:s14], [sflag:$0x1] =	stream.indirect.gather [spmem:s1], $0x1, s12, s13, $0xb8;
	[tilespmem:$0x167F8] =	vst v63  }
0xba: {  	s12 =	simm.s32 $0x2700;
	s14 =	simm.s32 $0x5B00  }
0xbb: {  	[tilespmem:s14], [sflag:$0x1] =	stream.indirect.gather [spmem:s1], $0x1, s12, s13, $0xb8;
	[tilespmem:$0x167F8] =	vst v63  }
0xbc: {  	s12 =	simm.s32 $0x2780;
	s14 =	simm.s32 $0x5B80  }
0xbd: {  	[tilespmem:s14], [sflag:$0x1] =	stream.indirect.gather [spmem:s1], $0x1, s12, s13, $0xb8;
	[tilespmem:$0x167F8] =	vst v63  }
0xbe: {  	s12 =	simm.s32 $0x2800;
	s14 =	simm.s32 $0x5C00  }
0xbf: {  	[tilespmem:s14], [sflag:$0x1] =	stream.indirect.gather [spmem:s1], $0x1, s12, s13, $0xb8;
	[tilespmem:$0x167F8] =	vst v63  }
0xc0: {  	s12 =	simm.s32 $0x2880;
	s14 =	simm.s32 $0x5C80  }
0xc1: {  	[tilespmem:s14], [sflag:$0x1] =	stream.indirect.gather [spmem:s1], $0x1, s12, s13, $0xb8;
	[tilespmem:$0x167F8] =	vst v63  }
0xc2: {  	s12 =	simm.s32 $0x2900;
	s14 =	simm.s32 $0x5D00  }
0xc3: {  	[tilespmem:s14], [sflag:$0x1] =	stream.indirect.gather [spmem:s1], $0x1, s12, s13, $0xb8;
	[tilespmem:$0x167F8] =	vst v63  }
0xc4: {  	s12 =	simm.s32 $0x2980;
	s14 =	simm.s32 $0x5D80  }
0xc5: {  	[tilespmem:s14], [sflag:$0x1] =	stream.indirect.gather [spmem:s1], $0x1, s12, s13, $0xb8;
	[tilespmem:$0x167F8] =	vst v63  }
0xc6: {  	s12 =	simm.s32 $0x2A00;
	s14 =	simm.s32 $0x5E00  }
0xc7: {  	[tilespmem:s14], [sflag:$0x1] =	stream.indirect.gather [spmem:s1], $0x1, s12, s13, $0xb8;
	[tilespmem:$0x167F8] =	vst v63  }
0xc8: {  	s12 =	simm.s32 $0x2A80;
	s14 =	simm.s32 $0x5E80  }
0xc9: {  	[tilespmem:s14], [sflag:$0x1] =	stream.indirect.gather [spmem:s1], $0x1, s12, s13, $0xb8;
	[tilespmem:$0x167F8] =	vst v63  }
0xca: {  	s12 =	simm.s32 $0x2B00;
	s14 =	simm.s32 $0x5F00  }
0xcb: {  	[tilespmem:s14], [sflag:$0x1] =	stream.indirect.gather [spmem:s1], $0x1, s12, s13, $0xb8;
	[tilespmem:$0x167F8] =	vst v63  }
0xcc: {  	s12 =	simm.s32 $0x2B80;
	s14 =	simm.s32 $0x5F80  }
0xcd: {  	[tilespmem:s14], [sflag:$0x1] =	stream.indirect.gather [spmem:s1], $0x1, s12, s13, $0xb8;
	[tilespmem:$0x167F8] =	vst v63  }
0xce: {  	s12 =	simm.s32 $0x2C00;
	s14 =	simm.s32 $0x6000  }
0xcf: {  	[tilespmem:s14], [sflag:$0x1] =	stream.indirect.gather [spmem:s1], $0x1, s12, s13, $0xb8;
	[tilespmem:$0x167F8] =	vst v63  }
0xd0: {  	s12 =	simm.s32 $0x2C80;
	s14 =	simm.s32 $0x6080  }
0xd1: {  	[tilespmem:s14], [sflag:$0x1] =	stream.indirect.gather [spmem:s1], $0x1, s12, s13, $0xb8;
	[tilespmem:$0x167F8] =	vst v63  }
0xd2: {  	s12 =	simm.s32 $0x2D00;
	s14 =	simm.s32 $0x6100  }
0xd3: {  	[tilespmem:s14], [sflag:$0x1] =	stream.indirect.gather [spmem:s1], $0x1, s12, s13, $0xb8;
	[tilespmem:$0x167F8] =	vst v63  }
0xd4: {  	s12 =	simm.s32 $0x2D80;
	s14 =	simm.s32 $0x6180  }
0xd5: {  	[tilespmem:s14], [sflag:$0x1] =	stream.indirect.gather [spmem:s1], $0x1, s12, s13, $0xb8;
	[tilespmem:$0x167F8] =	vst v63  }
0xd6: {  	s12 =	simm.s32 $0x2E00;
	s14 =	simm.s32 $0x6200  }
0xd7: {  	[tilespmem:s14], [sflag:$0x1] =	stream.indirect.gather [spmem:s1], $0x1, s12, s13, $0xb8;
	[tilespmem:$0x167F8] =	vst v63  }
0xd8: {  	s12 =	simm.s32 $0x2E80;
	s14 =	simm.s32 $0x6280  }
0xd9: {  	[tilespmem:s14], [sflag:$0x1] =	stream.indirect.gather [spmem:s1], $0x1, s12, s13, $0xb8;
	[tilespmem:$0x167F8] =	vst v63  }
0xda: {  	s12 =	simm.s32 $0x2F00;
	s14 =	simm.s32 $0x6300  }
0xdb: {  	[tilespmem:s14], [sflag:$0x1] =	stream.indirect.gather [spmem:s1], $0x1, s12, s13, $0xb8;
	[tilespmem:$0x167F8] =	vst v63  }
0xdc: {  	s12 =	simm.s32 $0x2F80;
	s14 =	simm.s32 $0x6380  }
0xdd: {  	[tilespmem:s14], [sflag:$0x1] =	stream.indirect.gather [spmem:s1], $0x1, s12, s13, $0xb8;
	[tilespmem:$0x167F8] =	vst v63  }
0xde: {  	s12 =	simm.s32 $0x3000;
	s14 =	simm.s32 $0x6400  }
0xdf: {  	[tilespmem:s14], [sflag:$0x1] =	stream.indirect.gather [spmem:s1], $0x1, s12, s13, $0xb8;
	[tilespmem:$0x167F8] =	vst v63  }
0xe0: {  	s14 =	simm.s32 $0x3080  }
0xe1: {  	[tilespmem:s15], [sflag:$0x1] =	stream.indirect.gather [spmem:s1], $0x1, s14, s13, $0xb8;
	[tilespmem:$0x167F8] =	vst v63  }
0xe2: {  	_ = 	snop  }
0xe3: {  	[tilespmem:s17], [sflag:$0x1] =	stream.indirect.gather [spmem:s1], $0x1, s16, s13, $0xb8;
	[tilespmem:$0x167F8] =	vst v63  }
0xe4: {  	_ = 	snop  }
0xe5: {  	[tilespmem:s19], [sflag:$0x1] =	stream.indirect.gather [spmem:s1], $0x1, s18, s13, $0xb8;
	[tilespmem:$0x167F8] =	vst v63  }
0xe6: {  	_ = 	snop  }
0xe7: {  	[tilespmem:s21], [sflag:$0x1] =	stream.indirect.gather [spmem:s1], $0x1, s20, s13, $0xb8;
	[tilespmem:$0x167F8] =	vst v63  }
0xe8: {  	_ = 	snop  }
0xe9: {  	[tilespmem:s23], [sflag:$0x1] =	stream.indirect.gather [spmem:s1], $0x1, s22, s13, $0xb8;
	[tilespmem:$0x167F8] =	vst v63  }
0xea: {  	_ = 	snop  }
0xeb: {  	[tilespmem:s25], [sflag:$0x1] =	stream.indirect.gather [spmem:s1], $0x1, s24, s13, $0xb8;
	[tilespmem:$0x167F8] =	vst v63  }
0xec: {  	_ = 	snop  }
0xed: {  	[tilespmem:s28], [sflag:$0x1] =	stream.indirect.gather [spmem:s1], $0x1, s26, s13, $0xb8;
	[tilespmem:$0x167F8] =	vst v63  }
0xee: {  	_ =	swait.ge [sflag:s29], $0x80  }
0xef: {  	[sflag:s29] =	ssyncset.done $0x0  }
0xf0: {  	[sflag:s29] =	ssyncadd.s32 $0xFFFFFF80  }
0xf1: {  	_ =	swait.ge [sflag:s29], $0x80  }
0xf2: {  	[sflag:s29] =	ssyncset.done $0x0  }
0xf3: {  	[sflag:s29] =	ssyncadd.s32 $0xFFFFFF80  }
0xf4: {  	_ =	swait.ge [sflag:s29], $0x80  }
0xf5: {  	[sflag:s29] =	ssyncset.done $0x0  }
0xf6: {  	[sflag:s29] =	ssyncadd.s32 $0xFFFFFF80  }
0xf7: {  	_ =	swait.ge [sflag:s29], $0x80  }
0xf8: {  	[sflag:s29] =	ssyncset.done $0x0  }
0xf9: {  	[sflag:s29] =	ssyncadd.s32 $0xFFFFFF80  }
0xfa: {  	_ =	swait.ge [sflag:s29], $0x80  }
0xfb: {  	[sflag:s29] =	ssyncset.done $0x0  }
0xfc: {  	[sflag:s29] =	ssyncadd.s32 $0xFFFFFF80  }
0xfd: {  	_ =	swait.ge [sflag:s29], $0x80  }
0xfe: {  	[sflag:s29] =	ssyncset.done $0x0  }
0xff: {  	[sflag:s29] =	ssyncadd.s32 $0xFFFFFF80  }
0x100: {  	_ =	swait.ge [sflag:s29], $0x80  }
0x101: {  	[sflag:s29] =	ssyncset.done $0x0  }
0x102: {  	[sflag:s29] =	ssyncadd.s32 $0xFFFFFF80  }
0x103: {  	_ =	swait.ge [sflag:s29], $0x80  }
0x104: {  	[sflag:s29] =	ssyncset.done $0x0  }
0x105: {  	[sflag:s29] =	ssyncadd.s32 $0xFFFFFF80  }
0x106: {  	_ =	swait.ge [sflag:s29], $0x80  }
0x107: {  	[sflag:s29] =	ssyncset.done $0x0  }
0x108: {  	[sflag:s29] =	ssyncadd.s32 $0xFFFFFF80  }
0x109: {  	_ =	swait.ge [sflag:s29], $0x80  }
0x10a: {  	[sflag:s29] =	ssyncset.done $0x0  }
0x10b: {  	[sflag:s29] =	ssyncadd.s32 $0xFFFFFF80  }
0x10c: {  	_ =	swait.ge [sflag:s29], $0x80  }
0x10d: {  	[sflag:s29] =	ssyncset.done $0x0  }
0x10e: {  	[sflag:s29] =	ssyncadd.s32 $0xFFFFFF80  }
0x10f: {  	_ =	swait.ge [sflag:s29], $0x80  }
0x110: {  	[sflag:s29] =	ssyncset.done $0x0  }
0x111: {  	[sflag:s29] =	ssyncadd.s32 $0xFFFFFF80  }
0x112: {  	_ =	swait.ge [sflag:s29], $0x80  }
0x113: {  	[sflag:s29] =	ssyncset.done $0x0  }
0x114: {  	[sflag:s29] =	ssyncadd.s32 $0xFFFFFF80  }
0x115: {  	_ =	swait.ge [sflag:s29], $0x80  }
0x116: {  	[sflag:s29] =	ssyncset.done $0x0  }
0x117: {  	[sflag:s29] =	ssyncadd.s32 $0xFFFFFF80  }
0x118: {  	_ =	swait.ge [sflag:s29], $0x80  }
0x119: {  	[sflag:s29] =	ssyncset.done $0x0  }
0x11a: {  	[sflag:s29] =	ssyncadd.s32 $0xFFFFFF80  }
0x11b: {  	_ =	swait.ge [sflag:s29], $0x80  }
0x11c: {  	[sflag:s29] =	ssyncset.done $0x0  }
0x11d: {  	[sflag:s29] =	ssyncadd.s32 $0xFFFFFF80  }
0x11e: {  	_ =	swait.ge [sflag:s29], $0x80  }
0x11f: {  	[sflag:s29] =	ssyncset.done $0x0  }
0x120: {  	[sflag:s29] =	ssyncadd.s32 $0xFFFFFF80  }
0x121: {  	_ =	swait.ge [sflag:s29], $0x80  }
0x122: {  	[sflag:s29] =	ssyncset.done $0x0  }
0x123: {  	[sflag:s29] =	ssyncadd.s32 $0xFFFFFF80  }
0x124: {  	_ =	swait.ge [sflag:s29], $0x80  }
0x125: {  	[sflag:s29] =	ssyncset.done $0x0  }
0x126: {  	[sflag:s29] =	ssyncadd.s32 $0xFFFFFF80  }
0x127: {  	_ =	swait.ge [sflag:s29], $0x80  }
0x128: {  	[sflag:s29] =	ssyncset.done $0x0  }
0x129: {  	[sflag:s29] =	ssyncadd.s32 $0xFFFFFF80  }
0x12a: {  	_ =	swait.ge [sflag:s29], $0x80  }
0x12b: {  	[sflag:s29] =	ssyncset.done $0x0  }
0x12c: {  	[sflag:s29] =	ssyncadd.s32 $0xFFFFFF80  }
0x12d: {  	_ =	swait.ge [sflag:s29], $0x80  }
0x12e: {  	[sflag:s29] =	ssyncset.done $0x0  }
0x12f: {  	[sflag:s29] =	ssyncadd.s32 $0xFFFFFF80  }
0x130: {  	_ =	swait.ge [sflag:s29], $0x80  }
0x131: {  	[sflag:s29] =	ssyncset.done $0x0  }
0x132: {  	[sflag:s29] =	ssyncadd.s32 $0xFFFFFF80  }
0x133: {  	_ =	swait.ge [sflag:s29], $0x80  }
0x134: {  	[sflag:s29] =	ssyncset.done $0x0  }
0x135: {  	[sflag:s29] =	ssyncadd.s32 $0xFFFFFF80  }
0x136: {  	_ =	swait.ge [sflag:s29], $0x80  }
0x137: {  	[sflag:s29] =	ssyncset.done $0x0  }
0x138: {  	[sflag:s29] =	ssyncadd.s32 $0xFFFFFF80  }
0x139: {  	_ =	swait.ge [sflag:s29], $0x80  }
0x13a: {  	[sflag:s29] =	ssyncset.done $0x0  }
0x13b: {  	[sflag:s29] =	ssyncadd.s32 $0xFFFFFF80  }
0x13c: {  	_ =	swait.ge [sflag:s29], $0x80  }
0x13d: {  	[sflag:s29] =	ssyncset.done $0x0  }
0x13e: {  	[sflag:s29] =	ssyncadd.s32 $0xFFFFFF80  }
0x13f: {  	_ =	swait.ge [sflag:s29], $0x80  }
0x140: {  	[sflag:s29] =	ssyncset.done $0x0  }
0x141: {  	[sflag:s29] =	ssyncadd.s32 $0xFFFFFF80  }
0x142: {  	_ =	swait.ge [sflag:s29], $0x80  }
0x143: {  	[sflag:s29] =	ssyncset.done $0x0  }
0x144: {  	[sflag:s29] =	ssyncadd.s32 $0xFFFFFF80  }
0x145: {  	_ =	swait.ge [sflag:s29], $0x80  }
0x146: {  	[sflag:s29] =	ssyncset.done $0x0  }
0x147: {  	[sflag:s29] =	ssyncadd.s32 $0xFFFFFF80  }
0x148: {  	_ =	swait.ge [sflag:s29], $0x80  }
0x149: {  	[sflag:s29] =	ssyncset.done $0x0  }
0x14a: {  	[sflag:s29] =	ssyncadd.s32 $0xFFFFFF80  }
0x14b: {  	_ =	swait.ge [sflag:s29], $0x80  }
0x14c: {  	[sflag:s29] =	ssyncset.done $0x0  }
0x14d: {  	[sflag:s29] =	ssyncadd.s32 $0xFFFFFF80  }
0x14e: {  	_ =	swait.ge [sflag:s29], $0x80  }
0x14f: {  	[sflag:s29] =	ssyncset.done $0x0  }
0x150: {  	[sflag:s29] =	ssyncadd.s32 $0xFFFFFF80  }
0x151: {  	_ =	swait.ge [sflag:s29], $0x80  }
0x152: {  	[sflag:s29] =	ssyncset.done $0x0  }
0x153: {  	[sflag:s29] =	ssyncadd.s32 $0xFFFFFF80  }
0x154: {  	_ =	swait.ge [sflag:s29], $0x80  }
0x155: {  	[sflag:s29] =	ssyncset.done $0x0  }
0x156: {  	[sflag:s29] =	ssyncadd.s32 $0xFFFFFF80  }
0x157: {  	_ =	swait.ge [sflag:s29], $0x80  }
0x158: {  	[sflag:s29] =	ssyncset.done $0x0  }
0x159: {  	[sflag:s29] =	ssyncadd.s32 $0xFFFFFF80  }
0x15a: {  	_ =	swait.ge [sflag:s29], $0x80  }
0x15b: {  	[sflag:s29] =	ssyncset.done $0x0  }
0x15c: {  	[sflag:s29] =	ssyncadd.s32 $0xFFFFFF80  }
0x15d: {  	_ =	swait.ge [sflag:s29], $0x80  }
0x15e: {  	[sflag:s29] =	ssyncset.done $0x0  }
0x15f: {  	[sflag:s29] =	ssyncadd.s32 $0xFFFFFF80  }
0x160: {  	_ =	swait.ge [sflag:s29], $0x80  }
0x161: {  	[sflag:s29] =	ssyncset.done $0x0  }
0x162: {  	[sflag:s29] =	ssyncadd.s32 $0xFFFFFF80  }
0x163: {  	_ =	swait.ge [sflag:s29], $0x80  }
0x164: {  	[sflag:s29] =	ssyncset.done $0x0  }
0x165: {  	[sflag:s29] =	ssyncadd.s32 $0xFFFFFF80  }
0x166: {  	_ =	swait.ge [sflag:s29], $0x80  }
0x167: {  	[sflag:s29] =	ssyncset.done $0x0  }
0x168: {  	[sflag:s29] =	ssyncadd.s32 $0xFFFFFF80  }
0x169: {  	_ =	swait.ge [sflag:s29], $0x80  }
0x16a: {  	[sflag:s29] =	ssyncset.done $0x0  }
0x16b: {  	[sflag:s29] =	ssyncadd.s32 $0xFFFFFF80  }
0x16c: {  	_ =	swait.ge [sflag:s29], $0x80  }
0x16d: {  	[sflag:s29] =	ssyncset.done $0x0  }
0x16e: {  	[sflag:s29] =	ssyncadd.s32 $0xFFFFFF80  }
0x16f: {  	_ =	swait.ge [sflag:s29], $0x80  }
0x170: {  	[sflag:s29] =	ssyncset.done $0x0  }
0x171: {  	[sflag:s29] =	ssyncadd.s32 $0xFFFFFF80  }
0x172: {  	_ =	swait.ge [sflag:s29], $0x80  }
0x173: {  	[sflag:s29] =	ssyncset.done $0x0  }
0x174: {  	[sflag:s29] =	ssyncadd.s32 $0xFFFFFF80  }
0x175: {  	_ =	swait.ge [sflag:s29], $0x80  }
0x176: {  	[sflag:s29] =	ssyncset.done $0x0  }
0x177: {  	[sflag:s29] =	ssyncadd.s32 $0xFFFFFF80  }
0x178: {  	_ =	swait.ge [sflag:s29], $0x80  }
0x179: {  	[sflag:s29] =	ssyncset.done $0x0  }
0x17a: {  	[sflag:s29] =	ssyncadd.s32 $0xFFFFFF80  }
0x17b: {  	_ =	swait.ge [sflag:s29], $0x80  }
0x17c: {  	[sflag:s29] =	ssyncset.done $0x0  }
0x17d: {  	[sflag:s29] =	ssyncadd.s32 $0xFFFFFF80  }
0x17e: {  	_ =	swait.ge [sflag:s29], $0x80  }
0x17f: {  	[sflag:s29] =	ssyncset.done $0x0  }
0x180: {  	[sflag:s29] =	ssyncadd.s32 $0xFFFFFF80  }
0x181: {  	_ =	swait.ge [sflag:s29], $0x80  }
0x182: {  	[sflag:s29] =	ssyncset.done $0x0  }
0x183: {  	[sflag:s29] =	ssyncadd.s32 $0xFFFFFF80  }
0x184: {  	_ =	swait.ge [sflag:s29], $0x80  }
0x185: {  	[sflag:s29] =	ssyncset.done $0x0  }
0x186: {  	[sflag:s29] =	ssyncadd.s32 $0xFFFFFF80  }
0x187: {  	_ =	swait.ge [sflag:s29], $0x80  }
0x188: {  	[sflag:s29] =	ssyncset.done $0x0  }
0x189: {  	[sflag:s29] =	ssyncadd.s32 $0xFFFFFF80  }
0x18a: {  	_ =	swait.ge [sflag:s29], $0x80  }
0x18b: {  	[sflag:s29] =	ssyncset.done $0x0  }
0x18c: {  	[sflag:s29] =	ssyncadd.s32 $0xFFFFFF80  }
0x18d: {  	_ =	swait.ge [sflag:s29], $0x80  }
0x18e: {  	[sflag:s29] =	ssyncset.done $0x0  }
0x18f: {  	[sflag:s29] =	ssyncadd.s32 $0xFFFFFF80  }
0x190: {  	_ =	swait.ge [sflag:s29], $0x80  }
0x191: {  	[sflag:s29] =	ssyncset.done $0x0  }
0x192: {  	[sflag:s29] =	ssyncadd.s32 $0xFFFFFF80  }
0x193: {  	_ =	swait.ge [sflag:s29], $0x80  }
0x194: {  	[sflag:s29] =	ssyncset.done $0x0  }
0x195: {  	[sflag:s29] =	ssyncadd.s32 $0xFFFFFF80  }
0x196: {  	_ =	swait.ge [sflag:s29], $0x80  }
0x197: {  	[sflag:s29] =	ssyncset.done $0x0  }
0x198: {  	[sflag:s29] =	ssyncadd.s32 $0xFFFFFF80  }
0x199: {  	_ =	swait.ge [sflag:s29], $0x80  }
0x19a: {  	[sflag:s29] =	ssyncset.done $0x0  }
0x19b: {  	[sflag:s29] =	ssyncadd.s32 $0xFFFFFF80  }
0x19c: {  	_ =	swait.ge [sflag:s29], $0x80  }
0x19d: {  	[sflag:s29] =	ssyncset.done $0x0  }
0x19e: {  	[sflag:s29] =	ssyncadd.s32 $0xFFFFFF80  }
0x19f: {  	_ =	swait.ge [sflag:s29], $0x80  }
0x1a0: {  	[sflag:s29] =	ssyncset.done $0x0  }
0x1a1: {  	[sflag:s29] =	ssyncadd.s32 $0xFFFFFF80  }
0x1a2: {  	_ =	swait.ge [sflag:s29], $0x80  }
0x1a3: {  	[sflag:s29] =	ssyncset.done $0x0  }
0x1a4: {  	[sflag:s29] =	ssyncadd.s32 $0xFFFFFF80  }
0x1a5: {  	_ =	swait.ge [sflag:s29], $0x80  }
0x1a6: {  	[sflag:s29] =	ssyncset.done $0x0  }
0x1a7: {  	[sflag:s29] =	ssyncadd.s32 $0xFFFFFF80  }
0x1a8: {  	_ =	swait.ge [sflag:s29], $0x80  }
0x1a9: {  	[sflag:s29] =	ssyncset.done $0x0  }
0x1aa: {  	[sflag:s29] =	ssyncadd.s32 $0xFFFFFF80  }
0x1ab: {  	_ =	swait.ge [sflag:s29], $0x80  }
0x1ac: {  	[sflag:s29] =	ssyncset.done $0x0  }
0x1ad: {  	[sflag:s29] =	ssyncadd.s32 $0xFFFFFF80  }
0x1ae: {  	_ =	swait.ge [sflag:s29], $0x80  }
0x1af: {  	[sflag:s29] =	ssyncset.done $0x0  }
0x1b0: {  	[sflag:s29] =	ssyncadd.s32 $0xFFFFFF80  }
0x1b1: {  	_ =	swait.ge [sflag:s29], $0x80  }
0x1b2: {  	[sflag:s29] =	ssyncset.done $0x0  }
0x1b3: {  	[sflag:s29] =	ssyncadd.s32 $0xFFFFFF80  }
0x1b4: {  	_ =	swait.ge [sflag:s29], $0x80  }
0x1b5: {  	[sflag:s29] =	ssyncset.done $0x0  }
0x1b6: {  	[sflag:s29] =	ssyncadd.s32 $0xFFFFFF80  }
0x1b7: {  	_ =	swait.ge [sflag:s29], $0x80  }
0x1b8: {  	[sflag:s29] =	ssyncset.done $0x0  }
0x1b9: {  	[sflag:s29] =	ssyncadd.s32 $0xFFFFFF80  }
0x1ba: {  	_ =	swait.ge [sflag:s29], $0x80  }
0x1bb: {  	[sflag:s29] =	ssyncset.done $0x0  }
0x1bc: {  	[sflag:s29] =	ssyncadd.s32 $0xFFFFFF80  }
0x1bd: {  	_ =	swait.ge [sflag:s29], $0x80  }
0x1be: {  	[sflag:s29] =	ssyncset.done $0x0  }
0x1bf: {  	[sflag:s29] =	ssyncadd.s32 $0xFFFFFF80  }
0x1c0: {  	_ =	swait.ge [sflag:s29], $0x80  }
0x1c1: {  	[sflag:s29] =	ssyncset.done $0x0  }
0x1c2: {  	[sflag:s29] =	ssyncadd.s32 $0xFFFFFF80  }
0x1c3: {  	_ =	swait.ge [sflag:s29], $0x80  }
0x1c4: {  	[sflag:s29] =	ssyncset.done $0x0  }
0x1c5: {  	[sflag:s29] =	ssyncadd.s32 $0xFFFFFF80  }
0x1c6: {  	_ =	swait.ge [sflag:s29], $0x80  }
0x1c7: {  	[sflag:s29] =	ssyncset.done $0x0  }
0x1c8: {  	[sflag:s29] =	ssyncadd.s32 $0xFFFFFF80  }
0x1c9: {  	_ =	swait.ge [sflag:s29], $0x80  }
0x1ca: {  	[sflag:s29] =	ssyncset.done $0x0  }
0x1cb: {  	[sflag:s29] =	ssyncadd.s32 $0xFFFFFF80  }
0x1cc: {  	_ =	swait.ge [sflag:s29], $0x80  }
0x1cd: {  	[sflag:s29] =	ssyncset.done $0x0  }
0x1ce: {  	[sflag:s29] =	ssyncadd.s32 $0xFFFFFF80  }
0x1cf: {  	_ =	swait.ge [sflag:s29], $0x80  }
0x1d0: {  	[sflag:s29] =	ssyncset.done $0x0  }
0x1d1: {  	[sflag:s29] =	ssyncadd.s32 $0xFFFFFF80  }
0x1d2: {  	_ =	swait.ge [sflag:s29], $0x80  }
0x1d3: {  	[sflag:s29] =	ssyncset.done $0x0  }
0x1d4: {  	[sflag:s29] =	ssyncadd.s32 $0xFFFFFF80  }
0x1d5: {  	_ =	swait.ge [sflag:s29], $0x80  }
0x1d6: {  	[sflag:s29] =	ssyncset.done $0x0  }
0x1d7: {  	[sflag:s29] =	ssyncadd.s32 $0xFFFFFF80  }
0x1d8: {  	_ =	swait.ge [sflag:s29], $0x80  }
0x1d9: {  	[sflag:s29] =	ssyncset.done $0x0  }
0x1da: {  	[sflag:s29] =	ssyncadd.s32 $0xFFFFFF80  }
0x1db: {  	_ =	swait.ge [sflag:s29], $0x80  }
0x1dc: {  	[sflag:s29] =	ssyncset.done $0x0  }
0x1dd: {  	[sflag:s29] =	ssyncadd.s32 $0xFFFFFF80  }
0x1de: {  	_ =	swait.ge [sflag:s29], $0x80  }
0x1df: {  	[sflag:s29] =	ssyncset.done $0x0  }
0x1e0: {  	[sflag:s29] =	ssyncadd.s32 $0xFFFFFF80  }
0x1e1: {  	_ =	swait.ge [sflag:s29], $0x80  }
0x1e2: {  	[sflag:s29] =	ssyncset.done $0x0  }
0x1e3: {  	[sflag:s29] =	ssyncadd.s32 $0xFFFFFF80  }
0x1e4: {  	_ =	swait.ge [sflag:s29], $0x80  }
0x1e5: {  	[sflag:s29] =	ssyncset.done $0x0  }
0x1e6: {  	[sflag:s29] =	ssyncadd.s32 $0xFFFFFF80  }
0x1e7: {  	_ =	swait.ge [sflag:s29], $0x80  }
0x1e8: {  	[sflag:s29] =	ssyncset.done $0x0  }
0x1e9: {  	[sflag:s29] =	ssyncadd.s32 $0xFFFFFF80  }
0x1ea: {  	_ =	swait.ge [sflag:s29], $0x80  }
0x1eb: {  	[sflag:s29] =	ssyncset.done $0x0  }
0x1ec: {  	[sflag:s29] =	ssyncadd.s32 $0xFFFFFF80  }
0x1ed: {  	_ =	swait.ge [sflag:s29], $0x80  }
0x1ee: {  	[sflag:s29] =	ssyncset.done $0x0  }
0x1ef: {  	[sflag:s29] =	ssyncadd.s32 $0xFFFFFF80  }
0x1f0: {  	_ =	swait.ge [sflag:s29], $0x80  }
0x1f1: {  	[sflag:s29] =	ssyncset.done $0x0  }
0x1f2: {  	[sflag:s29] =	ssyncadd.s32 $0xFFFFFF80  }
0x1f3: {  	_ =	swait.ge [sflag:s29], $0x80  }
0x1f4: {  	[sflag:s29] =	ssyncset.done $0x0  }
0x1f5: {  	[sflag:s29] =	ssyncadd.s32 $0xFFFFFF80  }
0x1f6: {  	_ =	swait.ge [sflag:s29], $0x80  }
0x1f7: {  	[sflag:s29] =	ssyncset.done $0x0  }
0x1f8: {  	[sflag:s29] =	ssyncadd.s32 $0xFFFFFF80  }
0x1f9: {  	_ =	swait.ge [sflag:s29], $0x80  }
0x1fa: {  	[sflag:s29] =	ssyncset.done $0x0  }
0x1fb: {  	[sflag:s29] =	ssyncadd.s32 $0xFFFFFF80  }
0x1fc: {  	_ =	swait.ge [sflag:s29], $0x80  }
0x1fd: {  	[sflag:s29] =	ssyncset.done $0x0  }
0x1fe: {  	[sflag:s29] =	ssyncadd.s32 $0xFFFFFF80  }
0x1ff: {  	_ =	swait.ge [sflag:s29], $0x80  }
0x200: {  	[sflag:s29] =	ssyncset.done $0x0  }
0x201: {  	[sflag:s29] =	ssyncadd.s32 $0xFFFFFF80  }
0x202: {  	_ =	swait.ge [sflag:s29], $0x80  }
0x203: {  	[sflag:s29] =	ssyncset.done $0x0  }
0x204: {  	[sflag:s29] =	ssyncadd.s32 $0xFFFFFF80  }
0x205: {  	_ =	swait.ge [sflag:s29], $0x80  }
0x206: {  	[sflag:s29] =	ssyncset.done $0x0  }
0x207: {  	[sflag:s29] =	ssyncadd.s32 $0xFFFFFF80  }
0x208: {  	_ =	swait.ge [sflag:s29], $0x80  }
0x209: {  	[sflag:s29] =	ssyncset.done $0x0  }
0x20a: {  	[sflag:s29] =	ssyncadd.s32 $0xFFFFFF80  }
0x20b: {  	_ =	swait.ge [sflag:s29], $0x80  }
0x20c: {  	[sflag:s29] =	ssyncset.done $0x0  }
0x20d: {  	[sflag:s29] =	ssyncadd.s32 $0xFFFFFF80  }
0x20e: {  	_ =	swait.ge [sflag:s29], $0x80  }
0x20f: {  	[sflag:s29] =	ssyncset.done $0x0  }
0x210: {  	[sflag:s29] =	ssyncadd.s32 $0xFFFFFF80  }
0x211: {  	_ =	swait.ge [sflag:s29], $0x80  }
0x212: {  	[sflag:s29] =	ssyncset.done $0x0  }
0x213: {  	[sflag:s29] =	ssyncadd.s32 $0xFFFFFF80  }
0x214: {  	_ =	swait.ge [sflag:s29], $0x80  }
0x215: {  	[sflag:s29] =	ssyncset.done $0x0  }
0x216: {  	[sflag:s29] =	ssyncadd.s32 $0xFFFFFF80  }
0x217: {  	_ =	swait.ge [sflag:s29], $0x80  }
0x218: {  	[sflag:s29] =	ssyncset.done $0x0  }
0x219: {  	[sflag:s29] =	ssyncadd.s32 $0xFFFFFF80  }
0x21a: {  	_ =	swait.ge [sflag:s29], $0x80  }
0x21b: {  	[sflag:s29] =	ssyncset.done $0x0  }
0x21c: {  	[sflag:s29] =	ssyncadd.s32 $0xFFFFFF80  }
0x21d: {  	_ =	swait.ge [sflag:s29], $0x80  }
0x21e: {  	[sflag:s29] =	ssyncset.done $0x0  }
0x21f: {  	[sflag:s29] =	ssyncadd.s32 $0xFFFFFF80  }
0x220: {  	_ =	swait.ge [sflag:s29], $0x80  }
0x221: {  	[sflag:s29] =	ssyncset.done $0x0  }
0x222: {  	[sflag:s29] =	ssyncadd.s32 $0xFFFFFF80  }
0x223: {  	_ =	swait.ge [sflag:s29], $0x80  }
0x224: {  	[sflag:s29] =	ssyncset.done $0x0  }
0x225: {  	s0 =	simm.s32 $0x0;
	[sflag:s29] =	ssyncadd.s32 $0xFFFFFF80  }
0x226: {  	s12 =	simm.s32 $0x40;
	v0 =	vld [tilespmem:s0+$0x3400]  }
.LBB2_2:
0x227: {  	p1 =	sne.s32 s12, $0x7C0;
	v1 =	vld [tilespmem:$0x6A00];
	_ =	sdelay $0x1  }
0x228: {  	v2 =	vld [tilespmem:s0+$0x3600];
	_ =	sdelay $0x1  }
0x229: {  	v3 =	vld [tilespmem:s0+$0x3800]  }
0x22a: {  	v0 =	vadd.f32 v0, v1  }
0x22b: {  	v1 =	vld [tilespmem:s0+$0x3A00]  }
0x22c: {  	v0 =	vadd.f32 v2, v0  }
0x22d: {  	v2 =	vld [tilespmem:s0+$0x3C00]  }
0x22e: {  	v0 =	vadd.f32 v3, v0  }
0x22f: {  	v3 =	vld [tilespmem:s0+$0x3E00]  }
0x230: {  	v0 =	vadd.f32 v1, v0  }
0x231: {  	v1 =	vld [tilespmem:s0+$0x4000]  }
0x232: {  	v0 =	vadd.f32 v2, v0  }
0x233: {  	v2 =	vld [tilespmem:s0+$0x4200]  }
0x234: {  	v0 =	vadd.f32 v3, v0  }
0x235: {  	v3 =	vld [tilespmem:s0+$0x4400]  }
0x236: {  	v0 =	vadd.f32 v1, v0  }
0x237: {  	v1 =	vld [tilespmem:s0+$0x4600]  }
0x238: {  	v0 =	vadd.f32 v2, v0  }
0x239: {  	v2 =	vld [tilespmem:s0+$0x4800]  }
0x23a: {  	v0 =	vadd.f32 v3, v0  }
0x23b: {  	v3 =	vld [tilespmem:s0+$0x4A00]  }
0x23c: {  	v0 =	vadd.f32 v1, v0  }
0x23d: {  	v1 =	vld [tilespmem:s0+$0x4C00]  }
0x23e: {  	v0 =	vadd.f32 v2, v0  }
0x23f: {  	v2 =	vld [tilespmem:s0+$0x4E00]  }
0x240: {  	v0 =	vadd.f32 v3, v0  }
0x241: {  	v3 =	vld [tilespmem:s0+$0x5000]  }
0x242: {  	v0 =	vadd.f32 v1, v0  }
0x243: {  	v1 =	vld [tilespmem:s0+$0x5200]  }
0x244: {  	v0 =	vadd.f32 v2, v0  }
0x245: {  	v2 =	vld [tilespmem:s0+$0x5400]  }
0x246: {  	v0 =	vadd.f32 v3, v0  }
0x247: {  	v3 =	vld [tilespmem:s0+$0x5600]  }
0x248: {  	v0 =	vadd.f32 v1, v0  }
0x249: {  	v1 =	vld [tilespmem:s0+$0x5800]  }
0x24a: {  	v0 =	vadd.f32 v2, v0  }
0x24b: {  	v2 =	vld [tilespmem:s0+$0x5A00]  }
0x24c: {  	v0 =	vadd.f32 v3, v0  }
0x24d: {  	v3 =	vld [tilespmem:s0+$0x5C00]  }
0x24e: {  	v0 =	vadd.f32 v1, v0  }
0x24f: {  	v1 =	vld [tilespmem:s0+$0x5E00]  }
0x250: {  	v0 =	vadd.f32 v2, v0  }
0x251: {  	v2 =	vld [tilespmem:s0+$0x6000]  }
0x252: {  	v0 =	vadd.f32 v3, v0  }
0x253: {  	v3 =	vld [tilespmem:s0+$0x6200]  }
0x254: {  	v0 =	vadd.f32 v1, v0  }
0x255: {  	v1 =	vld [tilespmem:s0+$0x6400]  }
0x256: {  	v0 =	vadd.f32 v2, v0  }
0x257: {  	v2 =	vld [tilespmem:s0+$0x6600]  }
0x258: {  	v0 =	vadd.f32 v3, v0;
	_ =	sdelay $0x1  }
.Ltmp0:
0x259: {  	v0 =	vadd.f32 v1, v0;
	(pc) =	sbr.rel @p1 .LBB2_2-.Ltmp0, $4  }
0x25a: {  	_ = 	snop  }
0x25b: {  	v1 =	vadd.f32 v2, v0  }
0x25c: {  	s14 =	sshra.s32 s12, $0x2  }
0x25d: {  	s12 =	sadd.s32 $0x40, s12;
	v0 =	vld [tilespmem:s14+$0x3400];
	[tilespmem:s0+$0x6800] =	vst v1;
	s0 =	smov.u32 s14  }
0x25e: {  	v1 =	vld [tilespmem:$0x6A00];
	_ =	sdelay $0x1  }
0x25f: {  	v2 =	vld [tilespmem:s0+$0x3600];
	_ =	sdelay $0x1  }
0x260: {  	v3 =	vld [tilespmem:s0+$0x3800]  }
0x261: {  	v0 =	vadd.f32 v0, v1  }
0x262: {  	v41 =	vld [tilespmem:s0+$0x3A00]  }
0x263: {  	v0 =	vadd.f32 v2, v0  }
0x264: {  	v42 =	vld [tilespmem:s0+$0x3C00]  }
0x265: {  	v0 =	vadd.f32 v3, v0  }
0x266: {  	v43 =	vld [tilespmem:s0+$0x3E00]  }
0x267: {  	v0 =	vadd.f32 v41, v0  }
0x268: {  	v44 =	vld [tilespmem:s0+$0x4000]  }
0x269: {  	v0 =	vadd.f32 v42, v0  }
0x26a: {  	v45 =	vld [tilespmem:s0+$0x4200]  }
0x26b: {  	v0 =	vadd.f32 v43, v0  }
0x26c: {  	v46 =	vld [tilespmem:s0+$0x4400]  }
0x26d: {  	v0 =	vadd.f32 v44, v0  }
0x26e: {  	v47 =	vld [tilespmem:s0+$0x4600]  }
0x26f: {  	v0 =	vadd.f32 v45, v0  }
0x270: {  	v48 =	vld [tilespmem:s0+$0x4800]  }
0x271: {  	v0 =	vadd.f32 v46, v0  }
0x272: {  	v49 =	vld [tilespmem:s0+$0x4A00]  }
0x273: {  	v0 =	vadd.f32 v47, v0  }
0x274: {  	v50 =	vld [tilespmem:s0+$0x4C00]  }
0x275: {  	v0 =	vadd.f32 v48, v0  }
0x276: {  	v51 =	vld [tilespmem:s0+$0x4E00]  }
0x277: {  	v0 =	vadd.f32 v49, v0  }
0x278: {  	v52 =	vld [tilespmem:s0+$0x5000]  }
0x279: {  	v0 =	vadd.f32 v50, v0  }
0x27a: {  	v53 =	vld [tilespmem:s0+$0x5200]  }
0x27b: {  	v0 =	vadd.f32 v51, v0  }
0x27c: {  	v54 =	vld [tilespmem:s0+$0x5400]  }
0x27d: {  	v0 =	vadd.f32 v52, v0  }
0x27e: {  	v55 =	vld [tilespmem:s0+$0x5600]  }
0x27f: {  	v0 =	vadd.f32 v53, v0  }
0x280: {  	v56 =	vld [tilespmem:s0+$0x5800]  }
0x281: {  	v0 =	vadd.f32 v54, v0  }
0x282: {  	v57 =	vld [tilespmem:s0+$0x5A00]  }
0x283: {  	v0 =	vadd.f32 v55, v0  }
0x284: {  	v58 =	vld [tilespmem:s0+$0x5C00]  }
0x285: {  	v0 =	vadd.f32 v56, v0  }
0x286: {  	v59 =	vld [tilespmem:s0+$0x5E00]  }
0x287: {  	v0 =	vadd.f32 v57, v0  }
0x288: {  	v60 =	vld [tilespmem:s0+$0x6000]  }
0x289: {  	v0 =	vadd.f32 v58, v0  }
0x28a: {  	v61 =	vld [tilespmem:s0+$0x6200]  }
0x28b: {  	v0 =	vadd.f32 v59, v0  }
0x28c: {  	v62 =	vld [tilespmem:s0+$0x6400]  }
0x28d: {  	v0 =	vadd.f32 v60, v0  }
0x28e: {  	v63 =	vld [tilespmem:s0+$0x6600]  }
0x28f: {  	v0 =	vadd.f32 v61, v0;
	_ =	sdelay $0x1  }
0x290: {  	v0 =	vadd.f32 v62, v0;
	_ =	sdelay $0x1  }
0x291: {  	s31 =	sadd.s32 $0x1, s31;
	v0 =	vadd.f32 v63, v0  }
0x292: {  	p1 =	sne.s32 s31, s7  }
.Ltmp1:
0x293: {  	[tilespmem:s0+$0x6800] =	vst v0;
	(pc) =	sbr.rel @p1 .LBB2_1-.Ltmp1, $4  }
0x294: {  	[hbm4b:s6+s2] =	stream.linear.scatter [tilespmem:s30], [sflag:$0x3], $0x200, $0x38;
	[tilespmem:$0x167F8] =	vst v63  }
0x295: {  	_ =	swait.ge [sflag:s11], $0x200  }
0x296: {  	[sflag:s11] =	ssyncset.done $0x0  }
0x297: {  	[sflag:s11] =	ssyncadd.s32 $0xFFFFFE00  }
0x298: {  	_ =	sfence.sel $0x180000  }
0x299: {  	[bflag:$0x0] =	sbarrier.arrive $0xFFFF  }
0x29a: {  	_ =	strace $0x90000047  }
0x29b: {  	[bflag:$0x2] =	sbarrier.arrive $0xFFFF  }
0x29c: {  	s0 =	rddreg [dreg:$0x3]  }
0x29d: {  	s0 =	sadd.s32 @!p0 $0x100000, s0  }
0x29e: {  	[sflag:s0] =	ssyncadd.tile.s32 @!p0 $0x1;
	_ =	shalt  }
.Lfunc_end2:
_tile_overlayer_lowered:
.L_overlay_start_2:
0x29f: {  	(tag) =	ssettag $0x2  }
0x2a0: {  	s0 =	rddreg [dreg:$0x0];
	s2 =	stileid.u32  }
0x2a1: {  	s1 =	rddreg [dreg:$0x1];
	p0 =	sne.s32 s2, $0x0  }
0x2a2: {  	s3 =	rddreg [dreg:$0x2];
	[bflag:$0x3] =	sbarrier.arrive $0xFFFF;
	s2 =	simm.s32 @!p0 $0x1C03  }
0x2a3: {  	[timem:s3], [sflag:s2] =	dma.local @!p0 [hbm:s0], s1  }
0x2a4: {  	s0 =	simm.s32 @!p0 $0x3  }
0x2a5: {  	_ =	swait.ge @!p0 [sflag:s0], s1  }
0x2a6: {  	s1 =	ssub.s32 @!p0 $0x0, s1;
	[sflag:s0] =	ssyncset.done @!p0 $0x0  }
0x2a7: {  	[sflag:s0] =	ssyncadd.s32 @!p0 s1  }
0x2a8: {  	[bflag:$0x3] =	sbarrier.arrive $0xFFFF  }
0x2a9: {  	_ =	shalt  }

</sc_bundles>
